<compile_context>
chip_gen: v7x
topology: tpu7x:2x2x1
jax: 0.10.2.dev20260603
libtpu: 0.0.44.dev20260713+nightly
codegen_flags: <defaults>
</compile_context>

<pallas_src>
import functools

import jax
import jax.numpy as jnp
from jax import lax
from jax.experimental import pallas as pl
from jax.experimental.pallas import tpu as pltpu
from jax.experimental.pallas import tpu_sc as plsc

_EPS = 1e-12
_L = 16
_NC = 2
_NS = 16
_NW = _NC * _NS
_GCHUNK = 128


def _bcast(x, dtype=jnp.float32):
  return lax.broadcast(x, (_L,)).astype(dtype)


def _rsqrt_vec(v):
  vi = lax.bitcast_convert_type(v, jnp.int32)
  seed_i = jnp.int32(0x5F3759DF) - lax.shift_right_arithmetic(vi, 1)
  y = lax.bitcast_convert_type(seed_i, jnp.float32)
  half = v * 0.5
  for _ in range(3):
    y = y * (1.5 - half * y * y)
  return y


def _make_kernel(N, D, V):
  n_per_w = N // _NW
  n_groups = n_per_w // _GCHUNK
  kd = D // _L
  inv_d = 1.0 / D

  mesh = plsc.VectorSubcoreMesh(
      core_axis_name="c", subcore_axis_name="s",
      num_cores=_NC, num_subcores=_NS)

  @functools.partial(
      pl.kernel,
      out_type=jax.ShapeDtypeStruct((N, D), jnp.float32),
      mesh=mesh,
      compiler_params=pltpu.CompilerParams(needs_layout_passes=False),
      scratch_types=[
          pltpu.VMEM((n_groups, _GCHUNK), jnp.int32),
          pltpu.VMEM((n_per_w,), jnp.int32),
          pltpu.VMEM((n_per_w, D), jnp.float32),
          pltpu.VMEM((2, D), jnp.float32),
          pltpu.VMEM((D,), jnp.float32),
          pltpu.VMEM((D,), jnp.float32),
          pltpu.SemaphoreType.DMA,
      ],
  )
  def emb_ln(ids_hbm, tt_hbm, word_hbm, te_hbm, g_hbm, b_hbm, out_hbm,
             idx_v, tt_v, rows_v, te_v, g_v, b_v, sem):
    wid = lax.axis_index("s") * _NC + lax.axis_index("c")
    base = wid * n_per_w

    pltpu.sync_copy(ids_hbm.at[wid], idx_v)
    pltpu.sync_copy(tt_hbm.at[wid], tt_v)
    pltpu.sync_copy(te_hbm, te_v)
    pltpu.sync_copy(g_hbm, g_v)
    pltpu.sync_copy(b_hbm, b_v)

    copies = [
        pltpu.async_copy(
            word_hbm.at[idx_v.at[c]],
            rows_v.at[pl.ds(c * _GCHUNK, _GCHUNK)],
            sem,
        )
        for c in range(n_groups)
    ]
    for cp in copies:
      cp.wait()

    r0 = [te_v[0, pl.ds(k * _L, _L)] for k in range(kd)]
    r1 = [te_v[1, pl.ds(k * _L, _L)] for k in range(kd)]
    dl = [a - b for a, b in zip(r1, r0)]
    gv = [g_v[pl.ds(k * _L, _L)] for k in range(kd)]
    bv = [b_v[pl.ds(k * _L, _L)] for k in range(kd)]

    def body(g, carry):
      tv = tt_v[pl.ds(g * _L, _L)].astype(jnp.float32)
      for j in range(_L):
        i = g * _L + j
        t = lax.broadcast(tv[j], (_L,))
        x = [rows_v[i, pl.ds(k * _L, _L)] for k in range(kd)]
        y = [x[k] + (r0[k] + t * dl[k]) for k in range(kd)]
        s = y[0] + y[1]
        for k in range(2, kd):
          s = s + y[k]
        q = y[0] * y[0] + y[1] * y[1]
        for k in range(2, kd):
          q = q + y[k] * y[k]
        sv = _bcast(jnp.sum(s))
        qv = _bcast(jnp.sum(q))
        mu = sv * inv_d
        var = qv * inv_d - mu * mu
        rstd = _rsqrt_vec(var + _EPS)
        for k in range(kd):
          rows_v[i, pl.ds(k * _L, _L)] = (y[k] - mu) * rstd * gv[k] + bv[k]
      return carry

    lax.fori_loop(0, n_per_w // _L, body, 0)

    pltpu.sync_copy(rows_v, out_hbm.at[pl.ds(base, n_per_w)])

  return emb_ln


@jax.jit
def kernel(input_ids, token_type_ids, word_emb, type_emb, gamma, beta):
  B, S = input_ids.shape
  V, D = word_emb.shape
  N = B * S
  n_per_w = N // _NW
  ids = input_ids.reshape(_NW, n_per_w // _GCHUNK, _GCHUNK).astype(jnp.int32)
  tt = token_type_ids.reshape(_NW, n_per_w).astype(jnp.int32)
  out = _make_kernel(N, D, V)(
      ids, tt, word_emb, type_emb, gamma, beta)
  return out.reshape(B, S, D)

# --- scband reference (transcript-rebuilt; emitter-appended) ---
"""Pipeline reference for scband-albert-embeddings-16011638079993 (READ-ONLY COPY).

The authoritative reference and input builder live on the scoring server;
editing this copy changes nothing except your own understanding.
"""

import jax, jax.numpy as jnp
import numpy as np

VOCAB = 100000
TYPES = 2
D = 128
B = 4
S = 4096
EPS = 1e-12


def setup_inputs(seed: int = 0) -> dict:
    key = jax.random.key(seed)
    k1, k2, k3, k4 = jax.random.split(key, 4)
    return {
        "input_ids": jax.random.randint(k1, (B, S), 0, VOCAB, dtype=jnp.int64) if jax.config.jax_enable_x64 else jax.random.randint(k1, (B, S), 0, VOCAB, dtype=jnp.int32),
        "token_type_ids": jax.random.randint(k2, (B, S), 0, TYPES, dtype=jnp.int32),
        "word_emb": jax.random.normal(k3, (VOCAB, D), dtype=jnp.float32) * 0.02,
        "type_emb": jax.random.normal(k4, (TYPES, D), dtype=jnp.float32) * 0.02,
        "gamma": jnp.ones((D,), dtype=jnp.float32),
        "beta": jnp.zeros((D,), dtype=jnp.float32),
    }


def reference(input_ids, token_type_ids, word_emb, type_emb, gamma, beta):
    # word + token-type embedding lookup (gather on SparseCore)
    inputs_embeds = jnp.take(word_emb, input_ids, axis=0)
    type_embeds = jnp.take(type_emb, token_type_ids, axis=0)
    embeddings = inputs_embeds + type_embeds
    # LayerNorm over last dim (eps = 1e-12 as in ALBERT)
    mu = jnp.mean(embeddings, axis=-1, keepdims=True)
    var = jnp.mean(jnp.square(embeddings - mu), axis=-1, keepdims=True)
    normed = (embeddings - mu) / jnp.sqrt(var + EPS)
    out = normed * gamma + beta
    # dropout is identity in eval mode / p=0.0
    return out

if __name__ == "__main__":
    import jax
    _d = setup_inputs()
    print(jax.jit(kernel)(*tuple(_d.values())))

</pallas_src>

<mosaic_0001>
#map = affine_map<(d0, d1) -> (0, 0, 0)>
#map1 = affine_map<(d0, d1) -> (0, 0)>
#map2 = affine_map<(d0, d1) -> (0)>
module attributes {stable_mosaic.version = 14 : i64} {
  func.func @emb_ln(%arg0: i32, %arg1: i32, %arg2: memref<32x4x128xi32, #tpu.memory_space<hbm>>, %arg3: memref<32x512xi32, #tpu.memory_space<hbm>>, %arg4: memref<100000x128xf32, #tpu.memory_space<hbm>>, %arg5: memref<2x128xf32, #tpu.memory_space<hbm>>, %arg6: memref<128xf32, #tpu.memory_space<hbm>>, %arg7: memref<128xf32, #tpu.memory_space<hbm>>, %arg8: memref<16384x128xf32, #tpu.memory_space<hbm>>, %arg9: memref<4x128xi32, #tpu.memory_space<vmem>>, %arg10: memref<512xi32, #tpu.memory_space<vmem>>, %arg11: memref<512x128xf32, #tpu.memory_space<vmem>>, %arg12: memref<2x128xf32, #tpu.memory_space<vmem>>, %arg13: memref<128xf32, #tpu.memory_space<vmem>>, %arg14: memref<128xf32, #tpu.memory_space<vmem>>, %arg15: memref<!tpu.dma_semaphore, #tpu.memory_space<semaphore_mem>>) attributes {dimension_semantics = [#tpu.dimension_semantics<core_parallel>, #tpu.dimension_semantics<subcore_parallel>], iteration_bounds = array<i64: 2, 16>, scalar_prefetch = 0 : i64, scratch_operands = 7 : i64, tpu.core_type = #tpu.core_type<sc_vector_subcore>, window_params = [{transform_indices = #map}, {transform_indices = #map1}, {transform_indices = #map1}, {transform_indices = #map1}, {transform_indices = #map2}, {transform_indices = #map2}, {transform_indices = #map1}]} {
    %mul3A = arith.constant 2 : i32
    %mul3A_0 = arith.muli %arg1, %mul3A : i32
    %add3A = arith.addi %mul3A_0, %arg0 : i32
    %mul3A_1 = arith.constant 512 : i32
    %mul3A_2 = arith.muli %add3A, %mul3A_1 : i32
    "tpu.region"() ({
      %run_scoped3A = tpu.sem_alloc : memref<!tpu.dma_semaphore, #tpu.memory_space<semaphore_mem>>
      %dma_start3A_188 = arith.constant 0 : i32
      %dma_start3A_189 = arith.constant 0 : i32
      %dma_start3A_190 = tpu.memref_slice %arg2[%add3A, %dma_start3A_188, %dma_start3A_189] : memref<32x4x128xi32, #tpu.memory_space<hbm>> -> memref<1x4x128xi32, #tpu.memory_space<hbm>>
      %dma_start3A_191 = tpu.memref_squeeze %dma_start3A_190 : memref<1x4x128xi32, #tpu.memory_space<hbm>> -> memref<4x128xi32, #tpu.memory_space<hbm>>
      %dma_start3A_192 = arith.constant 0 : i32
      %dma_start3A_193 = arith.constant 0 : i32
      %dma_start3A_194 = tpu.memref_slice %arg2[%add3A, %dma_start3A_192, %dma_start3A_193] : memref<32x4x128xi32, #tpu.memory_space<hbm>> -> memref<1x4x128xi32, #tpu.memory_space<hbm>>
      %dma_start3A_195 = tpu.memref_squeeze %dma_start3A_194 : memref<1x4x128xi32, #tpu.memory_space<hbm>> -> memref<4x128xi32, #tpu.memory_space<hbm>>
      tpu.enqueue_dma source(%dma_start3A_195 : memref<4x128xi32, #tpu.memory_space<hbm>>) target(%arg9 : memref<4x128xi32, #tpu.memory_space<vmem>>) target_semaphore(%run_scoped3A : memref<!tpu.dma_semaphore, #tpu.memory_space<semaphore_mem>>)
      %dma_wait3A_196 = arith.constant 0 : i32
      %dma_wait3A_197 = arith.constant 0 : i32
      %dma_wait3A_198 = tpu.memref_slice %arg2[%add3A, %dma_wait3A_196, %dma_wait3A_197] : memref<32x4x128xi32, #tpu.memory_space<hbm>> -> memref<1x4x128xi32, #tpu.memory_space<hbm>>
      %dma_wait3A_199 = tpu.memref_squeeze %dma_wait3A_198 : memref<1x4x128xi32, #tpu.memory_space<hbm>> -> memref<4x128xi32, #tpu.memory_space<hbm>>
      %dma_wait3A_200 = arith.constant 0 : i32
      %dma_wait3A_201 = arith.constant 0 : i32
      %dma_wait3A_202 = tpu.memref_slice %arg2[%add3A, %dma_wait3A_200, %dma_wait3A_201] : memref<32x4x128xi32, #tpu.memory_space<hbm>> -> memref<1x4x128xi32, #tpu.memory_space<hbm>>
      %dma_wait3A_203 = tpu.memref_squeeze %dma_wait3A_202 : memref<1x4x128xi32, #tpu.memory_space<hbm>> -> memref<4x128xi32, #tpu.memory_space<hbm>>
      tpu.wait_dma2 semaphore(%run_scoped3A : memref<!tpu.dma_semaphore, #tpu.memory_space<semaphore_mem>>) src(%dma_wait3A_203 : memref<4x128xi32, #tpu.memory_space<hbm>>) dst(%arg9 : memref<4x128xi32, #tpu.memory_space<vmem>>)
      tpu.yield
    }) : () -> ()
    "tpu.region"() ({
      %run_scoped3A = tpu.sem_alloc : memref<!tpu.dma_semaphore, #tpu.memory_space<semaphore_mem>>
      %dma_start3A_188 = arith.constant 0 : i32
      %dma_start3A_189 = tpu.memref_slice %arg3[%add3A, %dma_start3A_188] : memref<32x512xi32, #tpu.memory_space<hbm>> -> memref<1x512xi32, #tpu.memory_space<hbm>>
      %dma_start3A_190 = tpu.memref_squeeze %dma_start3A_189 : memref<1x512xi32, #tpu.memory_space<hbm>> -> memref<512xi32, #tpu.memory_space<hbm>>
      %dma_start3A_191 = arith.constant 0 : i32
      %dma_start3A_192 = tpu.memref_slice %arg3[%add3A, %dma_start3A_191] : memref<32x512xi32, #tpu.memory_space<hbm>> -> memref<1x512xi32, #tpu.memory_space<hbm>>
      %dma_start3A_193 = tpu.memref_squeeze %dma_start3A_192 : memref<1x512xi32, #tpu.memory_space<hbm>> -> memref<512xi32, #tpu.memory_space<hbm>>
      tpu.enqueue_dma source(%dma_start3A_193 : memref<512xi32, #tpu.memory_space<hbm>>) target(%arg10 : memref<512xi32, #tpu.memory_space<vmem>>) target_semaphore(%run_scoped3A : memref<!tpu.dma_semaphore, #tpu.memory_space<semaphore_mem>>)
      %dma_wait3A_194 = arith.constant 0 : i32
      %dma_wait3A_195 = tpu.memref_slice %arg3[%add3A, %dma_wait3A_194] : memref<32x512xi32, #tpu.memory_space<hbm>> -> memref<1x512xi32, #tpu.memory_space<hbm>>
      %dma_wait3A_196 = tpu.memref_squeeze %dma_wait3A_195 : memref<1x512xi32, #tpu.memory_space<hbm>> -> memref<512xi32, #tpu.memory_space<hbm>>
      %dma_wait3A_197 = arith.constant 0 : i32
      %dma_wait3A_198 = tpu.memref_slice %arg3[%add3A, %dma_wait3A_197] : memref<32x512xi32, #tpu.memory_space<hbm>> -> memref<1x512xi32, #tpu.memory_space<hbm>>
      %dma_wait3A_199 = tpu.memref_squeeze %dma_wait3A_198 : memref<1x512xi32, #tpu.memory_space<hbm>> -> memref<512xi32, #tpu.memory_space<hbm>>
      tpu.wait_dma2 semaphore(%run_scoped3A : memref<!tpu.dma_semaphore, #tpu.memory_space<semaphore_mem>>) src(%dma_wait3A_199 : memref<512xi32, #tpu.memory_space<hbm>>) dst(%arg10 : memref<512xi32, #tpu.memory_space<vmem>>)
      tpu.yield
    }) : () -> ()
    "tpu.region"() ({
      %run_scoped3A = tpu.sem_alloc : memref<!tpu.dma_semaphore, #tpu.memory_space<semaphore_mem>>
      tpu.enqueue_dma source(%arg5 : memref<2x128xf32, #tpu.memory_space<hbm>>) target(%arg12 : memref<2x128xf32, #tpu.memory_space<vmem>>) target_semaphore(%run_scoped3A : memref<!tpu.dma_semaphore, #tpu.memory_space<semaphore_mem>>)
      tpu.wait_dma2 semaphore(%run_scoped3A : memref<!tpu.dma_semaphore, #tpu.memory_space<semaphore_mem>>) src(%arg5 : memref<2x128xf32, #tpu.memory_space<hbm>>) dst(%arg12 : memref<2x128xf32, #tpu.memory_space<vmem>>)
      tpu.yield
    }) : () -> ()
    "tpu.region"() ({
      %run_scoped3A = tpu.sem_alloc : memref<!tpu.dma_semaphore, #tpu.memory_space<semaphore_mem>>
      tpu.enqueue_dma source(%arg6 : memref<128xf32, #tpu.memory_space<hbm>>) target(%arg13 : memref<128xf32, #tpu.memory_space<vmem>>) target_semaphore(%run_scoped3A : memref<!tpu.dma_semaphore, #tpu.memory_space<semaphore_mem>>)
      tpu.wait_dma2 semaphore(%run_scoped3A : memref<!tpu.dma_semaphore, #tpu.memory_space<semaphore_mem>>) src(%arg6 : memref<128xf32, #tpu.memory_space<hbm>>) dst(%arg13 : memref<128xf32, #tpu.memory_space<vmem>>)
      tpu.yield
    }) : () -> ()
    "tpu.region"() ({
      %run_scoped3A = tpu.sem_alloc : memref<!tpu.dma_semaphore, #tpu.memory_space<semaphore_mem>>
      tpu.enqueue_dma source(%arg7 : memref<128xf32, #tpu.memory_space<hbm>>) target(%arg14 : memref<128xf32, #tpu.memory_space<vmem>>) target_semaphore(%run_scoped3A : memref<!tpu.dma_semaphore, #tpu.memory_space<semaphore_mem>>)
      tpu.wait_dma2 semaphore(%run_scoped3A : memref<!tpu.dma_semaphore, #tpu.memory_space<semaphore_mem>>) src(%arg7 : memref<128xf32, #tpu.memory_space<hbm>>) dst(%arg14 : memref<128xf32, #tpu.memory_space<vmem>>)
      tpu.yield
    }) : () -> ()
    %dma_start3A = arith.constant 0 : i32
    %dma_start3A_3 = arith.constant 0 : i32
    %dma_start3A_4 = arith.constant 0 : i32
    %dma_start3A_5 = tpu.memref_slice %arg11[%dma_start3A_3, %dma_start3A_4] : memref<512x128xf32, #tpu.memory_space<vmem>> -> memref<128x128xf32, #tpu.memory_space<vmem>>
    %dma_start3A_6 = arith.constant 0 : i32
    %dma_start3A_7 = tpu.memref_slice %arg9[%dma_start3A, %dma_start3A_6] : memref<4x128xi32, #tpu.memory_space<vmem>> -> memref<1x128xi32, #tpu.memory_space<vmem>>
    %dma_start3A_8 = tpu.memref_squeeze %dma_start3A_7 : memref<1x128xi32, #tpu.memory_space<vmem>> -> memref<128xi32, #tpu.memory_space<vmem>>
    %dma_start3A_9 = arith.constant 0 : i32
    %dma_start3A_10 = arith.constant 0 : i32
    %dma_start3A_11 = tpu.memref_slice %arg4[%dma_start3A_9, %dma_start3A_10] : memref<100000x128xf32, #tpu.memory_space<hbm>> -> memref<100000x128xf32, #tpu.memory_space<hbm>>
    tpu.enqueue_indirect_dma source(%dma_start3A_11 : memref<100000x128xf32, #tpu.memory_space<hbm>>) target(%dma_start3A_5 : memref<128x128xf32, #tpu.memory_space<vmem>>) offsets(%dma_start3A_8 : memref<128xi32, #tpu.memory_space<vmem>>) semaphore(%arg15 : memref<!tpu.dma_semaphore, #tpu.memory_space<semaphore_mem>>)
    %dma_start3A_12 = arith.constant 1 : i32
    %dma_start3A_13 = arith.constant 128 : i32
    %dma_start3A_14 = arith.constant 0 : i32
    %dma_start3A_15 = tpu.memref_slice %arg11[%dma_start3A_13, %dma_start3A_14] : memref<512x128xf32, #tpu.memory_space<vmem>> -> memref<128x128xf32, #tpu.memory_space<vmem>>
    %dma_start3A_16 = arith.constant 0 : i32
    %dma_start3A_17 = tpu.memref_slice %arg9[%dma_start3A_12, %dma_start3A_16] : memref<4x128xi32, #tpu.memory_space<vmem>> -> memref<1x128xi32, #tpu.memory_space<vmem>>
    %dma_start3A_18 = tpu.memref_squeeze %dma_start3A_17 : memref<1x128xi32, #tpu.memory_space<vmem>> -> memref<128xi32, #tpu.memory_space<vmem>>
    %dma_start3A_19 = arith.constant 0 : i32
    %dma_start3A_20 = arith.constant 0 : i32
    %dma_start3A_21 = tpu.memref_slice %arg4[%dma_start3A_19, %dma_start3A_20] : memref<100000x128xf32, #tpu.memory_space<hbm>> -> memref<100000x128xf32, #tpu.memory_space<hbm>>
    tpu.enqueue_indirect_dma source(%dma_start3A_21 : memref<100000x128xf32, #tpu.memory_space<hbm>>) target(%dma_start3A_15 : memref<128x128xf32, #tpu.memory_space<vmem>>) offsets(%dma_start3A_18 : memref<128xi32, #tpu.memory_space<vmem>>) semaphore(%arg15 : memref<!tpu.dma_semaphore, #tpu.memory_space<semaphore_mem>>)
    %dma_start3A_22 = arith.constant 2 : i32
    %dma_start3A_23 = arith.constant 256 : i32
    %dma_start3A_24 = arith.constant 0 : i32
    %dma_start3A_25 = tpu.memref_slice %arg11[%dma_start3A_23, %dma_start3A_24] : memref<512x128xf32, #tpu.memory_space<vmem>> -> memref<128x128xf32, #tpu.memory_space<vmem>>
    %dma_start3A_26 = arith.constant 0 : i32
    %dma_start3A_27 = tpu.memref_slice %arg9[%dma_start3A_22, %dma_start3A_26] : memref<4x128xi32, #tpu.memory_space<vmem>> -> memref<1x128xi32, #tpu.memory_space<vmem>>
    %dma_start3A_28 = tpu.memref_squeeze %dma_start3A_27 : memref<1x128xi32, #tpu.memory_space<vmem>> -> memref<128xi32, #tpu.memory_space<vmem>>
    %dma_start3A_29 = arith.constant 0 : i32
    %dma_start3A_30 = arith.constant 0 : i32
    %dma_start3A_31 = tpu.memref_slice %arg4[%dma_start3A_29, %dma_start3A_30] : memref<100000x128xf32, #tpu.memory_space<hbm>> -> memref<100000x128xf32, #tpu.memory_space<hbm>>
    tpu.enqueue_indirect_dma source(%dma_start3A_31 : memref<100000x128xf32, #tpu.memory_space<hbm>>) target(%dma_start3A_25 : memref<128x128xf32, #tpu.memory_space<vmem>>) offsets(%dma_start3A_28 : memref<128xi32, #tpu.memory_space<vmem>>) semaphore(%arg15 : memref<!tpu.dma_semaphore, #tpu.memory_space<semaphore_mem>>)
    %dma_start3A_32 = arith.constant 3 : i32
    %dma_start3A_33 = arith.constant 384 : i32
    %dma_start3A_34 = arith.constant 0 : i32
    %dma_start3A_35 = tpu.memref_slice %arg11[%dma_start3A_33, %dma_start3A_34] : memref<512x128xf32, #tpu.memory_space<vmem>> -> memref<128x128xf32, #tpu.memory_space<vmem>>
    %dma_start3A_36 = arith.constant 0 : i32
    %dma_start3A_37 = tpu.memref_slice %arg9[%dma_start3A_32, %dma_start3A_36] : memref<4x128xi32, #tpu.memory_space<vmem>> -> memref<1x128xi32, #tpu.memory_space<vmem>>
    %dma_start3A_38 = tpu.memref_squeeze %dma_start3A_37 : memref<1x128xi32, #tpu.memory_space<vmem>> -> memref<128xi32, #tpu.memory_space<vmem>>
    %dma_start3A_39 = arith.constant 0 : i32
    %dma_start3A_40 = arith.constant 0 : i32
    %dma_start3A_41 = tpu.memref_slice %arg4[%dma_start3A_39, %dma_start3A_40] : memref<100000x128xf32, #tpu.memory_space<hbm>> -> memref<100000x128xf32, #tpu.memory_space<hbm>>
    tpu.enqueue_indirect_dma source(%dma_start3A_41 : memref<100000x128xf32, #tpu.memory_space<hbm>>) target(%dma_start3A_35 : memref<128x128xf32, #tpu.memory_space<vmem>>) offsets(%dma_start3A_38 : memref<128xi32, #tpu.memory_space<vmem>>) semaphore(%arg15 : memref<!tpu.dma_semaphore, #tpu.memory_space<semaphore_mem>>)
    %dma_wait3A = arith.constant 0 : i32
    %dma_wait3A_42 = arith.constant 0 : i32
    %dma_wait3A_43 = arith.constant 0 : i32
    %dma_wait3A_44 = tpu.memref_slice %arg11[%dma_wait3A_42, %dma_wait3A_43] : memref<512x128xf32, #tpu.memory_space<vmem>> -> memref<128x128xf32, #tpu.memory_space<vmem>>
    %dma_wait3A_45 = arith.constant 0 : i32
    %dma_wait3A_46 = tpu.memref_slice %arg9[%dma_wait3A, %dma_wait3A_45] : memref<4x128xi32, #tpu.memory_space<vmem>> -> memref<1x128xi32, #tpu.memory_space<vmem>>
    %dma_wait3A_47 = tpu.memref_squeeze %dma_wait3A_46 : memref<1x128xi32, #tpu.memory_space<vmem>> -> memref<128xi32, #tpu.memory_space<vmem>>
    %dma_wait3A_48 = arith.constant 0 : i32
    %dma_wait3A_49 = arith.constant 0 : i32
    %dma_wait3A_50 = tpu.memref_slice %arg4[%dma_wait3A_48, %dma_wait3A_49] : memref<100000x128xf32, #tpu.memory_space<hbm>> -> memref<100000x128xf32, #tpu.memory_space<hbm>>
    tpu.wait_indirect_dma semaphore(%arg15 : memref<!tpu.dma_semaphore, #tpu.memory_space<semaphore_mem>>) src(%dma_wait3A_50 : memref<100000x128xf32, #tpu.memory_space<hbm>>) dst(%dma_wait3A_44 : memref<128x128xf32, #tpu.memory_space<vmem>>)
    %dma_wait3A_51 = arith.constant 1 : i32
    %dma_wait3A_52 = arith.constant 128 : i32
    %dma_wait3A_53 = arith.constant 0 : i32
    %dma_wait3A_54 = tpu.memref_slice %arg11[%dma_wait3A_52, %dma_wait3A_53] : memref<512x128xf32, #tpu.memory_space<vmem>> -> memref<128x128xf32, #tpu.memory_space<vmem>>
    %dma_wait3A_55 = arith.constant 0 : i32
    %dma_wait3A_56 = tpu.memref_slice %arg9[%dma_wait3A_51, %dma_wait3A_55] : memref<4x128xi32, #tpu.memory_space<vmem>> -> memref<1x128xi32, #tpu.memory_space<vmem>>
    %dma_wait3A_57 = tpu.memref_squeeze %dma_wait3A_56 : memref<1x128xi32, #tpu.memory_space<vmem>> -> memref<128xi32, #tpu.memory_space<vmem>>
    %dma_wait3A_58 = arith.constant 0 : i32
    %dma_wait3A_59 = arith.constant 0 : i32
    %dma_wait3A_60 = tpu.memref_slice %arg4[%dma_wait3A_58, %dma_wait3A_59] : memref<100000x128xf32, #tpu.memory_space<hbm>> -> memref<100000x128xf32, #tpu.memory_space<hbm>>
    tpu.wait_indirect_dma semaphore(%arg15 : memref<!tpu.dma_semaphore, #tpu.memory_space<semaphore_mem>>) src(%dma_wait3A_60 : memref<100000x128xf32, #tpu.memory_space<hbm>>) dst(%dma_wait3A_54 : memref<128x128xf32, #tpu.memory_space<vmem>>)
    %dma_wait3A_61 = arith.constant 2 : i32
    %dma_wait3A_62 = arith.constant 256 : i32
    %dma_wait3A_63 = arith.constant 0 : i32
    %dma_wait3A_64 = tpu.memref_slice %arg11[%dma_wait3A_62, %dma_wait3A_63] : memref<512x128xf32, #tpu.memory_space<vmem>> -> memref<128x128xf32, #tpu.memory_space<vmem>>
    %dma_wait3A_65 = arith.constant 0 : i32
    %dma_wait3A_66 = tpu.memref_slice %arg9[%dma_wait3A_61, %dma_wait3A_65] : memref<4x128xi32, #tpu.memory_space<vmem>> -> memref<1x128xi32, #tpu.memory_space<vmem>>
    %dma_wait3A_67 = tpu.memref_squeeze %dma_wait3A_66 : memref<1x128xi32, #tpu.memory_space<vmem>> -> memref<128xi32, #tpu.memory_space<vmem>>
    %dma_wait3A_68 = arith.constant 0 : i32
    %dma_wait3A_69 = arith.constant 0 : i32
    %dma_wait3A_70 = tpu.memref_slice %arg4[%dma_wait3A_68, %dma_wait3A_69] : memref<100000x128xf32, #tpu.memory_space<hbm>> -> memref<100000x128xf32, #tpu.memory_space<hbm>>
    tpu.wait_indirect_dma semaphore(%arg15 : memref<!tpu.dma_semaphore, #tpu.memory_space<semaphore_mem>>) src(%dma_wait3A_70 : memref<100000x128xf32, #tpu.memory_space<hbm>>) dst(%dma_wait3A_64 : memref<128x128xf32, #tpu.memory_space<vmem>>)
    %dma_wait3A_71 = arith.constant 3 : i32
    %dma_wait3A_72 = arith.constant 384 : i32
    %dma_wait3A_73 = arith.constant 0 : i32
    %dma_wait3A_74 = tpu.memref_slice %arg11[%dma_wait3A_72, %dma_wait3A_73] : memref<512x128xf32, #tpu.memory_space<vmem>> -> memref<128x128xf32, #tpu.memory_space<vmem>>
    %dma_wait3A_75 = arith.constant 0 : i32
    %dma_wait3A_76 = tpu.memref_slice %arg9[%dma_wait3A_71, %dma_wait3A_75] : memref<4x128xi32, #tpu.memory_space<vmem>> -> memref<1x128xi32, #tpu.memory_space<vmem>>
    %dma_wait3A_77 = tpu.memref_squeeze %dma_wait3A_76 : memref<1x128xi32, #tpu.memory_space<vmem>> -> memref<128xi32, #tpu.memory_space<vmem>>
    %dma_wait3A_78 = arith.constant 0 : i32
    %dma_wait3A_79 = arith.constant 0 : i32
    %dma_wait3A_80 = tpu.memref_slice %arg4[%dma_wait3A_78, %dma_wait3A_79] : memref<100000x128xf32, #tpu.memory_space<hbm>> -> memref<100000x128xf32, #tpu.memory_space<hbm>>
    tpu.wait_indirect_dma semaphore(%arg15 : memref<!tpu.dma_semaphore, #tpu.memory_space<semaphore_mem>>) src(%dma_wait3A_80 : memref<100000x128xf32, #tpu.memory_space<hbm>>) dst(%dma_wait3A_74 : memref<128x128xf32, #tpu.memory_space<vmem>>)
    %get3A = arith.constant 0 : i32
    %get3A_81 = arith.index_cast %get3A : i32 to index
    %get3A_82 = arith.constant 0 : index
    %get3A_83 = tpu.vector_load %arg12[%get3A_81, %get3A_82] {strides = array<i32>} : memref<2x128xf32, #tpu.memory_space<vmem>>, vector<16xf32>,
    %get3A_84 = arith.constant 0 : i32
    %get3A_85 = arith.index_cast %get3A_84 : i32 to index
    %get3A_86 = arith.constant 16 : index
    %get3A_87 = tpu.vector_load %arg12[%get3A_85, %get3A_86] {strides = array<i32>} : memref<2x128xf32, #tpu.memory_space<vmem>>, vector<16xf32>,
    %get3A_88 = arith.constant 0 : i32
    %get3A_89 = arith.index_cast %get3A_88 : i32 to index
    %get3A_90 = arith.constant 32 : index
    %get3A_91 = tpu.vector_load %arg12[%get3A_89, %get3A_90] {strides = array<i32>} : memref<2x128xf32, #tpu.memory_space<vmem>>, vector<16xf32>,
    %get3A_92 = arith.constant 0 : i32
    %get3A_93 = arith.index_cast %get3A_92 : i32 to index
    %get3A_94 = arith.constant 48 : index
    %get3A_95 = tpu.vector_load %arg12[%get3A_93, %get3A_94] {strides = array<i32>} : memref<2x128xf32, #tpu.memory_space<vmem>>, vector<16xf32>,
    %get3A_96 = arith.constant 0 : i32
    %get3A_97 = arith.index_cast %get3A_96 : i32 to index
    %get3A_98 = arith.constant 64 : index
    %get3A_99 = tpu.vector_load %arg12[%get3A_97, %get3A_98] {strides = array<i32>} : memref<2x128xf32, #tpu.memory_space<vmem>>, vector<16xf32>,
    %get3A_100 = arith.constant 0 : i32
    %get3A_101 = arith.index_cast %get3A_100 : i32 to index
    %get3A_102 = arith.constant 80 : index
    %get3A_103 = tpu.vector_load %arg12[%get3A_101, %get3A_102] {strides = array<i32>} : memref<2x128xf32, #tpu.memory_space<vmem>>, vector<16xf32>,
    %get3A_104 = arith.constant 0 : i32
    %get3A_105 = arith.index_cast %get3A_104 : i32 to index
    %get3A_106 = arith.constant 96 : index
    %get3A_107 = tpu.vector_load %arg12[%get3A_105, %get3A_106] {strides = array<i32>} : memref<2x128xf32, #tpu.memory_space<vmem>>, vector<16xf32>,
    %get3A_108 = arith.constant 0 : i32
    %get3A_109 = arith.index_cast %get3A_108 : i32 to index
    %get3A_110 = arith.constant 112 : index
    %get3A_111 = tpu.vector_load %arg12[%get3A_109, %get3A_110] {strides = array<i32>} : memref<2x128xf32, #tpu.memory_space<vmem>>, vector<16xf32>,
    %get3A_112 = arith.constant 1 : i32
    %get3A_113 = arith.index_cast %get3A_112 : i32 to index
    %get3A_114 = arith.constant 0 : index
    %get3A_115 = tpu.vector_load %arg12[%get3A_113, %get3A_114] {strides = array<i32>} : memref<2x128xf32, #tpu.memory_space<vmem>>, vector<16xf32>,
    %get3A_116 = arith.constant 1 : i32
    %get3A_117 = arith.index_cast %get3A_116 : i32 to index
    %get3A_118 = arith.constant 16 : index
    %get3A_119 = tpu.vector_load %arg12[%get3A_117, %get3A_118] {strides = array<i32>} : memref<2x128xf32, #tpu.memory_space<vmem>>, vector<16xf32>,
    %get3A_120 = arith.constant 1 : i32
    %get3A_121 = arith.index_cast %get3A_120 : i32 to index
    %get3A_122 = arith.constant 32 : index
    %get3A_123 = tpu.vector_load %arg12[%get3A_121, %get3A_122] {strides = array<i32>} : memref<2x128xf32, #tpu.memory_space<vmem>>, vector<16xf32>,
    %get3A_124 = arith.constant 1 : i32
    %get3A_125 = arith.index_cast %get3A_124 : i32 to index
    %get3A_126 = arith.constant 48 : index
    %get3A_127 = tpu.vector_load %arg12[%get3A_125, %get3A_126] {strides = array<i32>} : memref<2x128xf32, #tpu.memory_space<vmem>>, vector<16xf32>,
    %get3A_128 = arith.constant 1 : i32
    %get3A_129 = arith.index_cast %get3A_128 : i32 to index
    %get3A_130 = arith.constant 64 : index
    %get3A_131 = tpu.vector_load %arg12[%get3A_129, %get3A_130] {strides = array<i32>} : memref<2x128xf32, #tpu.memory_space<vmem>>, vector<16xf32>,
    %get3A_132 = arith.constant 1 : i32
    %get3A_133 = arith.index_cast %get3A_132 : i32 to index
    %get3A_134 = arith.constant 80 : index
    %get3A_135 = tpu.vector_load %arg12[%get3A_133, %get3A_134] {strides = array<i32>} : memref<2x128xf32, #tpu.memory_space<vmem>>, vector<16xf32>,
    %get3A_136 = arith.constant 1 : i32
    %get3A_137 = arith.index_cast %get3A_136 : i32 to index
    %get3A_138 = arith.constant 96 : index
    %get3A_139 = tpu.vector_load %arg12[%get3A_137, %get3A_138] {strides = array<i32>} : memref<2x128xf32, #tpu.memory_space<vmem>>, vector<16xf32>,
    %get3A_140 = arith.constant 1 : i32
    %get3A_141 = arith.index_cast %get3A_140 : i32 to index
    %get3A_142 = arith.constant 112 : index
    %get3A_143 = tpu.vector_load %arg12[%get3A_141, %get3A_142] {strides = array<i32>} : memref<2x128xf32, #tpu.memory_space<vmem>>, vector<16xf32>,
    %sub3A = arith.subf %get3A_115, %get3A_83 : vector<16xf32>
    %sub3A_144 = arith.subf %get3A_119, %get3A_87 : vector<16xf32>
    %sub3A_145 = arith.subf %get3A_123, %get3A_91 : vector<16xf32>
    %sub3A_146 = arith.subf %get3A_127, %get3A_95 : vector<16xf32>
    %sub3A_147 = arith.subf %get3A_131, %get3A_99 : vector<16xf32>
    %sub3A_148 = arith.subf %get3A_135, %get3A_103 : vector<16xf32>
    %sub3A_149 = arith.subf %get3A_139, %get3A_107 : vector<16xf32>
    %sub3A_150 = arith.subf %get3A_143, %get3A_111 : vector<16xf32>
    %get3A_151 = arith.constant 0 : index
    %get3A_152 = tpu.vector_load %arg13[%get3A_151] {strides = array<i32>} : memref<128xf32, #tpu.memory_space<vmem>>, vector<16xf32>,
    %get3A_153 = arith.constant 16 : index
    %get3A_154 = tpu.vector_load %arg13[%get3A_153] {strides = array<i32>} : memref<128xf32, #tpu.memory_space<vmem>>, vector<16xf32>,
    %get3A_155 = arith.constant 32 : index
    %get3A_156 = tpu.vector_load %arg13[%get3A_155] {strides = array<i32>} : memref<128xf32, #tpu.memory_space<vmem>>, vector<16xf32>,
    %get3A_157 = arith.constant 48 : index
    %get3A_158 = tpu.vector_load %arg13[%get3A_157] {strides = array<i32>} : memref<128xf32, #tpu.memory_space<vmem>>, vector<16xf32>,
    %get3A_159 = arith.constant 64 : index
    %get3A_160 = tpu.vector_load %arg13[%get3A_159] {strides = array<i32>} : memref<128xf32, #tpu.memory_space<vmem>>, vector<16xf32>,
    %get3A_161 = arith.constant 80 : index
    %get3A_162 = tpu.vector_load %arg13[%get3A_161] {strides = array<i32>} : memref<128xf32, #tpu.memory_space<vmem>>, vector<16xf32>,
    %get3A_163 = arith.constant 96 : index
    %get3A_164 = tpu.vector_load %arg13[%get3A_163] {strides = array<i32>} : memref<128xf32, #tpu.memory_space<vmem>>, vector<16xf32>,
    %get3A_165 = arith.constant 112 : index
    %get3A_166 = tpu.vector_load %arg13[%get3A_165] {strides = array<i32>} : memref<128xf32, #tpu.memory_space<vmem>>, vector<16xf32>,
    %get3A_167 = arith.constant 0 : index
    %get3A_168 = tpu.vector_load %arg14[%get3A_167] {strides = array<i32>} : memref<128xf32, #tpu.memory_space<vmem>>, vector<16xf32>,
    %get3A_169 = arith.constant 16 : index
    %get3A_170 = tpu.vector_load %arg14[%get3A_169] {strides = array<i32>} : memref<128xf32, #tpu.memory_space<vmem>>, vector<16xf32>,
    %get3A_171 = arith.constant 32 : index
    %get3A_172 = tpu.vector_load %arg14[%get3A_171] {strides = array<i32>} : memref<128xf32, #tpu.memory_space<vmem>>, vector<16xf32>,
    %get3A_173 = arith.constant 48 : index
    %get3A_174 = tpu.vector_load %arg14[%get3A_173] {strides = array<i32>} : memref<128xf32, #tpu.memory_space<vmem>>, vector<16xf32>,
    %get3A_175 = arith.constant 64 : index
    %get3A_176 = tpu.vector_load %arg14[%get3A_175] {strides = array<i32>} : memref<128xf32, #tpu.memory_space<vmem>>, vector<16xf32>,
    %get3A_177 = arith.constant 80 : index
    %get3A_178 = tpu.vector_load %arg14[%get3A_177] {strides = array<i32>} : memref<128xf32, #tpu.memory_space<vmem>>, vector<16xf32>,
    %get3A_179 = arith.constant 96 : index
    %get3A_180 = tpu.vector_load %arg14[%get3A_179] {strides = array<i32>} : memref<128xf32, #tpu.memory_space<vmem>>, vector<16xf32>,
    %get3A_181 = arith.constant 112 : index
    %get3A_182 = tpu.vector_load %arg14[%get3A_181] {strides = array<i32>} : memref<128xf32, #tpu.memory_space<vmem>>, vector<16xf32>,
    %scan3A = arith.constant 0 : i32
    %scan3A_183 = arith.constant 0 : i32
    %scan3A_184 = arith.constant 32 : i32
    %scan3A_185 = arith.addi %scan3A_183, %scan3A_184 : i32
    %scan3A_186 = arith.constant 1 : i32
    scf.for %scan3A_188 = %scan3A_183 to %scan3A_185 step %scan3A_186  : i32 {
      %mul3A_189 = arith.constant 16 : i32
      %mul3A_190 = arith.muli %scan3A_188, %mul3A_189 : i32
      %get3A_191 = arith.index_cast %mul3A_190 : i32 to index
      %get3A_192 = tpu.vector_load %arg10[%get3A_191] {strides = array<i32>} : memref<512xi32, #tpu.memory_space<vmem>>, vector<16xi32>,
      %convert_element_type3A = arith.sitofp %get3A_192 : vector<16xi32> to vector<16xf32>
      %mul3A_193 = arith.constant 16 : i32
      %mul3A_194 = arith.muli %scan3A_188, %mul3A_193 : i32
      %add3A_195 = arith.constant 0 : i32
      %add3A_196 = arith.addi %mul3A_194, %add3A_195 : i32
      %slice3A = vector.extract_strided_slice %convert_element_type3A {offsets = [0], sizes = [1], strides = [1]} : vector<16xf32> to vector<1xf32>
      %squeeze3A = vector.extract %slice3A[0] : f32 from vector<1xf32>
      %broadcast_in_dim3A = vector.broadcast %squeeze3A : f32 to vector<16xf32>
      %get3A_197 = arith.index_cast %add3A_196 : i32 to index
      %get3A_198 = arith.constant 0 : index
      %get3A_199 = tpu.vector_load %arg11[%get3A_197, %get3A_198] {strides = array<i32>} : memref<512x128xf32, #tpu.memory_space<vmem>>, vector<16xf32>,
      %get3A_200 = arith.index_cast %add3A_196 : i32 to index
      %get3A_201 = arith.constant 16 : index
      %get3A_202 = tpu.vector_load %arg11[%get3A_200, %get3A_201] {strides = array<i32>} : memref<512x128xf32, #tpu.memory_space<vmem>>, vector<16xf32>,
      %get3A_203 = arith.index_cast %add3A_196 : i32 to index
      %get3A_204 = arith.constant 32 : index
      %get3A_205 = tpu.vector_load %arg11[%get3A_203, %get3A_204] {strides = array<i32>} : memref<512x128xf32, #tpu.memory_space<vmem>>, vector<16xf32>,
      %get3A_206 = arith.index_cast %add3A_196 : i32 to index
      %get3A_207 = arith.constant 48 : index
      %get3A_208 = tpu.vector_load %arg11[%get3A_206, %get3A_207] {strides = array<i32>} : memref<512x128xf32, #tpu.memory_space<vmem>>, vector<16xf32>,
      %get3A_209 = arith.index_cast %add3A_196 : i32 to index
      %get3A_210 = arith.constant 64 : index
      %get3A_211 = tpu.vector_load %arg11[%get3A_209, %get3A_210] {strides = array<i32>} : memref<512x128xf32, #tpu.memory_space<vmem>>, vector<16xf32>,
      %get3A_212 = arith.index_cast %add3A_196 : i32 to index
      %get3A_213 = arith.constant 80 : index
      %get3A_214 = tpu.vector_load %arg11[%get3A_212, %get3A_213] {strides = array<i32>} : memref<512x128xf32, #tpu.memory_space<vmem>>, vector<16xf32>,
      %get3A_215 = arith.index_cast %add3A_196 : i32 to index
      %get3A_216 = arith.constant 96 : index
      %get3A_217 = tpu.vector_load %arg11[%get3A_215, %get3A_216] {strides = array<i32>} : memref<512x128xf32, #tpu.memory_space<vmem>>, vector<16xf32>,
      %get3A_218 = arith.index_cast %add3A_196 : i32 to index
      %get3A_219 = arith.constant 112 : index
      %get3A_220 = tpu.vector_load %arg11[%get3A_218, %get3A_219] {strides = array<i32>} : memref<512x128xf32, #tpu.memory_space<vmem>>, vector<16xf32>,
      %mul3A_221 = arith.mulf %broadcast_in_dim3A, %sub3A : vector<16xf32>
      %add3A_222 = arith.addf %get3A_83, %mul3A_221 : vector<16xf32>
      %add3A_223 = arith.addf %get3A_199, %add3A_222 : vector<16xf32>
      %mul3A_224 = arith.mulf %broadcast_in_dim3A, %sub3A_144 : vector<16xf32>
      %add3A_225 = arith.addf %get3A_87, %mul3A_224 : vector<16xf32>
      %add3A_226 = arith.addf %get3A_202, %add3A_225 : vector<16xf32>
      %mul3A_227 = arith.mulf %broadcast_in_dim3A, %sub3A_145 : vector<16xf32>
      %add3A_228 = arith.addf %get3A_91, %mul3A_227 : vector<16xf32>
      %add3A_229 = arith.addf %get3A_205, %add3A_228 : vector<16xf32>
      %mul3A_230 = arith.mulf %broadcast_in_dim3A, %sub3A_146 : vector<16xf32>
      %add3A_231 = arith.addf %get3A_95, %mul3A_230 : vector<16xf32>
      %add3A_232 = arith.addf %get3A_208, %add3A_231 : vector<16xf32>
      %mul3A_233 = arith.mulf %broadcast_in_dim3A, %sub3A_147 : vector<16xf32>
      %add3A_234 = arith.addf %get3A_99, %mul3A_233 : vector<16xf32>
      %add3A_235 = arith.addf %get3A_211, %add3A_234 : vector<16xf32>
      %mul3A_236 = arith.mulf %broadcast_in_dim3A, %sub3A_148 : vector<16xf32>
      %add3A_237 = arith.addf %get3A_103, %mul3A_236 : vector<16xf32>
      %add3A_238 = arith.addf %get3A_214, %add3A_237 : vector<16xf32>
      %mul3A_239 = arith.mulf %broadcast_in_dim3A, %sub3A_149 : vector<16xf32>
      %add3A_240 = arith.addf %get3A_107, %mul3A_239 : vector<16xf32>
      %add3A_241 = arith.addf %get3A_217, %add3A_240 : vector<16xf32>
      %mul3A_242 = arith.mulf %broadcast_in_dim3A, %sub3A_150 : vector<16xf32>
      %add3A_243 = arith.addf %get3A_111, %mul3A_242 : vector<16xf32>
      %add3A_244 = arith.addf %get3A_220, %add3A_243 : vector<16xf32>
      %add3A_245 = arith.addf %add3A_223, %add3A_226 : vector<16xf32>
      %add3A_246 = arith.addf %add3A_245, %add3A_229 : vector<16xf32>
      %add3A_247 = arith.addf %add3A_246, %add3A_232 : vector<16xf32>
      %add3A_248 = arith.addf %add3A_247, %add3A_235 : vector<16xf32>
      %add3A_249 = arith.addf %add3A_248, %add3A_238 : vector<16xf32>
      %add3A_250 = arith.addf %add3A_249, %add3A_241 : vector<16xf32>
      %add3A_251 = arith.addf %add3A_250, %add3A_244 : vector<16xf32>
      %mul3A_252 = arith.mulf %add3A_223, %add3A_223 : vector<16xf32>
      %mul3A_253 = arith.mulf %add3A_226, %add3A_226 : vector<16xf32>
      %add3A_254 = arith.addf %mul3A_252, %mul3A_253 : vector<16xf32>
      %mul3A_255 = arith.mulf %add3A_229, %add3A_229 : vector<16xf32>
      %add3A_256 = arith.addf %add3A_254, %mul3A_255 : vector<16xf32>
      %mul3A_257 = arith.mulf %add3A_232, %add3A_232 : vector<16xf32>
      %add3A_258 = arith.addf %add3A_256, %mul3A_257 : vector<16xf32>
      %mul3A_259 = arith.mulf %add3A_235, %add3A_235 : vector<16xf32>
      %add3A_260 = arith.addf %add3A_258, %mul3A_259 : vector<16xf32>
      %mul3A_261 = arith.mulf %add3A_238, %add3A_238 : vector<16xf32>
      %add3A_262 = arith.addf %add3A_260, %mul3A_261 : vector<16xf32>
      %mul3A_263 = arith.mulf %add3A_241, %add3A_241 : vector<16xf32>
      %add3A_264 = arith.addf %add3A_262, %mul3A_263 : vector<16xf32>
      %mul3A_265 = arith.mulf %add3A_244, %add3A_244 : vector<16xf32>
      %add3A_266 = arith.addf %add3A_264, %mul3A_265 : vector<16xf32>
      %reduce_sum3A = arith.constant true
      %reduce_sum3A_267 = vector.broadcast %reduce_sum3A : i1 to vector<16xi1>
      %reduce_sum3A_268 = tpu.scan <sum>, %add3A_251 masked %reduce_sum3A_267 : vector<16xf32>, vector<16xi1> -> vector<16xf32>
      %reduce_sum3A_269 = vector.extract %reduce_sum3A_268[15] : f32 from vector<16xf32>
      %broadcast_in_dim3A_270 = vector.broadcast %reduce_sum3A_269 : f32 to vector<16xf32>
      %reduce_sum3A_271 = arith.constant true
      %reduce_sum3A_272 = vector.broadcast %reduce_sum3A_271 : i1 to vector<16xi1>
      %reduce_sum3A_273 = tpu.scan <sum>, %add3A_266 masked %reduce_sum3A_272 : vector<16xf32>, vector<16xi1> -> vector<16xf32>
      %reduce_sum3A_274 = vector.extract %reduce_sum3A_273[15] : f32 from vector<16xf32>
      %broadcast_in_dim3A_275 = vector.broadcast %reduce_sum3A_274 : f32 to vector<16xf32>
      %mul3A_276 = arith.constant 7.812500e-03 : f32
      %mul3A_277 = vector.broadcast %mul3A_276 : f32 to vector<16xf32>
      %mul3A_278 = arith.mulf %broadcast_in_dim3A_270, %mul3A_277 : vector<16xf32>
      %mul3A_279 = arith.constant 7.812500e-03 : f32
      %mul3A_280 = vector.broadcast %mul3A_279 : f32 to vector<16xf32>
      %mul3A_281 = arith.mulf %broadcast_in_dim3A_275, %mul3A_280 : vector<16xf32>
      %mul3A_282 = arith.mulf %mul3A_278, %mul3A_278 : vector<16xf32>
      %sub3A_283 = arith.subf %mul3A_281, %mul3A_282 : vector<16xf32>
      %add3A_284 = arith.constant 9.99999996E-13 : f32
      %add3A_285 = vector.broadcast %add3A_284 : f32 to vector<16xf32>
      %add3A_286 = arith.addf %sub3A_283, %add3A_285 : vector<16xf32>
      %bitcast_convert_type3A = tpu.bitcast %add3A_286 : vector<16xf32> -> vector<16xi32>
      %shift_right_arithmetic3A = arith.constant 1 : i32
      %shift_right_arithmetic3A_287 = vector.broadcast %shift_right_arithmetic3A : i32 to vector<16xi32>
      %shift_right_arithmetic3A_288 = arith.shrsi %bitcast_convert_type3A, %shift_right_arithmetic3A_287 : vector<16xi32>
      %sub3A_289 = arith.constant 1597463007 : i32
      %sub3A_290 = vector.broadcast %sub3A_289 : i32 to vector<16xi32>
      %sub3A_291 = arith.subi %sub3A_290, %shift_right_arithmetic3A_288 : vector<16xi32>
      %bitcast_convert_type3A_292 = tpu.bitcast %sub3A_291 : vector<16xi32> -> vector<16xf32>
      %mul3A_293 = arith.constant 5.000000e-01 : f32
      %mul3A_294 = vector.broadcast %mul3A_293 : f32 to vector<16xf32>
      %mul3A_295 = arith.mulf %add3A_286, %mul3A_294 : vector<16xf32>
      %mul3A_296 = arith.mulf %mul3A_295, %bitcast_convert_type3A_292 : vector<16xf32>
      %mul3A_297 = arith.mulf %mul3A_296, %bitcast_convert_type3A_292 : vector<16xf32>
      %sub3A_298 = arith.constant 1.500000e+00 : f32
      %sub3A_299 = vector.broadcast %sub3A_298 : f32 to vector<16xf32>
      %sub3A_300 = arith.subf %sub3A_299, %mul3A_297 : vector<16xf32>
      %mul3A_301 = arith.mulf %bitcast_convert_type3A_292, %sub3A_300 : vector<16xf32>
      %mul3A_302 = arith.mulf %mul3A_295, %mul3A_301 : vector<16xf32>
      %mul3A_303 = arith.mulf %mul3A_302, %mul3A_301 : vector<16xf32>
      %sub3A_304 = arith.constant 1.500000e+00 : f32
      %sub3A_305 = vector.broadcast %sub3A_304 : f32 to vector<16xf32>
      %sub3A_306 = arith.subf %sub3A_305, %mul3A_303 : vector<16xf32>
      %mul3A_307 = arith.mulf %mul3A_301, %sub3A_306 : vector<16xf32>
      %mul3A_308 = arith.mulf %mul3A_295, %mul3A_307 : vector<16xf32>
      %mul3A_309 = arith.mulf %mul3A_308, %mul3A_307 : vector<16xf32>
      %sub3A_310 = arith.constant 1.500000e+00 : f32
      %sub3A_311 = vector.broadcast %sub3A_310 : f32 to vector<16xf32>
      %sub3A_312 = arith.subf %sub3A_311, %mul3A_309 : vector<16xf32>
      %mul3A_313 = arith.mulf %mul3A_307, %sub3A_312 : vector<16xf32>
      %sub3A_314 = arith.subf %add3A_223, %mul3A_278 : vector<16xf32>
      %mul3A_315 = arith.mulf %sub3A_314, %mul3A_313 : vector<16xf32>
      %mul3A_316 = arith.mulf %mul3A_315, %get3A_152 : vector<16xf32>
      %add3A_317 = arith.addf %mul3A_316, %get3A_168 : vector<16xf32>
      %swap3A = arith.index_cast %add3A_196 : i32 to index
      %swap3A_318 = arith.constant 0 : index
      %swap3A_319 = tpu.vector_load %arg11[%swap3A, %swap3A_318] {strides = array<i32>} : memref<512x128xf32, #tpu.memory_space<vmem>>, vector<16xf32>,
      tpu.vector_store %arg11[%swap3A, %swap3A_318], %add3A_317 {strides = array<i32>} : memref<512x128xf32, #tpu.memory_space<vmem>>, vector<16xf32>,
      %sub3A_320 = arith.subf %add3A_226, %mul3A_278 : vector<16xf32>
      %mul3A_321 = arith.mulf %sub3A_320, %mul3A_313 : vector<16xf32>
      %mul3A_322 = arith.mulf %mul3A_321, %get3A_154 : vector<16xf32>
      %add3A_323 = arith.addf %mul3A_322, %get3A_170 : vector<16xf32>
      %swap3A_324 = arith.index_cast %add3A_196 : i32 to index
      %swap3A_325 = arith.constant 16 : index
      %swap3A_326 = tpu.vector_load %arg11[%swap3A_324, %swap3A_325] {strides = array<i32>} : memref<512x128xf32, #tpu.memory_space<vmem>>, vector<16xf32>,
      tpu.vector_store %arg11[%swap3A_324, %swap3A_325], %add3A_323 {strides = array<i32>} : memref<512x128xf32, #tpu.memory_space<vmem>>, vector<16xf32>,
      %sub3A_327 = arith.subf %add3A_229, %mul3A_278 : vector<16xf32>
      %mul3A_328 = arith.mulf %sub3A_327, %mul3A_313 : vector<16xf32>
      %mul3A_329 = arith.mulf %mul3A_328, %get3A_156 : vector<16xf32>
      %add3A_330 = arith.addf %mul3A_329, %get3A_172 : vector<16xf32>
      %swap3A_331 = arith.index_cast %add3A_196 : i32 to index
      %swap3A_332 = arith.constant 32 : index
      %swap3A_333 = tpu.vector_load %arg11[%swap3A_331, %swap3A_332] {strides = array<i32>} : memref<512x128xf32, #tpu.memory_space<vmem>>, vector<16xf32>,
      tpu.vector_store %arg11[%swap3A_331, %swap3A_332], %add3A_330 {strides = array<i32>} : memref<512x128xf32, #tpu.memory_space<vmem>>, vector<16xf32>,
      %sub3A_334 = arith.subf %add3A_232, %mul3A_278 : vector<16xf32>
      %mul3A_335 = arith.mulf %sub3A_334, %mul3A_313 : vector<16xf32>
      %mul3A_336 = arith.mulf %mul3A_335, %get3A_158 : vector<16xf32>
      %add3A_337 = arith.addf %mul3A_336, %get3A_174 : vector<16xf32>
      %swap3A_338 = arith.index_cast %add3A_196 : i32 to index
      %swap3A_339 = arith.constant 48 : index
      %swap3A_340 = tpu.vector_load %arg11[%swap3A_338, %swap3A_339] {strides = array<i32>} : memref<512x128xf32, #tpu.memory_space<vmem>>, vector<16xf32>,
      tpu.vector_store %arg11[%swap3A_338, %swap3A_339], %add3A_337 {strides = array<i32>} : memref<512x128xf32, #tpu.memory_space<vmem>>, vector<16xf32>,
      %sub3A_341 = arith.subf %add3A_235, %mul3A_278 : vector<16xf32>
      %mul3A_342 = arith.mulf %sub3A_341, %mul3A_313 : vector<16xf32>
      %mul3A_343 = arith.mulf %mul3A_342, %get3A_160 : vector<16xf32>
      %add3A_344 = arith.addf %mul3A_343, %get3A_176 : vector<16xf32>
      %swap3A_345 = arith.index_cast %add3A_196 : i32 to index
      %swap3A_346 = arith.constant 64 : index
      %swap3A_347 = tpu.vector_load %arg11[%swap3A_345, %swap3A_346] {strides = array<i32>} : memref<512x128xf32, #tpu.memory_space<vmem>>, vector<16xf32>,
      tpu.vector_store %arg11[%swap3A_345, %swap3A_346], %add3A_344 {strides = array<i32>} : memref<512x128xf32, #tpu.memory_space<vmem>>, vector<16xf32>,
      %sub3A_348 = arith.subf %add3A_238, %mul3A_278 : vector<16xf32>
      %mul3A_349 = arith.mulf %sub3A_348, %mul3A_313 : vector<16xf32>
      %mul3A_350 = arith.mulf %mul3A_349, %get3A_162 : vector<16xf32>
      %add3A_351 = arith.addf %mul3A_350, %get3A_178 : vector<16xf32>
      %swap3A_352 = arith.index_cast %add3A_196 : i32 to index
      %swap3A_353 = arith.constant 80 : index
      %swap3A_354 = tpu.vector_load %arg11[%swap3A_352, %swap3A_353] {strides = array<i32>} : memref<512x128xf32, #tpu.memory_space<vmem>>, vector<16xf32>,
      tpu.vector_store %arg11[%swap3A_352, %swap3A_353], %add3A_351 {strides = array<i32>} : memref<512x128xf32, #tpu.memory_space<vmem>>, vector<16xf32>,
      %sub3A_355 = arith.subf %add3A_241, %mul3A_278 : vector<16xf32>
      %mul3A_356 = arith.mulf %sub3A_355, %mul3A_313 : vector<16xf32>
      %mul3A_357 = arith.mulf %mul3A_356, %get3A_164 : vector<16xf32>
      %add3A_358 = arith.addf %mul3A_357, %get3A_180 : vector<16xf32>
      %swap3A_359 = arith.index_cast %add3A_196 : i32 to index
      %swap3A_360 = arith.constant 96 : index
      %swap3A_361 = tpu.vector_load %arg11[%swap3A_359, %swap3A_360] {strides = array<i32>} : memref<512x128xf32, #tpu.memory_space<vmem>>, vector<16xf32>,
      tpu.vector_store %arg11[%swap3A_359, %swap3A_360], %add3A_358 {strides = array<i32>} : memref<512x128xf32, #tpu.memory_space<vmem>>, vector<16xf32>,
      %sub3A_362 = arith.subf %add3A_244, %mul3A_278 : vector<16xf32>
      %mul3A_363 = arith.mulf %sub3A_362, %mul3A_313 : vector<16xf32>
      %mul3A_364 = arith.mulf %mul3A_363, %get3A_166 : vector<16xf32>
      %add3A_365 = arith.addf %mul3A_364, %get3A_182 : vector<16xf32>
      %swap3A_366 = arith.index_cast %add3A_196 : i32 to index
      %swap3A_367 = arith.constant 112 : index
      %swap3A_368 = tpu.vector_load %arg11[%swap3A_366, %swap3A_367] {strides = array<i32>} : memref<512x128xf32, #tpu.memory_space<vmem>>, vector<16xf32>,
      tpu.vector_store %arg11[%swap3A_366, %swap3A_367], %add3A_365 {strides = array<i32>} : memref<512x128xf32, #tpu.memory_space<vmem>>, vector<16xf32>,
      %mul3A_369 = arith.constant 16 : i32
      %mul3A_370 = arith.muli %scan3A_188, %mul3A_369 : i32
      %add3A_371 = arith.constant 1 : i32
      %add3A_372 = arith.addi %mul3A_370, %add3A_371 : i32
      %slice3A_373 = vector.extract_strided_slice %convert_element_type3A {offsets = [1], sizes = [1], strides = [1]} : vector<16xf32> to vector<1xf32>
      %squeeze3A_374 = vector.extract %slice3A_373[0] : f32 from vector<1xf32>
      %broadcast_in_dim3A_375 = vector.broadcast %squeeze3A_374 : f32 to vector<16xf32>
      %get3A_376 = arith.index_cast %add3A_372 : i32 to index
      %get3A_377 = arith.constant 0 : index
      %get3A_378 = tpu.vector_load %arg11[%get3A_376, %get3A_377] {strides = array<i32>} : memref<512x128xf32, #tpu.memory_space<vmem>>, vector<16xf32>,
      %get3A_379 = arith.index_cast %add3A_372 : i32 to index
      %get3A_380 = arith.constant 16 : index
      %get3A_381 = tpu.vector_load %arg11[%get3A_379, %get3A_380] {strides = array<i32>} : memref<512x128xf32, #tpu.memory_space<vmem>>, vector<16xf32>,
      %get3A_382 = arith.index_cast %add3A_372 : i32 to index
      %get3A_383 = arith.constant 32 : index
      %get3A_384 = tpu.vector_load %arg11[%get3A_382, %get3A_383] {strides = array<i32>} : memref<512x128xf32, #tpu.memory_space<vmem>>, vector<16xf32>,
      %get3A_385 = arith.index_cast %add3A_372 : i32 to index
      %get3A_386 = arith.constant 48 : index
      %get3A_387 = tpu.vector_load %arg11[%get3A_385, %get3A_386] {strides = array<i32>} : memref<512x128xf32, #tpu.memory_space<vmem>>, vector<16xf32>,
      %get3A_388 = arith.index_cast %add3A_372 : i32 to index
      %get3A_389 = arith.constant 64 : index
      %get3A_390 = tpu.vector_load %arg11[%get3A_388, %get3A_389] {strides = array<i32>} : memref<512x128xf32, #tpu.memory_space<vmem>>, vector<16xf32>,
      %get3A_391 = arith.index_cast %add3A_372 : i32 to index
      %get3A_392 = arith.constant 80 : index
      %get3A_393 = tpu.vector_load %arg11[%get3A_391, %get3A_392] {strides = array<i32>} : memref<512x128xf32, #tpu.memory_space<vmem>>, vector<16xf32>,
      %get3A_394 = arith.index_cast %add3A_372 : i32 to index
      %get3A_395 = arith.constant 96 : index
      %get3A_396 = tpu.vector_load %arg11[%get3A_394, %get3A_395] {strides = array<i32>} : memref<512x128xf32, #tpu.memory_space<vmem>>, vector<16xf32>,
      %get3A_397 = arith.index_cast %add3A_372 : i32 to index
      %get3A_398 = arith.constant 112 : index
      %get3A_399 = tpu.vector_load %arg11[%get3A_397, %get3A_398] {strides = array<i32>} : memref<512x128xf32, #tpu.memory_space<vmem>>, vector<16xf32>,
      %mul3A_400 = arith.mulf %broadcast_in_dim3A_375, %sub3A : vector<16xf32>
      %add3A_401 = arith.addf %get3A_83, %mul3A_400 : vector<16xf32>
      %add3A_402 = arith.addf %get3A_378, %add3A_401 : vector<16xf32>
      %mul3A_403 = arith.mulf %broadcast_in_dim3A_375, %sub3A_144 : vector<16xf32>
      %add3A_404 = arith.addf %get3A_87, %mul3A_403 : vector<16xf32>
      %add3A_405 = arith.addf %get3A_381, %add3A_404 : vector<16xf32>
      %mul3A_406 = arith.mulf %broadcast_in_dim3A_375, %sub3A_145 : vector<16xf32>
      %add3A_407 = arith.addf %get3A_91, %mul3A_406 : vector<16xf32>
      %add3A_408 = arith.addf %get3A_384, %add3A_407 : vector<16xf32>
      %mul3A_409 = arith.mulf %broadcast_in_dim3A_375, %sub3A_146 : vector<16xf32>
      %add3A_410 = arith.addf %get3A_95, %mul3A_409 : vector<16xf32>
      %add3A_411 = arith.addf %get3A_387, %add3A_410 : vector<16xf32>
      %mul3A_412 = arith.mulf %broadcast_in_dim3A_375, %sub3A_147 : vector<16xf32>
      %add3A_413 = arith.addf %get3A_99, %mul3A_412 : vector<16xf32>
      %add3A_414 = arith.addf %get3A_390, %add3A_413 : vector<16xf32>
      %mul3A_415 = arith.mulf %broadcast_in_dim3A_375, %sub3A_148 : vector<16xf32>
      %add3A_416 = arith.addf %get3A_103, %mul3A_415 : vector<16xf32>
      %add3A_417 = arith.addf %get3A_393, %add3A_416 : vector<16xf32>
      %mul3A_418 = arith.mulf %broadcast_in_dim3A_375, %sub3A_149 : vector<16xf32>
      %add3A_419 = arith.addf %get3A_107, %mul3A_418 : vector<16xf32>
      %add3A_420 = arith.addf %get3A_396, %add3A_419 : vector<16xf32>
      %mul3A_421 = arith.mulf %broadcast_in_dim3A_375, %sub3A_150 : vector<16xf32>
      %add3A_422 = arith.addf %get3A_111, %mul3A_421 : vector<16xf32>
      %add3A_423 = arith.addf %get3A_399, %add3A_422 : vector<16xf32>
      %add3A_424 = arith.addf %add3A_402, %add3A_405 : vector<16xf32>
      %add3A_425 = arith.addf %add3A_424, %add3A_408 : vector<16xf32>
      %add3A_426 = arith.addf %add3A_425, %add3A_411 : vector<16xf32>
      %add3A_427 = arith.addf %add3A_426, %add3A_414 : vector<16xf32>
      %add3A_428 = arith.addf %add3A_427, %add3A_417 : vector<16xf32>
      %add3A_429 = arith.addf %add3A_428, %add3A_420 : vector<16xf32>
      %add3A_430 = arith.addf %add3A_429, %add3A_423 : vector<16xf32>
      %mul3A_431 = arith.mulf %add3A_402, %add3A_402 : vector<16xf32>
      %mul3A_432 = arith.mulf %add3A_405, %add3A_405 : vector<16xf32>
      %add3A_433 = arith.addf %mul3A_431, %mul3A_432 : vector<16xf32>
      %mul3A_434 = arith.mulf %add3A_408, %add3A_408 : vector<16xf32>
      %add3A_435 = arith.addf %add3A_433, %mul3A_434 : vector<16xf32>
      %mul3A_436 = arith.mulf %add3A_411, %add3A_411 : vector<16xf32>
      %add3A_437 = arith.addf %add3A_435, %mul3A_436 : vector<16xf32>
      %mul3A_438 = arith.mulf %add3A_414, %add3A_414 : vector<16xf32>
      %add3A_439 = arith.addf %add3A_437, %mul3A_438 : vector<16xf32>
      %mul3A_440 = arith.mulf %add3A_417, %add3A_417 : vector<16xf32>
      %add3A_441 = arith.addf %add3A_439, %mul3A_440 : vector<16xf32>
      %mul3A_442 = arith.mulf %add3A_420, %add3A_420 : vector<16xf32>
      %add3A_443 = arith.addf %add3A_441, %mul3A_442 : vector<16xf32>
      %mul3A_444 = arith.mulf %add3A_423, %add3A_423 : vector<16xf32>
      %add3A_445 = arith.addf %add3A_443, %mul3A_444 : vector<16xf32>
      %reduce_sum3A_446 = arith.constant true
      %reduce_sum3A_447 = vector.broadcast %reduce_sum3A_446 : i1 to vector<16xi1>
      %reduce_sum3A_448 = tpu.scan <sum>, %add3A_430 masked %reduce_sum3A_447 : vector<16xf32>, vector<16xi1> -> vector<16xf32>
      %reduce_sum3A_449 = vector.extract %reduce_sum3A_448[15] : f32 from vector<16xf32>
      %broadcast_in_dim3A_450 = vector.broadcast %reduce_sum3A_449 : f32 to vector<16xf32>
      %reduce_sum3A_451 = arith.constant true
      %reduce_sum3A_452 = vector.broadcast %reduce_sum3A_451 : i1 to vector<16xi1>
      %reduce_sum3A_453 = tpu.scan <sum>, %add3A_445 masked %reduce_sum3A_452 : vector<16xf32>, vector<16xi1> -> vector<16xf32>
      %reduce_sum3A_454 = vector.extract %reduce_sum3A_453[15] : f32 from vector<16xf32>
      %broadcast_in_dim3A_455 = vector.broadcast %reduce_sum3A_454 : f32 to vector<16xf32>
      %mul3A_456 = arith.constant 7.812500e-03 : f32
      %mul3A_457 = vector.broadcast %mul3A_456 : f32 to vector<16xf32>
      %mul3A_458 = arith.mulf %broadcast_in_dim3A_450, %mul3A_457 : vector<16xf32>
      %mul3A_459 = arith.constant 7.812500e-03 : f32
      %mul3A_460 = vector.broadcast %mul3A_459 : f32 to vector<16xf32>
      %mul3A_461 = arith.mulf %broadcast_in_dim3A_455, %mul3A_460 : vector<16xf32>
      %mul3A_462 = arith.mulf %mul3A_458, %mul3A_458 : vector<16xf32>
      %sub3A_463 = arith.subf %mul3A_461, %mul3A_462 : vector<16xf32>
      %add3A_464 = arith.constant 9.99999996E-13 : f32
      %add3A_465 = vector.broadcast %add3A_464 : f32 to vector<16xf32>
      %add3A_466 = arith.addf %sub3A_463, %add3A_465 : vector<16xf32>
      %bitcast_convert_type3A_467 = tpu.bitcast %add3A_466 : vector<16xf32> -> vector<16xi32>
      %shift_right_arithmetic3A_468 = arith.constant 1 : i32
      %shift_right_arithmetic3A_469 = vector.broadcast %shift_right_arithmetic3A_468 : i32 to vector<16xi32>
      %shift_right_arithmetic3A_470 = arith.shrsi %bitcast_convert_type3A_467, %shift_right_arithmetic3A_469 : vector<16xi32>
      %sub3A_471 = arith.constant 1597463007 : i32
      %sub3A_472 = vector.broadcast %sub3A_471 : i32 to vector<16xi32>
      %sub3A_473 = arith.subi %sub3A_472, %shift_right_arithmetic3A_470 : vector<16xi32>
      %bitcast_convert_type3A_474 = tpu.bitcast %sub3A_473 : vector<16xi32> -> vector<16xf32>
      %mul3A_475 = arith.constant 5.000000e-01 : f32
      %mul3A_476 = vector.broadcast %mul3A_475 : f32 to vector<16xf32>
      %mul3A_477 = arith.mulf %add3A_466, %mul3A_476 : vector<16xf32>
      %mul3A_478 = arith.mulf %mul3A_477, %bitcast_convert_type3A_474 : vector<16xf32>
      %mul3A_479 = arith.mulf %mul3A_478, %bitcast_convert_type3A_474 : vector<16xf32>
      %sub3A_480 = arith.constant 1.500000e+00 : f32
      %sub3A_481 = vector.broadcast %sub3A_480 : f32 to vector<16xf32>
      %sub3A_482 = arith.subf %sub3A_481, %mul3A_479 : vector<16xf32>
      %mul3A_483 = arith.mulf %bitcast_convert_type3A_474, %sub3A_482 : vector<16xf32>
      %mul3A_484 = arith.mulf %mul3A_477, %mul3A_483 : vector<16xf32>
      %mul3A_485 = arith.mulf %mul3A_484, %mul3A_483 : vector<16xf32>
      %sub3A_486 = arith.constant 1.500000e+00 : f32
      %sub3A_487 = vector.broadcast %sub3A_486 : f32 to vector<16xf32>
      %sub3A_488 = arith.subf %sub3A_487, %mul3A_485 : vector<16xf32>
      %mul3A_489 = arith.mulf %mul3A_483, %sub3A_488 : vector<16xf32>
      %mul3A_490 = arith.mulf %mul3A_477, %mul3A_489 : vector<16xf32>
      %mul3A_491 = arith.mulf %mul3A_490, %mul3A_489 : vector<16xf32>
      %sub3A_492 = arith.constant 1.500000e+00 : f32
      %sub3A_493 = vector.broadcast %sub3A_492 : f32 to vector<16xf32>
      %sub3A_494 = arith.subf %sub3A_493, %mul3A_491 : vector<16xf32>
      %mul3A_495 = arith.mulf %mul3A_489, %sub3A_494 : vector<16xf32>
      %sub3A_496 = arith.subf %add3A_402, %mul3A_458 : vector<16xf32>
      %mul3A_497 = arith.mulf %sub3A_496, %mul3A_495 : vector<16xf32>
      %mul3A_498 = arith.mulf %mul3A_497, %get3A_152 : vector<16xf32>
      %add3A_499 = arith.addf %mul3A_498, %get3A_168 : vector<16xf32>
      %swap3A_500 = arith.index_cast %add3A_372 : i32 to index
      %swap3A_501 = arith.constant 0 : index
      %swap3A_502 = tpu.vector_load %arg11[%swap3A_500, %swap3A_501] {strides = array<i32>} : memref<512x128xf32, #tpu.memory_space<vmem>>, vector<16xf32>,
      tpu.vector_store %arg11[%swap3A_500, %swap3A_501], %add3A_499 {strides = array<i32>} : memref<512x128xf32, #tpu.memory_space<vmem>>, vector<16xf32>,
      %sub3A_503 = arith.subf %add3A_405, %mul3A_458 : vector<16xf32>
      %mul3A_504 = arith.mulf %sub3A_503, %mul3A_495 : vector<16xf32>
      %mul3A_505 = arith.mulf %mul3A_504, %get3A_154 : vector<16xf32>
      %add3A_506 = arith.addf %mul3A_505, %get3A_170 : vector<16xf32>
      %swap3A_507 = arith.index_cast %add3A_372 : i32 to index
      %swap3A_508 = arith.constant 16 : index
      %swap3A_509 = tpu.vector_load %arg11[%swap3A_507, %swap3A_508] {strides = array<i32>} : memref<512x128xf32, #tpu.memory_space<vmem>>, vector<16xf32>,
      tpu.vector_store %arg11[%swap3A_507, %swap3A_508], %add3A_506 {strides = array<i32>} : memref<512x128xf32, #tpu.memory_space<vmem>>, vector<16xf32>,
      %sub3A_510 = arith.subf %add3A_408, %mul3A_458 : vector<16xf32>
      %mul3A_511 = arith.mulf %sub3A_510, %mul3A_495 : vector<16xf32>
      %mul3A_512 = arith.mulf %mul3A_511, %get3A_156 : vector<16xf32>
      %add3A_513 = arith.addf %mul3A_512, %get3A_172 : vector<16xf32>
      %swap3A_514 = arith.index_cast %add3A_372 : i32 to index
      %swap3A_515 = arith.constant 32 : index
      %swap3A_516 = tpu.vector_load %arg11[%swap3A_514, %swap3A_515] {strides = array<i32>} : memref<512x128xf32, #tpu.memory_space<vmem>>, vector<16xf32>,
      tpu.vector_store %arg11[%swap3A_514, %swap3A_515], %add3A_513 {strides = array<i32>} : memref<512x128xf32, #tpu.memory_space<vmem>>, vector<16xf32>,
      %sub3A_517 = arith.subf %add3A_411, %mul3A_458 : vector<16xf32>
      %mul3A_518 = arith.mulf %sub3A_517, %mul3A_495 : vector<16xf32>
      %mul3A_519 = arith.mulf %mul3A_518, %get3A_158 : vector<16xf32>
      %add3A_520 = arith.addf %mul3A_519, %get3A_174 : vector<16xf32>
      %swap3A_521 = arith.index_cast %add3A_372 : i32 to index
      %swap3A_522 = arith.constant 48 : index
      %swap3A_523 = tpu.vector_load %arg11[%swap3A_521, %swap3A_522] {strides = array<i32>} : memref<512x128xf32, #tpu.memory_space<vmem>>, vector<16xf32>,
      tpu.vector_store %arg11[%swap3A_521, %swap3A_522], %add3A_520 {strides = array<i32>} : memref<512x128xf32, #tpu.memory_space<vmem>>, vector<16xf32>,
      %sub3A_524 = arith.subf %add3A_414, %mul3A_458 : vector<16xf32>
      %mul3A_525 = arith.mulf %sub3A_524, %mul3A_495 : vector<16xf32>
      %mul3A_526 = arith.mulf %mul3A_525, %get3A_160 : vector<16xf32>
      %add3A_527 = arith.addf %mul3A_526, %get3A_176 : vector<16xf32>
      %swap3A_528 = arith.index_cast %add3A_372 : i32 to index
      %swap3A_529 = arith.constant 64 : index
      %swap3A_530 = tpu.vector_load %arg11[%swap3A_528, %swap3A_529] {strides = array<i32>} : memref<512x128xf32, #tpu.memory_space<vmem>>, vector<16xf32>,
      tpu.vector_store %arg11[%swap3A_528, %swap3A_529], %add3A_527 {strides = array<i32>} : memref<512x128xf32, #tpu.memory_space<vmem>>, vector<16xf32>,
      %sub3A_531 = arith.subf %add3A_417, %mul3A_458 : vector<16xf32>
      %mul3A_532 = arith.mulf %sub3A_531, %mul3A_495 : vector<16xf32>
      %mul3A_533 = arith.mulf %mul3A_532, %get3A_162 : vector<16xf32>
      %add3A_534 = arith.addf %mul3A_533, %get3A_178 : vector<16xf32>
      %swap3A_535 = arith.index_cast %add3A_372 : i32 to index
      %swap3A_536 = arith.constant 80 : index
      %swap3A_537 = tpu.vector_load %arg11[%swap3A_535, %swap3A_536] {strides = array<i32>} : memref<512x128xf32, #tpu.memory_space<vmem>>, vector<16xf32>,
      tpu.vector_store %arg11[%swap3A_535, %swap3A_536], %add3A_534 {strides = array<i32>} : memref<512x128xf32, #tpu.memory_space<vmem>>, vector<16xf32>,
      %sub3A_538 = arith.subf %add3A_420, %mul3A_458 : vector<16xf32>
      %mul3A_539 = arith.mulf %sub3A_538, %mul3A_495 : vector<16xf32>
      %mul3A_540 = arith.mulf %mul3A_539, %get3A_164 : vector<16xf32>
      %add3A_541 = arith.addf %mul3A_540, %get3A_180 : vector<16xf32>
      %swap3A_542 = arith.index_cast %add3A_372 : i32 to index
      %swap3A_543 = arith.constant 96 : index
      %swap3A_544 = tpu.vector_load %arg11[%swap3A_542, %swap3A_543] {strides = array<i32>} : memref<512x128xf32, #tpu.memory_space<vmem>>, vector<16xf32>,
      tpu.vector_store %arg11[%swap3A_542, %swap3A_543], %add3A_541 {strides = array<i32>} : memref<512x128xf32, #tpu.memory_space<vmem>>, vector<16xf32>,
      %sub3A_545 = arith.subf %add3A_423, %mul3A_458 : vector<16xf32>
      %mul3A_546 = arith.mulf %sub3A_545, %mul3A_495 : vector<16xf32>
      %mul3A_547 = arith.mulf %mul3A_546, %get3A_166 : vector<16xf32>
      %add3A_548 = arith.addf %mul3A_547, %get3A_182 : vector<16xf32>
      %swap3A_549 = arith.index_cast %add3A_372 : i32 to index
      %swap3A_550 = arith.constant 112 : index
      %swap3A_551 = tpu.vector_load %arg11[%swap3A_549, %swap3A_550] {strides = array<i32>} : memref<512x128xf32, #tpu.memory_space<vmem>>, vector<16xf32>,
      tpu.vector_store %arg11[%swap3A_549, %swap3A_550], %add3A_548 {strides = array<i32>} : memref<512x128xf32, #tpu.memory_space<vmem>>, vector<16xf32>,
      %mul3A_552 = arith.constant 16 : i32
      %mul3A_553 = arith.muli %scan3A_188, %mul3A_552 : i32
      %add3A_554 = arith.constant 2 : i32
      %add3A_555 = arith.addi %mul3A_553, %add3A_554 : i32
      %slice3A_556 = vector.extract_strided_slice %convert_element_type3A {offsets = [2], sizes = [1], strides = [1]} : vector<16xf32> to vector<1xf32>
      %squeeze3A_557 = vector.extract %slice3A_556[0] : f32 from vector<1xf32>
      %broadcast_in_dim3A_558 = vector.broadcast %squeeze3A_557 : f32 to vector<16xf32>
      %get3A_559 = arith.index_cast %add3A_555 : i32 to index
      %get3A_560 = arith.constant 0 : index
      %get3A_561 = tpu.vector_load %arg11[%get3A_559, %get3A_560] {strides = array<i32>} : memref<512x128xf32, #tpu.memory_space<vmem>>, vector<16xf32>,
      %get3A_562 = arith.index_cast %add3A_555 : i32 to index
      %get3A_563 = arith.constant 16 : index
      %get3A_564 = tpu.vector_load %arg11[%get3A_562, %get3A_563] {strides = array<i32>} : memref<512x128xf32, #tpu.memory_space<vmem>>, vector<16xf32>,
      %get3A_565 = arith.index_cast %add3A_555 : i32 to index
      %get3A_566 = arith.constant 32 : index
      %get3A_567 = tpu.vector_load %arg11[%get3A_565, %get3A_566] {strides = array<i32>} : memref<512x128xf32, #tpu.memory_space<vmem>>, vector<16xf32>,
      %get3A_568 = arith.index_cast %add3A_555 : i32 to index
      %get3A_569 = arith.constant 48 : index
      %get3A_570 = tpu.vector_load %arg11[%get3A_568, %get3A_569] {strides = array<i32>} : memref<512x128xf32, #tpu.memory_space<vmem>>, vector<16xf32>,
      %get3A_571 = arith.index_cast %add3A_555 : i32 to index
      %get3A_572 = arith.constant 64 : index
      %get3A_573 = tpu.vector_load %arg11[%get3A_571, %get3A_572] {strides = array<i32>} : memref<512x128xf32, #tpu.memory_space<vmem>>, vector<16xf32>,
      %get3A_574 = arith.index_cast %add3A_555 : i32 to index
      %get3A_575 = arith.constant 80 : index
      %get3A_576 = tpu.vector_load %arg11[%get3A_574, %get3A_575] {strides = array<i32>} : memref<512x128xf32, #tpu.memory_space<vmem>>, vector<16xf32>,
      %get3A_577 = arith.index_cast %add3A_555 : i32 to index
      %get3A_578 = arith.constant 96 : index
      %get3A_579 = tpu.vector_load %arg11[%get3A_577, %get3A_578] {strides = array<i32>} : memref<512x128xf32, #tpu.memory_space<vmem>>, vector<16xf32>,
      %get3A_580 = arith.index_cast %add3A_555 : i32 to index
      %get3A_581 = arith.constant 112 : index
      %get3A_582 = tpu.vector_load %arg11[%get3A_580, %get3A_581] {strides = array<i32>} : memref<512x128xf32, #tpu.memory_space<vmem>>, vector<16xf32>,
      %mul3A_583 = arith.mulf %broadcast_in_dim3A_558, %sub3A : vector<16xf32>
      %add3A_584 = arith.addf %get3A_83, %mul3A_583 : vector<16xf32>
      %add3A_585 = arith.addf %get3A_561, %add3A_584 : vector<16xf32>
      %mul3A_586 = arith.mulf %broadcast_in_dim3A_558, %sub3A_144 : vector<16xf32>
      %add3A_587 = arith.addf %get3A_87, %mul3A_586 : vector<16xf32>
      %add3A_588 = arith.addf %get3A_564, %add3A_587 : vector<16xf32>
      %mul3A_589 = arith.mulf %broadcast_in_dim3A_558, %sub3A_145 : vector<16xf32>
      %add3A_590 = arith.addf %get3A_91, %mul3A_589 : vector<16xf32>
      %add3A_591 = arith.addf %get3A_567, %add3A_590 : vector<16xf32>
      %mul3A_592 = arith.mulf %broadcast_in_dim3A_558, %sub3A_146 : vector<16xf32>
      %add3A_593 = arith.addf %get3A_95, %mul3A_592 : vector<16xf32>
      %add3A_594 = arith.addf %get3A_570, %add3A_593 : vector<16xf32>
      %mul3A_595 = arith.mulf %broadcast_in_dim3A_558, %sub3A_147 : vector<16xf32>
      %add3A_596 = arith.addf %get3A_99, %mul3A_595 : vector<16xf32>
      %add3A_597 = arith.addf %get3A_573, %add3A_596 : vector<16xf32>
      %mul3A_598 = arith.mulf %broadcast_in_dim3A_558, %sub3A_148 : vector<16xf32>
      %add3A_599 = arith.addf %get3A_103, %mul3A_598 : vector<16xf32>
      %add3A_600 = arith.addf %get3A_576, %add3A_599 : vector<16xf32>
      %mul3A_601 = arith.mulf %broadcast_in_dim3A_558, %sub3A_149 : vector<16xf32>
      %add3A_602 = arith.addf %get3A_107, %mul3A_601 : vector<16xf32>
      %add3A_603 = arith.addf %get3A_579, %add3A_602 : vector<16xf32>
      %mul3A_604 = arith.mulf %broadcast_in_dim3A_558, %sub3A_150 : vector<16xf32>
      %add3A_605 = arith.addf %get3A_111, %mul3A_604 : vector<16xf32>
      %add3A_606 = arith.addf %get3A_582, %add3A_605 : vector<16xf32>
      %add3A_607 = arith.addf %add3A_585, %add3A_588 : vector<16xf32>
      %add3A_608 = arith.addf %add3A_607, %add3A_591 : vector<16xf32>
      %add3A_609 = arith.addf %add3A_608, %add3A_594 : vector<16xf32>
      %add3A_610 = arith.addf %add3A_609, %add3A_597 : vector<16xf32>
      %add3A_611 = arith.addf %add3A_610, %add3A_600 : vector<16xf32>
      %add3A_612 = arith.addf %add3A_611, %add3A_603 : vector<16xf32>
      %add3A_613 = arith.addf %add3A_612, %add3A_606 : vector<16xf32>
      %mul3A_614 = arith.mulf %add3A_585, %add3A_585 : vector<16xf32>
      %mul3A_615 = arith.mulf %add3A_588, %add3A_588 : vector<16xf32>
      %add3A_616 = arith.addf %mul3A_614, %mul3A_615 : vector<16xf32>
      %mul3A_617 = arith.mulf %add3A_591, %add3A_591 : vector<16xf32>
      %add3A_618 = arith.addf %add3A_616, %mul3A_617 : vector<16xf32>
      %mul3A_619 = arith.mulf %add3A_594, %add3A_594 : vector<16xf32>
      %add3A_620 = arith.addf %add3A_618, %mul3A_619 : vector<16xf32>
      %mul3A_621 = arith.mulf %add3A_597, %add3A_597 : vector<16xf32>
      %add3A_622 = arith.addf %add3A_620, %mul3A_621 : vector<16xf32>
      %mul3A_623 = arith.mulf %add3A_600, %add3A_600 : vector<16xf32>
      %add3A_624 = arith.addf %add3A_622, %mul3A_623 : vector<16xf32>
      %mul3A_625 = arith.mulf %add3A_603, %add3A_603 : vector<16xf32>
      %add3A_626 = arith.addf %add3A_624, %mul3A_625 : vector<16xf32>
      %mul3A_627 = arith.mulf %add3A_606, %add3A_606 : vector<16xf32>
      %add3A_628 = arith.addf %add3A_626, %mul3A_627 : vector<16xf32>
      %reduce_sum3A_629 = arith.constant true
      %reduce_sum3A_630 = vector.broadcast %reduce_sum3A_629 : i1 to vector<16xi1>
      %reduce_sum3A_631 = tpu.scan <sum>, %add3A_613 masked %reduce_sum3A_630 : vector<16xf32>, vector<16xi1> -> vector<16xf32>
      %reduce_sum3A_632 = vector.extract %reduce_sum3A_631[15] : f32 from vector<16xf32>
      %broadcast_in_dim3A_633 = vector.broadcast %reduce_sum3A_632 : f32 to vector<16xf32>
      %reduce_sum3A_634 = arith.constant true
      %reduce_sum3A_635 = vector.broadcast %reduce_sum3A_634 : i1 to vector<16xi1>
      %reduce_sum3A_636 = tpu.scan <sum>, %add3A_628 masked %reduce_sum3A_635 : vector<16xf32>, vector<16xi1> -> vector<16xf32>
      %reduce_sum3A_637 = vector.extract %reduce_sum3A_636[15] : f32 from vector<16xf32>
      %broadcast_in_dim3A_638 = vector.broadcast %reduce_sum3A_637 : f32 to vector<16xf32>
      %mul3A_639 = arith.constant 7.812500e-03 : f32
      %mul3A_640 = vector.broadcast %mul3A_639 : f32 to vector<16xf32>
      %mul3A_641 = arith.mulf %broadcast_in_dim3A_633, %mul3A_640 : vector<16xf32>
      %mul3A_642 = arith.constant 7.812500e-03 : f32
      %mul3A_643 = vector.broadcast %mul3A_642 : f32 to vector<16xf32>
      %mul3A_644 = arith.mulf %broadcast_in_dim3A_638, %mul3A_643 : vector<16xf32>
      %mul3A_645 = arith.mulf %mul3A_641, %mul3A_641 : vector<16xf32>
      %sub3A_646 = arith.subf %mul3A_644, %mul3A_645 : vector<16xf32>
      %add3A_647 = arith.constant 9.99999996E-13 : f32
      %add3A_648 = vector.broadcast %add3A_647 : f32 to vector<16xf32>
      %add3A_649 = arith.addf %sub3A_646, %add3A_648 : vector<16xf32>
      %bitcast_convert_type3A_650 = tpu.bitcast %add3A_649 : vector<16xf32> -> vector<16xi32>
      %shift_right_arithmetic3A_651 = arith.constant 1 : i32
      %shift_right_arithmetic3A_652 = vector.broadcast %shift_right_arithmetic3A_651 : i32 to vector<16xi32>
      %shift_right_arithmetic3A_653 = arith.shrsi %bitcast_convert_type3A_650, %shift_right_arithmetic3A_652 : vector<16xi32>
      %sub3A_654 = arith.constant 1597463007 : i32
      %sub3A_655 = vector.broadcast %sub3A_654 : i32 to vector<16xi32>
      %sub3A_656 = arith.subi %sub3A_655, %shift_right_arithmetic3A_653 : vector<16xi32>
      %bitcast_convert_type3A_657 = tpu.bitcast %sub3A_656 : vector<16xi32> -> vector<16xf32>
      %mul3A_658 = arith.constant 5.000000e-01 : f32
      %mul3A_659 = vector.broadcast %mul3A_658 : f32 to vector<16xf32>
      %mul3A_660 = arith.mulf %add3A_649, %mul3A_659 : vector<16xf32>
      %mul3A_661 = arith.mulf %mul3A_660, %bitcast_convert_type3A_657 : vector<16xf32>
      %mul3A_662 = arith.mulf %mul3A_661, %bitcast_convert_type3A_657 : vector<16xf32>
      %sub3A_663 = arith.constant 1.500000e+00 : f32
      %sub3A_664 = vector.broadcast %sub3A_663 : f32 to vector<16xf32>
      %sub3A_665 = arith.subf %sub3A_664, %mul3A_662 : vector<16xf32>
      %mul3A_666 = arith.mulf %bitcast_convert_type3A_657, %sub3A_665 : vector<16xf32>
      %mul3A_667 = arith.mulf %mul3A_660, %mul3A_666 : vector<16xf32>
      %mul3A_668 = arith.mulf %mul3A_667, %mul3A_666 : vector<16xf32>
      %sub3A_669 = arith.constant 1.500000e+00 : f32
      %sub3A_670 = vector.broadcast %sub3A_669 : f32 to vector<16xf32>
      %sub3A_671 = arith.subf %sub3A_670, %mul3A_668 : vector<16xf32>
      %mul3A_672 = arith.mulf %mul3A_666, %sub3A_671 : vector<16xf32>
      %mul3A_673 = arith.mulf %mul3A_660, %mul3A_672 : vector<16xf32>
      %mul3A_674 = arith.mulf %mul3A_673, %mul3A_672 : vector<16xf32>
      %sub3A_675 = arith.constant 1.500000e+00 : f32
      %sub3A_676 = vector.broadcast %sub3A_675 : f32 to vector<16xf32>
      %sub3A_677 = arith.subf %sub3A_676, %mul3A_674 : vector<16xf32>
      %mul3A_678 = arith.mulf %mul3A_672, %sub3A_677 : vector<16xf32>
      %sub3A_679 = arith.subf %add3A_585, %mul3A_641 : vector<16xf32>
      %mul3A_680 = arith.mulf %sub3A_679, %mul3A_678 : vector<16xf32>
      %mul3A_681 = arith.mulf %mul3A_680, %get3A_152 : vector<16xf32>
      %add3A_682 = arith.addf %mul3A_681, %get3A_168 : vector<16xf32>
      %swap3A_683 = arith.index_cast %add3A_555 : i32 to index
      %swap3A_684 = arith.constant 0 : index
      %swap3A_685 = tpu.vector_load %arg11[%swap3A_683, %swap3A_684] {strides = array<i32>} : memref<512x128xf32, #tpu.memory_space<vmem>>, vector<16xf32>,
      tpu.vector_store %arg11[%swap3A_683, %swap3A_684], %add3A_682 {strides = array<i32>} : memref<512x128xf32, #tpu.memory_space<vmem>>, vector<16xf32>,
      %sub3A_686 = arith.subf %add3A_588, %mul3A_641 : vector<16xf32>
      %mul3A_687 = arith.mulf %sub3A_686, %mul3A_678 : vector<16xf32>
      %mul3A_688 = arith.mulf %mul3A_687, %get3A_154 : vector<16xf32>
      %add3A_689 = arith.addf %mul3A_688, %get3A_170 : vector<16xf32>
      %swap3A_690 = arith.index_cast %add3A_555 : i32 to index
      %swap3A_691 = arith.constant 16 : index
      %swap3A_692 = tpu.vector_load %arg11[%swap3A_690, %swap3A_691] {strides = array<i32>} : memref<512x128xf32, #tpu.memory_space<vmem>>, vector<16xf32>,
      tpu.vector_store %arg11[%swap3A_690, %swap3A_691], %add3A_689 {strides = array<i32>} : memref<512x128xf32, #tpu.memory_space<vmem>>, vector<16xf32>,
      %sub3A_693 = arith.subf %add3A_591, %mul3A_641 : vector<16xf32>
      %mul3A_694 = arith.mulf %sub3A_693, %mul3A_678 : vector<16xf32>
      %mul3A_695 = arith.mulf %mul3A_694, %get3A_156 : vector<16xf32>
      %add3A_696 = arith.addf %mul3A_695, %get3A_172 : vector<16xf32>
      %swap3A_697 = arith.index_cast %add3A_555 : i32 to index
      %swap3A_698 = arith.constant 32 : index
      %swap3A_699 = tpu.vector_load %arg11[%swap3A_697, %swap3A_698] {strides = array<i32>} : memref<512x128xf32, #tpu.memory_space<vmem>>, vector<16xf32>,
      tpu.vector_store %arg11[%swap3A_697, %swap3A_698], %add3A_696 {strides = array<i32>} : memref<512x128xf32, #tpu.memory_space<vmem>>, vector<16xf32>,
      %sub3A_700 = arith.subf %add3A_594, %mul3A_641 : vector<16xf32>
      %mul3A_701 = arith.mulf %sub3A_700, %mul3A_678 : vector<16xf32>
      %mul3A_702 = arith.mulf %mul3A_701, %get3A_158 : vector<16xf32>
      %add3A_703 = arith.addf %mul3A_702, %get3A_174 : vector<16xf32>
      %swap3A_704 = arith.index_cast %add3A_555 : i32 to index
      %swap3A_705 = arith.constant 48 : index
      %swap3A_706 = tpu.vector_load %arg11[%swap3A_704, %swap3A_705] {strides = array<i32>} : memref<512x128xf32, #tpu.memory_space<vmem>>, vector<16xf32>,
      tpu.vector_store %arg11[%swap3A_704, %swap3A_705], %add3A_703 {strides = array<i32>} : memref<512x128xf32, #tpu.memory_space<vmem>>, vector<16xf32>,
      %sub3A_707 = arith.subf %add3A_597, %mul3A_641 : vector<16xf32>
      %mul3A_708 = arith.mulf %sub3A_707, %mul3A_678 : vector<16xf32>
      %mul3A_709 = arith.mulf %mul3A_708, %get3A_160 : vector<16xf32>
      %add3A_710 = arith.addf %mul3A_709, %get3A_176 : vector<16xf32>
      %swap3A_711 = arith.index_cast %add3A_555 : i32 to index
      %swap3A_712 = arith.constant 64 : index
      %swap3A_713 = tpu.vector_load %arg11[%swap3A_711, %swap3A_712] {strides = array<i32>} : memref<512x128xf32, #tpu.memory_space<vmem>>, vector<16xf32>,
      tpu.vector_store %arg11[%swap3A_711, %swap3A_712], %add3A_710 {strides = array<i32>} : memref<512x128xf32, #tpu.memory_space<vmem>>, vector<16xf32>,
      %sub3A_714 = arith.subf %add3A_600, %mul3A_641 : vector<16xf32>
      %mul3A_715 = arith.mulf %sub3A_714, %mul3A_678 : vector<16xf32>
      %mul3A_716 = arith.mulf %mul3A_715, %get3A_162 : vector<16xf32>
      %add3A_717 = arith.addf %mul3A_716, %get3A_178 : vector<16xf32>
      %swap3A_718 = arith.index_cast %add3A_555 : i32 to index
      %swap3A_719 = arith.constant 80 : index
      %swap3A_720 = tpu.vector_load %arg11[%swap3A_718, %swap3A_719] {strides = array<i32>} : memref<512x128xf32, #tpu.memory_space<vmem>>, vector<16xf32>,
      tpu.vector_store %arg11[%swap3A_718, %swap3A_719], %add3A_717 {strides = array<i32>} : memref<512x128xf32, #tpu.memory_space<vmem>>, vector<16xf32>,
      %sub3A_721 = arith.subf %add3A_603, %mul3A_641 : vector<16xf32>
      %mul3A_722 = arith.mulf %sub3A_721, %mul3A_678 : vector<16xf32>
      %mul3A_723 = arith.mulf %mul3A_722, %get3A_164 : vector<16xf32>
      %add3A_724 = arith.addf %mul3A_723, %get3A_180 : vector<16xf32>
      %swap3A_725 = arith.index_cast %add3A_555 : i32 to index
      %swap3A_726 = arith.constant 96 : index
      %swap3A_727 = tpu.vector_load %arg11[%swap3A_725, %swap3A_726] {strides = array<i32>} : memref<512x128xf32, #tpu.memory_space<vmem>>, vector<16xf32>,
      tpu.vector_store %arg11[%swap3A_725, %swap3A_726], %add3A_724 {strides = array<i32>} : memref<512x128xf32, #tpu.memory_space<vmem>>, vector<16xf32>,
      %sub3A_728 = arith.subf %add3A_606, %mul3A_641 : vector<16xf32>
      %mul3A_729 = arith.mulf %sub3A_728, %mul3A_678 : vector<16xf32>
      %mul3A_730 = arith.mulf %mul3A_729, %get3A_166 : vector<16xf32>
      %add3A_731 = arith.addf %mul3A_730, %get3A_182 : vector<16xf32>
      %swap3A_732 = arith.index_cast %add3A_555 : i32 to index
      %swap3A_733 = arith.constant 112 : index
      %swap3A_734 = tpu.vector_load %arg11[%swap3A_732, %swap3A_733] {strides = array<i32>} : memref<512x128xf32, #tpu.memory_space<vmem>>, vector<16xf32>,
      tpu.vector_store %arg11[%swap3A_732, %swap3A_733], %add3A_731 {strides = array<i32>} : memref<512x128xf32, #tpu.memory_space<vmem>>, vector<16xf32>,
      %mul3A_735 = arith.constant 16 : i32
      %mul3A_736 = arith.muli %scan3A_188, %mul3A_735 : i32
      %add3A_737 = arith.constant 3 : i32
      %add3A_738 = arith.addi %mul3A_736, %add3A_737 : i32
      %slice3A_739 = vector.extract_strided_slice %convert_element_type3A {offsets = [3], sizes = [1], strides = [1]} : vector<16xf32> to vector<1xf32>
      %squeeze3A_740 = vector.extract %slice3A_739[0] : f32 from vector<1xf32>
      %broadcast_in_dim3A_741 = vector.broadcast %squeeze3A_740 : f32 to vector<16xf32>
      %get3A_742 = arith.index_cast %add3A_738 : i32 to index
      %get3A_743 = arith.constant 0 : index
      %get3A_744 = tpu.vector_load %arg11[%get3A_742, %get3A_743] {strides = array<i32>} : memref<512x128xf32, #tpu.memory_space<vmem>>, vector<16xf32>,
      %get3A_745 = arith.index_cast %add3A_738 : i32 to index
      %get3A_746 = arith.constant 16 : index
      %get3A_747 = tpu.vector_load %arg11[%get3A_745, %get3A_746] {strides = array<i32>} : memref<512x128xf32, #tpu.memory_space<vmem>>, vector<16xf32>,
      %get3A_748 = arith.index_cast %add3A_738 : i32 to index
      %get3A_749 = arith.constant 32 : index
      %get3A_750 = tpu.vector_load %arg11[%get3A_748, %get3A_749] {strides = array<i32>} : memref<512x128xf32, #tpu.memory_space<vmem>>, vector<16xf32>,
      %get3A_751 = arith.index_cast %add3A_738 : i32 to index
      %get3A_752 = arith.constant 48 : index
      %get3A_753 = tpu.vector_load %arg11[%get3A_751, %get3A_752] {strides = array<i32>} : memref<512x128xf32, #tpu.memory_space<vmem>>, vector<16xf32>,
      %get3A_754 = arith.index_cast %add3A_738 : i32 to index
      %get3A_755 = arith.constant 64 : index
      %get3A_756 = tpu.vector_load %arg11[%get3A_754, %get3A_755] {strides = array<i32>} : memref<512x128xf32, #tpu.memory_space<vmem>>, vector<16xf32>,
      %get3A_757 = arith.index_cast %add3A_738 : i32 to index
      %get3A_758 = arith.constant 80 : index
      %get3A_759 = tpu.vector_load %arg11[%get3A_757, %get3A_758] {strides = array<i32>} : memref<512x128xf32, #tpu.memory_space<vmem>>, vector<16xf32>,
      %get3A_760 = arith.index_cast %add3A_738 : i32 to index
      %get3A_761 = arith.constant 96 : index
      %get3A_762 = tpu.vector_load %arg11[%get3A_760, %get3A_761] {strides = array<i32>} : memref<512x128xf32, #tpu.memory_space<vmem>>, vector<16xf32>,
      %get3A_763 = arith.index_cast %add3A_738 : i32 to index
      %get3A_764 = arith.constant 112 : index
      %get3A_765 = tpu.vector_load %arg11[%get3A_763, %get3A_764] {strides = array<i32>} : memref<512x128xf32, #tpu.memory_space<vmem>>, vector<16xf32>,
      %mul3A_766 = arith.mulf %broadcast_in_dim3A_741, %sub3A : vector<16xf32>
      %add3A_767 = arith.addf %get3A_83, %mul3A_766 : vector<16xf32>
      %add3A_768 = arith.addf %get3A_744, %add3A_767 : vector<16xf32>
      %mul3A_769 = arith.mulf %broadcast_in_dim3A_741, %sub3A_144 : vector<16xf32>
      %add3A_770 = arith.addf %get3A_87, %mul3A_769 : vector<16xf32>
      %add3A_771 = arith.addf %get3A_747, %add3A_770 : vector<16xf32>
      %mul3A_772 = arith.mulf %broadcast_in_dim3A_741, %sub3A_145 : vector<16xf32>
      %add3A_773 = arith.addf %get3A_91, %mul3A_772 : vector<16xf32>
      %add3A_774 = arith.addf %get3A_750, %add3A_773 : vector<16xf32>
      %mul3A_775 = arith.mulf %broadcast_in_dim3A_741, %sub3A_146 : vector<16xf32>
      %add3A_776 = arith.addf %get3A_95, %mul3A_775 : vector<16xf32>
      %add3A_777 = arith.addf %get3A_753, %add3A_776 : vector<16xf32>
      %mul3A_778 = arith.mulf %broadcast_in_dim3A_741, %sub3A_147 : vector<16xf32>
      %add3A_779 = arith.addf %get3A_99, %mul3A_778 : vector<16xf32>
      %add3A_780 = arith.addf %get3A_756, %add3A_779 : vector<16xf32>
      %mul3A_781 = arith.mulf %broadcast_in_dim3A_741, %sub3A_148 : vector<16xf32>
      %add3A_782 = arith.addf %get3A_103, %mul3A_781 : vector<16xf32>
      %add3A_783 = arith.addf %get3A_759, %add3A_782 : vector<16xf32>
      %mul3A_784 = arith.mulf %broadcast_in_dim3A_741, %sub3A_149 : vector<16xf32>
      %add3A_785 = arith.addf %get3A_107, %mul3A_784 : vector<16xf32>
      %add3A_786 = arith.addf %get3A_762, %add3A_785 : vector<16xf32>
      %mul3A_787 = arith.mulf %broadcast_in_dim3A_741, %sub3A_150 : vector<16xf32>
      %add3A_788 = arith.addf %get3A_111, %mul3A_787 : vector<16xf32>
      %add3A_789 = arith.addf %get3A_765, %add3A_788 : vector<16xf32>
      %add3A_790 = arith.addf %add3A_768, %add3A_771 : vector<16xf32>
      %add3A_791 = arith.addf %add3A_790, %add3A_774 : vector<16xf32>
      %add3A_792 = arith.addf %add3A_791, %add3A_777 : vector<16xf32>
      %add3A_793 = arith.addf %add3A_792, %add3A_780 : vector<16xf32>
      %add3A_794 = arith.addf %add3A_793, %add3A_783 : vector<16xf32>
      %add3A_795 = arith.addf %add3A_794, %add3A_786 : vector<16xf32>
      %add3A_796 = arith.addf %add3A_795, %add3A_789 : vector<16xf32>
      %mul3A_797 = arith.mulf %add3A_768, %add3A_768 : vector<16xf32>
      %mul3A_798 = arith.mulf %add3A_771, %add3A_771 : vector<16xf32>
      %add3A_799 = arith.addf %mul3A_797, %mul3A_798 : vector<16xf32>
      %mul3A_800 = arith.mulf %add3A_774, %add3A_774 : vector<16xf32>
      %add3A_801 = arith.addf %add3A_799, %mul3A_800 : vector<16xf32>
      %mul3A_802 = arith.mulf %add3A_777, %add3A_777 : vector<16xf32>
      %add3A_803 = arith.addf %add3A_801, %mul3A_802 : vector<16xf32>
      %mul3A_804 = arith.mulf %add3A_780, %add3A_780 : vector<16xf32>
      %add3A_805 = arith.addf %add3A_803, %mul3A_804 : vector<16xf32>
      %mul3A_806 = arith.mulf %add3A_783, %add3A_783 : vector<16xf32>
      %add3A_807 = arith.addf %add3A_805, %mul3A_806 : vector<16xf32>
      %mul3A_808 = arith.mulf %add3A_786, %add3A_786 : vector<16xf32>
      %add3A_809 = arith.addf %add3A_807, %mul3A_808 : vector<16xf32>
      %mul3A_810 = arith.mulf %add3A_789, %add3A_789 : vector<16xf32>
      %add3A_811 = arith.addf %add3A_809, %mul3A_810 : vector<16xf32>
      %reduce_sum3A_812 = arith.constant true
      %reduce_sum3A_813 = vector.broadcast %reduce_sum3A_812 : i1 to vector<16xi1>
      %reduce_sum3A_814 = tpu.scan <sum>, %add3A_796 masked %reduce_sum3A_813 : vector<16xf32>, vector<16xi1> -> vector<16xf32>
      %reduce_sum3A_815 = vector.extract %reduce_sum3A_814[15] : f32 from vector<16xf32>
      %broadcast_in_dim3A_816 = vector.broadcast %reduce_sum3A_815 : f32 to vector<16xf32>
      %reduce_sum3A_817 = arith.constant true
      %reduce_sum3A_818 = vector.broadcast %reduce_sum3A_817 : i1 to vector<16xi1>
      %reduce_sum3A_819 = tpu.scan <sum>, %add3A_811 masked %reduce_sum3A_818 : vector<16xf32>, vector<16xi1> -> vector<16xf32>
      %reduce_sum3A_820 = vector.extract %reduce_sum3A_819[15] : f32 from vector<16xf32>
      %broadcast_in_dim3A_821 = vector.broadcast %reduce_sum3A_820 : f32 to vector<16xf32>
      %mul3A_822 = arith.constant 7.812500e-03 : f32
      %mul3A_823 = vector.broadcast %mul3A_822 : f32 to vector<16xf32>
      %mul3A_824 = arith.mulf %broadcast_in_dim3A_816, %mul3A_823 : vector<16xf32>
      %mul3A_825 = arith.constant 7.812500e-03 : f32
      %mul3A_826 = vector.broadcast %mul3A_825 : f32 to vector<16xf32>
      %mul3A_827 = arith.mulf %broadcast_in_dim3A_821, %mul3A_826 : vector<16xf32>
      %mul3A_828 = arith.mulf %mul3A_824, %mul3A_824 : vector<16xf32>
      %sub3A_829 = arith.subf %mul3A_827, %mul3A_828 : vector<16xf32>
      %add3A_830 = arith.constant 9.99999996E-13 : f32
      %add3A_831 = vector.broadcast %add3A_830 : f32 to vector<16xf32>
      %add3A_832 = arith.addf %sub3A_829, %add3A_831 : vector<16xf32>
      %bitcast_convert_type3A_833 = tpu.bitcast %add3A_832 : vector<16xf32> -> vector<16xi32>
      %shift_right_arithmetic3A_834 = arith.constant 1 : i32
      %shift_right_arithmetic3A_835 = vector.broadcast %shift_right_arithmetic3A_834 : i32 to vector<16xi32>
      %shift_right_arithmetic3A_836 = arith.shrsi %bitcast_convert_type3A_833, %shift_right_arithmetic3A_835 : vector<16xi32>
      %sub3A_837 = arith.constant 1597463007 : i32
      %sub3A_838 = vector.broadcast %sub3A_837 : i32 to vector<16xi32>
      %sub3A_839 = arith.subi %sub3A_838, %shift_right_arithmetic3A_836 : vector<16xi32>
      %bitcast_convert_type3A_840 = tpu.bitcast %sub3A_839 : vector<16xi32> -> vector<16xf32>
      %mul3A_841 = arith.constant 5.000000e-01 : f32
      %mul3A_842 = vector.broadcast %mul3A_841 : f32 to vector<16xf32>
      %mul3A_843 = arith.mulf %add3A_832, %mul3A_842 : vector<16xf32>
      %mul3A_844 = arith.mulf %mul3A_843, %bitcast_convert_type3A_840 : vector<16xf32>
      %mul3A_845 = arith.mulf %mul3A_844, %bitcast_convert_type3A_840 : vector<16xf32>
      %sub3A_846 = arith.constant 1.500000e+00 : f32
      %sub3A_847 = vector.broadcast %sub3A_846 : f32 to vector<16xf32>
      %sub3A_848 = arith.subf %sub3A_847, %mul3A_845 : vector<16xf32>
      %mul3A_849 = arith.mulf %bitcast_convert_type3A_840, %sub3A_848 : vector<16xf32>
      %mul3A_850 = arith.mulf %mul3A_843, %mul3A_849 : vector<16xf32>
      %mul3A_851 = arith.mulf %mul3A_850, %mul3A_849 : vector<16xf32>
      %sub3A_852 = arith.constant 1.500000e+00 : f32
      %sub3A_853 = vector.broadcast %sub3A_852 : f32 to vector<16xf32>
      %sub3A_854 = arith.subf %sub3A_853, %mul3A_851 : vector<16xf32>
      %mul3A_855 = arith.mulf %mul3A_849, %sub3A_854 : vector<16xf32>
      %mul3A_856 = arith.mulf %mul3A_843, %mul3A_855 : vector<16xf32>
      %mul3A_857 = arith.mulf %mul3A_856, %mul3A_855 : vector<16xf32>
      %sub3A_858 = arith.constant 1.500000e+00 : f32
      %sub3A_859 = vector.broadcast %sub3A_858 : f32 to vector<16xf32>
      %sub3A_860 = arith.subf %sub3A_859, %mul3A_857 : vector<16xf32>
      %mul3A_861 = arith.mulf %mul3A_855, %sub3A_860 : vector<16xf32>
      %sub3A_862 = arith.subf %add3A_768, %mul3A_824 : vector<16xf32>
      %mul3A_863 = arith.mulf %sub3A_862, %mul3A_861 : vector<16xf32>
      %mul3A_864 = arith.mulf %mul3A_863, %get3A_152 : vector<16xf32>
      %add3A_865 = arith.addf %mul3A_864, %get3A_168 : vector<16xf32>
      %swap3A_866 = arith.index_cast %add3A_738 : i32 to index
      %swap3A_867 = arith.constant 0 : index
      %swap3A_868 = tpu.vector_load %arg11[%swap3A_866, %swap3A_867] {strides = array<i32>} : memref<512x128xf32, #tpu.memory_space<vmem>>, vector<16xf32>,
      tpu.vector_store %arg11[%swap3A_866, %swap3A_867], %add3A_865 {strides = array<i32>} : memref<512x128xf32, #tpu.memory_space<vmem>>, vector<16xf32>,
      %sub3A_869 = arith.subf %add3A_771, %mul3A_824 : vector<16xf32>
      %mul3A_870 = arith.mulf %sub3A_869, %mul3A_861 : vector<16xf32>
      %mul3A_871 = arith.mulf %mul3A_870, %get3A_154 : vector<16xf32>
      %add3A_872 = arith.addf %mul3A_871, %get3A_170 : vector<16xf32>
      %swap3A_873 = arith.index_cast %add3A_738 : i32 to index
      %swap3A_874 = arith.constant 16 : index
      %swap3A_875 = tpu.vector_load %arg11[%swap3A_873, %swap3A_874] {strides = array<i32>} : memref<512x128xf32, #tpu.memory_space<vmem>>, vector<16xf32>,
      tpu.vector_store %arg11[%swap3A_873, %swap3A_874], %add3A_872 {strides = array<i32>} : memref<512x128xf32, #tpu.memory_space<vmem>>, vector<16xf32>,
      %sub3A_876 = arith.subf %add3A_774, %mul3A_824 : vector<16xf32>
      %mul3A_877 = arith.mulf %sub3A_876, %mul3A_861 : vector<16xf32>
      %mul3A_878 = arith.mulf %mul3A_877, %get3A_156 : vector<16xf32>
      %add3A_879 = arith.addf %mul3A_878, %get3A_172 : vector<16xf32>
      %swap3A_880 = arith.index_cast %add3A_738 : i32 to index
      %swap3A_881 = arith.constant 32 : index
      %swap3A_882 = tpu.vector_load %arg11[%swap3A_880, %swap3A_881] {strides = array<i32>} : memref<512x128xf32, #tpu.memory_space<vmem>>, vector<16xf32>,
      tpu.vector_store %arg11[%swap3A_880, %swap3A_881], %add3A_879 {strides = array<i32>} : memref<512x128xf32, #tpu.memory_space<vmem>>, vector<16xf32>,
      %sub3A_883 = arith.subf %add3A_777, %mul3A_824 : vector<16xf32>
      %mul3A_884 = arith.mulf %sub3A_883, %mul3A_861 : vector<16xf32>
      %mul3A_885 = arith.mulf %mul3A_884, %get3A_158 : vector<16xf32>
      %add3A_886 = arith.addf %mul3A_885, %get3A_174 : vector<16xf32>
      %swap3A_887 = arith.index_cast %add3A_738 : i32 to index
      %swap3A_888 = arith.constant 48 : index
      %swap3A_889 = tpu.vector_load %arg11[%swap3A_887, %swap3A_888] {strides = array<i32>} : memref<512x128xf32, #tpu.memory_space<vmem>>, vector<16xf32>,
      tpu.vector_store %arg11[%swap3A_887, %swap3A_888], %add3A_886 {strides = array<i32>} : memref<512x128xf32, #tpu.memory_space<vmem>>, vector<16xf32>,
      %sub3A_890 = arith.subf %add3A_780, %mul3A_824 : vector<16xf32>
      %mul3A_891 = arith.mulf %sub3A_890, %mul3A_861 : vector<16xf32>
      %mul3A_892 = arith.mulf %mul3A_891, %get3A_160 : vector<16xf32>
      %add3A_893 = arith.addf %mul3A_892, %get3A_176 : vector<16xf32>
      %swap3A_894 = arith.index_cast %add3A_738 : i32 to index
      %swap3A_895 = arith.constant 64 : index
      %swap3A_896 = tpu.vector_load %arg11[%swap3A_894, %swap3A_895] {strides = array<i32>} : memref<512x128xf32, #tpu.memory_space<vmem>>, vector<16xf32>,
      tpu.vector_store %arg11[%swap3A_894, %swap3A_895], %add3A_893 {strides = array<i32>} : memref<512x128xf32, #tpu.memory_space<vmem>>, vector<16xf32>,
      %sub3A_897 = arith.subf %add3A_783, %mul3A_824 : vector<16xf32>
      %mul3A_898 = arith.mulf %sub3A_897, %mul3A_861 : vector<16xf32>
      %mul3A_899 = arith.mulf %mul3A_898, %get3A_162 : vector<16xf32>
      %add3A_900 = arith.addf %mul3A_899, %get3A_178 : vector<16xf32>
      %swap3A_901 = arith.index_cast %add3A_738 : i32 to index
      %swap3A_902 = arith.constant 80 : index
      %swap3A_903 = tpu.vector_load %arg11[%swap3A_901, %swap3A_902] {strides = array<i32>} : memref<512x128xf32, #tpu.memory_space<vmem>>, vector<16xf32>,
      tpu.vector_store %arg11[%swap3A_901, %swap3A_902], %add3A_900 {strides = array<i32>} : memref<512x128xf32, #tpu.memory_space<vmem>>, vector<16xf32>,
      %sub3A_904 = arith.subf %add3A_786, %mul3A_824 : vector<16xf32>
      %mul3A_905 = arith.mulf %sub3A_904, %mul3A_861 : vector<16xf32>
      %mul3A_906 = arith.mulf %mul3A_905, %get3A_164 : vector<16xf32>
      %add3A_907 = arith.addf %mul3A_906, %get3A_180 : vector<16xf32>
      %swap3A_908 = arith.index_cast %add3A_738 : i32 to index
      %swap3A_909 = arith.constant 96 : index
      %swap3A_910 = tpu.vector_load %arg11[%swap3A_908, %swap3A_909] {strides = array<i32>} : memref<512x128xf32, #tpu.memory_space<vmem>>, vector<16xf32>,
      tpu.vector_store %arg11[%swap3A_908, %swap3A_909], %add3A_907 {strides = array<i32>} : memref<512x128xf32, #tpu.memory_space<vmem>>, vector<16xf32>,
      %sub3A_911 = arith.subf %add3A_789, %mul3A_824 : vector<16xf32>
      %mul3A_912 = arith.mulf %sub3A_911, %mul3A_861 : vector<16xf32>
      %mul3A_913 = arith.mulf %mul3A_912, %get3A_166 : vector<16xf32>
      %add3A_914 = arith.addf %mul3A_913, %get3A_182 : vector<16xf32>
      %swap3A_915 = arith.index_cast %add3A_738 : i32 to index
      %swap3A_916 = arith.constant 112 : index
      %swap3A_917 = tpu.vector_load %arg11[%swap3A_915, %swap3A_916] {strides = array<i32>} : memref<512x128xf32, #tpu.memory_space<vmem>>, vector<16xf32>,
      tpu.vector_store %arg11[%swap3A_915, %swap3A_916], %add3A_914 {strides = array<i32>} : memref<512x128xf32, #tpu.memory_space<vmem>>, vector<16xf32>,
      %mul3A_918 = arith.constant 16 : i32
      %mul3A_919 = arith.muli %scan3A_188, %mul3A_918 : i32
      %add3A_920 = arith.constant 4 : i32
      %add3A_921 = arith.addi %mul3A_919, %add3A_920 : i32
      %slice3A_922 = vector.extract_strided_slice %convert_element_type3A {offsets = [4], sizes = [1], strides = [1]} : vector<16xf32> to vector<1xf32>
      %squeeze3A_923 = vector.extract %slice3A_922[0] : f32 from vector<1xf32>
      %broadcast_in_dim3A_924 = vector.broadcast %squeeze3A_923 : f32 to vector<16xf32>
      %get3A_925 = arith.index_cast %add3A_921 : i32 to index
      %get3A_926 = arith.constant 0 : index
      %get3A_927 = tpu.vector_load %arg11[%get3A_925, %get3A_926] {strides = array<i32>} : memref<512x128xf32, #tpu.memory_space<vmem>>, vector<16xf32>,
      %get3A_928 = arith.index_cast %add3A_921 : i32 to index
      %get3A_929 = arith.constant 16 : index
      %get3A_930 = tpu.vector_load %arg11[%get3A_928, %get3A_929] {strides = array<i32>} : memref<512x128xf32, #tpu.memory_space<vmem>>, vector<16xf32>,
      %get3A_931 = arith.index_cast %add3A_921 : i32 to index
      %get3A_932 = arith.constant 32 : index
      %get3A_933 = tpu.vector_load %arg11[%get3A_931, %get3A_932] {strides = array<i32>} : memref<512x128xf32, #tpu.memory_space<vmem>>, vector<16xf32>,
      %get3A_934 = arith.index_cast %add3A_921 : i32 to index
      %get3A_935 = arith.constant 48 : index
      %get3A_936 = tpu.vector_load %arg11[%get3A_934, %get3A_935] {strides = array<i32>} : memref<512x128xf32, #tpu.memory_space<vmem>>, vector<16xf32>,
      %get3A_937 = arith.index_cast %add3A_921 : i32 to index
      %get3A_938 = arith.constant 64 : index
      %get3A_939 = tpu.vector_load %arg11[%get3A_937, %get3A_938] {strides = array<i32>} : memref<512x128xf32, #tpu.memory_space<vmem>>, vector<16xf32>,
      %get3A_940 = arith.index_cast %add3A_921 : i32 to index
      %get3A_941 = arith.constant 80 : index
      %get3A_942 = tpu.vector_load %arg11[%get3A_940, %get3A_941] {strides = array<i32>} : memref<512x128xf32, #tpu.memory_space<vmem>>, vector<16xf32>,
      %get3A_943 = arith.index_cast %add3A_921 : i32 to index
      %get3A_944 = arith.constant 96 : index
      %get3A_945 = tpu.vector_load %arg11[%get3A_943, %get3A_944] {strides = array<i32>} : memref<512x128xf32, #tpu.memory_space<vmem>>, vector<16xf32>,
      %get3A_946 = arith.index_cast %add3A_921 : i32 to index
      %get3A_947 = arith.constant 112 : index
      %get3A_948 = tpu.vector_load %arg11[%get3A_946, %get3A_947] {strides = array<i32>} : memref<512x128xf32, #tpu.memory_space<vmem>>, vector<16xf32>,
      %mul3A_949 = arith.mulf %broadcast_in_dim3A_924, %sub3A : vector<16xf32>
      %add3A_950 = arith.addf %get3A_83, %mul3A_949 : vector<16xf32>
      %add3A_951 = arith.addf %get3A_927, %add3A_950 : vector<16xf32>
      %mul3A_952 = arith.mulf %broadcast_in_dim3A_924, %sub3A_144 : vector<16xf32>
      %add3A_953 = arith.addf %get3A_87, %mul3A_952 : vector<16xf32>
      %add3A_954 = arith.addf %get3A_930, %add3A_953 : vector<16xf32>
      %mul3A_955 = arith.mulf %broadcast_in_dim3A_924, %sub3A_145 : vector<16xf32>
      %add3A_956 = arith.addf %get3A_91, %mul3A_955 : vector<16xf32>
      %add3A_957 = arith.addf %get3A_933, %add3A_956 : vector<16xf32>
      %mul3A_958 = arith.mulf %broadcast_in_dim3A_924, %sub3A_146 : vector<16xf32>
      %add3A_959 = arith.addf %get3A_95, %mul3A_958 : vector<16xf32>
      %add3A_960 = arith.addf %get3A_936, %add3A_959 : vector<16xf32>
      %mul3A_961 = arith.mulf %broadcast_in_dim3A_924, %sub3A_147 : vector<16xf32>
      %add3A_962 = arith.addf %get3A_99, %mul3A_961 : vector<16xf32>
      %add3A_963 = arith.addf %get3A_939, %add3A_962 : vector<16xf32>
      %mul3A_964 = arith.mulf %broadcast_in_dim3A_924, %sub3A_148 : vector<16xf32>
      %add3A_965 = arith.addf %get3A_103, %mul3A_964 : vector<16xf32>
      %add3A_966 = arith.addf %get3A_942, %add3A_965 : vector<16xf32>
      %mul3A_967 = arith.mulf %broadcast_in_dim3A_924, %sub3A_149 : vector<16xf32>
      %add3A_968 = arith.addf %get3A_107, %mul3A_967 : vector<16xf32>
      %add3A_969 = arith.addf %get3A_945, %add3A_968 : vector<16xf32>
      %mul3A_970 = arith.mulf %broadcast_in_dim3A_924, %sub3A_150 : vector<16xf32>
      %add3A_971 = arith.addf %get3A_111, %mul3A_970 : vector<16xf32>
      %add3A_972 = arith.addf %get3A_948, %add3A_971 : vector<16xf32>
      %add3A_973 = arith.addf %add3A_951, %add3A_954 : vector<16xf32>
      %add3A_974 = arith.addf %add3A_973, %add3A_957 : vector<16xf32>
      %add3A_975 = arith.addf %add3A_974, %add3A_960 : vector<16xf32>
      %add3A_976 = arith.addf %add3A_975, %add3A_963 : vector<16xf32>
      %add3A_977 = arith.addf %add3A_976, %add3A_966 : vector<16xf32>
      %add3A_978 = arith.addf %add3A_977, %add3A_969 : vector<16xf32>
      %add3A_979 = arith.addf %add3A_978, %add3A_972 : vector<16xf32>
      %mul3A_980 = arith.mulf %add3A_951, %add3A_951 : vector<16xf32>
      %mul3A_981 = arith.mulf %add3A_954, %add3A_954 : vector<16xf32>
      %add3A_982 = arith.addf %mul3A_980, %mul3A_981 : vector<16xf32>
      %mul3A_983 = arith.mulf %add3A_957, %add3A_957 : vector<16xf32>
      %add3A_984 = arith.addf %add3A_982, %mul3A_983 : vector<16xf32>
      %mul3A_985 = arith.mulf %add3A_960, %add3A_960 : vector<16xf32>
      %add3A_986 = arith.addf %add3A_984, %mul3A_985 : vector<16xf32>
      %mul3A_987 = arith.mulf %add3A_963, %add3A_963 : vector<16xf32>
      %add3A_988 = arith.addf %add3A_986, %mul3A_987 : vector<16xf32>
      %mul3A_989 = arith.mulf %add3A_966, %add3A_966 : vector<16xf32>
      %add3A_990 = arith.addf %add3A_988, %mul3A_989 : vector<16xf32>
      %mul3A_991 = arith.mulf %add3A_969, %add3A_969 : vector<16xf32>
      %add3A_992 = arith.addf %add3A_990, %mul3A_991 : vector<16xf32>
      %mul3A_993 = arith.mulf %add3A_972, %add3A_972 : vector<16xf32>
      %add3A_994 = arith.addf %add3A_992, %mul3A_993 : vector<16xf32>
      %reduce_sum3A_995 = arith.constant true
      %reduce_sum3A_996 = vector.broadcast %reduce_sum3A_995 : i1 to vector<16xi1>
      %reduce_sum3A_997 = tpu.scan <sum>, %add3A_979 masked %reduce_sum3A_996 : vector<16xf32>, vector<16xi1> -> vector<16xf32>
      %reduce_sum3A_998 = vector.extract %reduce_sum3A_997[15] : f32 from vector<16xf32>
      %broadcast_in_dim3A_999 = vector.broadcast %reduce_sum3A_998 : f32 to vector<16xf32>
      %reduce_sum3A_1000 = arith.constant true
      %reduce_sum3A_1001 = vector.broadcast %reduce_sum3A_1000 : i1 to vector<16xi1>
      %reduce_sum3A_1002 = tpu.scan <sum>, %add3A_994 masked %reduce_sum3A_1001 : vector<16xf32>, vector<16xi1> -> vector<16xf32>
      %reduce_sum3A_1003 = vector.extract %reduce_sum3A_1002[15] : f32 from vector<16xf32>
      %broadcast_in_dim3A_1004 = vector.broadcast %reduce_sum3A_1003 : f32 to vector<16xf32>
      %mul3A_1005 = arith.constant 7.812500e-03 : f32
      %mul3A_1006 = vector.broadcast %mul3A_1005 : f32 to vector<16xf32>
      %mul3A_1007 = arith.mulf %broadcast_in_dim3A_999, %mul3A_1006 : vector<16xf32>
      %mul3A_1008 = arith.constant 7.812500e-03 : f32
      %mul3A_1009 = vector.broadcast %mul3A_1008 : f32 to vector<16xf32>
      %mul3A_1010 = arith.mulf %broadcast_in_dim3A_1004, %mul3A_1009 : vector<16xf32>
      %mul3A_1011 = arith.mulf %mul3A_1007, %mul3A_1007 : vector<16xf32>
      %sub3A_1012 = arith.subf %mul3A_1010, %mul3A_1011 : vector<16xf32>
      %add3A_1013 = arith.constant 9.99999996E-13 : f32
      %add3A_1014 = vector.broadcast %add3A_1013 : f32 to vector<16xf32>
      %add3A_1015 = arith.addf %sub3A_1012, %add3A_1014 : vector<16xf32>
      %bitcast_convert_type3A_1016 = tpu.bitcast %add3A_1015 : vector<16xf32> -> vector<16xi32>
      %shift_right_arithmetic3A_1017 = arith.constant 1 : i32
      %shift_right_arithmetic3A_1018 = vector.broadcast %shift_right_arithmetic3A_1017 : i32 to vector<16xi32>
      %shift_right_arithmetic3A_1019 = arith.shrsi %bitcast_convert_type3A_1016, %shift_right_arithmetic3A_1018 : vector<16xi32>
      %sub3A_1020 = arith.constant 1597463007 : i32
      %sub3A_1021 = vector.broadcast %sub3A_1020 : i32 to vector<16xi32>
      %sub3A_1022 = arith.subi %sub3A_1021, %shift_right_arithmetic3A_1019 : vector<16xi32>
      %bitcast_convert_type3A_1023 = tpu.bitcast %sub3A_1022 : vector<16xi32> -> vector<16xf32>
      %mul3A_1024 = arith.constant 5.000000e-01 : f32
      %mul3A_1025 = vector.broadcast %mul3A_1024 : f32 to vector<16xf32>
      %mul3A_1026 = arith.mulf %add3A_1015, %mul3A_1025 : vector<16xf32>
      %mul3A_1027 = arith.mulf %mul3A_1026, %bitcast_convert_type3A_1023 : vector<16xf32>
      %mul3A_1028 = arith.mulf %mul3A_1027, %bitcast_convert_type3A_1023 : vector<16xf32>
      %sub3A_1029 = arith.constant 1.500000e+00 : f32
      %sub3A_1030 = vector.broadcast %sub3A_1029 : f32 to vector<16xf32>
      %sub3A_1031 = arith.subf %sub3A_1030, %mul3A_1028 : vector<16xf32>
      %mul3A_1032 = arith.mulf %bitcast_convert_type3A_1023, %sub3A_1031 : vector<16xf32>
      %mul3A_1033 = arith.mulf %mul3A_1026, %mul3A_1032 : vector<16xf32>
      %mul3A_1034 = arith.mulf %mul3A_1033, %mul3A_1032 : vector<16xf32>
      %sub3A_1035 = arith.constant 1.500000e+00 : f32
      %sub3A_1036 = vector.broadcast %sub3A_1035 : f32 to vector<16xf32>
      %sub3A_1037 = arith.subf %sub3A_1036, %mul3A_1034 : vector<16xf32>
      %mul3A_1038 = arith.mulf %mul3A_1032, %sub3A_1037 : vector<16xf32>
      %mul3A_1039 = arith.mulf %mul3A_1026, %mul3A_1038 : vector<16xf32>
      %mul3A_1040 = arith.mulf %mul3A_1039, %mul3A_1038 : vector<16xf32>
      %sub3A_1041 = arith.constant 1.500000e+00 : f32
      %sub3A_1042 = vector.broadcast %sub3A_1041 : f32 to vector<16xf32>
      %sub3A_1043 = arith.subf %sub3A_1042, %mul3A_1040 : vector<16xf32>
      %mul3A_1044 = arith.mulf %mul3A_1038, %sub3A_1043 : vector<16xf32>
      %sub3A_1045 = arith.subf %add3A_951, %mul3A_1007 : vector<16xf32>
      %mul3A_1046 = arith.mulf %sub3A_1045, %mul3A_1044 : vector<16xf32>
      %mul3A_1047 = arith.mulf %mul3A_1046, %get3A_152 : vector<16xf32>
      %add3A_1048 = arith.addf %mul3A_1047, %get3A_168 : vector<16xf32>
      %swap3A_1049 = arith.index_cast %add3A_921 : i32 to index
      %swap3A_1050 = arith.constant 0 : index
      %swap3A_1051 = tpu.vector_load %arg11[%swap3A_1049, %swap3A_1050] {strides = array<i32>} : memref<512x128xf32, #tpu.memory_space<vmem>>, vector<16xf32>,
      tpu.vector_store %arg11[%swap3A_1049, %swap3A_1050], %add3A_1048 {strides = array<i32>} : memref<512x128xf32, #tpu.memory_space<vmem>>, vector<16xf32>,
      %sub3A_1052 = arith.subf %add3A_954, %mul3A_1007 : vector<16xf32>
      %mul3A_1053 = arith.mulf %sub3A_1052, %mul3A_1044 : vector<16xf32>
      %mul3A_1054 = arith.mulf %mul3A_1053, %get3A_154 : vector<16xf32>
      %add3A_1055 = arith.addf %mul3A_1054, %get3A_170 : vector<16xf32>
      %swap3A_1056 = arith.index_cast %add3A_921 : i32 to index
      %swap3A_1057 = arith.constant 16 : index
      %swap3A_1058 = tpu.vector_load %arg11[%swap3A_1056, %swap3A_1057] {strides = array<i32>} : memref<512x128xf32, #tpu.memory_space<vmem>>, vector<16xf32>,
      tpu.vector_store %arg11[%swap3A_1056, %swap3A_1057], %add3A_1055 {strides = array<i32>} : memref<512x128xf32, #tpu.memory_space<vmem>>, vector<16xf32>,
      %sub3A_1059 = arith.subf %add3A_957, %mul3A_1007 : vector<16xf32>
      %mul3A_1060 = arith.mulf %sub3A_1059, %mul3A_1044 : vector<16xf32>
      %mul3A_1061 = arith.mulf %mul3A_1060, %get3A_156 : vector<16xf32>
      %add3A_1062 = arith.addf %mul3A_1061, %get3A_172 : vector<16xf32>
      %swap3A_1063 = arith.index_cast %add3A_921 : i32 to index
      %swap3A_1064 = arith.constant 32 : index
      %swap3A_1065 = tpu.vector_load %arg11[%swap3A_1063, %swap3A_1064] {strides = array<i32>} : memref<512x128xf32, #tpu.memory_space<vmem>>, vector<16xf32>,
      tpu.vector_store %arg11[%swap3A_1063, %swap3A_1064], %add3A_1062 {strides = array<i32>} : memref<512x128xf32, #tpu.memory_space<vmem>>, vector<16xf32>,
      %sub3A_1066 = arith.subf %add3A_960, %mul3A_1007 : vector<16xf32>
      %mul3A_1067 = arith.mulf %sub3A_1066, %mul3A_1044 : vector<16xf32>
      %mul3A_1068 = arith.mulf %mul3A_1067, %get3A_158 : vector<16xf32>
      %add3A_1069 = arith.addf %mul3A_1068, %get3A_174 : vector<16xf32>
      %swap3A_1070 = arith.index_cast %add3A_921 : i32 to index
      %swap3A_1071 = arith.constant 48 : index
      %swap3A_1072 = tpu.vector_load %arg11[%swap3A_1070, %swap3A_1071] {strides = array<i32>} : memref<512x128xf32, #tpu.memory_space<vmem>>, vector<16xf32>,
      tpu.vector_store %arg11[%swap3A_1070, %swap3A_1071], %add3A_1069 {strides = array<i32>} : memref<512x128xf32, #tpu.memory_space<vmem>>, vector<16xf32>,
      %sub3A_1073 = arith.subf %add3A_963, %mul3A_1007 : vector<16xf32>
      %mul3A_1074 = arith.mulf %sub3A_1073, %mul3A_1044 : vector<16xf32>
      %mul3A_1075 = arith.mulf %mul3A_1074, %get3A_160 : vector<16xf32>
      %add3A_1076 = arith.addf %mul3A_1075, %get3A_176 : vector<16xf32>
      %swap3A_1077 = arith.index_cast %add3A_921 : i32 to index
      %swap3A_1078 = arith.constant 64 : index
      %swap3A_1079 = tpu.vector_load %arg11[%swap3A_1077, %swap3A_1078] {strides = array<i32>} : memref<512x128xf32, #tpu.memory_space<vmem>>, vector<16xf32>,
      tpu.vector_store %arg11[%swap3A_1077, %swap3A_1078], %add3A_1076 {strides = array<i32>} : memref<512x128xf32, #tpu.memory_space<vmem>>, vector<16xf32>,
      %sub3A_1080 = arith.subf %add3A_966, %mul3A_1007 : vector<16xf32>
      %mul3A_1081 = arith.mulf %sub3A_1080, %mul3A_1044 : vector<16xf32>
      %mul3A_1082 = arith.mulf %mul3A_1081, %get3A_162 : vector<16xf32>
      %add3A_1083 = arith.addf %mul3A_1082, %get3A_178 : vector<16xf32>
      %swap3A_1084 = arith.index_cast %add3A_921 : i32 to index
      %swap3A_1085 = arith.constant 80 : index
      %swap3A_1086 = tpu.vector_load %arg11[%swap3A_1084, %swap3A_1085] {strides = array<i32>} : memref<512x128xf32, #tpu.memory_space<vmem>>, vector<16xf32>,
      tpu.vector_store %arg11[%swap3A_1084, %swap3A_1085], %add3A_1083 {strides = array<i32>} : memref<512x128xf32, #tpu.memory_space<vmem>>, vector<16xf32>,
      %sub3A_1087 = arith.subf %add3A_969, %mul3A_1007 : vector<16xf32>
      %mul3A_1088 = arith.mulf %sub3A_1087, %mul3A_1044 : vector<16xf32>
      %mul3A_1089 = arith.mulf %mul3A_1088, %get3A_164 : vector<16xf32>
      %add3A_1090 = arith.addf %mul3A_1089, %get3A_180 : vector<16xf32>
      %swap3A_1091 = arith.index_cast %add3A_921 : i32 to index
      %swap3A_1092 = arith.constant 96 : index
      %swap3A_1093 = tpu.vector_load %arg11[%swap3A_1091, %swap3A_1092] {strides = array<i32>} : memref<512x128xf32, #tpu.memory_space<vmem>>, vector<16xf32>,
      tpu.vector_store %arg11[%swap3A_1091, %swap3A_1092], %add3A_1090 {strides = array<i32>} : memref<512x128xf32, #tpu.memory_space<vmem>>, vector<16xf32>,
      %sub3A_1094 = arith.subf %add3A_972, %mul3A_1007 : vector<16xf32>
      %mul3A_1095 = arith.mulf %sub3A_1094, %mul3A_1044 : vector<16xf32>
      %mul3A_1096 = arith.mulf %mul3A_1095, %get3A_166 : vector<16xf32>
      %add3A_1097 = arith.addf %mul3A_1096, %get3A_182 : vector<16xf32>
      %swap3A_1098 = arith.index_cast %add3A_921 : i32 to index
      %swap3A_1099 = arith.constant 112 : index
      %swap3A_1100 = tpu.vector_load %arg11[%swap3A_1098, %swap3A_1099] {strides = array<i32>} : memref<512x128xf32, #tpu.memory_space<vmem>>, vector<16xf32>,
      tpu.vector_store %arg11[%swap3A_1098, %swap3A_1099], %add3A_1097 {strides = array<i32>} : memref<512x128xf32, #tpu.memory_space<vmem>>, vector<16xf32>,
      %mul3A_1101 = arith.constant 16 : i32
      %mul3A_1102 = arith.muli %scan3A_188, %mul3A_1101 : i32
      %add3A_1103 = arith.constant 5 : i32
      %add3A_1104 = arith.addi %mul3A_1102, %add3A_1103 : i32
      %slice3A_1105 = vector.extract_strided_slice %convert_element_type3A {offsets = [5], sizes = [1], strides = [1]} : vector<16xf32> to vector<1xf32>
      %squeeze3A_1106 = vector.extract %slice3A_1105[0] : f32 from vector<1xf32>
      %broadcast_in_dim3A_1107 = vector.broadcast %squeeze3A_1106 : f32 to vector<16xf32>
      %get3A_1108 = arith.index_cast %add3A_1104 : i32 to index
      %get3A_1109 = arith.constant 0 : index
      %get3A_1110 = tpu.vector_load %arg11[%get3A_1108, %get3A_1109] {strides = array<i32>} : memref<512x128xf32, #tpu.memory_space<vmem>>, vector<16xf32>,
      %get3A_1111 = arith.index_cast %add3A_1104 : i32 to index
      %get3A_1112 = arith.constant 16 : index
      %get3A_1113 = tpu.vector_load %arg11[%get3A_1111, %get3A_1112] {strides = array<i32>} : memref<512x128xf32, #tpu.memory_space<vmem>>, vector<16xf32>,
      %get3A_1114 = arith.index_cast %add3A_1104 : i32 to index
      %get3A_1115 = arith.constant 32 : index
      %get3A_1116 = tpu.vector_load %arg11[%get3A_1114, %get3A_1115] {strides = array<i32>} : memref<512x128xf32, #tpu.memory_space<vmem>>, vector<16xf32>,
      %get3A_1117 = arith.index_cast %add3A_1104 : i32 to index
      %get3A_1118 = arith.constant 48 : index
      %get3A_1119 = tpu.vector_load %arg11[%get3A_1117, %get3A_1118] {strides = array<i32>} : memref<512x128xf32, #tpu.memory_space<vmem>>, vector<16xf32>,
      %get3A_1120 = arith.index_cast %add3A_1104 : i32 to index
      %get3A_1121 = arith.constant 64 : index
      %get3A_1122 = tpu.vector_load %arg11[%get3A_1120, %get3A_1121] {strides = array<i32>} : memref<512x128xf32, #tpu.memory_space<vmem>>, vector<16xf32>,
      %get3A_1123 = arith.index_cast %add3A_1104 : i32 to index
      %get3A_1124 = arith.constant 80 : index
      %get3A_1125 = tpu.vector_load %arg11[%get3A_1123, %get3A_1124] {strides = array<i32>} : memref<512x128xf32, #tpu.memory_space<vmem>>, vector<16xf32>,
      %get3A_1126 = arith.index_cast %add3A_1104 : i32 to index
      %get3A_1127 = arith.constant 96 : index
      %get3A_1128 = tpu.vector_load %arg11[%get3A_1126, %get3A_1127] {strides = array<i32>} : memref<512x128xf32, #tpu.memory_space<vmem>>, vector<16xf32>,
      %get3A_1129 = arith.index_cast %add3A_1104 : i32 to index
      %get3A_1130 = arith.constant 112 : index
      %get3A_1131 = tpu.vector_load %arg11[%get3A_1129, %get3A_1130] {strides = array<i32>} : memref<512x128xf32, #tpu.memory_space<vmem>>, vector<16xf32>,
      %mul3A_1132 = arith.mulf %broadcast_in_dim3A_1107, %sub3A : vector<16xf32>
      %add3A_1133 = arith.addf %get3A_83, %mul3A_1132 : vector<16xf32>
      %add3A_1134 = arith.addf %get3A_1110, %add3A_1133 : vector<16xf32>
      %mul3A_1135 = arith.mulf %broadcast_in_dim3A_1107, %sub3A_144 : vector<16xf32>
      %add3A_1136 = arith.addf %get3A_87, %mul3A_1135 : vector<16xf32>
      %add3A_1137 = arith.addf %get3A_1113, %add3A_1136 : vector<16xf32>
      %mul3A_1138 = arith.mulf %broadcast_in_dim3A_1107, %sub3A_145 : vector<16xf32>
      %add3A_1139 = arith.addf %get3A_91, %mul3A_1138 : vector<16xf32>
      %add3A_1140 = arith.addf %get3A_1116, %add3A_1139 : vector<16xf32>
      %mul3A_1141 = arith.mulf %broadcast_in_dim3A_1107, %sub3A_146 : vector<16xf32>
      %add3A_1142 = arith.addf %get3A_95, %mul3A_1141 : vector<16xf32>
      %add3A_1143 = arith.addf %get3A_1119, %add3A_1142 : vector<16xf32>
      %mul3A_1144 = arith.mulf %broadcast_in_dim3A_1107, %sub3A_147 : vector<16xf32>
      %add3A_1145 = arith.addf %get3A_99, %mul3A_1144 : vector<16xf32>
      %add3A_1146 = arith.addf %get3A_1122, %add3A_1145 : vector<16xf32>
      %mul3A_1147 = arith.mulf %broadcast_in_dim3A_1107, %sub3A_148 : vector<16xf32>
      %add3A_1148 = arith.addf %get3A_103, %mul3A_1147 : vector<16xf32>
      %add3A_1149 = arith.addf %get3A_1125, %add3A_1148 : vector<16xf32>
      %mul3A_1150 = arith.mulf %broadcast_in_dim3A_1107, %sub3A_149 : vector<16xf32>
      %add3A_1151 = arith.addf %get3A_107, %mul3A_1150 : vector<16xf32>
      %add3A_1152 = arith.addf %get3A_1128, %add3A_1151 : vector<16xf32>
      %mul3A_1153 = arith.mulf %broadcast_in_dim3A_1107, %sub3A_150 : vector<16xf32>
      %add3A_1154 = arith.addf %get3A_111, %mul3A_1153 : vector<16xf32>
      %add3A_1155 = arith.addf %get3A_1131, %add3A_1154 : vector<16xf32>
      %add3A_1156 = arith.addf %add3A_1134, %add3A_1137 : vector<16xf32>
      %add3A_1157 = arith.addf %add3A_1156, %add3A_1140 : vector<16xf32>
      %add3A_1158 = arith.addf %add3A_1157, %add3A_1143 : vector<16xf32>
      %add3A_1159 = arith.addf %add3A_1158, %add3A_1146 : vector<16xf32>
      %add3A_1160 = arith.addf %add3A_1159, %add3A_1149 : vector<16xf32>
      %add3A_1161 = arith.addf %add3A_1160, %add3A_1152 : vector<16xf32>
      %add3A_1162 = arith.addf %add3A_1161, %add3A_1155 : vector<16xf32>
      %mul3A_1163 = arith.mulf %add3A_1134, %add3A_1134 : vector<16xf32>
      %mul3A_1164 = arith.mulf %add3A_1137, %add3A_1137 : vector<16xf32>
      %add3A_1165 = arith.addf %mul3A_1163, %mul3A_1164 : vector<16xf32>
      %mul3A_1166 = arith.mulf %add3A_1140, %add3A_1140 : vector<16xf32>
      %add3A_1167 = arith.addf %add3A_1165, %mul3A_1166 : vector<16xf32>
      %mul3A_1168 = arith.mulf %add3A_1143, %add3A_1143 : vector<16xf32>
      %add3A_1169 = arith.addf %add3A_1167, %mul3A_1168 : vector<16xf32>
      %mul3A_1170 = arith.mulf %add3A_1146, %add3A_1146 : vector<16xf32>
      %add3A_1171 = arith.addf %add3A_1169, %mul3A_1170 : vector<16xf32>
      %mul3A_1172 = arith.mulf %add3A_1149, %add3A_1149 : vector<16xf32>
      %add3A_1173 = arith.addf %add3A_1171, %mul3A_1172 : vector<16xf32>
      %mul3A_1174 = arith.mulf %add3A_1152, %add3A_1152 : vector<16xf32>
      %add3A_1175 = arith.addf %add3A_1173, %mul3A_1174 : vector<16xf32>
      %mul3A_1176 = arith.mulf %add3A_1155, %add3A_1155 : vector<16xf32>
      %add3A_1177 = arith.addf %add3A_1175, %mul3A_1176 : vector<16xf32>
      %reduce_sum3A_1178 = arith.constant true
      %reduce_sum3A_1179 = vector.broadcast %reduce_sum3A_1178 : i1 to vector<16xi1>
      %reduce_sum3A_1180 = tpu.scan <sum>, %add3A_1162 masked %reduce_sum3A_1179 : vector<16xf32>, vector<16xi1> -> vector<16xf32>
      %reduce_sum3A_1181 = vector.extract %reduce_sum3A_1180[15] : f32 from vector<16xf32>
      %broadcast_in_dim3A_1182 = vector.broadcast %reduce_sum3A_1181 : f32 to vector<16xf32>
      %reduce_sum3A_1183 = arith.constant true
      %reduce_sum3A_1184 = vector.broadcast %reduce_sum3A_1183 : i1 to vector<16xi1>
      %reduce_sum3A_1185 = tpu.scan <sum>, %add3A_1177 masked %reduce_sum3A_1184 : vector<16xf32>, vector<16xi1> -> vector<16xf32>
      %reduce_sum3A_1186 = vector.extract %reduce_sum3A_1185[15] : f32 from vector<16xf32>
      %broadcast_in_dim3A_1187 = vector.broadcast %reduce_sum3A_1186 : f32 to vector<16xf32>
      %mul3A_1188 = arith.constant 7.812500e-03 : f32
      %mul3A_1189 = vector.broadcast %mul3A_1188 : f32 to vector<16xf32>
      %mul3A_1190 = arith.mulf %broadcast_in_dim3A_1182, %mul3A_1189 : vector<16xf32>
      %mul3A_1191 = arith.constant 7.812500e-03 : f32
      %mul3A_1192 = vector.broadcast %mul3A_1191 : f32 to vector<16xf32>
      %mul3A_1193 = arith.mulf %broadcast_in_dim3A_1187, %mul3A_1192 : vector<16xf32>
      %mul3A_1194 = arith.mulf %mul3A_1190, %mul3A_1190 : vector<16xf32>
      %sub3A_1195 = arith.subf %mul3A_1193, %mul3A_1194 : vector<16xf32>
      %add3A_1196 = arith.constant 9.99999996E-13 : f32
      %add3A_1197 = vector.broadcast %add3A_1196 : f32 to vector<16xf32>
      %add3A_1198 = arith.addf %sub3A_1195, %add3A_1197 : vector<16xf32>
      %bitcast_convert_type3A_1199 = tpu.bitcast %add3A_1198 : vector<16xf32> -> vector<16xi32>
      %shift_right_arithmetic3A_1200 = arith.constant 1 : i32
      %shift_right_arithmetic3A_1201 = vector.broadcast %shift_right_arithmetic3A_1200 : i32 to vector<16xi32>
      %shift_right_arithmetic3A_1202 = arith.shrsi %bitcast_convert_type3A_1199, %shift_right_arithmetic3A_1201 : vector<16xi32>
      %sub3A_1203 = arith.constant 1597463007 : i32
      %sub3A_1204 = vector.broadcast %sub3A_1203 : i32 to vector<16xi32>
      %sub3A_1205 = arith.subi %sub3A_1204, %shift_right_arithmetic3A_1202 : vector<16xi32>
      %bitcast_convert_type3A_1206 = tpu.bitcast %sub3A_1205 : vector<16xi32> -> vector<16xf32>
      %mul3A_1207 = arith.constant 5.000000e-01 : f32
      %mul3A_1208 = vector.broadcast %mul3A_1207 : f32 to vector<16xf32>
      %mul3A_1209 = arith.mulf %add3A_1198, %mul3A_1208 : vector<16xf32>
      %mul3A_1210 = arith.mulf %mul3A_1209, %bitcast_convert_type3A_1206 : vector<16xf32>
      %mul3A_1211 = arith.mulf %mul3A_1210, %bitcast_convert_type3A_1206 : vector<16xf32>
      %sub3A_1212 = arith.constant 1.500000e+00 : f32
      %sub3A_1213 = vector.broadcast %sub3A_1212 : f32 to vector<16xf32>
      %sub3A_1214 = arith.subf %sub3A_1213, %mul3A_1211 : vector<16xf32>
      %mul3A_1215 = arith.mulf %bitcast_convert_type3A_1206, %sub3A_1214 : vector<16xf32>
      %mul3A_1216 = arith.mulf %mul3A_1209, %mul3A_1215 : vector<16xf32>
      %mul3A_1217 = arith.mulf %mul3A_1216, %mul3A_1215 : vector<16xf32>
      %sub3A_1218 = arith.constant 1.500000e+00 : f32
      %sub3A_1219 = vector.broadcast %sub3A_1218 : f32 to vector<16xf32>
      %sub3A_1220 = arith.subf %sub3A_1219, %mul3A_1217 : vector<16xf32>
      %mul3A_1221 = arith.mulf %mul3A_1215, %sub3A_1220 : vector<16xf32>
      %mul3A_1222 = arith.mulf %mul3A_1209, %mul3A_1221 : vector<16xf32>
      %mul3A_1223 = arith.mulf %mul3A_1222, %mul3A_1221 : vector<16xf32>
      %sub3A_1224 = arith.constant 1.500000e+00 : f32
      %sub3A_1225 = vector.broadcast %sub3A_1224 : f32 to vector<16xf32>
      %sub3A_1226 = arith.subf %sub3A_1225, %mul3A_1223 : vector<16xf32>
      %mul3A_1227 = arith.mulf %mul3A_1221, %sub3A_1226 : vector<16xf32>
      %sub3A_1228 = arith.subf %add3A_1134, %mul3A_1190 : vector<16xf32>
      %mul3A_1229 = arith.mulf %sub3A_1228, %mul3A_1227 : vector<16xf32>
      %mul3A_1230 = arith.mulf %mul3A_1229, %get3A_152 : vector<16xf32>
      %add3A_1231 = arith.addf %mul3A_1230, %get3A_168 : vector<16xf32>
      %swap3A_1232 = arith.index_cast %add3A_1104 : i32 to index
      %swap3A_1233 = arith.constant 0 : index
      %swap3A_1234 = tpu.vector_load %arg11[%swap3A_1232, %swap3A_1233] {strides = array<i32>} : memref<512x128xf32, #tpu.memory_space<vmem>>, vector<16xf32>,
      tpu.vector_store %arg11[%swap3A_1232, %swap3A_1233], %add3A_1231 {strides = array<i32>} : memref<512x128xf32, #tpu.memory_space<vmem>>, vector<16xf32>,
      %sub3A_1235 = arith.subf %add3A_1137, %mul3A_1190 : vector<16xf32>
      %mul3A_1236 = arith.mulf %sub3A_1235, %mul3A_1227 : vector<16xf32>
      %mul3A_1237 = arith.mulf %mul3A_1236, %get3A_154 : vector<16xf32>
      %add3A_1238 = arith.addf %mul3A_1237, %get3A_170 : vector<16xf32>
      %swap3A_1239 = arith.index_cast %add3A_1104 : i32 to index
      %swap3A_1240 = arith.constant 16 : index
      %swap3A_1241 = tpu.vector_load %arg11[%swap3A_1239, %swap3A_1240] {strides = array<i32>} : memref<512x128xf32, #tpu.memory_space<vmem>>, vector<16xf32>,
      tpu.vector_store %arg11[%swap3A_1239, %swap3A_1240], %add3A_1238 {strides = array<i32>} : memref<512x128xf32, #tpu.memory_space<vmem>>, vector<16xf32>,
      %sub3A_1242 = arith.subf %add3A_1140, %mul3A_1190 : vector<16xf32>
      %mul3A_1243 = arith.mulf %sub3A_1242, %mul3A_1227 : vector<16xf32>
      %mul3A_1244 = arith.mulf %mul3A_1243, %get3A_156 : vector<16xf32>
      %add3A_1245 = arith.addf %mul3A_1244, %get3A_172 : vector<16xf32>
      %swap3A_1246 = arith.index_cast %add3A_1104 : i32 to index
      %swap3A_1247 = arith.constant 32 : index
      %swap3A_1248 = tpu.vector_load %arg11[%swap3A_1246, %swap3A_1247] {strides = array<i32>} : memref<512x128xf32, #tpu.memory_space<vmem>>, vector<16xf32>,
      tpu.vector_store %arg11[%swap3A_1246, %swap3A_1247], %add3A_1245 {strides = array<i32>} : memref<512x128xf32, #tpu.memory_space<vmem>>, vector<16xf32>,
      %sub3A_1249 = arith.subf %add3A_1143, %mul3A_1190 : vector<16xf32>
      %mul3A_1250 = arith.mulf %sub3A_1249, %mul3A_1227 : vector<16xf32>
      %mul3A_1251 = arith.mulf %mul3A_1250, %get3A_158 : vector<16xf32>
      %add3A_1252 = arith.addf %mul3A_1251, %get3A_174 : vector<16xf32>
      %swap3A_1253 = arith.index_cast %add3A_1104 : i32 to index
      %swap3A_1254 = arith.constant 48 : index
      %swap3A_1255 = tpu.vector_load %arg11[%swap3A_1253, %swap3A_1254] {strides = array<i32>} : memref<512x128xf32, #tpu.memory_space<vmem>>, vector<16xf32>,
      tpu.vector_store %arg11[%swap3A_1253, %swap3A_1254], %add3A_1252 {strides = array<i32>} : memref<512x128xf32, #tpu.memory_space<vmem>>, vector<16xf32>,
      %sub3A_1256 = arith.subf %add3A_1146, %mul3A_1190 : vector<16xf32>
      %mul3A_1257 = arith.mulf %sub3A_1256, %mul3A_1227 : vector<16xf32>
      %mul3A_1258 = arith.mulf %mul3A_1257, %get3A_160 : vector<16xf32>
      %add3A_1259 = arith.addf %mul3A_1258, %get3A_176 : vector<16xf32>
      %swap3A_1260 = arith.index_cast %add3A_1104 : i32 to index
      %swap3A_1261 = arith.constant 64 : index
      %swap3A_1262 = tpu.vector_load %arg11[%swap3A_1260, %swap3A_1261] {strides = array<i32>} : memref<512x128xf32, #tpu.memory_space<vmem>>, vector<16xf32>,
      tpu.vector_store %arg11[%swap3A_1260, %swap3A_1261], %add3A_1259 {strides = array<i32>} : memref<512x128xf32, #tpu.memory_space<vmem>>, vector<16xf32>,
      %sub3A_1263 = arith.subf %add3A_1149, %mul3A_1190 : vector<16xf32>
      %mul3A_1264 = arith.mulf %sub3A_1263, %mul3A_1227 : vector<16xf32>
      %mul3A_1265 = arith.mulf %mul3A_1264, %get3A_162 : vector<16xf32>
      %add3A_1266 = arith.addf %mul3A_1265, %get3A_178 : vector<16xf32>
      %swap3A_1267 = arith.index_cast %add3A_1104 : i32 to index
      %swap3A_1268 = arith.constant 80 : index
      %swap3A_1269 = tpu.vector_load %arg11[%swap3A_1267, %swap3A_1268] {strides = array<i32>} : memref<512x128xf32, #tpu.memory_space<vmem>>, vector<16xf32>,
      tpu.vector_store %arg11[%swap3A_1267, %swap3A_1268], %add3A_1266 {strides = array<i32>} : memref<512x128xf32, #tpu.memory_space<vmem>>, vector<16xf32>,
      %sub3A_1270 = arith.subf %add3A_1152, %mul3A_1190 : vector<16xf32>
      %mul3A_1271 = arith.mulf %sub3A_1270, %mul3A_1227 : vector<16xf32>
      %mul3A_1272 = arith.mulf %mul3A_1271, %get3A_164 : vector<16xf32>
      %add3A_1273 = arith.addf %mul3A_1272, %get3A_180 : vector<16xf32>
      %swap3A_1274 = arith.index_cast %add3A_1104 : i32 to index
      %swap3A_1275 = arith.constant 96 : index
      %swap3A_1276 = tpu.vector_load %arg11[%swap3A_1274, %swap3A_1275] {strides = array<i32>} : memref<512x128xf32, #tpu.memory_space<vmem>>, vector<16xf32>,
      tpu.vector_store %arg11[%swap3A_1274, %swap3A_1275], %add3A_1273 {strides = array<i32>} : memref<512x128xf32, #tpu.memory_space<vmem>>, vector<16xf32>,
      %sub3A_1277 = arith.subf %add3A_1155, %mul3A_1190 : vector<16xf32>
      %mul3A_1278 = arith.mulf %sub3A_1277, %mul3A_1227 : vector<16xf32>
      %mul3A_1279 = arith.mulf %mul3A_1278, %get3A_166 : vector<16xf32>
      %add3A_1280 = arith.addf %mul3A_1279, %get3A_182 : vector<16xf32>
      %swap3A_1281 = arith.index_cast %add3A_1104 : i32 to index
      %swap3A_1282 = arith.constant 112 : index
      %swap3A_1283 = tpu.vector_load %arg11[%swap3A_1281, %swap3A_1282] {strides = array<i32>} : memref<512x128xf32, #tpu.memory_space<vmem>>, vector<16xf32>,
      tpu.vector_store %arg11[%swap3A_1281, %swap3A_1282], %add3A_1280 {strides = array<i32>} : memref<512x128xf32, #tpu.memory_space<vmem>>, vector<16xf32>,
      %mul3A_1284 = arith.constant 16 : i32
      %mul3A_1285 = arith.muli %scan3A_188, %mul3A_1284 : i32
      %add3A_1286 = arith.constant 6 : i32
      %add3A_1287 = arith.addi %mul3A_1285, %add3A_1286 : i32
      %slice3A_1288 = vector.extract_strided_slice %convert_element_type3A {offsets = [6], sizes = [1], strides = [1]} : vector<16xf32> to vector<1xf32>
      %squeeze3A_1289 = vector.extract %slice3A_1288[0] : f32 from vector<1xf32>
      %broadcast_in_dim3A_1290 = vector.broadcast %squeeze3A_1289 : f32 to vector<16xf32>
      %get3A_1291 = arith.index_cast %add3A_1287 : i32 to index
      %get3A_1292 = arith.constant 0 : index
      %get3A_1293 = tpu.vector_load %arg11[%get3A_1291, %get3A_1292] {strides = array<i32>} : memref<512x128xf32, #tpu.memory_space<vmem>>, vector<16xf32>,
      %get3A_1294 = arith.index_cast %add3A_1287 : i32 to index
      %get3A_1295 = arith.constant 16 : index
      %get3A_1296 = tpu.vector_load %arg11[%get3A_1294, %get3A_1295] {strides = array<i32>} : memref<512x128xf32, #tpu.memory_space<vmem>>, vector<16xf32>,
      %get3A_1297 = arith.index_cast %add3A_1287 : i32 to index
      %get3A_1298 = arith.constant 32 : index
      %get3A_1299 = tpu.vector_load %arg11[%get3A_1297, %get3A_1298] {strides = array<i32>} : memref<512x128xf32, #tpu.memory_space<vmem>>, vector<16xf32>,
      %get3A_1300 = arith.index_cast %add3A_1287 : i32 to index
      %get3A_1301 = arith.constant 48 : index
      %get3A_1302 = tpu.vector_load %arg11[%get3A_1300, %get3A_1301] {strides = array<i32>} : memref<512x128xf32, #tpu.memory_space<vmem>>, vector<16xf32>,
      %get3A_1303 = arith.index_cast %add3A_1287 : i32 to index
      %get3A_1304 = arith.constant 64 : index
      %get3A_1305 = tpu.vector_load %arg11[%get3A_1303, %get3A_1304] {strides = array<i32>} : memref<512x128xf32, #tpu.memory_space<vmem>>, vector<16xf32>,
      %get3A_1306 = arith.index_cast %add3A_1287 : i32 to index
      %get3A_1307 = arith.constant 80 : index
      %get3A_1308 = tpu.vector_load %arg11[%get3A_1306, %get3A_1307] {strides = array<i32>} : memref<512x128xf32, #tpu.memory_space<vmem>>, vector<16xf32>,
      %get3A_1309 = arith.index_cast %add3A_1287 : i32 to index
      %get3A_1310 = arith.constant 96 : index
      %get3A_1311 = tpu.vector_load %arg11[%get3A_1309, %get3A_1310] {strides = array<i32>} : memref<512x128xf32, #tpu.memory_space<vmem>>, vector<16xf32>,
      %get3A_1312 = arith.index_cast %add3A_1287 : i32 to index
      %get3A_1313 = arith.constant 112 : index
      %get3A_1314 = tpu.vector_load %arg11[%get3A_1312, %get3A_1313] {strides = array<i32>} : memref<512x128xf32, #tpu.memory_space<vmem>>, vector<16xf32>,
      %mul3A_1315 = arith.mulf %broadcast_in_dim3A_1290, %sub3A : vector<16xf32>
      %add3A_1316 = arith.addf %get3A_83, %mul3A_1315 : vector<16xf32>
      %add3A_1317 = arith.addf %get3A_1293, %add3A_1316 : vector<16xf32>
      %mul3A_1318 = arith.mulf %broadcast_in_dim3A_1290, %sub3A_144 : vector<16xf32>
      %add3A_1319 = arith.addf %get3A_87, %mul3A_1318 : vector<16xf32>
      %add3A_1320 = arith.addf %get3A_1296, %add3A_1319 : vector<16xf32>
      %mul3A_1321 = arith.mulf %broadcast_in_dim3A_1290, %sub3A_145 : vector<16xf32>
      %add3A_1322 = arith.addf %get3A_91, %mul3A_1321 : vector<16xf32>
      %add3A_1323 = arith.addf %get3A_1299, %add3A_1322 : vector<16xf32>
      %mul3A_1324 = arith.mulf %broadcast_in_dim3A_1290, %sub3A_146 : vector<16xf32>
      %add3A_1325 = arith.addf %get3A_95, %mul3A_1324 : vector<16xf32>
      %add3A_1326 = arith.addf %get3A_1302, %add3A_1325 : vector<16xf32>
      %mul3A_1327 = arith.mulf %broadcast_in_dim3A_1290, %sub3A_147 : vector<16xf32>
      %add3A_1328 = arith.addf %get3A_99, %mul3A_1327 : vector<16xf32>
      %add3A_1329 = arith.addf %get3A_1305, %add3A_1328 : vector<16xf32>
      %mul3A_1330 = arith.mulf %broadcast_in_dim3A_1290, %sub3A_148 : vector<16xf32>
      %add3A_1331 = arith.addf %get3A_103, %mul3A_1330 : vector<16xf32>
      %add3A_1332 = arith.addf %get3A_1308, %add3A_1331 : vector<16xf32>
      %mul3A_1333 = arith.mulf %broadcast_in_dim3A_1290, %sub3A_149 : vector<16xf32>
      %add3A_1334 = arith.addf %get3A_107, %mul3A_1333 : vector<16xf32>
      %add3A_1335 = arith.addf %get3A_1311, %add3A_1334 : vector<16xf32>
      %mul3A_1336 = arith.mulf %broadcast_in_dim3A_1290, %sub3A_150 : vector<16xf32>
      %add3A_1337 = arith.addf %get3A_111, %mul3A_1336 : vector<16xf32>
      %add3A_1338 = arith.addf %get3A_1314, %add3A_1337 : vector<16xf32>
      %add3A_1339 = arith.addf %add3A_1317, %add3A_1320 : vector<16xf32>
      %add3A_1340 = arith.addf %add3A_1339, %add3A_1323 : vector<16xf32>
      %add3A_1341 = arith.addf %add3A_1340, %add3A_1326 : vector<16xf32>
      %add3A_1342 = arith.addf %add3A_1341, %add3A_1329 : vector<16xf32>
      %add3A_1343 = arith.addf %add3A_1342, %add3A_1332 : vector<16xf32>
      %add3A_1344 = arith.addf %add3A_1343, %add3A_1335 : vector<16xf32>
      %add3A_1345 = arith.addf %add3A_1344, %add3A_1338 : vector<16xf32>
      %mul3A_1346 = arith.mulf %add3A_1317, %add3A_1317 : vector<16xf32>
      %mul3A_1347 = arith.mulf %add3A_1320, %add3A_1320 : vector<16xf32>
      %add3A_1348 = arith.addf %mul3A_1346, %mul3A_1347 : vector<16xf32>
      %mul3A_1349 = arith.mulf %add3A_1323, %add3A_1323 : vector<16xf32>
      %add3A_1350 = arith.addf %add3A_1348, %mul3A_1349 : vector<16xf32>
      %mul3A_1351 = arith.mulf %add3A_1326, %add3A_1326 : vector<16xf32>
      %add3A_1352 = arith.addf %add3A_1350, %mul3A_1351 : vector<16xf32>
      %mul3A_1353 = arith.mulf %add3A_1329, %add3A_1329 : vector<16xf32>
      %add3A_1354 = arith.addf %add3A_1352, %mul3A_1353 : vector<16xf32>
      %mul3A_1355 = arith.mulf %add3A_1332, %add3A_1332 : vector<16xf32>
      %add3A_1356 = arith.addf %add3A_1354, %mul3A_1355 : vector<16xf32>
      %mul3A_1357 = arith.mulf %add3A_1335, %add3A_1335 : vector<16xf32>
      %add3A_1358 = arith.addf %add3A_1356, %mul3A_1357 : vector<16xf32>
      %mul3A_1359 = arith.mulf %add3A_1338, %add3A_1338 : vector<16xf32>
      %add3A_1360 = arith.addf %add3A_1358, %mul3A_1359 : vector<16xf32>
      %reduce_sum3A_1361 = arith.constant true
      %reduce_sum3A_1362 = vector.broadcast %reduce_sum3A_1361 : i1 to vector<16xi1>
      %reduce_sum3A_1363 = tpu.scan <sum>, %add3A_1345 masked %reduce_sum3A_1362 : vector<16xf32>, vector<16xi1> -> vector<16xf32>
      %reduce_sum3A_1364 = vector.extract %reduce_sum3A_1363[15] : f32 from vector<16xf32>
      %broadcast_in_dim3A_1365 = vector.broadcast %reduce_sum3A_1364 : f32 to vector<16xf32>
      %reduce_sum3A_1366 = arith.constant true
      %reduce_sum3A_1367 = vector.broadcast %reduce_sum3A_1366 : i1 to vector<16xi1>
      %reduce_sum3A_1368 = tpu.scan <sum>, %add3A_1360 masked %reduce_sum3A_1367 : vector<16xf32>, vector<16xi1> -> vector<16xf32>
      %reduce_sum3A_1369 = vector.extract %reduce_sum3A_1368[15] : f32 from vector<16xf32>
      %broadcast_in_dim3A_1370 = vector.broadcast %reduce_sum3A_1369 : f32 to vector<16xf32>
      %mul3A_1371 = arith.constant 7.812500e-03 : f32
      %mul3A_1372 = vector.broadcast %mul3A_1371 : f32 to vector<16xf32>
      %mul3A_1373 = arith.mulf %broadcast_in_dim3A_1365, %mul3A_1372 : vector<16xf32>
      %mul3A_1374 = arith.constant 7.812500e-03 : f32
      %mul3A_1375 = vector.broadcast %mul3A_1374 : f32 to vector<16xf32>
      %mul3A_1376 = arith.mulf %broadcast_in_dim3A_1370, %mul3A_1375 : vector<16xf32>
      %mul3A_1377 = arith.mulf %mul3A_1373, %mul3A_1373 : vector<16xf32>
      %sub3A_1378 = arith.subf %mul3A_1376, %mul3A_1377 : vector<16xf32>
      %add3A_1379 = arith.constant 9.99999996E-13 : f32
      %add3A_1380 = vector.broadcast %add3A_1379 : f32 to vector<16xf32>
      %add3A_1381 = arith.addf %sub3A_1378, %add3A_1380 : vector<16xf32>
      %bitcast_convert_type3A_1382 = tpu.bitcast %add3A_1381 : vector<16xf32> -> vector<16xi32>
      %shift_right_arithmetic3A_1383 = arith.constant 1 : i32
      %shift_right_arithmetic3A_1384 = vector.broadcast %shift_right_arithmetic3A_1383 : i32 to vector<16xi32>
      %shift_right_arithmetic3A_1385 = arith.shrsi %bitcast_convert_type3A_1382, %shift_right_arithmetic3A_1384 : vector<16xi32>
      %sub3A_1386 = arith.constant 1597463007 : i32
      %sub3A_1387 = vector.broadcast %sub3A_1386 : i32 to vector<16xi32>
      %sub3A_1388 = arith.subi %sub3A_1387, %shift_right_arithmetic3A_1385 : vector<16xi32>
      %bitcast_convert_type3A_1389 = tpu.bitcast %sub3A_1388 : vector<16xi32> -> vector<16xf32>
      %mul3A_1390 = arith.constant 5.000000e-01 : f32
      %mul3A_1391 = vector.broadcast %mul3A_1390 : f32 to vector<16xf32>
      %mul3A_1392 = arith.mulf %add3A_1381, %mul3A_1391 : vector<16xf32>
      %mul3A_1393 = arith.mulf %mul3A_1392, %bitcast_convert_type3A_1389 : vector<16xf32>
      %mul3A_1394 = arith.mulf %mul3A_1393, %bitcast_convert_type3A_1389 : vector<16xf32>
      %sub3A_1395 = arith.constant 1.500000e+00 : f32
      %sub3A_1396 = vector.broadcast %sub3A_1395 : f32 to vector<16xf32>
      %sub3A_1397 = arith.subf %sub3A_1396, %mul3A_1394 : vector<16xf32>
      %mul3A_1398 = arith.mulf %bitcast_convert_type3A_1389, %sub3A_1397 : vector<16xf32>
      %mul3A_1399 = arith.mulf %mul3A_1392, %mul3A_1398 : vector<16xf32>
      %mul3A_1400 = arith.mulf %mul3A_1399, %mul3A_1398 : vector<16xf32>
      %sub3A_1401 = arith.constant 1.500000e+00 : f32
      %sub3A_1402 = vector.broadcast %sub3A_1401 : f32 to vector<16xf32>
      %sub3A_1403 = arith.subf %sub3A_1402, %mul3A_1400 : vector<16xf32>
      %mul3A_1404 = arith.mulf %mul3A_1398, %sub3A_1403 : vector<16xf32>
      %mul3A_1405 = arith.mulf %mul3A_1392, %mul3A_1404 : vector<16xf32>
      %mul3A_1406 = arith.mulf %mul3A_1405, %mul3A_1404 : vector<16xf32>
      %sub3A_1407 = arith.constant 1.500000e+00 : f32
      %sub3A_1408 = vector.broadcast %sub3A_1407 : f32 to vector<16xf32>
      %sub3A_1409 = arith.subf %sub3A_1408, %mul3A_1406 : vector<16xf32>
      %mul3A_1410 = arith.mulf %mul3A_1404, %sub3A_1409 : vector<16xf32>
      %sub3A_1411 = arith.subf %add3A_1317, %mul3A_1373 : vector<16xf32>
      %mul3A_1412 = arith.mulf %sub3A_1411, %mul3A_1410 : vector<16xf32>
      %mul3A_1413 = arith.mulf %mul3A_1412, %get3A_152 : vector<16xf32>
      %add3A_1414 = arith.addf %mul3A_1413, %get3A_168 : vector<16xf32>
      %swap3A_1415 = arith.index_cast %add3A_1287 : i32 to index
      %swap3A_1416 = arith.constant 0 : index
      %swap3A_1417 = tpu.vector_load %arg11[%swap3A_1415, %swap3A_1416] {strides = array<i32>} : memref<512x128xf32, #tpu.memory_space<vmem>>, vector<16xf32>,
      tpu.vector_store %arg11[%swap3A_1415, %swap3A_1416], %add3A_1414 {strides = array<i32>} : memref<512x128xf32, #tpu.memory_space<vmem>>, vector<16xf32>,
      %sub3A_1418 = arith.subf %add3A_1320, %mul3A_1373 : vector<16xf32>
      %mul3A_1419 = arith.mulf %sub3A_1418, %mul3A_1410 : vector<16xf32>
      %mul3A_1420 = arith.mulf %mul3A_1419, %get3A_154 : vector<16xf32>
      %add3A_1421 = arith.addf %mul3A_1420, %get3A_170 : vector<16xf32>
      %swap3A_1422 = arith.index_cast %add3A_1287 : i32 to index
      %swap3A_1423 = arith.constant 16 : index
      %swap3A_1424 = tpu.vector_load %arg11[%swap3A_1422, %swap3A_1423] {strides = array<i32>} : memref<512x128xf32, #tpu.memory_space<vmem>>, vector<16xf32>,
      tpu.vector_store %arg11[%swap3A_1422, %swap3A_1423], %add3A_1421 {strides = array<i32>} : memref<512x128xf32, #tpu.memory_space<vmem>>, vector<16xf32>,
      %sub3A_1425 = arith.subf %add3A_1323, %mul3A_1373 : vector<16xf32>
      %mul3A_1426 = arith.mulf %sub3A_1425, %mul3A_1410 : vector<16xf32>
      %mul3A_1427 = arith.mulf %mul3A_1426, %get3A_156 : vector<16xf32>
      %add3A_1428 = arith.addf %mul3A_1427, %get3A_172 : vector<16xf32>
      %swap3A_1429 = arith.index_cast %add3A_1287 : i32 to index
      %swap3A_1430 = arith.constant 32 : index
      %swap3A_1431 = tpu.vector_load %arg11[%swap3A_1429, %swap3A_1430] {strides = array<i32>} : memref<512x128xf32, #tpu.memory_space<vmem>>, vector<16xf32>,
      tpu.vector_store %arg11[%swap3A_1429, %swap3A_1430], %add3A_1428 {strides = array<i32>} : memref<512x128xf32, #tpu.memory_space<vmem>>, vector<16xf32>,
      %sub3A_1432 = arith.subf %add3A_1326, %mul3A_1373 : vector<16xf32>
      %mul3A_1433 = arith.mulf %sub3A_1432, %mul3A_1410 : vector<16xf32>
      %mul3A_1434 = arith.mulf %mul3A_1433, %get3A_158 : vector<16xf32>
      %add3A_1435 = arith.addf %mul3A_1434, %get3A_174 : vector<16xf32>
      %swap3A_1436 = arith.index_cast %add3A_1287 : i32 to index
      %swap3A_1437 = arith.constant 48 : index
      %swap3A_1438 = tpu.vector_load %arg11[%swap3A_1436, %swap3A_1437] {strides = array<i32>} : memref<512x128xf32, #tpu.memory_space<vmem>>, vector<16xf32>,
      tpu.vector_store %arg11[%swap3A_1436, %swap3A_1437], %add3A_1435 {strides = array<i32>} : memref<512x128xf32, #tpu.memory_space<vmem>>, vector<16xf32>,
      %sub3A_1439 = arith.subf %add3A_1329, %mul3A_1373 : vector<16xf32>
      %mul3A_1440 = arith.mulf %sub3A_1439, %mul3A_1410 : vector<16xf32>
      %mul3A_1441 = arith.mulf %mul3A_1440, %get3A_160 : vector<16xf32>
      %add3A_1442 = arith.addf %mul3A_1441, %get3A_176 : vector<16xf32>
      %swap3A_1443 = arith.index_cast %add3A_1287 : i32 to index
      %swap3A_1444 = arith.constant 64 : index
      %swap3A_1445 = tpu.vector_load %arg11[%swap3A_1443, %swap3A_1444] {strides = array<i32>} : memref<512x128xf32, #tpu.memory_space<vmem>>, vector<16xf32>,
      tpu.vector_store %arg11[%swap3A_1443, %swap3A_1444], %add3A_1442 {strides = array<i32>} : memref<512x128xf32, #tpu.memory_space<vmem>>, vector<16xf32>,
      %sub3A_1446 = arith.subf %add3A_1332, %mul3A_1373 : vector<16xf32>
      %mul3A_1447 = arith.mulf %sub3A_1446, %mul3A_1410 : vector<16xf32>
      %mul3A_1448 = arith.mulf %mul3A_1447, %get3A_162 : vector<16xf32>
      %add3A_1449 = arith.addf %mul3A_1448, %get3A_178 : vector<16xf32>
      %swap3A_1450 = arith.index_cast %add3A_1287 : i32 to index
      %swap3A_1451 = arith.constant 80 : index
      %swap3A_1452 = tpu.vector_load %arg11[%swap3A_1450, %swap3A_1451] {strides = array<i32>} : memref<512x128xf32, #tpu.memory_space<vmem>>, vector<16xf32>,
      tpu.vector_store %arg11[%swap3A_1450, %swap3A_1451], %add3A_1449 {strides = array<i32>} : memref<512x128xf32, #tpu.memory_space<vmem>>, vector<16xf32>,
      %sub3A_1453 = arith.subf %add3A_1335, %mul3A_1373 : vector<16xf32>
      %mul3A_1454 = arith.mulf %sub3A_1453, %mul3A_1410 : vector<16xf32>
      %mul3A_1455 = arith.mulf %mul3A_1454, %get3A_164 : vector<16xf32>
      %add3A_1456 = arith.addf %mul3A_1455, %get3A_180 : vector<16xf32>
      %swap3A_1457 = arith.index_cast %add3A_1287 : i32 to index
      %swap3A_1458 = arith.constant 96 : index
      %swap3A_1459 = tpu.vector_load %arg11[%swap3A_1457, %swap3A_1458] {strides = array<i32>} : memref<512x128xf32, #tpu.memory_space<vmem>>, vector<16xf32>,
      tpu.vector_store %arg11[%swap3A_1457, %swap3A_1458], %add3A_1456 {strides = array<i32>} : memref<512x128xf32, #tpu.memory_space<vmem>>, vector<16xf32>,
      %sub3A_1460 = arith.subf %add3A_1338, %mul3A_1373 : vector<16xf32>
      %mul3A_1461 = arith.mulf %sub3A_1460, %mul3A_1410 : vector<16xf32>
      %mul3A_1462 = arith.mulf %mul3A_1461, %get3A_166 : vector<16xf32>
      %add3A_1463 = arith.addf %mul3A_1462, %get3A_182 : vector<16xf32>
      %swap3A_1464 = arith.index_cast %add3A_1287 : i32 to index
      %swap3A_1465 = arith.constant 112 : index
      %swap3A_1466 = tpu.vector_load %arg11[%swap3A_1464, %swap3A_1465] {strides = array<i32>} : memref<512x128xf32, #tpu.memory_space<vmem>>, vector<16xf32>,
      tpu.vector_store %arg11[%swap3A_1464, %swap3A_1465], %add3A_1463 {strides = array<i32>} : memref<512x128xf32, #tpu.memory_space<vmem>>, vector<16xf32>,
      %mul3A_1467 = arith.constant 16 : i32
      %mul3A_1468 = arith.muli %scan3A_188, %mul3A_1467 : i32
      %add3A_1469 = arith.constant 7 : i32
      %add3A_1470 = arith.addi %mul3A_1468, %add3A_1469 : i32
      %slice3A_1471 = vector.extract_strided_slice %convert_element_type3A {offsets = [7], sizes = [1], strides = [1]} : vector<16xf32> to vector<1xf32>
      %squeeze3A_1472 = vector.extract %slice3A_1471[0] : f32 from vector<1xf32>
      %broadcast_in_dim3A_1473 = vector.broadcast %squeeze3A_1472 : f32 to vector<16xf32>
      %get3A_1474 = arith.index_cast %add3A_1470 : i32 to index
      %get3A_1475 = arith.constant 0 : index
      %get3A_1476 = tpu.vector_load %arg11[%get3A_1474, %get3A_1475] {strides = array<i32>} : memref<512x128xf32, #tpu.memory_space<vmem>>, vector<16xf32>,
      %get3A_1477 = arith.index_cast %add3A_1470 : i32 to index
      %get3A_1478 = arith.constant 16 : index
      %get3A_1479 = tpu.vector_load %arg11[%get3A_1477, %get3A_1478] {strides = array<i32>} : memref<512x128xf32, #tpu.memory_space<vmem>>, vector<16xf32>,
      %get3A_1480 = arith.index_cast %add3A_1470 : i32 to index
      %get3A_1481 = arith.constant 32 : index
      %get3A_1482 = tpu.vector_load %arg11[%get3A_1480, %get3A_1481] {strides = array<i32>} : memref<512x128xf32, #tpu.memory_space<vmem>>, vector<16xf32>,
      %get3A_1483 = arith.index_cast %add3A_1470 : i32 to index
      %get3A_1484 = arith.constant 48 : index
      %get3A_1485 = tpu.vector_load %arg11[%get3A_1483, %get3A_1484] {strides = array<i32>} : memref<512x128xf32, #tpu.memory_space<vmem>>, vector<16xf32>,
      %get3A_1486 = arith.index_cast %add3A_1470 : i32 to index
      %get3A_1487 = arith.constant 64 : index
      %get3A_1488 = tpu.vector_load %arg11[%get3A_1486, %get3A_1487] {strides = array<i32>} : memref<512x128xf32, #tpu.memory_space<vmem>>, vector<16xf32>,
      %get3A_1489 = arith.index_cast %add3A_1470 : i32 to index
      %get3A_1490 = arith.constant 80 : index
      %get3A_1491 = tpu.vector_load %arg11[%get3A_1489, %get3A_1490] {strides = array<i32>} : memref<512x128xf32, #tpu.memory_space<vmem>>, vector<16xf32>,
      %get3A_1492 = arith.index_cast %add3A_1470 : i32 to index
      %get3A_1493 = arith.constant 96 : index
      %get3A_1494 = tpu.vector_load %arg11[%get3A_1492, %get3A_1493] {strides = array<i32>} : memref<512x128xf32, #tpu.memory_space<vmem>>, vector<16xf32>,
      %get3A_1495 = arith.index_cast %add3A_1470 : i32 to index
      %get3A_1496 = arith.constant 112 : index
      %get3A_1497 = tpu.vector_load %arg11[%get3A_1495, %get3A_1496] {strides = array<i32>} : memref<512x128xf32, #tpu.memory_space<vmem>>, vector<16xf32>,
      %mul3A_1498 = arith.mulf %broadcast_in_dim3A_1473, %sub3A : vector<16xf32>
      %add3A_1499 = arith.addf %get3A_83, %mul3A_1498 : vector<16xf32>
      %add3A_1500 = arith.addf %get3A_1476, %add3A_1499 : vector<16xf32>
      %mul3A_1501 = arith.mulf %broadcast_in_dim3A_1473, %sub3A_144 : vector<16xf32>
      %add3A_1502 = arith.addf %get3A_87, %mul3A_1501 : vector<16xf32>
      %add3A_1503 = arith.addf %get3A_1479, %add3A_1502 : vector<16xf32>
      %mul3A_1504 = arith.mulf %broadcast_in_dim3A_1473, %sub3A_145 : vector<16xf32>
      %add3A_1505 = arith.addf %get3A_91, %mul3A_1504 : vector<16xf32>
      %add3A_1506 = arith.addf %get3A_1482, %add3A_1505 : vector<16xf32>
      %mul3A_1507 = arith.mulf %broadcast_in_dim3A_1473, %sub3A_146 : vector<16xf32>
      %add3A_1508 = arith.addf %get3A_95, %mul3A_1507 : vector<16xf32>
      %add3A_1509 = arith.addf %get3A_1485, %add3A_1508 : vector<16xf32>
      %mul3A_1510 = arith.mulf %broadcast_in_dim3A_1473, %sub3A_147 : vector<16xf32>
      %add3A_1511 = arith.addf %get3A_99, %mul3A_1510 : vector<16xf32>
      %add3A_1512 = arith.addf %get3A_1488, %add3A_1511 : vector<16xf32>
      %mul3A_1513 = arith.mulf %broadcast_in_dim3A_1473, %sub3A_148 : vector<16xf32>
      %add3A_1514 = arith.addf %get3A_103, %mul3A_1513 : vector<16xf32>
      %add3A_1515 = arith.addf %get3A_1491, %add3A_1514 : vector<16xf32>
      %mul3A_1516 = arith.mulf %broadcast_in_dim3A_1473, %sub3A_149 : vector<16xf32>
      %add3A_1517 = arith.addf %get3A_107, %mul3A_1516 : vector<16xf32>
      %add3A_1518 = arith.addf %get3A_1494, %add3A_1517 : vector<16xf32>
      %mul3A_1519 = arith.mulf %broadcast_in_dim3A_1473, %sub3A_150 : vector<16xf32>
      %add3A_1520 = arith.addf %get3A_111, %mul3A_1519 : vector<16xf32>
      %add3A_1521 = arith.addf %get3A_1497, %add3A_1520 : vector<16xf32>
      %add3A_1522 = arith.addf %add3A_1500, %add3A_1503 : vector<16xf32>
      %add3A_1523 = arith.addf %add3A_1522, %add3A_1506 : vector<16xf32>
      %add3A_1524 = arith.addf %add3A_1523, %add3A_1509 : vector<16xf32>
      %add3A_1525 = arith.addf %add3A_1524, %add3A_1512 : vector<16xf32>
      %add3A_1526 = arith.addf %add3A_1525, %add3A_1515 : vector<16xf32>
      %add3A_1527 = arith.addf %add3A_1526, %add3A_1518 : vector<16xf32>
      %add3A_1528 = arith.addf %add3A_1527, %add3A_1521 : vector<16xf32>
      %mul3A_1529 = arith.mulf %add3A_1500, %add3A_1500 : vector<16xf32>
      %mul3A_1530 = arith.mulf %add3A_1503, %add3A_1503 : vector<16xf32>
      %add3A_1531 = arith.addf %mul3A_1529, %mul3A_1530 : vector<16xf32>
      %mul3A_1532 = arith.mulf %add3A_1506, %add3A_1506 : vector<16xf32>
      %add3A_1533 = arith.addf %add3A_1531, %mul3A_1532 : vector<16xf32>
      %mul3A_1534 = arith.mulf %add3A_1509, %add3A_1509 : vector<16xf32>
      %add3A_1535 = arith.addf %add3A_1533, %mul3A_1534 : vector<16xf32>
      %mul3A_1536 = arith.mulf %add3A_1512, %add3A_1512 : vector<16xf32>
      %add3A_1537 = arith.addf %add3A_1535, %mul3A_1536 : vector<16xf32>
      %mul3A_1538 = arith.mulf %add3A_1515, %add3A_1515 : vector<16xf32>
      %add3A_1539 = arith.addf %add3A_1537, %mul3A_1538 : vector<16xf32>
      %mul3A_1540 = arith.mulf %add3A_1518, %add3A_1518 : vector<16xf32>
      %add3A_1541 = arith.addf %add3A_1539, %mul3A_1540 : vector<16xf32>
      %mul3A_1542 = arith.mulf %add3A_1521, %add3A_1521 : vector<16xf32>
      %add3A_1543 = arith.addf %add3A_1541, %mul3A_1542 : vector<16xf32>
      %reduce_sum3A_1544 = arith.constant true
      %reduce_sum3A_1545 = vector.broadcast %reduce_sum3A_1544 : i1 to vector<16xi1>
      %reduce_sum3A_1546 = tpu.scan <sum>, %add3A_1528 masked %reduce_sum3A_1545 : vector<16xf32>, vector<16xi1> -> vector<16xf32>
      %reduce_sum3A_1547 = vector.extract %reduce_sum3A_1546[15] : f32 from vector<16xf32>
      %broadcast_in_dim3A_1548 = vector.broadcast %reduce_sum3A_1547 : f32 to vector<16xf32>
      %reduce_sum3A_1549 = arith.constant true
      %reduce_sum3A_1550 = vector.broadcast %reduce_sum3A_1549 : i1 to vector<16xi1>
      %reduce_sum3A_1551 = tpu.scan <sum>, %add3A_1543 masked %reduce_sum3A_1550 : vector<16xf32>, vector<16xi1> -> vector<16xf32>
      %reduce_sum3A_1552 = vector.extract %reduce_sum3A_1551[15] : f32 from vector<16xf32>
      %broadcast_in_dim3A_1553 = vector.broadcast %reduce_sum3A_1552 : f32 to vector<16xf32>
      %mul3A_1554 = arith.constant 7.812500e-03 : f32
      %mul3A_1555 = vector.broadcast %mul3A_1554 : f32 to vector<16xf32>
      %mul3A_1556 = arith.mulf %broadcast_in_dim3A_1548, %mul3A_1555 : vector<16xf32>
      %mul3A_1557 = arith.constant 7.812500e-03 : f32
      %mul3A_1558 = vector.broadcast %mul3A_1557 : f32 to vector<16xf32>
      %mul3A_1559 = arith.mulf %broadcast_in_dim3A_1553, %mul3A_1558 : vector<16xf32>
      %mul3A_1560 = arith.mulf %mul3A_1556, %mul3A_1556 : vector<16xf32>
      %sub3A_1561 = arith.subf %mul3A_1559, %mul3A_1560 : vector<16xf32>
      %add3A_1562 = arith.constant 9.99999996E-13 : f32
      %add3A_1563 = vector.broadcast %add3A_1562 : f32 to vector<16xf32>
      %add3A_1564 = arith.addf %sub3A_1561, %add3A_1563 : vector<16xf32>
      %bitcast_convert_type3A_1565 = tpu.bitcast %add3A_1564 : vector<16xf32> -> vector<16xi32>
      %shift_right_arithmetic3A_1566 = arith.constant 1 : i32
      %shift_right_arithmetic3A_1567 = vector.broadcast %shift_right_arithmetic3A_1566 : i32 to vector<16xi32>
      %shift_right_arithmetic3A_1568 = arith.shrsi %bitcast_convert_type3A_1565, %shift_right_arithmetic3A_1567 : vector<16xi32>
      %sub3A_1569 = arith.constant 1597463007 : i32
      %sub3A_1570 = vector.broadcast %sub3A_1569 : i32 to vector<16xi32>
      %sub3A_1571 = arith.subi %sub3A_1570, %shift_right_arithmetic3A_1568 : vector<16xi32>
      %bitcast_convert_type3A_1572 = tpu.bitcast %sub3A_1571 : vector<16xi32> -> vector<16xf32>
      %mul3A_1573 = arith.constant 5.000000e-01 : f32
      %mul3A_1574 = vector.broadcast %mul3A_1573 : f32 to vector<16xf32>
      %mul3A_1575 = arith.mulf %add3A_1564, %mul3A_1574 : vector<16xf32>
      %mul3A_1576 = arith.mulf %mul3A_1575, %bitcast_convert_type3A_1572 : vector<16xf32>
      %mul3A_1577 = arith.mulf %mul3A_1576, %bitcast_convert_type3A_1572 : vector<16xf32>
      %sub3A_1578 = arith.constant 1.500000e+00 : f32
      %sub3A_1579 = vector.broadcast %sub3A_1578 : f32 to vector<16xf32>
      %sub3A_1580 = arith.subf %sub3A_1579, %mul3A_1577 : vector<16xf32>
      %mul3A_1581 = arith.mulf %bitcast_convert_type3A_1572, %sub3A_1580 : vector<16xf32>
      %mul3A_1582 = arith.mulf %mul3A_1575, %mul3A_1581 : vector<16xf32>
      %mul3A_1583 = arith.mulf %mul3A_1582, %mul3A_1581 : vector<16xf32>
      %sub3A_1584 = arith.constant 1.500000e+00 : f32
      %sub3A_1585 = vector.broadcast %sub3A_1584 : f32 to vector<16xf32>
      %sub3A_1586 = arith.subf %sub3A_1585, %mul3A_1583 : vector<16xf32>
      %mul3A_1587 = arith.mulf %mul3A_1581, %sub3A_1586 : vector<16xf32>
      %mul3A_1588 = arith.mulf %mul3A_1575, %mul3A_1587 : vector<16xf32>
      %mul3A_1589 = arith.mulf %mul3A_1588, %mul3A_1587 : vector<16xf32>
      %sub3A_1590 = arith.constant 1.500000e+00 : f32
      %sub3A_1591 = vector.broadcast %sub3A_1590 : f32 to vector<16xf32>
      %sub3A_1592 = arith.subf %sub3A_1591, %mul3A_1589 : vector<16xf32>
      %mul3A_1593 = arith.mulf %mul3A_1587, %sub3A_1592 : vector<16xf32>
      %sub3A_1594 = arith.subf %add3A_1500, %mul3A_1556 : vector<16xf32>
      %mul3A_1595 = arith.mulf %sub3A_1594, %mul3A_1593 : vector<16xf32>
      %mul3A_1596 = arith.mulf %mul3A_1595, %get3A_152 : vector<16xf32>
      %add3A_1597 = arith.addf %mul3A_1596, %get3A_168 : vector<16xf32>
      %swap3A_1598 = arith.index_cast %add3A_1470 : i32 to index
      %swap3A_1599 = arith.constant 0 : index
      %swap3A_1600 = tpu.vector_load %arg11[%swap3A_1598, %swap3A_1599] {strides = array<i32>} : memref<512x128xf32, #tpu.memory_space<vmem>>, vector<16xf32>,
      tpu.vector_store %arg11[%swap3A_1598, %swap3A_1599], %add3A_1597 {strides = array<i32>} : memref<512x128xf32, #tpu.memory_space<vmem>>, vector<16xf32>,
      %sub3A_1601 = arith.subf %add3A_1503, %mul3A_1556 : vector<16xf32>
      %mul3A_1602 = arith.mulf %sub3A_1601, %mul3A_1593 : vector<16xf32>
      %mul3A_1603 = arith.mulf %mul3A_1602, %get3A_154 : vector<16xf32>
      %add3A_1604 = arith.addf %mul3A_1603, %get3A_170 : vector<16xf32>
      %swap3A_1605 = arith.index_cast %add3A_1470 : i32 to index
      %swap3A_1606 = arith.constant 16 : index
      %swap3A_1607 = tpu.vector_load %arg11[%swap3A_1605, %swap3A_1606] {strides = array<i32>} : memref<512x128xf32, #tpu.memory_space<vmem>>, vector<16xf32>,
      tpu.vector_store %arg11[%swap3A_1605, %swap3A_1606], %add3A_1604 {strides = array<i32>} : memref<512x128xf32, #tpu.memory_space<vmem>>, vector<16xf32>,
      %sub3A_1608 = arith.subf %add3A_1506, %mul3A_1556 : vector<16xf32>
      %mul3A_1609 = arith.mulf %sub3A_1608, %mul3A_1593 : vector<16xf32>
      %mul3A_1610 = arith.mulf %mul3A_1609, %get3A_156 : vector<16xf32>
      %add3A_1611 = arith.addf %mul3A_1610, %get3A_172 : vector<16xf32>
      %swap3A_1612 = arith.index_cast %add3A_1470 : i32 to index
      %swap3A_1613 = arith.constant 32 : index
      %swap3A_1614 = tpu.vector_load %arg11[%swap3A_1612, %swap3A_1613] {strides = array<i32>} : memref<512x128xf32, #tpu.memory_space<vmem>>, vector<16xf32>,
      tpu.vector_store %arg11[%swap3A_1612, %swap3A_1613], %add3A_1611 {strides = array<i32>} : memref<512x128xf32, #tpu.memory_space<vmem>>, vector<16xf32>,
      %sub3A_1615 = arith.subf %add3A_1509, %mul3A_1556 : vector<16xf32>
      %mul3A_1616 = arith.mulf %sub3A_1615, %mul3A_1593 : vector<16xf32>
      %mul3A_1617 = arith.mulf %mul3A_1616, %get3A_158 : vector<16xf32>
      %add3A_1618 = arith.addf %mul3A_1617, %get3A_174 : vector<16xf32>
      %swap3A_1619 = arith.index_cast %add3A_1470 : i32 to index
      %swap3A_1620 = arith.constant 48 : index
      %swap3A_1621 = tpu.vector_load %arg11[%swap3A_1619, %swap3A_1620] {strides = array<i32>} : memref<512x128xf32, #tpu.memory_space<vmem>>, vector<16xf32>,
      tpu.vector_store %arg11[%swap3A_1619, %swap3A_1620], %add3A_1618 {strides = array<i32>} : memref<512x128xf32, #tpu.memory_space<vmem>>, vector<16xf32>,
      %sub3A_1622 = arith.subf %add3A_1512, %mul3A_1556 : vector<16xf32>
      %mul3A_1623 = arith.mulf %sub3A_1622, %mul3A_1593 : vector<16xf32>
      %mul3A_1624 = arith.mulf %mul3A_1623, %get3A_160 : vector<16xf32>
      %add3A_1625 = arith.addf %mul3A_1624, %get3A_176 : vector<16xf32>
      %swap3A_1626 = arith.index_cast %add3A_1470 : i32 to index
      %swap3A_1627 = arith.constant 64 : index
      %swap3A_1628 = tpu.vector_load %arg11[%swap3A_1626, %swap3A_1627] {strides = array<i32>} : memref<512x128xf32, #tpu.memory_space<vmem>>, vector<16xf32>,
      tpu.vector_store %arg11[%swap3A_1626, %swap3A_1627], %add3A_1625 {strides = array<i32>} : memref<512x128xf32, #tpu.memory_space<vmem>>, vector<16xf32>,
      %sub3A_1629 = arith.subf %add3A_1515, %mul3A_1556 : vector<16xf32>
      %mul3A_1630 = arith.mulf %sub3A_1629, %mul3A_1593 : vector<16xf32>
      %mul3A_1631 = arith.mulf %mul3A_1630, %get3A_162 : vector<16xf32>
      %add3A_1632 = arith.addf %mul3A_1631, %get3A_178 : vector<16xf32>
      %swap3A_1633 = arith.index_cast %add3A_1470 : i32 to index
      %swap3A_1634 = arith.constant 80 : index
      %swap3A_1635 = tpu.vector_load %arg11[%swap3A_1633, %swap3A_1634] {strides = array<i32>} : memref<512x128xf32, #tpu.memory_space<vmem>>, vector<16xf32>,
      tpu.vector_store %arg11[%swap3A_1633, %swap3A_1634], %add3A_1632 {strides = array<i32>} : memref<512x128xf32, #tpu.memory_space<vmem>>, vector<16xf32>,
      %sub3A_1636 = arith.subf %add3A_1518, %mul3A_1556 : vector<16xf32>
      %mul3A_1637 = arith.mulf %sub3A_1636, %mul3A_1593 : vector<16xf32>
      %mul3A_1638 = arith.mulf %mul3A_1637, %get3A_164 : vector<16xf32>
      %add3A_1639 = arith.addf %mul3A_1638, %get3A_180 : vector<16xf32>
      %swap3A_1640 = arith.index_cast %add3A_1470 : i32 to index
      %swap3A_1641 = arith.constant 96 : index
      %swap3A_1642 = tpu.vector_load %arg11[%swap3A_1640, %swap3A_1641] {strides = array<i32>} : memref<512x128xf32, #tpu.memory_space<vmem>>, vector<16xf32>,
      tpu.vector_store %arg11[%swap3A_1640, %swap3A_1641], %add3A_1639 {strides = array<i32>} : memref<512x128xf32, #tpu.memory_space<vmem>>, vector<16xf32>,
      %sub3A_1643 = arith.subf %add3A_1521, %mul3A_1556 : vector<16xf32>
      %mul3A_1644 = arith.mulf %sub3A_1643, %mul3A_1593 : vector<16xf32>
      %mul3A_1645 = arith.mulf %mul3A_1644, %get3A_166 : vector<16xf32>
      %add3A_1646 = arith.addf %mul3A_1645, %get3A_182 : vector<16xf32>
      %swap3A_1647 = arith.index_cast %add3A_1470 : i32 to index
      %swap3A_1648 = arith.constant 112 : index
      %swap3A_1649 = tpu.vector_load %arg11[%swap3A_1647, %swap3A_1648] {strides = array<i32>} : memref<512x128xf32, #tpu.memory_space<vmem>>, vector<16xf32>,
      tpu.vector_store %arg11[%swap3A_1647, %swap3A_1648], %add3A_1646 {strides = array<i32>} : memref<512x128xf32, #tpu.memory_space<vmem>>, vector<16xf32>,
      %mul3A_1650 = arith.constant 16 : i32
      %mul3A_1651 = arith.muli %scan3A_188, %mul3A_1650 : i32
      %add3A_1652 = arith.constant 8 : i32
      %add3A_1653 = arith.addi %mul3A_1651, %add3A_1652 : i32
      %slice3A_1654 = vector.extract_strided_slice %convert_element_type3A {offsets = [8], sizes = [1], strides = [1]} : vector<16xf32> to vector<1xf32>
      %squeeze3A_1655 = vector.extract %slice3A_1654[0] : f32 from vector<1xf32>
      %broadcast_in_dim3A_1656 = vector.broadcast %squeeze3A_1655 : f32 to vector<16xf32>
      %get3A_1657 = arith.index_cast %add3A_1653 : i32 to index
      %get3A_1658 = arith.constant 0 : index
      %get3A_1659 = tpu.vector_load %arg11[%get3A_1657, %get3A_1658] {strides = array<i32>} : memref<512x128xf32, #tpu.memory_space<vmem>>, vector<16xf32>,
      %get3A_1660 = arith.index_cast %add3A_1653 : i32 to index
      %get3A_1661 = arith.constant 16 : index
      %get3A_1662 = tpu.vector_load %arg11[%get3A_1660, %get3A_1661] {strides = array<i32>} : memref<512x128xf32, #tpu.memory_space<vmem>>, vector<16xf32>,
      %get3A_1663 = arith.index_cast %add3A_1653 : i32 to index
      %get3A_1664 = arith.constant 32 : index
      %get3A_1665 = tpu.vector_load %arg11[%get3A_1663, %get3A_1664] {strides = array<i32>} : memref<512x128xf32, #tpu.memory_space<vmem>>, vector<16xf32>,
      %get3A_1666 = arith.index_cast %add3A_1653 : i32 to index
      %get3A_1667 = arith.constant 48 : index
      %get3A_1668 = tpu.vector_load %arg11[%get3A_1666, %get3A_1667] {strides = array<i32>} : memref<512x128xf32, #tpu.memory_space<vmem>>, vector<16xf32>,
      %get3A_1669 = arith.index_cast %add3A_1653 : i32 to index
      %get3A_1670 = arith.constant 64 : index
      %get3A_1671 = tpu.vector_load %arg11[%get3A_1669, %get3A_1670] {strides = array<i32>} : memref<512x128xf32, #tpu.memory_space<vmem>>, vector<16xf32>,
      %get3A_1672 = arith.index_cast %add3A_1653 : i32 to index
      %get3A_1673 = arith.constant 80 : index
      %get3A_1674 = tpu.vector_load %arg11[%get3A_1672, %get3A_1673] {strides = array<i32>} : memref<512x128xf32, #tpu.memory_space<vmem>>, vector<16xf32>,
      %get3A_1675 = arith.index_cast %add3A_1653 : i32 to index
      %get3A_1676 = arith.constant 96 : index
      %get3A_1677 = tpu.vector_load %arg11[%get3A_1675, %get3A_1676] {strides = array<i32>} : memref<512x128xf32, #tpu.memory_space<vmem>>, vector<16xf32>,
      %get3A_1678 = arith.index_cast %add3A_1653 : i32 to index
      %get3A_1679 = arith.constant 112 : index
      %get3A_1680 = tpu.vector_load %arg11[%get3A_1678, %get3A_1679] {strides = array<i32>} : memref<512x128xf32, #tpu.memory_space<vmem>>, vector<16xf32>,
      %mul3A_1681 = arith.mulf %broadcast_in_dim3A_1656, %sub3A : vector<16xf32>
      %add3A_1682 = arith.addf %get3A_83, %mul3A_1681 : vector<16xf32>
      %add3A_1683 = arith.addf %get3A_1659, %add3A_1682 : vector<16xf32>
      %mul3A_1684 = arith.mulf %broadcast_in_dim3A_1656, %sub3A_144 : vector<16xf32>
      %add3A_1685 = arith.addf %get3A_87, %mul3A_1684 : vector<16xf32>
      %add3A_1686 = arith.addf %get3A_1662, %add3A_1685 : vector<16xf32>
      %mul3A_1687 = arith.mulf %broadcast_in_dim3A_1656, %sub3A_145 : vector<16xf32>
      %add3A_1688 = arith.addf %get3A_91, %mul3A_1687 : vector<16xf32>
      %add3A_1689 = arith.addf %get3A_1665, %add3A_1688 : vector<16xf32>
      %mul3A_1690 = arith.mulf %broadcast_in_dim3A_1656, %sub3A_146 : vector<16xf32>
      %add3A_1691 = arith.addf %get3A_95, %mul3A_1690 : vector<16xf32>
      %add3A_1692 = arith.addf %get3A_1668, %add3A_1691 : vector<16xf32>
      %mul3A_1693 = arith.mulf %broadcast_in_dim3A_1656, %sub3A_147 : vector<16xf32>
      %add3A_1694 = arith.addf %get3A_99, %mul3A_1693 : vector<16xf32>
      %add3A_1695 = arith.addf %get3A_1671, %add3A_1694 : vector<16xf32>
      %mul3A_1696 = arith.mulf %broadcast_in_dim3A_1656, %sub3A_148 : vector<16xf32>
      %add3A_1697 = arith.addf %get3A_103, %mul3A_1696 : vector<16xf32>
      %add3A_1698 = arith.addf %get3A_1674, %add3A_1697 : vector<16xf32>
      %mul3A_1699 = arith.mulf %broadcast_in_dim3A_1656, %sub3A_149 : vector<16xf32>
      %add3A_1700 = arith.addf %get3A_107, %mul3A_1699 : vector<16xf32>
      %add3A_1701 = arith.addf %get3A_1677, %add3A_1700 : vector<16xf32>
      %mul3A_1702 = arith.mulf %broadcast_in_dim3A_1656, %sub3A_150 : vector<16xf32>
      %add3A_1703 = arith.addf %get3A_111, %mul3A_1702 : vector<16xf32>
      %add3A_1704 = arith.addf %get3A_1680, %add3A_1703 : vector<16xf32>
      %add3A_1705 = arith.addf %add3A_1683, %add3A_1686 : vector<16xf32>
      %add3A_1706 = arith.addf %add3A_1705, %add3A_1689 : vector<16xf32>
      %add3A_1707 = arith.addf %add3A_1706, %add3A_1692 : vector<16xf32>
      %add3A_1708 = arith.addf %add3A_1707, %add3A_1695 : vector<16xf32>
      %add3A_1709 = arith.addf %add3A_1708, %add3A_1698 : vector<16xf32>
      %add3A_1710 = arith.addf %add3A_1709, %add3A_1701 : vector<16xf32>
      %add3A_1711 = arith.addf %add3A_1710, %add3A_1704 : vector<16xf32>
      %mul3A_1712 = arith.mulf %add3A_1683, %add3A_1683 : vector<16xf32>
      %mul3A_1713 = arith.mulf %add3A_1686, %add3A_1686 : vector<16xf32>
      %add3A_1714 = arith.addf %mul3A_1712, %mul3A_1713 : vector<16xf32>
      %mul3A_1715 = arith.mulf %add3A_1689, %add3A_1689 : vector<16xf32>
      %add3A_1716 = arith.addf %add3A_1714, %mul3A_1715 : vector<16xf32>
      %mul3A_1717 = arith.mulf %add3A_1692, %add3A_1692 : vector<16xf32>
      %add3A_1718 = arith.addf %add3A_1716, %mul3A_1717 : vector<16xf32>
      %mul3A_1719 = arith.mulf %add3A_1695, %add3A_1695 : vector<16xf32>
      %add3A_1720 = arith.addf %add3A_1718, %mul3A_1719 : vector<16xf32>
      %mul3A_1721 = arith.mulf %add3A_1698, %add3A_1698 : vector<16xf32>
      %add3A_1722 = arith.addf %add3A_1720, %mul3A_1721 : vector<16xf32>
      %mul3A_1723 = arith.mulf %add3A_1701, %add3A_1701 : vector<16xf32>
      %add3A_1724 = arith.addf %add3A_1722, %mul3A_1723 : vector<16xf32>
      %mul3A_1725 = arith.mulf %add3A_1704, %add3A_1704 : vector<16xf32>
      %add3A_1726 = arith.addf %add3A_1724, %mul3A_1725 : vector<16xf32>
      %reduce_sum3A_1727 = arith.constant true
      %reduce_sum3A_1728 = vector.broadcast %reduce_sum3A_1727 : i1 to vector<16xi1>
      %reduce_sum3A_1729 = tpu.scan <sum>, %add3A_1711 masked %reduce_sum3A_1728 : vector<16xf32>, vector<16xi1> -> vector<16xf32>
      %reduce_sum3A_1730 = vector.extract %reduce_sum3A_1729[15] : f32 from vector<16xf32>
      %broadcast_in_dim3A_1731 = vector.broadcast %reduce_sum3A_1730 : f32 to vector<16xf32>
      %reduce_sum3A_1732 = arith.constant true
      %reduce_sum3A_1733 = vector.broadcast %reduce_sum3A_1732 : i1 to vector<16xi1>
      %reduce_sum3A_1734 = tpu.scan <sum>, %add3A_1726 masked %reduce_sum3A_1733 : vector<16xf32>, vector<16xi1> -> vector<16xf32>
      %reduce_sum3A_1735 = vector.extract %reduce_sum3A_1734[15] : f32 from vector<16xf32>
      %broadcast_in_dim3A_1736 = vector.broadcast %reduce_sum3A_1735 : f32 to vector<16xf32>
      %mul3A_1737 = arith.constant 7.812500e-03 : f32
      %mul3A_1738 = vector.broadcast %mul3A_1737 : f32 to vector<16xf32>
      %mul3A_1739 = arith.mulf %broadcast_in_dim3A_1731, %mul3A_1738 : vector<16xf32>
      %mul3A_1740 = arith.constant 7.812500e-03 : f32
      %mul3A_1741 = vector.broadcast %mul3A_1740 : f32 to vector<16xf32>
      %mul3A_1742 = arith.mulf %broadcast_in_dim3A_1736, %mul3A_1741 : vector<16xf32>
      %mul3A_1743 = arith.mulf %mul3A_1739, %mul3A_1739 : vector<16xf32>
      %sub3A_1744 = arith.subf %mul3A_1742, %mul3A_1743 : vector<16xf32>
      %add3A_1745 = arith.constant 9.99999996E-13 : f32
      %add3A_1746 = vector.broadcast %add3A_1745 : f32 to vector<16xf32>
      %add3A_1747 = arith.addf %sub3A_1744, %add3A_1746 : vector<16xf32>
      %bitcast_convert_type3A_1748 = tpu.bitcast %add3A_1747 : vector<16xf32> -> vector<16xi32>
      %shift_right_arithmetic3A_1749 = arith.constant 1 : i32
      %shift_right_arithmetic3A_1750 = vector.broadcast %shift_right_arithmetic3A_1749 : i32 to vector<16xi32>
      %shift_right_arithmetic3A_1751 = arith.shrsi %bitcast_convert_type3A_1748, %shift_right_arithmetic3A_1750 : vector<16xi32>
      %sub3A_1752 = arith.constant 1597463007 : i32
      %sub3A_1753 = vector.broadcast %sub3A_1752 : i32 to vector<16xi32>
      %sub3A_1754 = arith.subi %sub3A_1753, %shift_right_arithmetic3A_1751 : vector<16xi32>
      %bitcast_convert_type3A_1755 = tpu.bitcast %sub3A_1754 : vector<16xi32> -> vector<16xf32>
      %mul3A_1756 = arith.constant 5.000000e-01 : f32
      %mul3A_1757 = vector.broadcast %mul3A_1756 : f32 to vector<16xf32>
      %mul3A_1758 = arith.mulf %add3A_1747, %mul3A_1757 : vector<16xf32>
      %mul3A_1759 = arith.mulf %mul3A_1758, %bitcast_convert_type3A_1755 : vector<16xf32>
      %mul3A_1760 = arith.mulf %mul3A_1759, %bitcast_convert_type3A_1755 : vector<16xf32>
      %sub3A_1761 = arith.constant 1.500000e+00 : f32
      %sub3A_1762 = vector.broadcast %sub3A_1761 : f32 to vector<16xf32>
      %sub3A_1763 = arith.subf %sub3A_1762, %mul3A_1760 : vector<16xf32>
      %mul3A_1764 = arith.mulf %bitcast_convert_type3A_1755, %sub3A_1763 : vector<16xf32>
      %mul3A_1765 = arith.mulf %mul3A_1758, %mul3A_1764 : vector<16xf32>
      %mul3A_1766 = arith.mulf %mul3A_1765, %mul3A_1764 : vector<16xf32>
      %sub3A_1767 = arith.constant 1.500000e+00 : f32
      %sub3A_1768 = vector.broadcast %sub3A_1767 : f32 to vector<16xf32>
      %sub3A_1769 = arith.subf %sub3A_1768, %mul3A_1766 : vector<16xf32>
      %mul3A_1770 = arith.mulf %mul3A_1764, %sub3A_1769 : vector<16xf32>
      %mul3A_1771 = arith.mulf %mul3A_1758, %mul3A_1770 : vector<16xf32>
      %mul3A_1772 = arith.mulf %mul3A_1771, %mul3A_1770 : vector<16xf32>
      %sub3A_1773 = arith.constant 1.500000e+00 : f32
      %sub3A_1774 = vector.broadcast %sub3A_1773 : f32 to vector<16xf32>
      %sub3A_1775 = arith.subf %sub3A_1774, %mul3A_1772 : vector<16xf32>
      %mul3A_1776 = arith.mulf %mul3A_1770, %sub3A_1775 : vector<16xf32>
      %sub3A_1777 = arith.subf %add3A_1683, %mul3A_1739 : vector<16xf32>
      %mul3A_1778 = arith.mulf %sub3A_1777, %mul3A_1776 : vector<16xf32>
      %mul3A_1779 = arith.mulf %mul3A_1778, %get3A_152 : vector<16xf32>
      %add3A_1780 = arith.addf %mul3A_1779, %get3A_168 : vector<16xf32>
      %swap3A_1781 = arith.index_cast %add3A_1653 : i32 to index
      %swap3A_1782 = arith.constant 0 : index
      %swap3A_1783 = tpu.vector_load %arg11[%swap3A_1781, %swap3A_1782] {strides = array<i32>} : memref<512x128xf32, #tpu.memory_space<vmem>>, vector<16xf32>,
      tpu.vector_store %arg11[%swap3A_1781, %swap3A_1782], %add3A_1780 {strides = array<i32>} : memref<512x128xf32, #tpu.memory_space<vmem>>, vector<16xf32>,
      %sub3A_1784 = arith.subf %add3A_1686, %mul3A_1739 : vector<16xf32>
      %mul3A_1785 = arith.mulf %sub3A_1784, %mul3A_1776 : vector<16xf32>
      %mul3A_1786 = arith.mulf %mul3A_1785, %get3A_154 : vector<16xf32>
      %add3A_1787 = arith.addf %mul3A_1786, %get3A_170 : vector<16xf32>
      %swap3A_1788 = arith.index_cast %add3A_1653 : i32 to index
      %swap3A_1789 = arith.constant 16 : index
      %swap3A_1790 = tpu.vector_load %arg11[%swap3A_1788, %swap3A_1789] {strides = array<i32>} : memref<512x128xf32, #tpu.memory_space<vmem>>, vector<16xf32>,
      tpu.vector_store %arg11[%swap3A_1788, %swap3A_1789], %add3A_1787 {strides = array<i32>} : memref<512x128xf32, #tpu.memory_space<vmem>>, vector<16xf32>,
      %sub3A_1791 = arith.subf %add3A_1689, %mul3A_1739 : vector<16xf32>
      %mul3A_1792 = arith.mulf %sub3A_1791, %mul3A_1776 : vector<16xf32>
      %mul3A_1793 = arith.mulf %mul3A_1792, %get3A_156 : vector<16xf32>
      %add3A_1794 = arith.addf %mul3A_1793, %get3A_172 : vector<16xf32>
      %swap3A_1795 = arith.index_cast %add3A_1653 : i32 to index
      %swap3A_1796 = arith.constant 32 : index
      %swap3A_1797 = tpu.vector_load %arg11[%swap3A_1795, %swap3A_1796] {strides = array<i32>} : memref<512x128xf32, #tpu.memory_space<vmem>>, vector<16xf32>,
      tpu.vector_store %arg11[%swap3A_1795, %swap3A_1796], %add3A_1794 {strides = array<i32>} : memref<512x128xf32, #tpu.memory_space<vmem>>, vector<16xf32>,
      %sub3A_1798 = arith.subf %add3A_1692, %mul3A_1739 : vector<16xf32>
      %mul3A_1799 = arith.mulf %sub3A_1798, %mul3A_1776 : vector<16xf32>
      %mul3A_1800 = arith.mulf %mul3A_1799, %get3A_158 : vector<16xf32>
      %add3A_1801 = arith.addf %mul3A_1800, %get3A_174 : vector<16xf32>
      %swap3A_1802 = arith.index_cast %add3A_1653 : i32 to index
      %swap3A_1803 = arith.constant 48 : index
      %swap3A_1804 = tpu.vector_load %arg11[%swap3A_1802, %swap3A_1803] {strides = array<i32>} : memref<512x128xf32, #tpu.memory_space<vmem>>, vector<16xf32>,
      tpu.vector_store %arg11[%swap3A_1802, %swap3A_1803], %add3A_1801 {strides = array<i32>} : memref<512x128xf32, #tpu.memory_space<vmem>>, vector<16xf32>,
      %sub3A_1805 = arith.subf %add3A_1695, %mul3A_1739 : vector<16xf32>
      %mul3A_1806 = arith.mulf %sub3A_1805, %mul3A_1776 : vector<16xf32>
      %mul3A_1807 = arith.mulf %mul3A_1806, %get3A_160 : vector<16xf32>
      %add3A_1808 = arith.addf %mul3A_1807, %get3A_176 : vector<16xf32>
      %swap3A_1809 = arith.index_cast %add3A_1653 : i32 to index
      %swap3A_1810 = arith.constant 64 : index
      %swap3A_1811 = tpu.vector_load %arg11[%swap3A_1809, %swap3A_1810] {strides = array<i32>} : memref<512x128xf32, #tpu.memory_space<vmem>>, vector<16xf32>,
      tpu.vector_store %arg11[%swap3A_1809, %swap3A_1810], %add3A_1808 {strides = array<i32>} : memref<512x128xf32, #tpu.memory_space<vmem>>, vector<16xf32>,
      %sub3A_1812 = arith.subf %add3A_1698, %mul3A_1739 : vector<16xf32>
      %mul3A_1813 = arith.mulf %sub3A_1812, %mul3A_1776 : vector<16xf32>
      %mul3A_1814 = arith.mulf %mul3A_1813, %get3A_162 : vector<16xf32>
      %add3A_1815 = arith.addf %mul3A_1814, %get3A_178 : vector<16xf32>
      %swap3A_1816 = arith.index_cast %add3A_1653 : i32 to index
      %swap3A_1817 = arith.constant 80 : index
      %swap3A_1818 = tpu.vector_load %arg11[%swap3A_1816, %swap3A_1817] {strides = array<i32>} : memref<512x128xf32, #tpu.memory_space<vmem>>, vector<16xf32>,
      tpu.vector_store %arg11[%swap3A_1816, %swap3A_1817], %add3A_1815 {strides = array<i32>} : memref<512x128xf32, #tpu.memory_space<vmem>>, vector<16xf32>,
      %sub3A_1819 = arith.subf %add3A_1701, %mul3A_1739 : vector<16xf32>
      %mul3A_1820 = arith.mulf %sub3A_1819, %mul3A_1776 : vector<16xf32>
      %mul3A_1821 = arith.mulf %mul3A_1820, %get3A_164 : vector<16xf32>
      %add3A_1822 = arith.addf %mul3A_1821, %get3A_180 : vector<16xf32>
      %swap3A_1823 = arith.index_cast %add3A_1653 : i32 to index
      %swap3A_1824 = arith.constant 96 : index
      %swap3A_1825 = tpu.vector_load %arg11[%swap3A_1823, %swap3A_1824] {strides = array<i32>} : memref<512x128xf32, #tpu.memory_space<vmem>>, vector<16xf32>,
      tpu.vector_store %arg11[%swap3A_1823, %swap3A_1824], %add3A_1822 {strides = array<i32>} : memref<512x128xf32, #tpu.memory_space<vmem>>, vector<16xf32>,
      %sub3A_1826 = arith.subf %add3A_1704, %mul3A_1739 : vector<16xf32>
      %mul3A_1827 = arith.mulf %sub3A_1826, %mul3A_1776 : vector<16xf32>
      %mul3A_1828 = arith.mulf %mul3A_1827, %get3A_166 : vector<16xf32>
      %add3A_1829 = arith.addf %mul3A_1828, %get3A_182 : vector<16xf32>
      %swap3A_1830 = arith.index_cast %add3A_1653 : i32 to index
      %swap3A_1831 = arith.constant 112 : index
      %swap3A_1832 = tpu.vector_load %arg11[%swap3A_1830, %swap3A_1831] {strides = array<i32>} : memref<512x128xf32, #tpu.memory_space<vmem>>, vector<16xf32>,
      tpu.vector_store %arg11[%swap3A_1830, %swap3A_1831], %add3A_1829 {strides = array<i32>} : memref<512x128xf32, #tpu.memory_space<vmem>>, vector<16xf32>,
      %mul3A_1833 = arith.constant 16 : i32
      %mul3A_1834 = arith.muli %scan3A_188, %mul3A_1833 : i32
      %add3A_1835 = arith.constant 9 : i32
      %add3A_1836 = arith.addi %mul3A_1834, %add3A_1835 : i32
      %slice3A_1837 = vector.extract_strided_slice %convert_element_type3A {offsets = [9], sizes = [1], strides = [1]} : vector<16xf32> to vector<1xf32>
      %squeeze3A_1838 = vector.extract %slice3A_1837[0] : f32 from vector<1xf32>
      %broadcast_in_dim3A_1839 = vector.broadcast %squeeze3A_1838 : f32 to vector<16xf32>
      %get3A_1840 = arith.index_cast %add3A_1836 : i32 to index
      %get3A_1841 = arith.constant 0 : index
      %get3A_1842 = tpu.vector_load %arg11[%get3A_1840, %get3A_1841] {strides = array<i32>} : memref<512x128xf32, #tpu.memory_space<vmem>>, vector<16xf32>,
      %get3A_1843 = arith.index_cast %add3A_1836 : i32 to index
      %get3A_1844 = arith.constant 16 : index
      %get3A_1845 = tpu.vector_load %arg11[%get3A_1843, %get3A_1844] {strides = array<i32>} : memref<512x128xf32, #tpu.memory_space<vmem>>, vector<16xf32>,
      %get3A_1846 = arith.index_cast %add3A_1836 : i32 to index
      %get3A_1847 = arith.constant 32 : index
      %get3A_1848 = tpu.vector_load %arg11[%get3A_1846, %get3A_1847] {strides = array<i32>} : memref<512x128xf32, #tpu.memory_space<vmem>>, vector<16xf32>,
      %get3A_1849 = arith.index_cast %add3A_1836 : i32 to index
      %get3A_1850 = arith.constant 48 : index
      %get3A_1851 = tpu.vector_load %arg11[%get3A_1849, %get3A_1850] {strides = array<i32>} : memref<512x128xf32, #tpu.memory_space<vmem>>, vector<16xf32>,
      %get3A_1852 = arith.index_cast %add3A_1836 : i32 to index
      %get3A_1853 = arith.constant 64 : index
      %get3A_1854 = tpu.vector_load %arg11[%get3A_1852, %get3A_1853] {strides = array<i32>} : memref<512x128xf32, #tpu.memory_space<vmem>>, vector<16xf32>,
      %get3A_1855 = arith.index_cast %add3A_1836 : i32 to index
      %get3A_1856 = arith.constant 80 : index
      %get3A_1857 = tpu.vector_load %arg11[%get3A_1855, %get3A_1856] {strides = array<i32>} : memref<512x128xf32, #tpu.memory_space<vmem>>, vector<16xf32>,
      %get3A_1858 = arith.index_cast %add3A_1836 : i32 to index
      %get3A_1859 = arith.constant 96 : index
      %get3A_1860 = tpu.vector_load %arg11[%get3A_1858, %get3A_1859] {strides = array<i32>} : memref<512x128xf32, #tpu.memory_space<vmem>>, vector<16xf32>,
      %get3A_1861 = arith.index_cast %add3A_1836 : i32 to index
      %get3A_1862 = arith.constant 112 : index
      %get3A_1863 = tpu.vector_load %arg11[%get3A_1861, %get3A_1862] {strides = array<i32>} : memref<512x128xf32, #tpu.memory_space<vmem>>, vector<16xf32>,
      %mul3A_1864 = arith.mulf %broadcast_in_dim3A_1839, %sub3A : vector<16xf32>
      %add3A_1865 = arith.addf %get3A_83, %mul3A_1864 : vector<16xf32>
      %add3A_1866 = arith.addf %get3A_1842, %add3A_1865 : vector<16xf32>
      %mul3A_1867 = arith.mulf %broadcast_in_dim3A_1839, %sub3A_144 : vector<16xf32>
      %add3A_1868 = arith.addf %get3A_87, %mul3A_1867 : vector<16xf32>
      %add3A_1869 = arith.addf %get3A_1845, %add3A_1868 : vector<16xf32>
      %mul3A_1870 = arith.mulf %broadcast_in_dim3A_1839, %sub3A_145 : vector<16xf32>
      %add3A_1871 = arith.addf %get3A_91, %mul3A_1870 : vector<16xf32>
      %add3A_1872 = arith.addf %get3A_1848, %add3A_1871 : vector<16xf32>
      %mul3A_1873 = arith.mulf %broadcast_in_dim3A_1839, %sub3A_146 : vector<16xf32>
      %add3A_1874 = arith.addf %get3A_95, %mul3A_1873 : vector<16xf32>
      %add3A_1875 = arith.addf %get3A_1851, %add3A_1874 : vector<16xf32>
      %mul3A_1876 = arith.mulf %broadcast_in_dim3A_1839, %sub3A_147 : vector<16xf32>
      %add3A_1877 = arith.addf %get3A_99, %mul3A_1876 : vector<16xf32>
      %add3A_1878 = arith.addf %get3A_1854, %add3A_1877 : vector<16xf32>
      %mul3A_1879 = arith.mulf %broadcast_in_dim3A_1839, %sub3A_148 : vector<16xf32>
      %add3A_1880 = arith.addf %get3A_103, %mul3A_1879 : vector<16xf32>
      %add3A_1881 = arith.addf %get3A_1857, %add3A_1880 : vector<16xf32>
      %mul3A_1882 = arith.mulf %broadcast_in_dim3A_1839, %sub3A_149 : vector<16xf32>
      %add3A_1883 = arith.addf %get3A_107, %mul3A_1882 : vector<16xf32>
      %add3A_1884 = arith.addf %get3A_1860, %add3A_1883 : vector<16xf32>
      %mul3A_1885 = arith.mulf %broadcast_in_dim3A_1839, %sub3A_150 : vector<16xf32>
      %add3A_1886 = arith.addf %get3A_111, %mul3A_1885 : vector<16xf32>
      %add3A_1887 = arith.addf %get3A_1863, %add3A_1886 : vector<16xf32>
      %add3A_1888 = arith.addf %add3A_1866, %add3A_1869 : vector<16xf32>
      %add3A_1889 = arith.addf %add3A_1888, %add3A_1872 : vector<16xf32>
      %add3A_1890 = arith.addf %add3A_1889, %add3A_1875 : vector<16xf32>
      %add3A_1891 = arith.addf %add3A_1890, %add3A_1878 : vector<16xf32>
      %add3A_1892 = arith.addf %add3A_1891, %add3A_1881 : vector<16xf32>
      %add3A_1893 = arith.addf %add3A_1892, %add3A_1884 : vector<16xf32>
      %add3A_1894 = arith.addf %add3A_1893, %add3A_1887 : vector<16xf32>
      %mul3A_1895 = arith.mulf %add3A_1866, %add3A_1866 : vector<16xf32>
      %mul3A_1896 = arith.mulf %add3A_1869, %add3A_1869 : vector<16xf32>
      %add3A_1897 = arith.addf %mul3A_1895, %mul3A_1896 : vector<16xf32>
      %mul3A_1898 = arith.mulf %add3A_1872, %add3A_1872 : vector<16xf32>
      %add3A_1899 = arith.addf %add3A_1897, %mul3A_1898 : vector<16xf32>
      %mul3A_1900 = arith.mulf %add3A_1875, %add3A_1875 : vector<16xf32>
      %add3A_1901 = arith.addf %add3A_1899, %mul3A_1900 : vector<16xf32>
      %mul3A_1902 = arith.mulf %add3A_1878, %add3A_1878 : vector<16xf32>
      %add3A_1903 = arith.addf %add3A_1901, %mul3A_1902 : vector<16xf32>
      %mul3A_1904 = arith.mulf %add3A_1881, %add3A_1881 : vector<16xf32>
      %add3A_1905 = arith.addf %add3A_1903, %mul3A_1904 : vector<16xf32>
      %mul3A_1906 = arith.mulf %add3A_1884, %add3A_1884 : vector<16xf32>
      %add3A_1907 = arith.addf %add3A_1905, %mul3A_1906 : vector<16xf32>
      %mul3A_1908 = arith.mulf %add3A_1887, %add3A_1887 : vector<16xf32>
      %add3A_1909 = arith.addf %add3A_1907, %mul3A_1908 : vector<16xf32>
      %reduce_sum3A_1910 = arith.constant true
      %reduce_sum3A_1911 = vector.broadcast %reduce_sum3A_1910 : i1 to vector<16xi1>
      %reduce_sum3A_1912 = tpu.scan <sum>, %add3A_1894 masked %reduce_sum3A_1911 : vector<16xf32>, vector<16xi1> -> vector<16xf32>
      %reduce_sum3A_1913 = vector.extract %reduce_sum3A_1912[15] : f32 from vector<16xf32>
      %broadcast_in_dim3A_1914 = vector.broadcast %reduce_sum3A_1913 : f32 to vector<16xf32>
      %reduce_sum3A_1915 = arith.constant true
      %reduce_sum3A_1916 = vector.broadcast %reduce_sum3A_1915 : i1 to vector<16xi1>
      %reduce_sum3A_1917 = tpu.scan <sum>, %add3A_1909 masked %reduce_sum3A_1916 : vector<16xf32>, vector<16xi1> -> vector<16xf32>
      %reduce_sum3A_1918 = vector.extract %reduce_sum3A_1917[15] : f32 from vector<16xf32>
      %broadcast_in_dim3A_1919 = vector.broadcast %reduce_sum3A_1918 : f32 to vector<16xf32>
      %mul3A_1920 = arith.constant 7.812500e-03 : f32
      %mul3A_1921 = vector.broadcast %mul3A_1920 : f32 to vector<16xf32>
      %mul3A_1922 = arith.mulf %broadcast_in_dim3A_1914, %mul3A_1921 : vector<16xf32>
      %mul3A_1923 = arith.constant 7.812500e-03 : f32
      %mul3A_1924 = vector.broadcast %mul3A_1923 : f32 to vector<16xf32>
      %mul3A_1925 = arith.mulf %broadcast_in_dim3A_1919, %mul3A_1924 : vector<16xf32>
      %mul3A_1926 = arith.mulf %mul3A_1922, %mul3A_1922 : vector<16xf32>
      %sub3A_1927 = arith.subf %mul3A_1925, %mul3A_1926 : vector<16xf32>
      %add3A_1928 = arith.constant 9.99999996E-13 : f32
      %add3A_1929 = vector.broadcast %add3A_1928 : f32 to vector<16xf32>
      %add3A_1930 = arith.addf %sub3A_1927, %add3A_1929 : vector<16xf32>
      %bitcast_convert_type3A_1931 = tpu.bitcast %add3A_1930 : vector<16xf32> -> vector<16xi32>
      %shift_right_arithmetic3A_1932 = arith.constant 1 : i32
      %shift_right_arithmetic3A_1933 = vector.broadcast %shift_right_arithmetic3A_1932 : i32 to vector<16xi32>
      %shift_right_arithmetic3A_1934 = arith.shrsi %bitcast_convert_type3A_1931, %shift_right_arithmetic3A_1933 : vector<16xi32>
      %sub3A_1935 = arith.constant 1597463007 : i32
      %sub3A_1936 = vector.broadcast %sub3A_1935 : i32 to vector<16xi32>
      %sub3A_1937 = arith.subi %sub3A_1936, %shift_right_arithmetic3A_1934 : vector<16xi32>
      %bitcast_convert_type3A_1938 = tpu.bitcast %sub3A_1937 : vector<16xi32> -> vector<16xf32>
      %mul3A_1939 = arith.constant 5.000000e-01 : f32
      %mul3A_1940 = vector.broadcast %mul3A_1939 : f32 to vector<16xf32>
      %mul3A_1941 = arith.mulf %add3A_1930, %mul3A_1940 : vector<16xf32>
      %mul3A_1942 = arith.mulf %mul3A_1941, %bitcast_convert_type3A_1938 : vector<16xf32>
      %mul3A_1943 = arith.mulf %mul3A_1942, %bitcast_convert_type3A_1938 : vector<16xf32>
      %sub3A_1944 = arith.constant 1.500000e+00 : f32
      %sub3A_1945 = vector.broadcast %sub3A_1944 : f32 to vector<16xf32>
      %sub3A_1946 = arith.subf %sub3A_1945, %mul3A_1943 : vector<16xf32>
      %mul3A_1947 = arith.mulf %bitcast_convert_type3A_1938, %sub3A_1946 : vector<16xf32>
      %mul3A_1948 = arith.mulf %mul3A_1941, %mul3A_1947 : vector<16xf32>
      %mul3A_1949 = arith.mulf %mul3A_1948, %mul3A_1947 : vector<16xf32>
      %sub3A_1950 = arith.constant 1.500000e+00 : f32
      %sub3A_1951 = vector.broadcast %sub3A_1950 : f32 to vector<16xf32>
      %sub3A_1952 = arith.subf %sub3A_1951, %mul3A_1949 : vector<16xf32>
      %mul3A_1953 = arith.mulf %mul3A_1947, %sub3A_1952 : vector<16xf32>
      %mul3A_1954 = arith.mulf %mul3A_1941, %mul3A_1953 : vector<16xf32>
      %mul3A_1955 = arith.mulf %mul3A_1954, %mul3A_1953 : vector<16xf32>
      %sub3A_1956 = arith.constant 1.500000e+00 : f32
      %sub3A_1957 = vector.broadcast %sub3A_1956 : f32 to vector<16xf32>
      %sub3A_1958 = arith.subf %sub3A_1957, %mul3A_1955 : vector<16xf32>
      %mul3A_1959 = arith.mulf %mul3A_1953, %sub3A_1958 : vector<16xf32>
      %sub3A_1960 = arith.subf %add3A_1866, %mul3A_1922 : vector<16xf32>
      %mul3A_1961 = arith.mulf %sub3A_1960, %mul3A_1959 : vector<16xf32>
      %mul3A_1962 = arith.mulf %mul3A_1961, %get3A_152 : vector<16xf32>
      %add3A_1963 = arith.addf %mul3A_1962, %get3A_168 : vector<16xf32>
      %swap3A_1964 = arith.index_cast %add3A_1836 : i32 to index
      %swap3A_1965 = arith.constant 0 : index
      %swap3A_1966 = tpu.vector_load %arg11[%swap3A_1964, %swap3A_1965] {strides = array<i32>} : memref<512x128xf32, #tpu.memory_space<vmem>>, vector<16xf32>,
      tpu.vector_store %arg11[%swap3A_1964, %swap3A_1965], %add3A_1963 {strides = array<i32>} : memref<512x128xf32, #tpu.memory_space<vmem>>, vector<16xf32>,
      %sub3A_1967 = arith.subf %add3A_1869, %mul3A_1922 : vector<16xf32>
      %mul3A_1968 = arith.mulf %sub3A_1967, %mul3A_1959 : vector<16xf32>
      %mul3A_1969 = arith.mulf %mul3A_1968, %get3A_154 : vector<16xf32>
      %add3A_1970 = arith.addf %mul3A_1969, %get3A_170 : vector<16xf32>
      %swap3A_1971 = arith.index_cast %add3A_1836 : i32 to index
      %swap3A_1972 = arith.constant 16 : index
      %swap3A_1973 = tpu.vector_load %arg11[%swap3A_1971, %swap3A_1972] {strides = array<i32>} : memref<512x128xf32, #tpu.memory_space<vmem>>, vector<16xf32>,
      tpu.vector_store %arg11[%swap3A_1971, %swap3A_1972], %add3A_1970 {strides = array<i32>} : memref<512x128xf32, #tpu.memory_space<vmem>>, vector<16xf32>,
      %sub3A_1974 = arith.subf %add3A_1872, %mul3A_1922 : vector<16xf32>
      %mul3A_1975 = arith.mulf %sub3A_1974, %mul3A_1959 : vector<16xf32>
      %mul3A_1976 = arith.mulf %mul3A_1975, %get3A_156 : vector<16xf32>
      %add3A_1977 = arith.addf %mul3A_1976, %get3A_172 : vector<16xf32>
      %swap3A_1978 = arith.index_cast %add3A_1836 : i32 to index
      %swap3A_1979 = arith.constant 32 : index
      %swap3A_1980 = tpu.vector_load %arg11[%swap3A_1978, %swap3A_1979] {strides = array<i32>} : memref<512x128xf32, #tpu.memory_space<vmem>>, vector<16xf32>,
      tpu.vector_store %arg11[%swap3A_1978, %swap3A_1979], %add3A_1977 {strides = array<i32>} : memref<512x128xf32, #tpu.memory_space<vmem>>, vector<16xf32>,
      %sub3A_1981 = arith.subf %add3A_1875, %mul3A_1922 : vector<16xf32>
      %mul3A_1982 = arith.mulf %sub3A_1981, %mul3A_1959 : vector<16xf32>
      %mul3A_1983 = arith.mulf %mul3A_1982, %get3A_158 : vector<16xf32>
      %add3A_1984 = arith.addf %mul3A_1983, %get3A_174 : vector<16xf32>
      %swap3A_1985 = arith.index_cast %add3A_1836 : i32 to index
      %swap3A_1986 = arith.constant 48 : index
      %swap3A_1987 = tpu.vector_load %arg11[%swap3A_1985, %swap3A_1986] {strides = array<i32>} : memref<512x128xf32, #tpu.memory_space<vmem>>, vector<16xf32>,
      tpu.vector_store %arg11[%swap3A_1985, %swap3A_1986], %add3A_1984 {strides = array<i32>} : memref<512x128xf32, #tpu.memory_space<vmem>>, vector<16xf32>,
      %sub3A_1988 = arith.subf %add3A_1878, %mul3A_1922 : vector<16xf32>
      %mul3A_1989 = arith.mulf %sub3A_1988, %mul3A_1959 : vector<16xf32>
      %mul3A_1990 = arith.mulf %mul3A_1989, %get3A_160 : vector<16xf32>
      %add3A_1991 = arith.addf %mul3A_1990, %get3A_176 : vector<16xf32>
      %swap3A_1992 = arith.index_cast %add3A_1836 : i32 to index
      %swap3A_1993 = arith.constant 64 : index
      %swap3A_1994 = tpu.vector_load %arg11[%swap3A_1992, %swap3A_1993] {strides = array<i32>} : memref<512x128xf32, #tpu.memory_space<vmem>>, vector<16xf32>,
      tpu.vector_store %arg11[%swap3A_1992, %swap3A_1993], %add3A_1991 {strides = array<i32>} : memref<512x128xf32, #tpu.memory_space<vmem>>, vector<16xf32>,
      %sub3A_1995 = arith.subf %add3A_1881, %mul3A_1922 : vector<16xf32>
      %mul3A_1996 = arith.mulf %sub3A_1995, %mul3A_1959 : vector<16xf32>
      %mul3A_1997 = arith.mulf %mul3A_1996, %get3A_162 : vector<16xf32>
      %add3A_1998 = arith.addf %mul3A_1997, %get3A_178 : vector<16xf32>
      %swap3A_1999 = arith.index_cast %add3A_1836 : i32 to index
      %swap3A_2000 = arith.constant 80 : index
      %swap3A_2001 = tpu.vector_load %arg11[%swap3A_1999, %swap3A_2000] {strides = array<i32>} : memref<512x128xf32, #tpu.memory_space<vmem>>, vector<16xf32>,
      tpu.vector_store %arg11[%swap3A_1999, %swap3A_2000], %add3A_1998 {strides = array<i32>} : memref<512x128xf32, #tpu.memory_space<vmem>>, vector<16xf32>,
      %sub3A_2002 = arith.subf %add3A_1884, %mul3A_1922 : vector<16xf32>
      %mul3A_2003 = arith.mulf %sub3A_2002, %mul3A_1959 : vector<16xf32>
      %mul3A_2004 = arith.mulf %mul3A_2003, %get3A_164 : vector<16xf32>
      %add3A_2005 = arith.addf %mul3A_2004, %get3A_180 : vector<16xf32>
      %swap3A_2006 = arith.index_cast %add3A_1836 : i32 to index
      %swap3A_2007 = arith.constant 96 : index
      %swap3A_2008 = tpu.vector_load %arg11[%swap3A_2006, %swap3A_2007] {strides = array<i32>} : memref<512x128xf32, #tpu.memory_space<vmem>>, vector<16xf32>,
      tpu.vector_store %arg11[%swap3A_2006, %swap3A_2007], %add3A_2005 {strides = array<i32>} : memref<512x128xf32, #tpu.memory_space<vmem>>, vector<16xf32>,
      %sub3A_2009 = arith.subf %add3A_1887, %mul3A_1922 : vector<16xf32>
      %mul3A_2010 = arith.mulf %sub3A_2009, %mul3A_1959 : vector<16xf32>
      %mul3A_2011 = arith.mulf %mul3A_2010, %get3A_166 : vector<16xf32>
      %add3A_2012 = arith.addf %mul3A_2011, %get3A_182 : vector<16xf32>
      %swap3A_2013 = arith.index_cast %add3A_1836 : i32 to index
      %swap3A_2014 = arith.constant 112 : index
      %swap3A_2015 = tpu.vector_load %arg11[%swap3A_2013, %swap3A_2014] {strides = array<i32>} : memref<512x128xf32, #tpu.memory_space<vmem>>, vector<16xf32>,
      tpu.vector_store %arg11[%swap3A_2013, %swap3A_2014], %add3A_2012 {strides = array<i32>} : memref<512x128xf32, #tpu.memory_space<vmem>>, vector<16xf32>,
      %mul3A_2016 = arith.constant 16 : i32
      %mul3A_2017 = arith.muli %scan3A_188, %mul3A_2016 : i32
      %add3A_2018 = arith.constant 10 : i32
      %add3A_2019 = arith.addi %mul3A_2017, %add3A_2018 : i32
      %slice3A_2020 = vector.extract_strided_slice %convert_element_type3A {offsets = [10], sizes = [1], strides = [1]} : vector<16xf32> to vector<1xf32>
      %squeeze3A_2021 = vector.extract %slice3A_2020[0] : f32 from vector<1xf32>
      %broadcast_in_dim3A_2022 = vector.broadcast %squeeze3A_2021 : f32 to vector<16xf32>
      %get3A_2023 = arith.index_cast %add3A_2019 : i32 to index
      %get3A_2024 = arith.constant 0 : index
      %get3A_2025 = tpu.vector_load %arg11[%get3A_2023, %get3A_2024] {strides = array<i32>} : memref<512x128xf32, #tpu.memory_space<vmem>>, vector<16xf32>,
      %get3A_2026 = arith.index_cast %add3A_2019 : i32 to index
      %get3A_2027 = arith.constant 16 : index
      %get3A_2028 = tpu.vector_load %arg11[%get3A_2026, %get3A_2027] {strides = array<i32>} : memref<512x128xf32, #tpu.memory_space<vmem>>, vector<16xf32>,
      %get3A_2029 = arith.index_cast %add3A_2019 : i32 to index
      %get3A_2030 = arith.constant 32 : index
      %get3A_2031 = tpu.vector_load %arg11[%get3A_2029, %get3A_2030] {strides = array<i32>} : memref<512x128xf32, #tpu.memory_space<vmem>>, vector<16xf32>,
      %get3A_2032 = arith.index_cast %add3A_2019 : i32 to index
      %get3A_2033 = arith.constant 48 : index
      %get3A_2034 = tpu.vector_load %arg11[%get3A_2032, %get3A_2033] {strides = array<i32>} : memref<512x128xf32, #tpu.memory_space<vmem>>, vector<16xf32>,
      %get3A_2035 = arith.index_cast %add3A_2019 : i32 to index
      %get3A_2036 = arith.constant 64 : index
      %get3A_2037 = tpu.vector_load %arg11[%get3A_2035, %get3A_2036] {strides = array<i32>} : memref<512x128xf32, #tpu.memory_space<vmem>>, vector<16xf32>,
      %get3A_2038 = arith.index_cast %add3A_2019 : i32 to index
      %get3A_2039 = arith.constant 80 : index
      %get3A_2040 = tpu.vector_load %arg11[%get3A_2038, %get3A_2039] {strides = array<i32>} : memref<512x128xf32, #tpu.memory_space<vmem>>, vector<16xf32>,
      %get3A_2041 = arith.index_cast %add3A_2019 : i32 to index
      %get3A_2042 = arith.constant 96 : index
      %get3A_2043 = tpu.vector_load %arg11[%get3A_2041, %get3A_2042] {strides = array<i32>} : memref<512x128xf32, #tpu.memory_space<vmem>>, vector<16xf32>,
      %get3A_2044 = arith.index_cast %add3A_2019 : i32 to index
      %get3A_2045 = arith.constant 112 : index
      %get3A_2046 = tpu.vector_load %arg11[%get3A_2044, %get3A_2045] {strides = array<i32>} : memref<512x128xf32, #tpu.memory_space<vmem>>, vector<16xf32>,
      %mul3A_2047 = arith.mulf %broadcast_in_dim3A_2022, %sub3A : vector<16xf32>
      %add3A_2048 = arith.addf %get3A_83, %mul3A_2047 : vector<16xf32>
      %add3A_2049 = arith.addf %get3A_2025, %add3A_2048 : vector<16xf32>
      %mul3A_2050 = arith.mulf %broadcast_in_dim3A_2022, %sub3A_144 : vector<16xf32>
      %add3A_2051 = arith.addf %get3A_87, %mul3A_2050 : vector<16xf32>
      %add3A_2052 = arith.addf %get3A_2028, %add3A_2051 : vector<16xf32>
      %mul3A_2053 = arith.mulf %broadcast_in_dim3A_2022, %sub3A_145 : vector<16xf32>
      %add3A_2054 = arith.addf %get3A_91, %mul3A_2053 : vector<16xf32>
      %add3A_2055 = arith.addf %get3A_2031, %add3A_2054 : vector<16xf32>
      %mul3A_2056 = arith.mulf %broadcast_in_dim3A_2022, %sub3A_146 : vector<16xf32>
      %add3A_2057 = arith.addf %get3A_95, %mul3A_2056 : vector<16xf32>
      %add3A_2058 = arith.addf %get3A_2034, %add3A_2057 : vector<16xf32>
      %mul3A_2059 = arith.mulf %broadcast_in_dim3A_2022, %sub3A_147 : vector<16xf32>
      %add3A_2060 = arith.addf %get3A_99, %mul3A_2059 : vector<16xf32>
      %add3A_2061 = arith.addf %get3A_2037, %add3A_2060 : vector<16xf32>
      %mul3A_2062 = arith.mulf %broadcast_in_dim3A_2022, %sub3A_148 : vector<16xf32>
      %add3A_2063 = arith.addf %get3A_103, %mul3A_2062 : vector<16xf32>
      %add3A_2064 = arith.addf %get3A_2040, %add3A_2063 : vector<16xf32>
      %mul3A_2065 = arith.mulf %broadcast_in_dim3A_2022, %sub3A_149 : vector<16xf32>
      %add3A_2066 = arith.addf %get3A_107, %mul3A_2065 : vector<16xf32>
      %add3A_2067 = arith.addf %get3A_2043, %add3A_2066 : vector<16xf32>
      %mul3A_2068 = arith.mulf %broadcast_in_dim3A_2022, %sub3A_150 : vector<16xf32>
      %add3A_2069 = arith.addf %get3A_111, %mul3A_2068 : vector<16xf32>
      %add3A_2070 = arith.addf %get3A_2046, %add3A_2069 : vector<16xf32>
      %add3A_2071 = arith.addf %add3A_2049, %add3A_2052 : vector<16xf32>
      %add3A_2072 = arith.addf %add3A_2071, %add3A_2055 : vector<16xf32>
      %add3A_2073 = arith.addf %add3A_2072, %add3A_2058 : vector<16xf32>
      %add3A_2074 = arith.addf %add3A_2073, %add3A_2061 : vector<16xf32>
      %add3A_2075 = arith.addf %add3A_2074, %add3A_2064 : vector<16xf32>
      %add3A_2076 = arith.addf %add3A_2075, %add3A_2067 : vector<16xf32>
      %add3A_2077 = arith.addf %add3A_2076, %add3A_2070 : vector<16xf32>
      %mul3A_2078 = arith.mulf %add3A_2049, %add3A_2049 : vector<16xf32>
      %mul3A_2079 = arith.mulf %add3A_2052, %add3A_2052 : vector<16xf32>
      %add3A_2080 = arith.addf %mul3A_2078, %mul3A_2079 : vector<16xf32>
      %mul3A_2081 = arith.mulf %add3A_2055, %add3A_2055 : vector<16xf32>
      %add3A_2082 = arith.addf %add3A_2080, %mul3A_2081 : vector<16xf32>
      %mul3A_2083 = arith.mulf %add3A_2058, %add3A_2058 : vector<16xf32>
      %add3A_2084 = arith.addf %add3A_2082, %mul3A_2083 : vector<16xf32>
      %mul3A_2085 = arith.mulf %add3A_2061, %add3A_2061 : vector<16xf32>
      %add3A_2086 = arith.addf %add3A_2084, %mul3A_2085 : vector<16xf32>
      %mul3A_2087 = arith.mulf %add3A_2064, %add3A_2064 : vector<16xf32>
      %add3A_2088 = arith.addf %add3A_2086, %mul3A_2087 : vector<16xf32>
      %mul3A_2089 = arith.mulf %add3A_2067, %add3A_2067 : vector<16xf32>
      %add3A_2090 = arith.addf %add3A_2088, %mul3A_2089 : vector<16xf32>
      %mul3A_2091 = arith.mulf %add3A_2070, %add3A_2070 : vector<16xf32>
      %add3A_2092 = arith.addf %add3A_2090, %mul3A_2091 : vector<16xf32>
      %reduce_sum3A_2093 = arith.constant true
      %reduce_sum3A_2094 = vector.broadcast %reduce_sum3A_2093 : i1 to vector<16xi1>
      %reduce_sum3A_2095 = tpu.scan <sum>, %add3A_2077 masked %reduce_sum3A_2094 : vector<16xf32>, vector<16xi1> -> vector<16xf32>
      %reduce_sum3A_2096 = vector.extract %reduce_sum3A_2095[15] : f32 from vector<16xf32>
      %broadcast_in_dim3A_2097 = vector.broadcast %reduce_sum3A_2096 : f32 to vector<16xf32>
      %reduce_sum3A_2098 = arith.constant true
      %reduce_sum3A_2099 = vector.broadcast %reduce_sum3A_2098 : i1 to vector<16xi1>
      %reduce_sum3A_2100 = tpu.scan <sum>, %add3A_2092 masked %reduce_sum3A_2099 : vector<16xf32>, vector<16xi1> -> vector<16xf32>
      %reduce_sum3A_2101 = vector.extract %reduce_sum3A_2100[15] : f32 from vector<16xf32>
      %broadcast_in_dim3A_2102 = vector.broadcast %reduce_sum3A_2101 : f32 to vector<16xf32>
      %mul3A_2103 = arith.constant 7.812500e-03 : f32
      %mul3A_2104 = vector.broadcast %mul3A_2103 : f32 to vector<16xf32>
      %mul3A_2105 = arith.mulf %broadcast_in_dim3A_2097, %mul3A_2104 : vector<16xf32>
      %mul3A_2106 = arith.constant 7.812500e-03 : f32
      %mul3A_2107 = vector.broadcast %mul3A_2106 : f32 to vector<16xf32>
      %mul3A_2108 = arith.mulf %broadcast_in_dim3A_2102, %mul3A_2107 : vector<16xf32>
      %mul3A_2109 = arith.mulf %mul3A_2105, %mul3A_2105 : vector<16xf32>
      %sub3A_2110 = arith.subf %mul3A_2108, %mul3A_2109 : vector<16xf32>
      %add3A_2111 = arith.constant 9.99999996E-13 : f32
      %add3A_2112 = vector.broadcast %add3A_2111 : f32 to vector<16xf32>
      %add3A_2113 = arith.addf %sub3A_2110, %add3A_2112 : vector<16xf32>
      %bitcast_convert_type3A_2114 = tpu.bitcast %add3A_2113 : vector<16xf32> -> vector<16xi32>
      %shift_right_arithmetic3A_2115 = arith.constant 1 : i32
      %shift_right_arithmetic3A_2116 = vector.broadcast %shift_right_arithmetic3A_2115 : i32 to vector<16xi32>
      %shift_right_arithmetic3A_2117 = arith.shrsi %bitcast_convert_type3A_2114, %shift_right_arithmetic3A_2116 : vector<16xi32>
      %sub3A_2118 = arith.constant 1597463007 : i32
      %sub3A_2119 = vector.broadcast %sub3A_2118 : i32 to vector<16xi32>
      %sub3A_2120 = arith.subi %sub3A_2119, %shift_right_arithmetic3A_2117 : vector<16xi32>
      %bitcast_convert_type3A_2121 = tpu.bitcast %sub3A_2120 : vector<16xi32> -> vector<16xf32>
      %mul3A_2122 = arith.constant 5.000000e-01 : f32
      %mul3A_2123 = vector.broadcast %mul3A_2122 : f32 to vector<16xf32>
      %mul3A_2124 = arith.mulf %add3A_2113, %mul3A_2123 : vector<16xf32>
      %mul3A_2125 = arith.mulf %mul3A_2124, %bitcast_convert_type3A_2121 : vector<16xf32>
      %mul3A_2126 = arith.mulf %mul3A_2125, %bitcast_convert_type3A_2121 : vector<16xf32>
      %sub3A_2127 = arith.constant 1.500000e+00 : f32
      %sub3A_2128 = vector.broadcast %sub3A_2127 : f32 to vector<16xf32>
      %sub3A_2129 = arith.subf %sub3A_2128, %mul3A_2126 : vector<16xf32>
      %mul3A_2130 = arith.mulf %bitcast_convert_type3A_2121, %sub3A_2129 : vector<16xf32>
      %mul3A_2131 = arith.mulf %mul3A_2124, %mul3A_2130 : vector<16xf32>
      %mul3A_2132 = arith.mulf %mul3A_2131, %mul3A_2130 : vector<16xf32>
      %sub3A_2133 = arith.constant 1.500000e+00 : f32
      %sub3A_2134 = vector.broadcast %sub3A_2133 : f32 to vector<16xf32>
      %sub3A_2135 = arith.subf %sub3A_2134, %mul3A_2132 : vector<16xf32>
      %mul3A_2136 = arith.mulf %mul3A_2130, %sub3A_2135 : vector<16xf32>
      %mul3A_2137 = arith.mulf %mul3A_2124, %mul3A_2136 : vector<16xf32>
      %mul3A_2138 = arith.mulf %mul3A_2137, %mul3A_2136 : vector<16xf32>
      %sub3A_2139 = arith.constant 1.500000e+00 : f32
      %sub3A_2140 = vector.broadcast %sub3A_2139 : f32 to vector<16xf32>
      %sub3A_2141 = arith.subf %sub3A_2140, %mul3A_2138 : vector<16xf32>
      %mul3A_2142 = arith.mulf %mul3A_2136, %sub3A_2141 : vector<16xf32>
      %sub3A_2143 = arith.subf %add3A_2049, %mul3A_2105 : vector<16xf32>
      %mul3A_2144 = arith.mulf %sub3A_2143, %mul3A_2142 : vector<16xf32>
      %mul3A_2145 = arith.mulf %mul3A_2144, %get3A_152 : vector<16xf32>
      %add3A_2146 = arith.addf %mul3A_2145, %get3A_168 : vector<16xf32>
      %swap3A_2147 = arith.index_cast %add3A_2019 : i32 to index
      %swap3A_2148 = arith.constant 0 : index
      %swap3A_2149 = tpu.vector_load %arg11[%swap3A_2147, %swap3A_2148] {strides = array<i32>} : memref<512x128xf32, #tpu.memory_space<vmem>>, vector<16xf32>,
      tpu.vector_store %arg11[%swap3A_2147, %swap3A_2148], %add3A_2146 {strides = array<i32>} : memref<512x128xf32, #tpu.memory_space<vmem>>, vector<16xf32>,
      %sub3A_2150 = arith.subf %add3A_2052, %mul3A_2105 : vector<16xf32>
      %mul3A_2151 = arith.mulf %sub3A_2150, %mul3A_2142 : vector<16xf32>
      %mul3A_2152 = arith.mulf %mul3A_2151, %get3A_154 : vector<16xf32>
      %add3A_2153 = arith.addf %mul3A_2152, %get3A_170 : vector<16xf32>
      %swap3A_2154 = arith.index_cast %add3A_2019 : i32 to index
      %swap3A_2155 = arith.constant 16 : index
      %swap3A_2156 = tpu.vector_load %arg11[%swap3A_2154, %swap3A_2155] {strides = array<i32>} : memref<512x128xf32, #tpu.memory_space<vmem>>, vector<16xf32>,
      tpu.vector_store %arg11[%swap3A_2154, %swap3A_2155], %add3A_2153 {strides = array<i32>} : memref<512x128xf32, #tpu.memory_space<vmem>>, vector<16xf32>,
      %sub3A_2157 = arith.subf %add3A_2055, %mul3A_2105 : vector<16xf32>
      %mul3A_2158 = arith.mulf %sub3A_2157, %mul3A_2142 : vector<16xf32>
      %mul3A_2159 = arith.mulf %mul3A_2158, %get3A_156 : vector<16xf32>
      %add3A_2160 = arith.addf %mul3A_2159, %get3A_172 : vector<16xf32>
      %swap3A_2161 = arith.index_cast %add3A_2019 : i32 to index
      %swap3A_2162 = arith.constant 32 : index
      %swap3A_2163 = tpu.vector_load %arg11[%swap3A_2161, %swap3A_2162] {strides = array<i32>} : memref<512x128xf32, #tpu.memory_space<vmem>>, vector<16xf32>,
      tpu.vector_store %arg11[%swap3A_2161, %swap3A_2162], %add3A_2160 {strides = array<i32>} : memref<512x128xf32, #tpu.memory_space<vmem>>, vector<16xf32>,
      %sub3A_2164 = arith.subf %add3A_2058, %mul3A_2105 : vector<16xf32>
      %mul3A_2165 = arith.mulf %sub3A_2164, %mul3A_2142 : vector<16xf32>
      %mul3A_2166 = arith.mulf %mul3A_2165, %get3A_158 : vector<16xf32>
      %add3A_2167 = arith.addf %mul3A_2166, %get3A_174 : vector<16xf32>
      %swap3A_2168 = arith.index_cast %add3A_2019 : i32 to index
      %swap3A_2169 = arith.constant 48 : index
      %swap3A_2170 = tpu.vector_load %arg11[%swap3A_2168, %swap3A_2169] {strides = array<i32>} : memref<512x128xf32, #tpu.memory_space<vmem>>, vector<16xf32>,
      tpu.vector_store %arg11[%swap3A_2168, %swap3A_2169], %add3A_2167 {strides = array<i32>} : memref<512x128xf32, #tpu.memory_space<vmem>>, vector<16xf32>,
      %sub3A_2171 = arith.subf %add3A_2061, %mul3A_2105 : vector<16xf32>
      %mul3A_2172 = arith.mulf %sub3A_2171, %mul3A_2142 : vector<16xf32>
      %mul3A_2173 = arith.mulf %mul3A_2172, %get3A_160 : vector<16xf32>
      %add3A_2174 = arith.addf %mul3A_2173, %get3A_176 : vector<16xf32>
      %swap3A_2175 = arith.index_cast %add3A_2019 : i32 to index
      %swap3A_2176 = arith.constant 64 : index
      %swap3A_2177 = tpu.vector_load %arg11[%swap3A_2175, %swap3A_2176] {strides = array<i32>} : memref<512x128xf32, #tpu.memory_space<vmem>>, vector<16xf32>,
      tpu.vector_store %arg11[%swap3A_2175, %swap3A_2176], %add3A_2174 {strides = array<i32>} : memref<512x128xf32, #tpu.memory_space<vmem>>, vector<16xf32>,
      %sub3A_2178 = arith.subf %add3A_2064, %mul3A_2105 : vector<16xf32>
      %mul3A_2179 = arith.mulf %sub3A_2178, %mul3A_2142 : vector<16xf32>
      %mul3A_2180 = arith.mulf %mul3A_2179, %get3A_162 : vector<16xf32>
      %add3A_2181 = arith.addf %mul3A_2180, %get3A_178 : vector<16xf32>
      %swap3A_2182 = arith.index_cast %add3A_2019 : i32 to index
      %swap3A_2183 = arith.constant 80 : index
      %swap3A_2184 = tpu.vector_load %arg11[%swap3A_2182, %swap3A_2183] {strides = array<i32>} : memref<512x128xf32, #tpu.memory_space<vmem>>, vector<16xf32>,
      tpu.vector_store %arg11[%swap3A_2182, %swap3A_2183], %add3A_2181 {strides = array<i32>} : memref<512x128xf32, #tpu.memory_space<vmem>>, vector<16xf32>,
      %sub3A_2185 = arith.subf %add3A_2067, %mul3A_2105 : vector<16xf32>
      %mul3A_2186 = arith.mulf %sub3A_2185, %mul3A_2142 : vector<16xf32>
      %mul3A_2187 = arith.mulf %mul3A_2186, %get3A_164 : vector<16xf32>
      %add3A_2188 = arith.addf %mul3A_2187, %get3A_180 : vector<16xf32>
      %swap3A_2189 = arith.index_cast %add3A_2019 : i32 to index
      %swap3A_2190 = arith.constant 96 : index
      %swap3A_2191 = tpu.vector_load %arg11[%swap3A_2189, %swap3A_2190] {strides = array<i32>} : memref<512x128xf32, #tpu.memory_space<vmem>>, vector<16xf32>,
      tpu.vector_store %arg11[%swap3A_2189, %swap3A_2190], %add3A_2188 {strides = array<i32>} : memref<512x128xf32, #tpu.memory_space<vmem>>, vector<16xf32>,
      %sub3A_2192 = arith.subf %add3A_2070, %mul3A_2105 : vector<16xf32>
      %mul3A_2193 = arith.mulf %sub3A_2192, %mul3A_2142 : vector<16xf32>
      %mul3A_2194 = arith.mulf %mul3A_2193, %get3A_166 : vector<16xf32>
      %add3A_2195 = arith.addf %mul3A_2194, %get3A_182 : vector<16xf32>
      %swap3A_2196 = arith.index_cast %add3A_2019 : i32 to index
      %swap3A_2197 = arith.constant 112 : index
      %swap3A_2198 = tpu.vector_load %arg11[%swap3A_2196, %swap3A_2197] {strides = array<i32>} : memref<512x128xf32, #tpu.memory_space<vmem>>, vector<16xf32>,
      tpu.vector_store %arg11[%swap3A_2196, %swap3A_2197], %add3A_2195 {strides = array<i32>} : memref<512x128xf32, #tpu.memory_space<vmem>>, vector<16xf32>,
      %mul3A_2199 = arith.constant 16 : i32
      %mul3A_2200 = arith.muli %scan3A_188, %mul3A_2199 : i32
      %add3A_2201 = arith.constant 11 : i32
      %add3A_2202 = arith.addi %mul3A_2200, %add3A_2201 : i32
      %slice3A_2203 = vector.extract_strided_slice %convert_element_type3A {offsets = [11], sizes = [1], strides = [1]} : vector<16xf32> to vector<1xf32>
      %squeeze3A_2204 = vector.extract %slice3A_2203[0] : f32 from vector<1xf32>
      %broadcast_in_dim3A_2205 = vector.broadcast %squeeze3A_2204 : f32 to vector<16xf32>
      %get3A_2206 = arith.index_cast %add3A_2202 : i32 to index
      %get3A_2207 = arith.constant 0 : index
      %get3A_2208 = tpu.vector_load %arg11[%get3A_2206, %get3A_2207] {strides = array<i32>} : memref<512x128xf32, #tpu.memory_space<vmem>>, vector<16xf32>,
      %get3A_2209 = arith.index_cast %add3A_2202 : i32 to index
      %get3A_2210 = arith.constant 16 : index
      %get3A_2211 = tpu.vector_load %arg11[%get3A_2209, %get3A_2210] {strides = array<i32>} : memref<512x128xf32, #tpu.memory_space<vmem>>, vector<16xf32>,
      %get3A_2212 = arith.index_cast %add3A_2202 : i32 to index
      %get3A_2213 = arith.constant 32 : index
      %get3A_2214 = tpu.vector_load %arg11[%get3A_2212, %get3A_2213] {strides = array<i32>} : memref<512x128xf32, #tpu.memory_space<vmem>>, vector<16xf32>,
      %get3A_2215 = arith.index_cast %add3A_2202 : i32 to index
      %get3A_2216 = arith.constant 48 : index
      %get3A_2217 = tpu.vector_load %arg11[%get3A_2215, %get3A_2216] {strides = array<i32>} : memref<512x128xf32, #tpu.memory_space<vmem>>, vector<16xf32>,
      %get3A_2218 = arith.index_cast %add3A_2202 : i32 to index
      %get3A_2219 = arith.constant 64 : index
      %get3A_2220 = tpu.vector_load %arg11[%get3A_2218, %get3A_2219] {strides = array<i32>} : memref<512x128xf32, #tpu.memory_space<vmem>>, vector<16xf32>,
      %get3A_2221 = arith.index_cast %add3A_2202 : i32 to index
      %get3A_2222 = arith.constant 80 : index
      %get3A_2223 = tpu.vector_load %arg11[%get3A_2221, %get3A_2222] {strides = array<i32>} : memref<512x128xf32, #tpu.memory_space<vmem>>, vector<16xf32>,
      %get3A_2224 = arith.index_cast %add3A_2202 : i32 to index
      %get3A_2225 = arith.constant 96 : index
      %get3A_2226 = tpu.vector_load %arg11[%get3A_2224, %get3A_2225] {strides = array<i32>} : memref<512x128xf32, #tpu.memory_space<vmem>>, vector<16xf32>,
      %get3A_2227 = arith.index_cast %add3A_2202 : i32 to index
      %get3A_2228 = arith.constant 112 : index
      %get3A_2229 = tpu.vector_load %arg11[%get3A_2227, %get3A_2228] {strides = array<i32>} : memref<512x128xf32, #tpu.memory_space<vmem>>, vector<16xf32>,
      %mul3A_2230 = arith.mulf %broadcast_in_dim3A_2205, %sub3A : vector<16xf32>
      %add3A_2231 = arith.addf %get3A_83, %mul3A_2230 : vector<16xf32>
      %add3A_2232 = arith.addf %get3A_2208, %add3A_2231 : vector<16xf32>
      %mul3A_2233 = arith.mulf %broadcast_in_dim3A_2205, %sub3A_144 : vector<16xf32>
      %add3A_2234 = arith.addf %get3A_87, %mul3A_2233 : vector<16xf32>
      %add3A_2235 = arith.addf %get3A_2211, %add3A_2234 : vector<16xf32>
      %mul3A_2236 = arith.mulf %broadcast_in_dim3A_2205, %sub3A_145 : vector<16xf32>
      %add3A_2237 = arith.addf %get3A_91, %mul3A_2236 : vector<16xf32>
      %add3A_2238 = arith.addf %get3A_2214, %add3A_2237 : vector<16xf32>
      %mul3A_2239 = arith.mulf %broadcast_in_dim3A_2205, %sub3A_146 : vector<16xf32>
      %add3A_2240 = arith.addf %get3A_95, %mul3A_2239 : vector<16xf32>
      %add3A_2241 = arith.addf %get3A_2217, %add3A_2240 : vector<16xf32>
      %mul3A_2242 = arith.mulf %broadcast_in_dim3A_2205, %sub3A_147 : vector<16xf32>
      %add3A_2243 = arith.addf %get3A_99, %mul3A_2242 : vector<16xf32>
      %add3A_2244 = arith.addf %get3A_2220, %add3A_2243 : vector<16xf32>
      %mul3A_2245 = arith.mulf %broadcast_in_dim3A_2205, %sub3A_148 : vector<16xf32>
      %add3A_2246 = arith.addf %get3A_103, %mul3A_2245 : vector<16xf32>
      %add3A_2247 = arith.addf %get3A_2223, %add3A_2246 : vector<16xf32>
      %mul3A_2248 = arith.mulf %broadcast_in_dim3A_2205, %sub3A_149 : vector<16xf32>
      %add3A_2249 = arith.addf %get3A_107, %mul3A_2248 : vector<16xf32>
      %add3A_2250 = arith.addf %get3A_2226, %add3A_2249 : vector<16xf32>
      %mul3A_2251 = arith.mulf %broadcast_in_dim3A_2205, %sub3A_150 : vector<16xf32>
      %add3A_2252 = arith.addf %get3A_111, %mul3A_2251 : vector<16xf32>
      %add3A_2253 = arith.addf %get3A_2229, %add3A_2252 : vector<16xf32>
      %add3A_2254 = arith.addf %add3A_2232, %add3A_2235 : vector<16xf32>
      %add3A_2255 = arith.addf %add3A_2254, %add3A_2238 : vector<16xf32>
      %add3A_2256 = arith.addf %add3A_2255, %add3A_2241 : vector<16xf32>
      %add3A_2257 = arith.addf %add3A_2256, %add3A_2244 : vector<16xf32>
      %add3A_2258 = arith.addf %add3A_2257, %add3A_2247 : vector<16xf32>
      %add3A_2259 = arith.addf %add3A_2258, %add3A_2250 : vector<16xf32>
      %add3A_2260 = arith.addf %add3A_2259, %add3A_2253 : vector<16xf32>
      %mul3A_2261 = arith.mulf %add3A_2232, %add3A_2232 : vector<16xf32>
      %mul3A_2262 = arith.mulf %add3A_2235, %add3A_2235 : vector<16xf32>
      %add3A_2263 = arith.addf %mul3A_2261, %mul3A_2262 : vector<16xf32>
      %mul3A_2264 = arith.mulf %add3A_2238, %add3A_2238 : vector<16xf32>
      %add3A_2265 = arith.addf %add3A_2263, %mul3A_2264 : vector<16xf32>
      %mul3A_2266 = arith.mulf %add3A_2241, %add3A_2241 : vector<16xf32>
      %add3A_2267 = arith.addf %add3A_2265, %mul3A_2266 : vector<16xf32>
      %mul3A_2268 = arith.mulf %add3A_2244, %add3A_2244 : vector<16xf32>
      %add3A_2269 = arith.addf %add3A_2267, %mul3A_2268 : vector<16xf32>
      %mul3A_2270 = arith.mulf %add3A_2247, %add3A_2247 : vector<16xf32>
      %add3A_2271 = arith.addf %add3A_2269, %mul3A_2270 : vector<16xf32>
      %mul3A_2272 = arith.mulf %add3A_2250, %add3A_2250 : vector<16xf32>
      %add3A_2273 = arith.addf %add3A_2271, %mul3A_2272 : vector<16xf32>
      %mul3A_2274 = arith.mulf %add3A_2253, %add3A_2253 : vector<16xf32>
      %add3A_2275 = arith.addf %add3A_2273, %mul3A_2274 : vector<16xf32>
      %reduce_sum3A_2276 = arith.constant true
      %reduce_sum3A_2277 = vector.broadcast %reduce_sum3A_2276 : i1 to vector<16xi1>
      %reduce_sum3A_2278 = tpu.scan <sum>, %add3A_2260 masked %reduce_sum3A_2277 : vector<16xf32>, vector<16xi1> -> vector<16xf32>
      %reduce_sum3A_2279 = vector.extract %reduce_sum3A_2278[15] : f32 from vector<16xf32>
      %broadcast_in_dim3A_2280 = vector.broadcast %reduce_sum3A_2279 : f32 to vector<16xf32>
      %reduce_sum3A_2281 = arith.constant true
      %reduce_sum3A_2282 = vector.broadcast %reduce_sum3A_2281 : i1 to vector<16xi1>
      %reduce_sum3A_2283 = tpu.scan <sum>, %add3A_2275 masked %reduce_sum3A_2282 : vector<16xf32>, vector<16xi1> -> vector<16xf32>
      %reduce_sum3A_2284 = vector.extract %reduce_sum3A_2283[15] : f32 from vector<16xf32>
      %broadcast_in_dim3A_2285 = vector.broadcast %reduce_sum3A_2284 : f32 to vector<16xf32>
      %mul3A_2286 = arith.constant 7.812500e-03 : f32
      %mul3A_2287 = vector.broadcast %mul3A_2286 : f32 to vector<16xf32>
      %mul3A_2288 = arith.mulf %broadcast_in_dim3A_2280, %mul3A_2287 : vector<16xf32>
      %mul3A_2289 = arith.constant 7.812500e-03 : f32
      %mul3A_2290 = vector.broadcast %mul3A_2289 : f32 to vector<16xf32>
      %mul3A_2291 = arith.mulf %broadcast_in_dim3A_2285, %mul3A_2290 : vector<16xf32>
      %mul3A_2292 = arith.mulf %mul3A_2288, %mul3A_2288 : vector<16xf32>
      %sub3A_2293 = arith.subf %mul3A_2291, %mul3A_2292 : vector<16xf32>
      %add3A_2294 = arith.constant 9.99999996E-13 : f32
      %add3A_2295 = vector.broadcast %add3A_2294 : f32 to vector<16xf32>
      %add3A_2296 = arith.addf %sub3A_2293, %add3A_2295 : vector<16xf32>
      %bitcast_convert_type3A_2297 = tpu.bitcast %add3A_2296 : vector<16xf32> -> vector<16xi32>
      %shift_right_arithmetic3A_2298 = arith.constant 1 : i32
      %shift_right_arithmetic3A_2299 = vector.broadcast %shift_right_arithmetic3A_2298 : i32 to vector<16xi32>
      %shift_right_arithmetic3A_2300 = arith.shrsi %bitcast_convert_type3A_2297, %shift_right_arithmetic3A_2299 : vector<16xi32>
      %sub3A_2301 = arith.constant 1597463007 : i32
      %sub3A_2302 = vector.broadcast %sub3A_2301 : i32 to vector<16xi32>
      %sub3A_2303 = arith.subi %sub3A_2302, %shift_right_arithmetic3A_2300 : vector<16xi32>
      %bitcast_convert_type3A_2304 = tpu.bitcast %sub3A_2303 : vector<16xi32> -> vector<16xf32>
      %mul3A_2305 = arith.constant 5.000000e-01 : f32
      %mul3A_2306 = vector.broadcast %mul3A_2305 : f32 to vector<16xf32>
      %mul3A_2307 = arith.mulf %add3A_2296, %mul3A_2306 : vector<16xf32>
      %mul3A_2308 = arith.mulf %mul3A_2307, %bitcast_convert_type3A_2304 : vector<16xf32>
      %mul3A_2309 = arith.mulf %mul3A_2308, %bitcast_convert_type3A_2304 : vector<16xf32>
      %sub3A_2310 = arith.constant 1.500000e+00 : f32
      %sub3A_2311 = vector.broadcast %sub3A_2310 : f32 to vector<16xf32>
      %sub3A_2312 = arith.subf %sub3A_2311, %mul3A_2309 : vector<16xf32>
      %mul3A_2313 = arith.mulf %bitcast_convert_type3A_2304, %sub3A_2312 : vector<16xf32>
      %mul3A_2314 = arith.mulf %mul3A_2307, %mul3A_2313 : vector<16xf32>
      %mul3A_2315 = arith.mulf %mul3A_2314, %mul3A_2313 : vector<16xf32>
      %sub3A_2316 = arith.constant 1.500000e+00 : f32
      %sub3A_2317 = vector.broadcast %sub3A_2316 : f32 to vector<16xf32>
      %sub3A_2318 = arith.subf %sub3A_2317, %mul3A_2315 : vector<16xf32>
      %mul3A_2319 = arith.mulf %mul3A_2313, %sub3A_2318 : vector<16xf32>
      %mul3A_2320 = arith.mulf %mul3A_2307, %mul3A_2319 : vector<16xf32>
      %mul3A_2321 = arith.mulf %mul3A_2320, %mul3A_2319 : vector<16xf32>
      %sub3A_2322 = arith.constant 1.500000e+00 : f32
      %sub3A_2323 = vector.broadcast %sub3A_2322 : f32 to vector<16xf32>
      %sub3A_2324 = arith.subf %sub3A_2323, %mul3A_2321 : vector<16xf32>
      %mul3A_2325 = arith.mulf %mul3A_2319, %sub3A_2324 : vector<16xf32>
      %sub3A_2326 = arith.subf %add3A_2232, %mul3A_2288 : vector<16xf32>
      %mul3A_2327 = arith.mulf %sub3A_2326, %mul3A_2325 : vector<16xf32>
      %mul3A_2328 = arith.mulf %mul3A_2327, %get3A_152 : vector<16xf32>
      %add3A_2329 = arith.addf %mul3A_2328, %get3A_168 : vector<16xf32>
      %swap3A_2330 = arith.index_cast %add3A_2202 : i32 to index
      %swap3A_2331 = arith.constant 0 : index
      %swap3A_2332 = tpu.vector_load %arg11[%swap3A_2330, %swap3A_2331] {strides = array<i32>} : memref<512x128xf32, #tpu.memory_space<vmem>>, vector<16xf32>,
      tpu.vector_store %arg11[%swap3A_2330, %swap3A_2331], %add3A_2329 {strides = array<i32>} : memref<512x128xf32, #tpu.memory_space<vmem>>, vector<16xf32>,
      %sub3A_2333 = arith.subf %add3A_2235, %mul3A_2288 : vector<16xf32>
      %mul3A_2334 = arith.mulf %sub3A_2333, %mul3A_2325 : vector<16xf32>
      %mul3A_2335 = arith.mulf %mul3A_2334, %get3A_154 : vector<16xf32>
      %add3A_2336 = arith.addf %mul3A_2335, %get3A_170 : vector<16xf32>
      %swap3A_2337 = arith.index_cast %add3A_2202 : i32 to index
      %swap3A_2338 = arith.constant 16 : index
      %swap3A_2339 = tpu.vector_load %arg11[%swap3A_2337, %swap3A_2338] {strides = array<i32>} : memref<512x128xf32, #tpu.memory_space<vmem>>, vector<16xf32>,
      tpu.vector_store %arg11[%swap3A_2337, %swap3A_2338], %add3A_2336 {strides = array<i32>} : memref<512x128xf32, #tpu.memory_space<vmem>>, vector<16xf32>,
      %sub3A_2340 = arith.subf %add3A_2238, %mul3A_2288 : vector<16xf32>
      %mul3A_2341 = arith.mulf %sub3A_2340, %mul3A_2325 : vector<16xf32>
      %mul3A_2342 = arith.mulf %mul3A_2341, %get3A_156 : vector<16xf32>
      %add3A_2343 = arith.addf %mul3A_2342, %get3A_172 : vector<16xf32>
      %swap3A_2344 = arith.index_cast %add3A_2202 : i32 to index
      %swap3A_2345 = arith.constant 32 : index
      %swap3A_2346 = tpu.vector_load %arg11[%swap3A_2344, %swap3A_2345] {strides = array<i32>} : memref<512x128xf32, #tpu.memory_space<vmem>>, vector<16xf32>,
      tpu.vector_store %arg11[%swap3A_2344, %swap3A_2345], %add3A_2343 {strides = array<i32>} : memref<512x128xf32, #tpu.memory_space<vmem>>, vector<16xf32>,
      %sub3A_2347 = arith.subf %add3A_2241, %mul3A_2288 : vector<16xf32>
      %mul3A_2348 = arith.mulf %sub3A_2347, %mul3A_2325 : vector<16xf32>
      %mul3A_2349 = arith.mulf %mul3A_2348, %get3A_158 : vector<16xf32>
      %add3A_2350 = arith.addf %mul3A_2349, %get3A_174 : vector<16xf32>
      %swap3A_2351 = arith.index_cast %add3A_2202 : i32 to index
      %swap3A_2352 = arith.constant 48 : index
      %swap3A_2353 = tpu.vector_load %arg11[%swap3A_2351, %swap3A_2352] {strides = array<i32>} : memref<512x128xf32, #tpu.memory_space<vmem>>, vector<16xf32>,
      tpu.vector_store %arg11[%swap3A_2351, %swap3A_2352], %add3A_2350 {strides = array<i32>} : memref<512x128xf32, #tpu.memory_space<vmem>>, vector<16xf32>,
      %sub3A_2354 = arith.subf %add3A_2244, %mul3A_2288 : vector<16xf32>
      %mul3A_2355 = arith.mulf %sub3A_2354, %mul3A_2325 : vector<16xf32>
      %mul3A_2356 = arith.mulf %mul3A_2355, %get3A_160 : vector<16xf32>
      %add3A_2357 = arith.addf %mul3A_2356, %get3A_176 : vector<16xf32>
      %swap3A_2358 = arith.index_cast %add3A_2202 : i32 to index
      %swap3A_2359 = arith.constant 64 : index
      %swap3A_2360 = tpu.vector_load %arg11[%swap3A_2358, %swap3A_2359] {strides = array<i32>} : memref<512x128xf32, #tpu.memory_space<vmem>>, vector<16xf32>,
      tpu.vector_store %arg11[%swap3A_2358, %swap3A_2359], %add3A_2357 {strides = array<i32>} : memref<512x128xf32, #tpu.memory_space<vmem>>, vector<16xf32>,
      %sub3A_2361 = arith.subf %add3A_2247, %mul3A_2288 : vector<16xf32>
      %mul3A_2362 = arith.mulf %sub3A_2361, %mul3A_2325 : vector<16xf32>
      %mul3A_2363 = arith.mulf %mul3A_2362, %get3A_162 : vector<16xf32>
      %add3A_2364 = arith.addf %mul3A_2363, %get3A_178 : vector<16xf32>
      %swap3A_2365 = arith.index_cast %add3A_2202 : i32 to index
      %swap3A_2366 = arith.constant 80 : index
      %swap3A_2367 = tpu.vector_load %arg11[%swap3A_2365, %swap3A_2366] {strides = array<i32>} : memref<512x128xf32, #tpu.memory_space<vmem>>, vector<16xf32>,
      tpu.vector_store %arg11[%swap3A_2365, %swap3A_2366], %add3A_2364 {strides = array<i32>} : memref<512x128xf32, #tpu.memory_space<vmem>>, vector<16xf32>,
      %sub3A_2368 = arith.subf %add3A_2250, %mul3A_2288 : vector<16xf32>
      %mul3A_2369 = arith.mulf %sub3A_2368, %mul3A_2325 : vector<16xf32>
      %mul3A_2370 = arith.mulf %mul3A_2369, %get3A_164 : vector<16xf32>
      %add3A_2371 = arith.addf %mul3A_2370, %get3A_180 : vector<16xf32>
      %swap3A_2372 = arith.index_cast %add3A_2202 : i32 to index
      %swap3A_2373 = arith.constant 96 : index
      %swap3A_2374 = tpu.vector_load %arg11[%swap3A_2372, %swap3A_2373] {strides = array<i32>} : memref<512x128xf32, #tpu.memory_space<vmem>>, vector<16xf32>,
      tpu.vector_store %arg11[%swap3A_2372, %swap3A_2373], %add3A_2371 {strides = array<i32>} : memref<512x128xf32, #tpu.memory_space<vmem>>, vector<16xf32>,
      %sub3A_2375 = arith.subf %add3A_2253, %mul3A_2288 : vector<16xf32>
      %mul3A_2376 = arith.mulf %sub3A_2375, %mul3A_2325 : vector<16xf32>
      %mul3A_2377 = arith.mulf %mul3A_2376, %get3A_166 : vector<16xf32>
      %add3A_2378 = arith.addf %mul3A_2377, %get3A_182 : vector<16xf32>
      %swap3A_2379 = arith.index_cast %add3A_2202 : i32 to index
      %swap3A_2380 = arith.constant 112 : index
      %swap3A_2381 = tpu.vector_load %arg11[%swap3A_2379, %swap3A_2380] {strides = array<i32>} : memref<512x128xf32, #tpu.memory_space<vmem>>, vector<16xf32>,
      tpu.vector_store %arg11[%swap3A_2379, %swap3A_2380], %add3A_2378 {strides = array<i32>} : memref<512x128xf32, #tpu.memory_space<vmem>>, vector<16xf32>,
      %mul3A_2382 = arith.constant 16 : i32
      %mul3A_2383 = arith.muli %scan3A_188, %mul3A_2382 : i32
      %add3A_2384 = arith.constant 12 : i32
      %add3A_2385 = arith.addi %mul3A_2383, %add3A_2384 : i32
      %slice3A_2386 = vector.extract_strided_slice %convert_element_type3A {offsets = [12], sizes = [1], strides = [1]} : vector<16xf32> to vector<1xf32>
      %squeeze3A_2387 = vector.extract %slice3A_2386[0] : f32 from vector<1xf32>
      %broadcast_in_dim3A_2388 = vector.broadcast %squeeze3A_2387 : f32 to vector<16xf32>
      %get3A_2389 = arith.index_cast %add3A_2385 : i32 to index
      %get3A_2390 = arith.constant 0 : index
      %get3A_2391 = tpu.vector_load %arg11[%get3A_2389, %get3A_2390] {strides = array<i32>} : memref<512x128xf32, #tpu.memory_space<vmem>>, vector<16xf32>,
      %get3A_2392 = arith.index_cast %add3A_2385 : i32 to index
      %get3A_2393 = arith.constant 16 : index
      %get3A_2394 = tpu.vector_load %arg11[%get3A_2392, %get3A_2393] {strides = array<i32>} : memref<512x128xf32, #tpu.memory_space<vmem>>, vector<16xf32>,
      %get3A_2395 = arith.index_cast %add3A_2385 : i32 to index
      %get3A_2396 = arith.constant 32 : index
      %get3A_2397 = tpu.vector_load %arg11[%get3A_2395, %get3A_2396] {strides = array<i32>} : memref<512x128xf32, #tpu.memory_space<vmem>>, vector<16xf32>,
      %get3A_2398 = arith.index_cast %add3A_2385 : i32 to index
      %get3A_2399 = arith.constant 48 : index
      %get3A_2400 = tpu.vector_load %arg11[%get3A_2398, %get3A_2399] {strides = array<i32>} : memref<512x128xf32, #tpu.memory_space<vmem>>, vector<16xf32>,
      %get3A_2401 = arith.index_cast %add3A_2385 : i32 to index
      %get3A_2402 = arith.constant 64 : index
      %get3A_2403 = tpu.vector_load %arg11[%get3A_2401, %get3A_2402] {strides = array<i32>} : memref<512x128xf32, #tpu.memory_space<vmem>>, vector<16xf32>,
      %get3A_2404 = arith.index_cast %add3A_2385 : i32 to index
      %get3A_2405 = arith.constant 80 : index
      %get3A_2406 = tpu.vector_load %arg11[%get3A_2404, %get3A_2405] {strides = array<i32>} : memref<512x128xf32, #tpu.memory_space<vmem>>, vector<16xf32>,
      %get3A_2407 = arith.index_cast %add3A_2385 : i32 to index
      %get3A_2408 = arith.constant 96 : index
      %get3A_2409 = tpu.vector_load %arg11[%get3A_2407, %get3A_2408] {strides = array<i32>} : memref<512x128xf32, #tpu.memory_space<vmem>>, vector<16xf32>,
      %get3A_2410 = arith.index_cast %add3A_2385 : i32 to index
      %get3A_2411 = arith.constant 112 : index
      %get3A_2412 = tpu.vector_load %arg11[%get3A_2410, %get3A_2411] {strides = array<i32>} : memref<512x128xf32, #tpu.memory_space<vmem>>, vector<16xf32>,
      %mul3A_2413 = arith.mulf %broadcast_in_dim3A_2388, %sub3A : vector<16xf32>
      %add3A_2414 = arith.addf %get3A_83, %mul3A_2413 : vector<16xf32>
      %add3A_2415 = arith.addf %get3A_2391, %add3A_2414 : vector<16xf32>
      %mul3A_2416 = arith.mulf %broadcast_in_dim3A_2388, %sub3A_144 : vector<16xf32>
      %add3A_2417 = arith.addf %get3A_87, %mul3A_2416 : vector<16xf32>
      %add3A_2418 = arith.addf %get3A_2394, %add3A_2417 : vector<16xf32>
      %mul3A_2419 = arith.mulf %broadcast_in_dim3A_2388, %sub3A_145 : vector<16xf32>
      %add3A_2420 = arith.addf %get3A_91, %mul3A_2419 : vector<16xf32>
      %add3A_2421 = arith.addf %get3A_2397, %add3A_2420 : vector<16xf32>
      %mul3A_2422 = arith.mulf %broadcast_in_dim3A_2388, %sub3A_146 : vector<16xf32>
      %add3A_2423 = arith.addf %get3A_95, %mul3A_2422 : vector<16xf32>
      %add3A_2424 = arith.addf %get3A_2400, %add3A_2423 : vector<16xf32>
      %mul3A_2425 = arith.mulf %broadcast_in_dim3A_2388, %sub3A_147 : vector<16xf32>
      %add3A_2426 = arith.addf %get3A_99, %mul3A_2425 : vector<16xf32>
      %add3A_2427 = arith.addf %get3A_2403, %add3A_2426 : vector<16xf32>
      %mul3A_2428 = arith.mulf %broadcast_in_dim3A_2388, %sub3A_148 : vector<16xf32>
      %add3A_2429 = arith.addf %get3A_103, %mul3A_2428 : vector<16xf32>
      %add3A_2430 = arith.addf %get3A_2406, %add3A_2429 : vector<16xf32>
      %mul3A_2431 = arith.mulf %broadcast_in_dim3A_2388, %sub3A_149 : vector<16xf32>
      %add3A_2432 = arith.addf %get3A_107, %mul3A_2431 : vector<16xf32>
      %add3A_2433 = arith.addf %get3A_2409, %add3A_2432 : vector<16xf32>
      %mul3A_2434 = arith.mulf %broadcast_in_dim3A_2388, %sub3A_150 : vector<16xf32>
      %add3A_2435 = arith.addf %get3A_111, %mul3A_2434 : vector<16xf32>
      %add3A_2436 = arith.addf %get3A_2412, %add3A_2435 : vector<16xf32>
      %add3A_2437 = arith.addf %add3A_2415, %add3A_2418 : vector<16xf32>
      %add3A_2438 = arith.addf %add3A_2437, %add3A_2421 : vector<16xf32>
      %add3A_2439 = arith.addf %add3A_2438, %add3A_2424 : vector<16xf32>
      %add3A_2440 = arith.addf %add3A_2439, %add3A_2427 : vector<16xf32>
      %add3A_2441 = arith.addf %add3A_2440, %add3A_2430 : vector<16xf32>
      %add3A_2442 = arith.addf %add3A_2441, %add3A_2433 : vector<16xf32>
      %add3A_2443 = arith.addf %add3A_2442, %add3A_2436 : vector<16xf32>
      %mul3A_2444 = arith.mulf %add3A_2415, %add3A_2415 : vector<16xf32>
      %mul3A_2445 = arith.mulf %add3A_2418, %add3A_2418 : vector<16xf32>
      %add3A_2446 = arith.addf %mul3A_2444, %mul3A_2445 : vector<16xf32>
      %mul3A_2447 = arith.mulf %add3A_2421, %add3A_2421 : vector<16xf32>
      %add3A_2448 = arith.addf %add3A_2446, %mul3A_2447 : vector<16xf32>
      %mul3A_2449 = arith.mulf %add3A_2424, %add3A_2424 : vector<16xf32>
      %add3A_2450 = arith.addf %add3A_2448, %mul3A_2449 : vector<16xf32>
      %mul3A_2451 = arith.mulf %add3A_2427, %add3A_2427 : vector<16xf32>
      %add3A_2452 = arith.addf %add3A_2450, %mul3A_2451 : vector<16xf32>
      %mul3A_2453 = arith.mulf %add3A_2430, %add3A_2430 : vector<16xf32>
      %add3A_2454 = arith.addf %add3A_2452, %mul3A_2453 : vector<16xf32>
      %mul3A_2455 = arith.mulf %add3A_2433, %add3A_2433 : vector<16xf32>
      %add3A_2456 = arith.addf %add3A_2454, %mul3A_2455 : vector<16xf32>
      %mul3A_2457 = arith.mulf %add3A_2436, %add3A_2436 : vector<16xf32>
      %add3A_2458 = arith.addf %add3A_2456, %mul3A_2457 : vector<16xf32>
      %reduce_sum3A_2459 = arith.constant true
      %reduce_sum3A_2460 = vector.broadcast %reduce_sum3A_2459 : i1 to vector<16xi1>
      %reduce_sum3A_2461 = tpu.scan <sum>, %add3A_2443 masked %reduce_sum3A_2460 : vector<16xf32>, vector<16xi1> -> vector<16xf32>
      %reduce_sum3A_2462 = vector.extract %reduce_sum3A_2461[15] : f32 from vector<16xf32>
      %broadcast_in_dim3A_2463 = vector.broadcast %reduce_sum3A_2462 : f32 to vector<16xf32>
      %reduce_sum3A_2464 = arith.constant true
      %reduce_sum3A_2465 = vector.broadcast %reduce_sum3A_2464 : i1 to vector<16xi1>
      %reduce_sum3A_2466 = tpu.scan <sum>, %add3A_2458 masked %reduce_sum3A_2465 : vector<16xf32>, vector<16xi1> -> vector<16xf32>
      %reduce_sum3A_2467 = vector.extract %reduce_sum3A_2466[15] : f32 from vector<16xf32>
      %broadcast_in_dim3A_2468 = vector.broadcast %reduce_sum3A_2467 : f32 to vector<16xf32>
      %mul3A_2469 = arith.constant 7.812500e-03 : f32
      %mul3A_2470 = vector.broadcast %mul3A_2469 : f32 to vector<16xf32>
      %mul3A_2471 = arith.mulf %broadcast_in_dim3A_2463, %mul3A_2470 : vector<16xf32>
      %mul3A_2472 = arith.constant 7.812500e-03 : f32
      %mul3A_2473 = vector.broadcast %mul3A_2472 : f32 to vector<16xf32>
      %mul3A_2474 = arith.mulf %broadcast_in_dim3A_2468, %mul3A_2473 : vector<16xf32>
      %mul3A_2475 = arith.mulf %mul3A_2471, %mul3A_2471 : vector<16xf32>
      %sub3A_2476 = arith.subf %mul3A_2474, %mul3A_2475 : vector<16xf32>
      %add3A_2477 = arith.constant 9.99999996E-13 : f32
      %add3A_2478 = vector.broadcast %add3A_2477 : f32 to vector<16xf32>
      %add3A_2479 = arith.addf %sub3A_2476, %add3A_2478 : vector<16xf32>
      %bitcast_convert_type3A_2480 = tpu.bitcast %add3A_2479 : vector<16xf32> -> vector<16xi32>
      %shift_right_arithmetic3A_2481 = arith.constant 1 : i32
      %shift_right_arithmetic3A_2482 = vector.broadcast %shift_right_arithmetic3A_2481 : i32 to vector<16xi32>
      %shift_right_arithmetic3A_2483 = arith.shrsi %bitcast_convert_type3A_2480, %shift_right_arithmetic3A_2482 : vector<16xi32>
      %sub3A_2484 = arith.constant 1597463007 : i32
      %sub3A_2485 = vector.broadcast %sub3A_2484 : i32 to vector<16xi32>
      %sub3A_2486 = arith.subi %sub3A_2485, %shift_right_arithmetic3A_2483 : vector<16xi32>
      %bitcast_convert_type3A_2487 = tpu.bitcast %sub3A_2486 : vector<16xi32> -> vector<16xf32>
      %mul3A_2488 = arith.constant 5.000000e-01 : f32
      %mul3A_2489 = vector.broadcast %mul3A_2488 : f32 to vector<16xf32>
      %mul3A_2490 = arith.mulf %add3A_2479, %mul3A_2489 : vector<16xf32>
      %mul3A_2491 = arith.mulf %mul3A_2490, %bitcast_convert_type3A_2487 : vector<16xf32>
      %mul3A_2492 = arith.mulf %mul3A_2491, %bitcast_convert_type3A_2487 : vector<16xf32>
      %sub3A_2493 = arith.constant 1.500000e+00 : f32
      %sub3A_2494 = vector.broadcast %sub3A_2493 : f32 to vector<16xf32>
      %sub3A_2495 = arith.subf %sub3A_2494, %mul3A_2492 : vector<16xf32>
      %mul3A_2496 = arith.mulf %bitcast_convert_type3A_2487, %sub3A_2495 : vector<16xf32>
      %mul3A_2497 = arith.mulf %mul3A_2490, %mul3A_2496 : vector<16xf32>
      %mul3A_2498 = arith.mulf %mul3A_2497, %mul3A_2496 : vector<16xf32>
      %sub3A_2499 = arith.constant 1.500000e+00 : f32
      %sub3A_2500 = vector.broadcast %sub3A_2499 : f32 to vector<16xf32>
      %sub3A_2501 = arith.subf %sub3A_2500, %mul3A_2498 : vector<16xf32>
      %mul3A_2502 = arith.mulf %mul3A_2496, %sub3A_2501 : vector<16xf32>
      %mul3A_2503 = arith.mulf %mul3A_2490, %mul3A_2502 : vector<16xf32>
      %mul3A_2504 = arith.mulf %mul3A_2503, %mul3A_2502 : vector<16xf32>
      %sub3A_2505 = arith.constant 1.500000e+00 : f32
      %sub3A_2506 = vector.broadcast %sub3A_2505 : f32 to vector<16xf32>
      %sub3A_2507 = arith.subf %sub3A_2506, %mul3A_2504 : vector<16xf32>
      %mul3A_2508 = arith.mulf %mul3A_2502, %sub3A_2507 : vector<16xf32>
      %sub3A_2509 = arith.subf %add3A_2415, %mul3A_2471 : vector<16xf32>
      %mul3A_2510 = arith.mulf %sub3A_2509, %mul3A_2508 : vector<16xf32>
      %mul3A_2511 = arith.mulf %mul3A_2510, %get3A_152 : vector<16xf32>
      %add3A_2512 = arith.addf %mul3A_2511, %get3A_168 : vector<16xf32>
      %swap3A_2513 = arith.index_cast %add3A_2385 : i32 to index
      %swap3A_2514 = arith.constant 0 : index
      %swap3A_2515 = tpu.vector_load %arg11[%swap3A_2513, %swap3A_2514] {strides = array<i32>} : memref<512x128xf32, #tpu.memory_space<vmem>>, vector<16xf32>,
      tpu.vector_store %arg11[%swap3A_2513, %swap3A_2514], %add3A_2512 {strides = array<i32>} : memref<512x128xf32, #tpu.memory_space<vmem>>, vector<16xf32>,
      %sub3A_2516 = arith.subf %add3A_2418, %mul3A_2471 : vector<16xf32>
      %mul3A_2517 = arith.mulf %sub3A_2516, %mul3A_2508 : vector<16xf32>
      %mul3A_2518 = arith.mulf %mul3A_2517, %get3A_154 : vector<16xf32>
      %add3A_2519 = arith.addf %mul3A_2518, %get3A_170 : vector<16xf32>
      %swap3A_2520 = arith.index_cast %add3A_2385 : i32 to index
      %swap3A_2521 = arith.constant 16 : index
      %swap3A_2522 = tpu.vector_load %arg11[%swap3A_2520, %swap3A_2521] {strides = array<i32>} : memref<512x128xf32, #tpu.memory_space<vmem>>, vector<16xf32>,
      tpu.vector_store %arg11[%swap3A_2520, %swap3A_2521], %add3A_2519 {strides = array<i32>} : memref<512x128xf32, #tpu.memory_space<vmem>>, vector<16xf32>,
      %sub3A_2523 = arith.subf %add3A_2421, %mul3A_2471 : vector<16xf32>
      %mul3A_2524 = arith.mulf %sub3A_2523, %mul3A_2508 : vector<16xf32>
      %mul3A_2525 = arith.mulf %mul3A_2524, %get3A_156 : vector<16xf32>
      %add3A_2526 = arith.addf %mul3A_2525, %get3A_172 : vector<16xf32>
      %swap3A_2527 = arith.index_cast %add3A_2385 : i32 to index
      %swap3A_2528 = arith.constant 32 : index
      %swap3A_2529 = tpu.vector_load %arg11[%swap3A_2527, %swap3A_2528] {strides = array<i32>} : memref<512x128xf32, #tpu.memory_space<vmem>>, vector<16xf32>,
      tpu.vector_store %arg11[%swap3A_2527, %swap3A_2528], %add3A_2526 {strides = array<i32>} : memref<512x128xf32, #tpu.memory_space<vmem>>, vector<16xf32>,
      %sub3A_2530 = arith.subf %add3A_2424, %mul3A_2471 : vector<16xf32>
      %mul3A_2531 = arith.mulf %sub3A_2530, %mul3A_2508 : vector<16xf32>
      %mul3A_2532 = arith.mulf %mul3A_2531, %get3A_158 : vector<16xf32>
      %add3A_2533 = arith.addf %mul3A_2532, %get3A_174 : vector<16xf32>
      %swap3A_2534 = arith.index_cast %add3A_2385 : i32 to index
      %swap3A_2535 = arith.constant 48 : index
      %swap3A_2536 = tpu.vector_load %arg11[%swap3A_2534, %swap3A_2535] {strides = array<i32>} : memref<512x128xf32, #tpu.memory_space<vmem>>, vector<16xf32>,
      tpu.vector_store %arg11[%swap3A_2534, %swap3A_2535], %add3A_2533 {strides = array<i32>} : memref<512x128xf32, #tpu.memory_space<vmem>>, vector<16xf32>,
      %sub3A_2537 = arith.subf %add3A_2427, %mul3A_2471 : vector<16xf32>
      %mul3A_2538 = arith.mulf %sub3A_2537, %mul3A_2508 : vector<16xf32>
      %mul3A_2539 = arith.mulf %mul3A_2538, %get3A_160 : vector<16xf32>
      %add3A_2540 = arith.addf %mul3A_2539, %get3A_176 : vector<16xf32>
      %swap3A_2541 = arith.index_cast %add3A_2385 : i32 to index
      %swap3A_2542 = arith.constant 64 : index
      %swap3A_2543 = tpu.vector_load %arg11[%swap3A_2541, %swap3A_2542] {strides = array<i32>} : memref<512x128xf32, #tpu.memory_space<vmem>>, vector<16xf32>,
      tpu.vector_store %arg11[%swap3A_2541, %swap3A_2542], %add3A_2540 {strides = array<i32>} : memref<512x128xf32, #tpu.memory_space<vmem>>, vector<16xf32>,
      %sub3A_2544 = arith.subf %add3A_2430, %mul3A_2471 : vector<16xf32>
      %mul3A_2545 = arith.mulf %sub3A_2544, %mul3A_2508 : vector<16xf32>
      %mul3A_2546 = arith.mulf %mul3A_2545, %get3A_162 : vector<16xf32>
      %add3A_2547 = arith.addf %mul3A_2546, %get3A_178 : vector<16xf32>
      %swap3A_2548 = arith.index_cast %add3A_2385 : i32 to index
      %swap3A_2549 = arith.constant 80 : index
      %swap3A_2550 = tpu.vector_load %arg11[%swap3A_2548, %swap3A_2549] {strides = array<i32>} : memref<512x128xf32, #tpu.memory_space<vmem>>, vector<16xf32>,
      tpu.vector_store %arg11[%swap3A_2548, %swap3A_2549], %add3A_2547 {strides = array<i32>} : memref<512x128xf32, #tpu.memory_space<vmem>>, vector<16xf32>,
      %sub3A_2551 = arith.subf %add3A_2433, %mul3A_2471 : vector<16xf32>
      %mul3A_2552 = arith.mulf %sub3A_2551, %mul3A_2508 : vector<16xf32>
      %mul3A_2553 = arith.mulf %mul3A_2552, %get3A_164 : vector<16xf32>
      %add3A_2554 = arith.addf %mul3A_2553, %get3A_180 : vector<16xf32>
      %swap3A_2555 = arith.index_cast %add3A_2385 : i32 to index
      %swap3A_2556 = arith.constant 96 : index
      %swap3A_2557 = tpu.vector_load %arg11[%swap3A_2555, %swap3A_2556] {strides = array<i32>} : memref<512x128xf32, #tpu.memory_space<vmem>>, vector<16xf32>,
      tpu.vector_store %arg11[%swap3A_2555, %swap3A_2556], %add3A_2554 {strides = array<i32>} : memref<512x128xf32, #tpu.memory_space<vmem>>, vector<16xf32>,
      %sub3A_2558 = arith.subf %add3A_2436, %mul3A_2471 : vector<16xf32>
      %mul3A_2559 = arith.mulf %sub3A_2558, %mul3A_2508 : vector<16xf32>
      %mul3A_2560 = arith.mulf %mul3A_2559, %get3A_166 : vector<16xf32>
      %add3A_2561 = arith.addf %mul3A_2560, %get3A_182 : vector<16xf32>
      %swap3A_2562 = arith.index_cast %add3A_2385 : i32 to index
      %swap3A_2563 = arith.constant 112 : index
      %swap3A_2564 = tpu.vector_load %arg11[%swap3A_2562, %swap3A_2563] {strides = array<i32>} : memref<512x128xf32, #tpu.memory_space<vmem>>, vector<16xf32>,
      tpu.vector_store %arg11[%swap3A_2562, %swap3A_2563], %add3A_2561 {strides = array<i32>} : memref<512x128xf32, #tpu.memory_space<vmem>>, vector<16xf32>,
      %mul3A_2565 = arith.constant 16 : i32
      %mul3A_2566 = arith.muli %scan3A_188, %mul3A_2565 : i32
      %add3A_2567 = arith.constant 13 : i32
      %add3A_2568 = arith.addi %mul3A_2566, %add3A_2567 : i32
      %slice3A_2569 = vector.extract_strided_slice %convert_element_type3A {offsets = [13], sizes = [1], strides = [1]} : vector<16xf32> to vector<1xf32>
      %squeeze3A_2570 = vector.extract %slice3A_2569[0] : f32 from vector<1xf32>
      %broadcast_in_dim3A_2571 = vector.broadcast %squeeze3A_2570 : f32 to vector<16xf32>
      %get3A_2572 = arith.index_cast %add3A_2568 : i32 to index
      %get3A_2573 = arith.constant 0 : index
      %get3A_2574 = tpu.vector_load %arg11[%get3A_2572, %get3A_2573] {strides = array<i32>} : memref<512x128xf32, #tpu.memory_space<vmem>>, vector<16xf32>,
      %get3A_2575 = arith.index_cast %add3A_2568 : i32 to index
      %get3A_2576 = arith.constant 16 : index
      %get3A_2577 = tpu.vector_load %arg11[%get3A_2575, %get3A_2576] {strides = array<i32>} : memref<512x128xf32, #tpu.memory_space<vmem>>, vector<16xf32>,
      %get3A_2578 = arith.index_cast %add3A_2568 : i32 to index
      %get3A_2579 = arith.constant 32 : index
      %get3A_2580 = tpu.vector_load %arg11[%get3A_2578, %get3A_2579] {strides = array<i32>} : memref<512x128xf32, #tpu.memory_space<vmem>>, vector<16xf32>,
      %get3A_2581 = arith.index_cast %add3A_2568 : i32 to index
      %get3A_2582 = arith.constant 48 : index
      %get3A_2583 = tpu.vector_load %arg11[%get3A_2581, %get3A_2582] {strides = array<i32>} : memref<512x128xf32, #tpu.memory_space<vmem>>, vector<16xf32>,
      %get3A_2584 = arith.index_cast %add3A_2568 : i32 to index
      %get3A_2585 = arith.constant 64 : index
      %get3A_2586 = tpu.vector_load %arg11[%get3A_2584, %get3A_2585] {strides = array<i32>} : memref<512x128xf32, #tpu.memory_space<vmem>>, vector<16xf32>,
      %get3A_2587 = arith.index_cast %add3A_2568 : i32 to index
      %get3A_2588 = arith.constant 80 : index
      %get3A_2589 = tpu.vector_load %arg11[%get3A_2587, %get3A_2588] {strides = array<i32>} : memref<512x128xf32, #tpu.memory_space<vmem>>, vector<16xf32>,
      %get3A_2590 = arith.index_cast %add3A_2568 : i32 to index
      %get3A_2591 = arith.constant 96 : index
      %get3A_2592 = tpu.vector_load %arg11[%get3A_2590, %get3A_2591] {strides = array<i32>} : memref<512x128xf32, #tpu.memory_space<vmem>>, vector<16xf32>,
      %get3A_2593 = arith.index_cast %add3A_2568 : i32 to index
      %get3A_2594 = arith.constant 112 : index
      %get3A_2595 = tpu.vector_load %arg11[%get3A_2593, %get3A_2594] {strides = array<i32>} : memref<512x128xf32, #tpu.memory_space<vmem>>, vector<16xf32>,
      %mul3A_2596 = arith.mulf %broadcast_in_dim3A_2571, %sub3A : vector<16xf32>
      %add3A_2597 = arith.addf %get3A_83, %mul3A_2596 : vector<16xf32>
      %add3A_2598 = arith.addf %get3A_2574, %add3A_2597 : vector<16xf32>
      %mul3A_2599 = arith.mulf %broadcast_in_dim3A_2571, %sub3A_144 : vector<16xf32>
      %add3A_2600 = arith.addf %get3A_87, %mul3A_2599 : vector<16xf32>
      %add3A_2601 = arith.addf %get3A_2577, %add3A_2600 : vector<16xf32>
      %mul3A_2602 = arith.mulf %broadcast_in_dim3A_2571, %sub3A_145 : vector<16xf32>
      %add3A_2603 = arith.addf %get3A_91, %mul3A_2602 : vector<16xf32>
      %add3A_2604 = arith.addf %get3A_2580, %add3A_2603 : vector<16xf32>
      %mul3A_2605 = arith.mulf %broadcast_in_dim3A_2571, %sub3A_146 : vector<16xf32>
      %add3A_2606 = arith.addf %get3A_95, %mul3A_2605 : vector<16xf32>
      %add3A_2607 = arith.addf %get3A_2583, %add3A_2606 : vector<16xf32>
      %mul3A_2608 = arith.mulf %broadcast_in_dim3A_2571, %sub3A_147 : vector<16xf32>
      %add3A_2609 = arith.addf %get3A_99, %mul3A_2608 : vector<16xf32>
      %add3A_2610 = arith.addf %get3A_2586, %add3A_2609 : vector<16xf32>
      %mul3A_2611 = arith.mulf %broadcast_in_dim3A_2571, %sub3A_148 : vector<16xf32>
      %add3A_2612 = arith.addf %get3A_103, %mul3A_2611 : vector<16xf32>
      %add3A_2613 = arith.addf %get3A_2589, %add3A_2612 : vector<16xf32>
      %mul3A_2614 = arith.mulf %broadcast_in_dim3A_2571, %sub3A_149 : vector<16xf32>
      %add3A_2615 = arith.addf %get3A_107, %mul3A_2614 : vector<16xf32>
      %add3A_2616 = arith.addf %get3A_2592, %add3A_2615 : vector<16xf32>
      %mul3A_2617 = arith.mulf %broadcast_in_dim3A_2571, %sub3A_150 : vector<16xf32>
      %add3A_2618 = arith.addf %get3A_111, %mul3A_2617 : vector<16xf32>
      %add3A_2619 = arith.addf %get3A_2595, %add3A_2618 : vector<16xf32>
      %add3A_2620 = arith.addf %add3A_2598, %add3A_2601 : vector<16xf32>
      %add3A_2621 = arith.addf %add3A_2620, %add3A_2604 : vector<16xf32>
      %add3A_2622 = arith.addf %add3A_2621, %add3A_2607 : vector<16xf32>
      %add3A_2623 = arith.addf %add3A_2622, %add3A_2610 : vector<16xf32>
      %add3A_2624 = arith.addf %add3A_2623, %add3A_2613 : vector<16xf32>
      %add3A_2625 = arith.addf %add3A_2624, %add3A_2616 : vector<16xf32>
      %add3A_2626 = arith.addf %add3A_2625, %add3A_2619 : vector<16xf32>
      %mul3A_2627 = arith.mulf %add3A_2598, %add3A_2598 : vector<16xf32>
      %mul3A_2628 = arith.mulf %add3A_2601, %add3A_2601 : vector<16xf32>
      %add3A_2629 = arith.addf %mul3A_2627, %mul3A_2628 : vector<16xf32>
      %mul3A_2630 = arith.mulf %add3A_2604, %add3A_2604 : vector<16xf32>
      %add3A_2631 = arith.addf %add3A_2629, %mul3A_2630 : vector<16xf32>
      %mul3A_2632 = arith.mulf %add3A_2607, %add3A_2607 : vector<16xf32>
      %add3A_2633 = arith.addf %add3A_2631, %mul3A_2632 : vector<16xf32>
      %mul3A_2634 = arith.mulf %add3A_2610, %add3A_2610 : vector<16xf32>
      %add3A_2635 = arith.addf %add3A_2633, %mul3A_2634 : vector<16xf32>
      %mul3A_2636 = arith.mulf %add3A_2613, %add3A_2613 : vector<16xf32>
      %add3A_2637 = arith.addf %add3A_2635, %mul3A_2636 : vector<16xf32>
      %mul3A_2638 = arith.mulf %add3A_2616, %add3A_2616 : vector<16xf32>
      %add3A_2639 = arith.addf %add3A_2637, %mul3A_2638 : vector<16xf32>
      %mul3A_2640 = arith.mulf %add3A_2619, %add3A_2619 : vector<16xf32>
      %add3A_2641 = arith.addf %add3A_2639, %mul3A_2640 : vector<16xf32>
      %reduce_sum3A_2642 = arith.constant true
      %reduce_sum3A_2643 = vector.broadcast %reduce_sum3A_2642 : i1 to vector<16xi1>
      %reduce_sum3A_2644 = tpu.scan <sum>, %add3A_2626 masked %reduce_sum3A_2643 : vector<16xf32>, vector<16xi1> -> vector<16xf32>
      %reduce_sum3A_2645 = vector.extract %reduce_sum3A_2644[15] : f32 from vector<16xf32>
      %broadcast_in_dim3A_2646 = vector.broadcast %reduce_sum3A_2645 : f32 to vector<16xf32>
      %reduce_sum3A_2647 = arith.constant true
      %reduce_sum3A_2648 = vector.broadcast %reduce_sum3A_2647 : i1 to vector<16xi1>
      %reduce_sum3A_2649 = tpu.scan <sum>, %add3A_2641 masked %reduce_sum3A_2648 : vector<16xf32>, vector<16xi1> -> vector<16xf32>
      %reduce_sum3A_2650 = vector.extract %reduce_sum3A_2649[15] : f32 from vector<16xf32>
      %broadcast_in_dim3A_2651 = vector.broadcast %reduce_sum3A_2650 : f32 to vector<16xf32>
      %mul3A_2652 = arith.constant 7.812500e-03 : f32
      %mul3A_2653 = vector.broadcast %mul3A_2652 : f32 to vector<16xf32>
      %mul3A_2654 = arith.mulf %broadcast_in_dim3A_2646, %mul3A_2653 : vector<16xf32>
      %mul3A_2655 = arith.constant 7.812500e-03 : f32
      %mul3A_2656 = vector.broadcast %mul3A_2655 : f32 to vector<16xf32>
      %mul3A_2657 = arith.mulf %broadcast_in_dim3A_2651, %mul3A_2656 : vector<16xf32>
      %mul3A_2658 = arith.mulf %mul3A_2654, %mul3A_2654 : vector<16xf32>
      %sub3A_2659 = arith.subf %mul3A_2657, %mul3A_2658 : vector<16xf32>
      %add3A_2660 = arith.constant 9.99999996E-13 : f32
      %add3A_2661 = vector.broadcast %add3A_2660 : f32 to vector<16xf32>
      %add3A_2662 = arith.addf %sub3A_2659, %add3A_2661 : vector<16xf32>
      %bitcast_convert_type3A_2663 = tpu.bitcast %add3A_2662 : vector<16xf32> -> vector<16xi32>
      %shift_right_arithmetic3A_2664 = arith.constant 1 : i32
      %shift_right_arithmetic3A_2665 = vector.broadcast %shift_right_arithmetic3A_2664 : i32 to vector<16xi32>
      %shift_right_arithmetic3A_2666 = arith.shrsi %bitcast_convert_type3A_2663, %shift_right_arithmetic3A_2665 : vector<16xi32>
      %sub3A_2667 = arith.constant 1597463007 : i32
      %sub3A_2668 = vector.broadcast %sub3A_2667 : i32 to vector<16xi32>
      %sub3A_2669 = arith.subi %sub3A_2668, %shift_right_arithmetic3A_2666 : vector<16xi32>
      %bitcast_convert_type3A_2670 = tpu.bitcast %sub3A_2669 : vector<16xi32> -> vector<16xf32>
      %mul3A_2671 = arith.constant 5.000000e-01 : f32
      %mul3A_2672 = vector.broadcast %mul3A_2671 : f32 to vector<16xf32>
      %mul3A_2673 = arith.mulf %add3A_2662, %mul3A_2672 : vector<16xf32>
      %mul3A_2674 = arith.mulf %mul3A_2673, %bitcast_convert_type3A_2670 : vector<16xf32>
      %mul3A_2675 = arith.mulf %mul3A_2674, %bitcast_convert_type3A_2670 : vector<16xf32>
      %sub3A_2676 = arith.constant 1.500000e+00 : f32
      %sub3A_2677 = vector.broadcast %sub3A_2676 : f32 to vector<16xf32>
      %sub3A_2678 = arith.subf %sub3A_2677, %mul3A_2675 : vector<16xf32>
      %mul3A_2679 = arith.mulf %bitcast_convert_type3A_2670, %sub3A_2678 : vector<16xf32>
      %mul3A_2680 = arith.mulf %mul3A_2673, %mul3A_2679 : vector<16xf32>
      %mul3A_2681 = arith.mulf %mul3A_2680, %mul3A_2679 : vector<16xf32>
      %sub3A_2682 = arith.constant 1.500000e+00 : f32
      %sub3A_2683 = vector.broadcast %sub3A_2682 : f32 to vector<16xf32>
      %sub3A_2684 = arith.subf %sub3A_2683, %mul3A_2681 : vector<16xf32>
      %mul3A_2685 = arith.mulf %mul3A_2679, %sub3A_2684 : vector<16xf32>
      %mul3A_2686 = arith.mulf %mul3A_2673, %mul3A_2685 : vector<16xf32>
      %mul3A_2687 = arith.mulf %mul3A_2686, %mul3A_2685 : vector<16xf32>
      %sub3A_2688 = arith.constant 1.500000e+00 : f32
      %sub3A_2689 = vector.broadcast %sub3A_2688 : f32 to vector<16xf32>
      %sub3A_2690 = arith.subf %sub3A_2689, %mul3A_2687 : vector<16xf32>
      %mul3A_2691 = arith.mulf %mul3A_2685, %sub3A_2690 : vector<16xf32>
      %sub3A_2692 = arith.subf %add3A_2598, %mul3A_2654 : vector<16xf32>
      %mul3A_2693 = arith.mulf %sub3A_2692, %mul3A_2691 : vector<16xf32>
      %mul3A_2694 = arith.mulf %mul3A_2693, %get3A_152 : vector<16xf32>
      %add3A_2695 = arith.addf %mul3A_2694, %get3A_168 : vector<16xf32>
      %swap3A_2696 = arith.index_cast %add3A_2568 : i32 to index
      %swap3A_2697 = arith.constant 0 : index
      %swap3A_2698 = tpu.vector_load %arg11[%swap3A_2696, %swap3A_2697] {strides = array<i32>} : memref<512x128xf32, #tpu.memory_space<vmem>>, vector<16xf32>,
      tpu.vector_store %arg11[%swap3A_2696, %swap3A_2697], %add3A_2695 {strides = array<i32>} : memref<512x128xf32, #tpu.memory_space<vmem>>, vector<16xf32>,
      %sub3A_2699 = arith.subf %add3A_2601, %mul3A_2654 : vector<16xf32>
      %mul3A_2700 = arith.mulf %sub3A_2699, %mul3A_2691 : vector<16xf32>
      %mul3A_2701 = arith.mulf %mul3A_2700, %get3A_154 : vector<16xf32>
      %add3A_2702 = arith.addf %mul3A_2701, %get3A_170 : vector<16xf32>
      %swap3A_2703 = arith.index_cast %add3A_2568 : i32 to index
      %swap3A_2704 = arith.constant 16 : index
      %swap3A_2705 = tpu.vector_load %arg11[%swap3A_2703, %swap3A_2704] {strides = array<i32>} : memref<512x128xf32, #tpu.memory_space<vmem>>, vector<16xf32>,
      tpu.vector_store %arg11[%swap3A_2703, %swap3A_2704], %add3A_2702 {strides = array<i32>} : memref<512x128xf32, #tpu.memory_space<vmem>>, vector<16xf32>,
      %sub3A_2706 = arith.subf %add3A_2604, %mul3A_2654 : vector<16xf32>
      %mul3A_2707 = arith.mulf %sub3A_2706, %mul3A_2691 : vector<16xf32>
      %mul3A_2708 = arith.mulf %mul3A_2707, %get3A_156 : vector<16xf32>
      %add3A_2709 = arith.addf %mul3A_2708, %get3A_172 : vector<16xf32>
      %swap3A_2710 = arith.index_cast %add3A_2568 : i32 to index
      %swap3A_2711 = arith.constant 32 : index
      %swap3A_2712 = tpu.vector_load %arg11[%swap3A_2710, %swap3A_2711] {strides = array<i32>} : memref<512x128xf32, #tpu.memory_space<vmem>>, vector<16xf32>,
      tpu.vector_store %arg11[%swap3A_2710, %swap3A_2711], %add3A_2709 {strides = array<i32>} : memref<512x128xf32, #tpu.memory_space<vmem>>, vector<16xf32>,
      %sub3A_2713 = arith.subf %add3A_2607, %mul3A_2654 : vector<16xf32>
      %mul3A_2714 = arith.mulf %sub3A_2713, %mul3A_2691 : vector<16xf32>
      %mul3A_2715 = arith.mulf %mul3A_2714, %get3A_158 : vector<16xf32>
      %add3A_2716 = arith.addf %mul3A_2715, %get3A_174 : vector<16xf32>
      %swap3A_2717 = arith.index_cast %add3A_2568 : i32 to index
      %swap3A_2718 = arith.constant 48 : index
      %swap3A_2719 = tpu.vector_load %arg11[%swap3A_2717, %swap3A_2718] {strides = array<i32>} : memref<512x128xf32, #tpu.memory_space<vmem>>, vector<16xf32>,
      tpu.vector_store %arg11[%swap3A_2717, %swap3A_2718], %add3A_2716 {strides = array<i32>} : memref<512x128xf32, #tpu.memory_space<vmem>>, vector<16xf32>,
      %sub3A_2720 = arith.subf %add3A_2610, %mul3A_2654 : vector<16xf32>
      %mul3A_2721 = arith.mulf %sub3A_2720, %mul3A_2691 : vector<16xf32>
      %mul3A_2722 = arith.mulf %mul3A_2721, %get3A_160 : vector<16xf32>
      %add3A_2723 = arith.addf %mul3A_2722, %get3A_176 : vector<16xf32>
      %swap3A_2724 = arith.index_cast %add3A_2568 : i32 to index
      %swap3A_2725 = arith.constant 64 : index
      %swap3A_2726 = tpu.vector_load %arg11[%swap3A_2724, %swap3A_2725] {strides = array<i32>} : memref<512x128xf32, #tpu.memory_space<vmem>>, vector<16xf32>,
      tpu.vector_store %arg11[%swap3A_2724, %swap3A_2725], %add3A_2723 {strides = array<i32>} : memref<512x128xf32, #tpu.memory_space<vmem>>, vector<16xf32>,
      %sub3A_2727 = arith.subf %add3A_2613, %mul3A_2654 : vector<16xf32>
      %mul3A_2728 = arith.mulf %sub3A_2727, %mul3A_2691 : vector<16xf32>
      %mul3A_2729 = arith.mulf %mul3A_2728, %get3A_162 : vector<16xf32>
      %add3A_2730 = arith.addf %mul3A_2729, %get3A_178 : vector<16xf32>
      %swap3A_2731 = arith.index_cast %add3A_2568 : i32 to index
      %swap3A_2732 = arith.constant 80 : index
      %swap3A_2733 = tpu.vector_load %arg11[%swap3A_2731, %swap3A_2732] {strides = array<i32>} : memref<512x128xf32, #tpu.memory_space<vmem>>, vector<16xf32>,
      tpu.vector_store %arg11[%swap3A_2731, %swap3A_2732], %add3A_2730 {strides = array<i32>} : memref<512x128xf32, #tpu.memory_space<vmem>>, vector<16xf32>,
      %sub3A_2734 = arith.subf %add3A_2616, %mul3A_2654 : vector<16xf32>
      %mul3A_2735 = arith.mulf %sub3A_2734, %mul3A_2691 : vector<16xf32>
      %mul3A_2736 = arith.mulf %mul3A_2735, %get3A_164 : vector<16xf32>
      %add3A_2737 = arith.addf %mul3A_2736, %get3A_180 : vector<16xf32>
      %swap3A_2738 = arith.index_cast %add3A_2568 : i32 to index
      %swap3A_2739 = arith.constant 96 : index
      %swap3A_2740 = tpu.vector_load %arg11[%swap3A_2738, %swap3A_2739] {strides = array<i32>} : memref<512x128xf32, #tpu.memory_space<vmem>>, vector<16xf32>,
      tpu.vector_store %arg11[%swap3A_2738, %swap3A_2739], %add3A_2737 {strides = array<i32>} : memref<512x128xf32, #tpu.memory_space<vmem>>, vector<16xf32>,
      %sub3A_2741 = arith.subf %add3A_2619, %mul3A_2654 : vector<16xf32>
      %mul3A_2742 = arith.mulf %sub3A_2741, %mul3A_2691 : vector<16xf32>
      %mul3A_2743 = arith.mulf %mul3A_2742, %get3A_166 : vector<16xf32>
      %add3A_2744 = arith.addf %mul3A_2743, %get3A_182 : vector<16xf32>
      %swap3A_2745 = arith.index_cast %add3A_2568 : i32 to index
      %swap3A_2746 = arith.constant 112 : index
      %swap3A_2747 = tpu.vector_load %arg11[%swap3A_2745, %swap3A_2746] {strides = array<i32>} : memref<512x128xf32, #tpu.memory_space<vmem>>, vector<16xf32>,
      tpu.vector_store %arg11[%swap3A_2745, %swap3A_2746], %add3A_2744 {strides = array<i32>} : memref<512x128xf32, #tpu.memory_space<vmem>>, vector<16xf32>,
      %mul3A_2748 = arith.constant 16 : i32
      %mul3A_2749 = arith.muli %scan3A_188, %mul3A_2748 : i32
      %add3A_2750 = arith.constant 14 : i32
      %add3A_2751 = arith.addi %mul3A_2749, %add3A_2750 : i32
      %slice3A_2752 = vector.extract_strided_slice %convert_element_type3A {offsets = [14], sizes = [1], strides = [1]} : vector<16xf32> to vector<1xf32>
      %squeeze3A_2753 = vector.extract %slice3A_2752[0] : f32 from vector<1xf32>
      %broadcast_in_dim3A_2754 = vector.broadcast %squeeze3A_2753 : f32 to vector<16xf32>
      %get3A_2755 = arith.index_cast %add3A_2751 : i32 to index
      %get3A_2756 = arith.constant 0 : index
      %get3A_2757 = tpu.vector_load %arg11[%get3A_2755, %get3A_2756] {strides = array<i32>} : memref<512x128xf32, #tpu.memory_space<vmem>>, vector<16xf32>,
      %get3A_2758 = arith.index_cast %add3A_2751 : i32 to index
      %get3A_2759 = arith.constant 16 : index
      %get3A_2760 = tpu.vector_load %arg11[%get3A_2758, %get3A_2759] {strides = array<i32>} : memref<512x128xf32, #tpu.memory_space<vmem>>, vector<16xf32>,
      %get3A_2761 = arith.index_cast %add3A_2751 : i32 to index
      %get3A_2762 = arith.constant 32 : index
      %get3A_2763 = tpu.vector_load %arg11[%get3A_2761, %get3A_2762] {strides = array<i32>} : memref<512x128xf32, #tpu.memory_space<vmem>>, vector<16xf32>,
      %get3A_2764 = arith.index_cast %add3A_2751 : i32 to index
      %get3A_2765 = arith.constant 48 : index
      %get3A_2766 = tpu.vector_load %arg11[%get3A_2764, %get3A_2765] {strides = array<i32>} : memref<512x128xf32, #tpu.memory_space<vmem>>, vector<16xf32>,
      %get3A_2767 = arith.index_cast %add3A_2751 : i32 to index
      %get3A_2768 = arith.constant 64 : index
      %get3A_2769 = tpu.vector_load %arg11[%get3A_2767, %get3A_2768] {strides = array<i32>} : memref<512x128xf32, #tpu.memory_space<vmem>>, vector<16xf32>,
      %get3A_2770 = arith.index_cast %add3A_2751 : i32 to index
      %get3A_2771 = arith.constant 80 : index
      %get3A_2772 = tpu.vector_load %arg11[%get3A_2770, %get3A_2771] {strides = array<i32>} : memref<512x128xf32, #tpu.memory_space<vmem>>, vector<16xf32>,
      %get3A_2773 = arith.index_cast %add3A_2751 : i32 to index
      %get3A_2774 = arith.constant 96 : index
      %get3A_2775 = tpu.vector_load %arg11[%get3A_2773, %get3A_2774] {strides = array<i32>} : memref<512x128xf32, #tpu.memory_space<vmem>>, vector<16xf32>,
      %get3A_2776 = arith.index_cast %add3A_2751 : i32 to index
      %get3A_2777 = arith.constant 112 : index
      %get3A_2778 = tpu.vector_load %arg11[%get3A_2776, %get3A_2777] {strides = array<i32>} : memref<512x128xf32, #tpu.memory_space<vmem>>, vector<16xf32>,
      %mul3A_2779 = arith.mulf %broadcast_in_dim3A_2754, %sub3A : vector<16xf32>
      %add3A_2780 = arith.addf %get3A_83, %mul3A_2779 : vector<16xf32>
      %add3A_2781 = arith.addf %get3A_2757, %add3A_2780 : vector<16xf32>
      %mul3A_2782 = arith.mulf %broadcast_in_dim3A_2754, %sub3A_144 : vector<16xf32>
      %add3A_2783 = arith.addf %get3A_87, %mul3A_2782 : vector<16xf32>
      %add3A_2784 = arith.addf %get3A_2760, %add3A_2783 : vector<16xf32>
      %mul3A_2785 = arith.mulf %broadcast_in_dim3A_2754, %sub3A_145 : vector<16xf32>
      %add3A_2786 = arith.addf %get3A_91, %mul3A_2785 : vector<16xf32>
      %add3A_2787 = arith.addf %get3A_2763, %add3A_2786 : vector<16xf32>
      %mul3A_2788 = arith.mulf %broadcast_in_dim3A_2754, %sub3A_146 : vector<16xf32>
      %add3A_2789 = arith.addf %get3A_95, %mul3A_2788 : vector<16xf32>
      %add3A_2790 = arith.addf %get3A_2766, %add3A_2789 : vector<16xf32>
      %mul3A_2791 = arith.mulf %broadcast_in_dim3A_2754, %sub3A_147 : vector<16xf32>
      %add3A_2792 = arith.addf %get3A_99, %mul3A_2791 : vector<16xf32>
      %add3A_2793 = arith.addf %get3A_2769, %add3A_2792 : vector<16xf32>
      %mul3A_2794 = arith.mulf %broadcast_in_dim3A_2754, %sub3A_148 : vector<16xf32>
      %add3A_2795 = arith.addf %get3A_103, %mul3A_2794 : vector<16xf32>
      %add3A_2796 = arith.addf %get3A_2772, %add3A_2795 : vector<16xf32>
      %mul3A_2797 = arith.mulf %broadcast_in_dim3A_2754, %sub3A_149 : vector<16xf32>
      %add3A_2798 = arith.addf %get3A_107, %mul3A_2797 : vector<16xf32>
      %add3A_2799 = arith.addf %get3A_2775, %add3A_2798 : vector<16xf32>
      %mul3A_2800 = arith.mulf %broadcast_in_dim3A_2754, %sub3A_150 : vector<16xf32>
      %add3A_2801 = arith.addf %get3A_111, %mul3A_2800 : vector<16xf32>
      %add3A_2802 = arith.addf %get3A_2778, %add3A_2801 : vector<16xf32>
      %add3A_2803 = arith.addf %add3A_2781, %add3A_2784 : vector<16xf32>
      %add3A_2804 = arith.addf %add3A_2803, %add3A_2787 : vector<16xf32>
      %add3A_2805 = arith.addf %add3A_2804, %add3A_2790 : vector<16xf32>
      %add3A_2806 = arith.addf %add3A_2805, %add3A_2793 : vector<16xf32>
      %add3A_2807 = arith.addf %add3A_2806, %add3A_2796 : vector<16xf32>
      %add3A_2808 = arith.addf %add3A_2807, %add3A_2799 : vector<16xf32>
      %add3A_2809 = arith.addf %add3A_2808, %add3A_2802 : vector<16xf32>
      %mul3A_2810 = arith.mulf %add3A_2781, %add3A_2781 : vector<16xf32>
      %mul3A_2811 = arith.mulf %add3A_2784, %add3A_2784 : vector<16xf32>
      %add3A_2812 = arith.addf %mul3A_2810, %mul3A_2811 : vector<16xf32>
      %mul3A_2813 = arith.mulf %add3A_2787, %add3A_2787 : vector<16xf32>
      %add3A_2814 = arith.addf %add3A_2812, %mul3A_2813 : vector<16xf32>
      %mul3A_2815 = arith.mulf %add3A_2790, %add3A_2790 : vector<16xf32>
      %add3A_2816 = arith.addf %add3A_2814, %mul3A_2815 : vector<16xf32>
      %mul3A_2817 = arith.mulf %add3A_2793, %add3A_2793 : vector<16xf32>
      %add3A_2818 = arith.addf %add3A_2816, %mul3A_2817 : vector<16xf32>
      %mul3A_2819 = arith.mulf %add3A_2796, %add3A_2796 : vector<16xf32>
      %add3A_2820 = arith.addf %add3A_2818, %mul3A_2819 : vector<16xf32>
      %mul3A_2821 = arith.mulf %add3A_2799, %add3A_2799 : vector<16xf32>
      %add3A_2822 = arith.addf %add3A_2820, %mul3A_2821 : vector<16xf32>
      %mul3A_2823 = arith.mulf %add3A_2802, %add3A_2802 : vector<16xf32>
      %add3A_2824 = arith.addf %add3A_2822, %mul3A_2823 : vector<16xf32>
      %reduce_sum3A_2825 = arith.constant true
      %reduce_sum3A_2826 = vector.broadcast %reduce_sum3A_2825 : i1 to vector<16xi1>
      %reduce_sum3A_2827 = tpu.scan <sum>, %add3A_2809 masked %reduce_sum3A_2826 : vector<16xf32>, vector<16xi1> -> vector<16xf32>
      %reduce_sum3A_2828 = vector.extract %reduce_sum3A_2827[15] : f32 from vector<16xf32>
      %broadcast_in_dim3A_2829 = vector.broadcast %reduce_sum3A_2828 : f32 to vector<16xf32>
      %reduce_sum3A_2830 = arith.constant true
      %reduce_sum3A_2831 = vector.broadcast %reduce_sum3A_2830 : i1 to vector<16xi1>
      %reduce_sum3A_2832 = tpu.scan <sum>, %add3A_2824 masked %reduce_sum3A_2831 : vector<16xf32>, vector<16xi1> -> vector<16xf32>
      %reduce_sum3A_2833 = vector.extract %reduce_sum3A_2832[15] : f32 from vector<16xf32>
      %broadcast_in_dim3A_2834 = vector.broadcast %reduce_sum3A_2833 : f32 to vector<16xf32>
      %mul3A_2835 = arith.constant 7.812500e-03 : f32
      %mul3A_2836 = vector.broadcast %mul3A_2835 : f32 to vector<16xf32>
      %mul3A_2837 = arith.mulf %broadcast_in_dim3A_2829, %mul3A_2836 : vector<16xf32>
      %mul3A_2838 = arith.constant 7.812500e-03 : f32
      %mul3A_2839 = vector.broadcast %mul3A_2838 : f32 to vector<16xf32>
      %mul3A_2840 = arith.mulf %broadcast_in_dim3A_2834, %mul3A_2839 : vector<16xf32>
      %mul3A_2841 = arith.mulf %mul3A_2837, %mul3A_2837 : vector<16xf32>
      %sub3A_2842 = arith.subf %mul3A_2840, %mul3A_2841 : vector<16xf32>
      %add3A_2843 = arith.constant 9.99999996E-13 : f32
      %add3A_2844 = vector.broadcast %add3A_2843 : f32 to vector<16xf32>
      %add3A_2845 = arith.addf %sub3A_2842, %add3A_2844 : vector<16xf32>
      %bitcast_convert_type3A_2846 = tpu.bitcast %add3A_2845 : vector<16xf32> -> vector<16xi32>
      %shift_right_arithmetic3A_2847 = arith.constant 1 : i32
      %shift_right_arithmetic3A_2848 = vector.broadcast %shift_right_arithmetic3A_2847 : i32 to vector<16xi32>
      %shift_right_arithmetic3A_2849 = arith.shrsi %bitcast_convert_type3A_2846, %shift_right_arithmetic3A_2848 : vector<16xi32>
      %sub3A_2850 = arith.constant 1597463007 : i32
      %sub3A_2851 = vector.broadcast %sub3A_2850 : i32 to vector<16xi32>
      %sub3A_2852 = arith.subi %sub3A_2851, %shift_right_arithmetic3A_2849 : vector<16xi32>
      %bitcast_convert_type3A_2853 = tpu.bitcast %sub3A_2852 : vector<16xi32> -> vector<16xf32>
      %mul3A_2854 = arith.constant 5.000000e-01 : f32
      %mul3A_2855 = vector.broadcast %mul3A_2854 : f32 to vector<16xf32>
      %mul3A_2856 = arith.mulf %add3A_2845, %mul3A_2855 : vector<16xf32>
      %mul3A_2857 = arith.mulf %mul3A_2856, %bitcast_convert_type3A_2853 : vector<16xf32>
      %mul3A_2858 = arith.mulf %mul3A_2857, %bitcast_convert_type3A_2853 : vector<16xf32>
      %sub3A_2859 = arith.constant 1.500000e+00 : f32
      %sub3A_2860 = vector.broadcast %sub3A_2859 : f32 to vector<16xf32>
      %sub3A_2861 = arith.subf %sub3A_2860, %mul3A_2858 : vector<16xf32>
      %mul3A_2862 = arith.mulf %bitcast_convert_type3A_2853, %sub3A_2861 : vector<16xf32>
      %mul3A_2863 = arith.mulf %mul3A_2856, %mul3A_2862 : vector<16xf32>
      %mul3A_2864 = arith.mulf %mul3A_2863, %mul3A_2862 : vector<16xf32>
      %sub3A_2865 = arith.constant 1.500000e+00 : f32
      %sub3A_2866 = vector.broadcast %sub3A_2865 : f32 to vector<16xf32>
      %sub3A_2867 = arith.subf %sub3A_2866, %mul3A_2864 : vector<16xf32>
      %mul3A_2868 = arith.mulf %mul3A_2862, %sub3A_2867 : vector<16xf32>
      %mul3A_2869 = arith.mulf %mul3A_2856, %mul3A_2868 : vector<16xf32>
      %mul3A_2870 = arith.mulf %mul3A_2869, %mul3A_2868 : vector<16xf32>
      %sub3A_2871 = arith.constant 1.500000e+00 : f32
      %sub3A_2872 = vector.broadcast %sub3A_2871 : f32 to vector<16xf32>
      %sub3A_2873 = arith.subf %sub3A_2872, %mul3A_2870 : vector<16xf32>
      %mul3A_2874 = arith.mulf %mul3A_2868, %sub3A_2873 : vector<16xf32>
      %sub3A_2875 = arith.subf %add3A_2781, %mul3A_2837 : vector<16xf32>
      %mul3A_2876 = arith.mulf %sub3A_2875, %mul3A_2874 : vector<16xf32>
      %mul3A_2877 = arith.mulf %mul3A_2876, %get3A_152 : vector<16xf32>
      %add3A_2878 = arith.addf %mul3A_2877, %get3A_168 : vector<16xf32>
      %swap3A_2879 = arith.index_cast %add3A_2751 : i32 to index
      %swap3A_2880 = arith.constant 0 : index
      %swap3A_2881 = tpu.vector_load %arg11[%swap3A_2879, %swap3A_2880] {strides = array<i32>} : memref<512x128xf32, #tpu.memory_space<vmem>>, vector<16xf32>,
      tpu.vector_store %arg11[%swap3A_2879, %swap3A_2880], %add3A_2878 {strides = array<i32>} : memref<512x128xf32, #tpu.memory_space<vmem>>, vector<16xf32>,
      %sub3A_2882 = arith.subf %add3A_2784, %mul3A_2837 : vector<16xf32>
      %mul3A_2883 = arith.mulf %sub3A_2882, %mul3A_2874 : vector<16xf32>
      %mul3A_2884 = arith.mulf %mul3A_2883, %get3A_154 : vector<16xf32>
      %add3A_2885 = arith.addf %mul3A_2884, %get3A_170 : vector<16xf32>
      %swap3A_2886 = arith.index_cast %add3A_2751 : i32 to index
      %swap3A_2887 = arith.constant 16 : index
      %swap3A_2888 = tpu.vector_load %arg11[%swap3A_2886, %swap3A_2887] {strides = array<i32>} : memref<512x128xf32, #tpu.memory_space<vmem>>, vector<16xf32>,
      tpu.vector_store %arg11[%swap3A_2886, %swap3A_2887], %add3A_2885 {strides = array<i32>} : memref<512x128xf32, #tpu.memory_space<vmem>>, vector<16xf32>,
      %sub3A_2889 = arith.subf %add3A_2787, %mul3A_2837 : vector<16xf32>
      %mul3A_2890 = arith.mulf %sub3A_2889, %mul3A_2874 : vector<16xf32>
      %mul3A_2891 = arith.mulf %mul3A_2890, %get3A_156 : vector<16xf32>
      %add3A_2892 = arith.addf %mul3A_2891, %get3A_172 : vector<16xf32>
      %swap3A_2893 = arith.index_cast %add3A_2751 : i32 to index
      %swap3A_2894 = arith.constant 32 : index
      %swap3A_2895 = tpu.vector_load %arg11[%swap3A_2893, %swap3A_2894] {strides = array<i32>} : memref<512x128xf32, #tpu.memory_space<vmem>>, vector<16xf32>,
      tpu.vector_store %arg11[%swap3A_2893, %swap3A_2894], %add3A_2892 {strides = array<i32>} : memref<512x128xf32, #tpu.memory_space<vmem>>, vector<16xf32>,
      %sub3A_2896 = arith.subf %add3A_2790, %mul3A_2837 : vector<16xf32>
      %mul3A_2897 = arith.mulf %sub3A_2896, %mul3A_2874 : vector<16xf32>
      %mul3A_2898 = arith.mulf %mul3A_2897, %get3A_158 : vector<16xf32>
      %add3A_2899 = arith.addf %mul3A_2898, %get3A_174 : vector<16xf32>
      %swap3A_2900 = arith.index_cast %add3A_2751 : i32 to index
      %swap3A_2901 = arith.constant 48 : index
      %swap3A_2902 = tpu.vector_load %arg11[%swap3A_2900, %swap3A_2901] {strides = array<i32>} : memref<512x128xf32, #tpu.memory_space<vmem>>, vector<16xf32>,
      tpu.vector_store %arg11[%swap3A_2900, %swap3A_2901], %add3A_2899 {strides = array<i32>} : memref<512x128xf32, #tpu.memory_space<vmem>>, vector<16xf32>,
      %sub3A_2903 = arith.subf %add3A_2793, %mul3A_2837 : vector<16xf32>
      %mul3A_2904 = arith.mulf %sub3A_2903, %mul3A_2874 : vector<16xf32>
      %mul3A_2905 = arith.mulf %mul3A_2904, %get3A_160 : vector<16xf32>
      %add3A_2906 = arith.addf %mul3A_2905, %get3A_176 : vector<16xf32>
      %swap3A_2907 = arith.index_cast %add3A_2751 : i32 to index
      %swap3A_2908 = arith.constant 64 : index
      %swap3A_2909 = tpu.vector_load %arg11[%swap3A_2907, %swap3A_2908] {strides = array<i32>} : memref<512x128xf32, #tpu.memory_space<vmem>>, vector<16xf32>,
      tpu.vector_store %arg11[%swap3A_2907, %swap3A_2908], %add3A_2906 {strides = array<i32>} : memref<512x128xf32, #tpu.memory_space<vmem>>, vector<16xf32>,
      %sub3A_2910 = arith.subf %add3A_2796, %mul3A_2837 : vector<16xf32>
      %mul3A_2911 = arith.mulf %sub3A_2910, %mul3A_2874 : vector<16xf32>
      %mul3A_2912 = arith.mulf %mul3A_2911, %get3A_162 : vector<16xf32>
      %add3A_2913 = arith.addf %mul3A_2912, %get3A_178 : vector<16xf32>
      %swap3A_2914 = arith.index_cast %add3A_2751 : i32 to index
      %swap3A_2915 = arith.constant 80 : index
      %swap3A_2916 = tpu.vector_load %arg11[%swap3A_2914, %swap3A_2915] {strides = array<i32>} : memref<512x128xf32, #tpu.memory_space<vmem>>, vector<16xf32>,
      tpu.vector_store %arg11[%swap3A_2914, %swap3A_2915], %add3A_2913 {strides = array<i32>} : memref<512x128xf32, #tpu.memory_space<vmem>>, vector<16xf32>,
      %sub3A_2917 = arith.subf %add3A_2799, %mul3A_2837 : vector<16xf32>
      %mul3A_2918 = arith.mulf %sub3A_2917, %mul3A_2874 : vector<16xf32>
      %mul3A_2919 = arith.mulf %mul3A_2918, %get3A_164 : vector<16xf32>
      %add3A_2920 = arith.addf %mul3A_2919, %get3A_180 : vector<16xf32>
      %swap3A_2921 = arith.index_cast %add3A_2751 : i32 to index
      %swap3A_2922 = arith.constant 96 : index
      %swap3A_2923 = tpu.vector_load %arg11[%swap3A_2921, %swap3A_2922] {strides = array<i32>} : memref<512x128xf32, #tpu.memory_space<vmem>>, vector<16xf32>,
      tpu.vector_store %arg11[%swap3A_2921, %swap3A_2922], %add3A_2920 {strides = array<i32>} : memref<512x128xf32, #tpu.memory_space<vmem>>, vector<16xf32>,
      %sub3A_2924 = arith.subf %add3A_2802, %mul3A_2837 : vector<16xf32>
      %mul3A_2925 = arith.mulf %sub3A_2924, %mul3A_2874 : vector<16xf32>
      %mul3A_2926 = arith.mulf %mul3A_2925, %get3A_166 : vector<16xf32>
      %add3A_2927 = arith.addf %mul3A_2926, %get3A_182 : vector<16xf32>
      %swap3A_2928 = arith.index_cast %add3A_2751 : i32 to index
      %swap3A_2929 = arith.constant 112 : index
      %swap3A_2930 = tpu.vector_load %arg11[%swap3A_2928, %swap3A_2929] {strides = array<i32>} : memref<512x128xf32, #tpu.memory_space<vmem>>, vector<16xf32>,
      tpu.vector_store %arg11[%swap3A_2928, %swap3A_2929], %add3A_2927 {strides = array<i32>} : memref<512x128xf32, #tpu.memory_space<vmem>>, vector<16xf32>,
      %mul3A_2931 = arith.constant 16 : i32
      %mul3A_2932 = arith.muli %scan3A_188, %mul3A_2931 : i32
      %add3A_2933 = arith.constant 15 : i32
      %add3A_2934 = arith.addi %mul3A_2932, %add3A_2933 : i32
      %slice3A_2935 = vector.extract_strided_slice %convert_element_type3A {offsets = [15], sizes = [1], strides = [1]} : vector<16xf32> to vector<1xf32>
      %squeeze3A_2936 = vector.extract %slice3A_2935[0] : f32 from vector<1xf32>
      %broadcast_in_dim3A_2937 = vector.broadcast %squeeze3A_2936 : f32 to vector<16xf32>
      %get3A_2938 = arith.index_cast %add3A_2934 : i32 to index
      %get3A_2939 = arith.constant 0 : index
      %get3A_2940 = tpu.vector_load %arg11[%get3A_2938, %get3A_2939] {strides = array<i32>} : memref<512x128xf32, #tpu.memory_space<vmem>>, vector<16xf32>,
      %get3A_2941 = arith.index_cast %add3A_2934 : i32 to index
      %get3A_2942 = arith.constant 16 : index
      %get3A_2943 = tpu.vector_load %arg11[%get3A_2941, %get3A_2942] {strides = array<i32>} : memref<512x128xf32, #tpu.memory_space<vmem>>, vector<16xf32>,
      %get3A_2944 = arith.index_cast %add3A_2934 : i32 to index
      %get3A_2945 = arith.constant 32 : index
      %get3A_2946 = tpu.vector_load %arg11[%get3A_2944, %get3A_2945] {strides = array<i32>} : memref<512x128xf32, #tpu.memory_space<vmem>>, vector<16xf32>,
      %get3A_2947 = arith.index_cast %add3A_2934 : i32 to index
      %get3A_2948 = arith.constant 48 : index
      %get3A_2949 = tpu.vector_load %arg11[%get3A_2947, %get3A_2948] {strides = array<i32>} : memref<512x128xf32, #tpu.memory_space<vmem>>, vector<16xf32>,
      %get3A_2950 = arith.index_cast %add3A_2934 : i32 to index
      %get3A_2951 = arith.constant 64 : index
      %get3A_2952 = tpu.vector_load %arg11[%get3A_2950, %get3A_2951] {strides = array<i32>} : memref<512x128xf32, #tpu.memory_space<vmem>>, vector<16xf32>,
      %get3A_2953 = arith.index_cast %add3A_2934 : i32 to index
      %get3A_2954 = arith.constant 80 : index
      %get3A_2955 = tpu.vector_load %arg11[%get3A_2953, %get3A_2954] {strides = array<i32>} : memref<512x128xf32, #tpu.memory_space<vmem>>, vector<16xf32>,
      %get3A_2956 = arith.index_cast %add3A_2934 : i32 to index
      %get3A_2957 = arith.constant 96 : index
      %get3A_2958 = tpu.vector_load %arg11[%get3A_2956, %get3A_2957] {strides = array<i32>} : memref<512x128xf32, #tpu.memory_space<vmem>>, vector<16xf32>,
      %get3A_2959 = arith.index_cast %add3A_2934 : i32 to index
      %get3A_2960 = arith.constant 112 : index
      %get3A_2961 = tpu.vector_load %arg11[%get3A_2959, %get3A_2960] {strides = array<i32>} : memref<512x128xf32, #tpu.memory_space<vmem>>, vector<16xf32>,
      %mul3A_2962 = arith.mulf %broadcast_in_dim3A_2937, %sub3A : vector<16xf32>
      %add3A_2963 = arith.addf %get3A_83, %mul3A_2962 : vector<16xf32>
      %add3A_2964 = arith.addf %get3A_2940, %add3A_2963 : vector<16xf32>
      %mul3A_2965 = arith.mulf %broadcast_in_dim3A_2937, %sub3A_144 : vector<16xf32>
      %add3A_2966 = arith.addf %get3A_87, %mul3A_2965 : vector<16xf32>
      %add3A_2967 = arith.addf %get3A_2943, %add3A_2966 : vector<16xf32>
      %mul3A_2968 = arith.mulf %broadcast_in_dim3A_2937, %sub3A_145 : vector<16xf32>
      %add3A_2969 = arith.addf %get3A_91, %mul3A_2968 : vector<16xf32>
      %add3A_2970 = arith.addf %get3A_2946, %add3A_2969 : vector<16xf32>
      %mul3A_2971 = arith.mulf %broadcast_in_dim3A_2937, %sub3A_146 : vector<16xf32>
      %add3A_2972 = arith.addf %get3A_95, %mul3A_2971 : vector<16xf32>
      %add3A_2973 = arith.addf %get3A_2949, %add3A_2972 : vector<16xf32>
      %mul3A_2974 = arith.mulf %broadcast_in_dim3A_2937, %sub3A_147 : vector<16xf32>
      %add3A_2975 = arith.addf %get3A_99, %mul3A_2974 : vector<16xf32>
      %add3A_2976 = arith.addf %get3A_2952, %add3A_2975 : vector<16xf32>
      %mul3A_2977 = arith.mulf %broadcast_in_dim3A_2937, %sub3A_148 : vector<16xf32>
      %add3A_2978 = arith.addf %get3A_103, %mul3A_2977 : vector<16xf32>
      %add3A_2979 = arith.addf %get3A_2955, %add3A_2978 : vector<16xf32>
      %mul3A_2980 = arith.mulf %broadcast_in_dim3A_2937, %sub3A_149 : vector<16xf32>
      %add3A_2981 = arith.addf %get3A_107, %mul3A_2980 : vector<16xf32>
      %add3A_2982 = arith.addf %get3A_2958, %add3A_2981 : vector<16xf32>
      %mul3A_2983 = arith.mulf %broadcast_in_dim3A_2937, %sub3A_150 : vector<16xf32>
      %add3A_2984 = arith.addf %get3A_111, %mul3A_2983 : vector<16xf32>
      %add3A_2985 = arith.addf %get3A_2961, %add3A_2984 : vector<16xf32>
      %add3A_2986 = arith.addf %add3A_2964, %add3A_2967 : vector<16xf32>
      %add3A_2987 = arith.addf %add3A_2986, %add3A_2970 : vector<16xf32>
      %add3A_2988 = arith.addf %add3A_2987, %add3A_2973 : vector<16xf32>
      %add3A_2989 = arith.addf %add3A_2988, %add3A_2976 : vector<16xf32>
      %add3A_2990 = arith.addf %add3A_2989, %add3A_2979 : vector<16xf32>
      %add3A_2991 = arith.addf %add3A_2990, %add3A_2982 : vector<16xf32>
      %add3A_2992 = arith.addf %add3A_2991, %add3A_2985 : vector<16xf32>
      %mul3A_2993 = arith.mulf %add3A_2964, %add3A_2964 : vector<16xf32>
      %mul3A_2994 = arith.mulf %add3A_2967, %add3A_2967 : vector<16xf32>
      %add3A_2995 = arith.addf %mul3A_2993, %mul3A_2994 : vector<16xf32>
      %mul3A_2996 = arith.mulf %add3A_2970, %add3A_2970 : vector<16xf32>
      %add3A_2997 = arith.addf %add3A_2995, %mul3A_2996 : vector<16xf32>
      %mul3A_2998 = arith.mulf %add3A_2973, %add3A_2973 : vector<16xf32>
      %add3A_2999 = arith.addf %add3A_2997, %mul3A_2998 : vector<16xf32>
      %mul3A_3000 = arith.mulf %add3A_2976, %add3A_2976 : vector<16xf32>
      %add3A_3001 = arith.addf %add3A_2999, %mul3A_3000 : vector<16xf32>
      %mul3A_3002 = arith.mulf %add3A_2979, %add3A_2979 : vector<16xf32>
      %add3A_3003 = arith.addf %add3A_3001, %mul3A_3002 : vector<16xf32>
      %mul3A_3004 = arith.mulf %add3A_2982, %add3A_2982 : vector<16xf32>
      %add3A_3005 = arith.addf %add3A_3003, %mul3A_3004 : vector<16xf32>
      %mul3A_3006 = arith.mulf %add3A_2985, %add3A_2985 : vector<16xf32>
      %add3A_3007 = arith.addf %add3A_3005, %mul3A_3006 : vector<16xf32>
      %reduce_sum3A_3008 = arith.constant true
      %reduce_sum3A_3009 = vector.broadcast %reduce_sum3A_3008 : i1 to vector<16xi1>
      %reduce_sum3A_3010 = tpu.scan <sum>, %add3A_2992 masked %reduce_sum3A_3009 : vector<16xf32>, vector<16xi1> -> vector<16xf32>
      %reduce_sum3A_3011 = vector.extract %reduce_sum3A_3010[15] : f32 from vector<16xf32>
      %broadcast_in_dim3A_3012 = vector.broadcast %reduce_sum3A_3011 : f32 to vector<16xf32>
      %reduce_sum3A_3013 = arith.constant true
      %reduce_sum3A_3014 = vector.broadcast %reduce_sum3A_3013 : i1 to vector<16xi1>
      %reduce_sum3A_3015 = tpu.scan <sum>, %add3A_3007 masked %reduce_sum3A_3014 : vector<16xf32>, vector<16xi1> -> vector<16xf32>
      %reduce_sum3A_3016 = vector.extract %reduce_sum3A_3015[15] : f32 from vector<16xf32>
      %broadcast_in_dim3A_3017 = vector.broadcast %reduce_sum3A_3016 : f32 to vector<16xf32>
      %mul3A_3018 = arith.constant 7.812500e-03 : f32
      %mul3A_3019 = vector.broadcast %mul3A_3018 : f32 to vector<16xf32>
      %mul3A_3020 = arith.mulf %broadcast_in_dim3A_3012, %mul3A_3019 : vector<16xf32>
      %mul3A_3021 = arith.constant 7.812500e-03 : f32
      %mul3A_3022 = vector.broadcast %mul3A_3021 : f32 to vector<16xf32>
      %mul3A_3023 = arith.mulf %broadcast_in_dim3A_3017, %mul3A_3022 : vector<16xf32>
      %mul3A_3024 = arith.mulf %mul3A_3020, %mul3A_3020 : vector<16xf32>
      %sub3A_3025 = arith.subf %mul3A_3023, %mul3A_3024 : vector<16xf32>
      %add3A_3026 = arith.constant 9.99999996E-13 : f32
      %add3A_3027 = vector.broadcast %add3A_3026 : f32 to vector<16xf32>
      %add3A_3028 = arith.addf %sub3A_3025, %add3A_3027 : vector<16xf32>
      %bitcast_convert_type3A_3029 = tpu.bitcast %add3A_3028 : vector<16xf32> -> vector<16xi32>
      %shift_right_arithmetic3A_3030 = arith.constant 1 : i32
      %shift_right_arithmetic3A_3031 = vector.broadcast %shift_right_arithmetic3A_3030 : i32 to vector<16xi32>
      %shift_right_arithmetic3A_3032 = arith.shrsi %bitcast_convert_type3A_3029, %shift_right_arithmetic3A_3031 : vector<16xi32>
      %sub3A_3033 = arith.constant 1597463007 : i32
      %sub3A_3034 = vector.broadcast %sub3A_3033 : i32 to vector<16xi32>
      %sub3A_3035 = arith.subi %sub3A_3034, %shift_right_arithmetic3A_3032 : vector<16xi32>
      %bitcast_convert_type3A_3036 = tpu.bitcast %sub3A_3035 : vector<16xi32> -> vector<16xf32>
      %mul3A_3037 = arith.constant 5.000000e-01 : f32
      %mul3A_3038 = vector.broadcast %mul3A_3037 : f32 to vector<16xf32>
      %mul3A_3039 = arith.mulf %add3A_3028, %mul3A_3038 : vector<16xf32>
      %mul3A_3040 = arith.mulf %mul3A_3039, %bitcast_convert_type3A_3036 : vector<16xf32>
      %mul3A_3041 = arith.mulf %mul3A_3040, %bitcast_convert_type3A_3036 : vector<16xf32>
      %sub3A_3042 = arith.constant 1.500000e+00 : f32
      %sub3A_3043 = vector.broadcast %sub3A_3042 : f32 to vector<16xf32>
      %sub3A_3044 = arith.subf %sub3A_3043, %mul3A_3041 : vector<16xf32>
      %mul3A_3045 = arith.mulf %bitcast_convert_type3A_3036, %sub3A_3044 : vector<16xf32>
      %mul3A_3046 = arith.mulf %mul3A_3039, %mul3A_3045 : vector<16xf32>
      %mul3A_3047 = arith.mulf %mul3A_3046, %mul3A_3045 : vector<16xf32>
      %sub3A_3048 = arith.constant 1.500000e+00 : f32
      %sub3A_3049 = vector.broadcast %sub3A_3048 : f32 to vector<16xf32>
      %sub3A_3050 = arith.subf %sub3A_3049, %mul3A_3047 : vector<16xf32>
      %mul3A_3051 = arith.mulf %mul3A_3045, %sub3A_3050 : vector<16xf32>
      %mul3A_3052 = arith.mulf %mul3A_3039, %mul3A_3051 : vector<16xf32>
      %mul3A_3053 = arith.mulf %mul3A_3052, %mul3A_3051 : vector<16xf32>
      %sub3A_3054 = arith.constant 1.500000e+00 : f32
      %sub3A_3055 = vector.broadcast %sub3A_3054 : f32 to vector<16xf32>
      %sub3A_3056 = arith.subf %sub3A_3055, %mul3A_3053 : vector<16xf32>
      %mul3A_3057 = arith.mulf %mul3A_3051, %sub3A_3056 : vector<16xf32>
      %sub3A_3058 = arith.subf %add3A_2964, %mul3A_3020 : vector<16xf32>
      %mul3A_3059 = arith.mulf %sub3A_3058, %mul3A_3057 : vector<16xf32>
      %mul3A_3060 = arith.mulf %mul3A_3059, %get3A_152 : vector<16xf32>
      %add3A_3061 = arith.addf %mul3A_3060, %get3A_168 : vector<16xf32>
      %swap3A_3062 = arith.index_cast %add3A_2934 : i32 to index
      %swap3A_3063 = arith.constant 0 : index
      %swap3A_3064 = tpu.vector_load %arg11[%swap3A_3062, %swap3A_3063] {strides = array<i32>} : memref<512x128xf32, #tpu.memory_space<vmem>>, vector<16xf32>,
      tpu.vector_store %arg11[%swap3A_3062, %swap3A_3063], %add3A_3061 {strides = array<i32>} : memref<512x128xf32, #tpu.memory_space<vmem>>, vector<16xf32>,
      %sub3A_3065 = arith.subf %add3A_2967, %mul3A_3020 : vector<16xf32>
      %mul3A_3066 = arith.mulf %sub3A_3065, %mul3A_3057 : vector<16xf32>
      %mul3A_3067 = arith.mulf %mul3A_3066, %get3A_154 : vector<16xf32>
      %add3A_3068 = arith.addf %mul3A_3067, %get3A_170 : vector<16xf32>
      %swap3A_3069 = arith.index_cast %add3A_2934 : i32 to index
      %swap3A_3070 = arith.constant 16 : index
      %swap3A_3071 = tpu.vector_load %arg11[%swap3A_3069, %swap3A_3070] {strides = array<i32>} : memref<512x128xf32, #tpu.memory_space<vmem>>, vector<16xf32>,
      tpu.vector_store %arg11[%swap3A_3069, %swap3A_3070], %add3A_3068 {strides = array<i32>} : memref<512x128xf32, #tpu.memory_space<vmem>>, vector<16xf32>,
      %sub3A_3072 = arith.subf %add3A_2970, %mul3A_3020 : vector<16xf32>
      %mul3A_3073 = arith.mulf %sub3A_3072, %mul3A_3057 : vector<16xf32>
      %mul3A_3074 = arith.mulf %mul3A_3073, %get3A_156 : vector<16xf32>
      %add3A_3075 = arith.addf %mul3A_3074, %get3A_172 : vector<16xf32>
      %swap3A_3076 = arith.index_cast %add3A_2934 : i32 to index
      %swap3A_3077 = arith.constant 32 : index
      %swap3A_3078 = tpu.vector_load %arg11[%swap3A_3076, %swap3A_3077] {strides = array<i32>} : memref<512x128xf32, #tpu.memory_space<vmem>>, vector<16xf32>,
      tpu.vector_store %arg11[%swap3A_3076, %swap3A_3077], %add3A_3075 {strides = array<i32>} : memref<512x128xf32, #tpu.memory_space<vmem>>, vector<16xf32>,
      %sub3A_3079 = arith.subf %add3A_2973, %mul3A_3020 : vector<16xf32>
      %mul3A_3080 = arith.mulf %sub3A_3079, %mul3A_3057 : vector<16xf32>
      %mul3A_3081 = arith.mulf %mul3A_3080, %get3A_158 : vector<16xf32>
      %add3A_3082 = arith.addf %mul3A_3081, %get3A_174 : vector<16xf32>
      %swap3A_3083 = arith.index_cast %add3A_2934 : i32 to index
      %swap3A_3084 = arith.constant 48 : index
      %swap3A_3085 = tpu.vector_load %arg11[%swap3A_3083, %swap3A_3084] {strides = array<i32>} : memref<512x128xf32, #tpu.memory_space<vmem>>, vector<16xf32>,
      tpu.vector_store %arg11[%swap3A_3083, %swap3A_3084], %add3A_3082 {strides = array<i32>} : memref<512x128xf32, #tpu.memory_space<vmem>>, vector<16xf32>,
      %sub3A_3086 = arith.subf %add3A_2976, %mul3A_3020 : vector<16xf32>
      %mul3A_3087 = arith.mulf %sub3A_3086, %mul3A_3057 : vector<16xf32>
      %mul3A_3088 = arith.mulf %mul3A_3087, %get3A_160 : vector<16xf32>
      %add3A_3089 = arith.addf %mul3A_3088, %get3A_176 : vector<16xf32>
      %swap3A_3090 = arith.index_cast %add3A_2934 : i32 to index
      %swap3A_3091 = arith.constant 64 : index
      %swap3A_3092 = tpu.vector_load %arg11[%swap3A_3090, %swap3A_3091] {strides = array<i32>} : memref<512x128xf32, #tpu.memory_space<vmem>>, vector<16xf32>,
      tpu.vector_store %arg11[%swap3A_3090, %swap3A_3091], %add3A_3089 {strides = array<i32>} : memref<512x128xf32, #tpu.memory_space<vmem>>, vector<16xf32>,
      %sub3A_3093 = arith.subf %add3A_2979, %mul3A_3020 : vector<16xf32>
      %mul3A_3094 = arith.mulf %sub3A_3093, %mul3A_3057 : vector<16xf32>
      %mul3A_3095 = arith.mulf %mul3A_3094, %get3A_162 : vector<16xf32>
      %add3A_3096 = arith.addf %mul3A_3095, %get3A_178 : vector<16xf32>
      %swap3A_3097 = arith.index_cast %add3A_2934 : i32 to index
      %swap3A_3098 = arith.constant 80 : index
      %swap3A_3099 = tpu.vector_load %arg11[%swap3A_3097, %swap3A_3098] {strides = array<i32>} : memref<512x128xf32, #tpu.memory_space<vmem>>, vector<16xf32>,
      tpu.vector_store %arg11[%swap3A_3097, %swap3A_3098], %add3A_3096 {strides = array<i32>} : memref<512x128xf32, #tpu.memory_space<vmem>>, vector<16xf32>,
      %sub3A_3100 = arith.subf %add3A_2982, %mul3A_3020 : vector<16xf32>
      %mul3A_3101 = arith.mulf %sub3A_3100, %mul3A_3057 : vector<16xf32>
      %mul3A_3102 = arith.mulf %mul3A_3101, %get3A_164 : vector<16xf32>
      %add3A_3103 = arith.addf %mul3A_3102, %get3A_180 : vector<16xf32>
      %swap3A_3104 = arith.index_cast %add3A_2934 : i32 to index
      %swap3A_3105 = arith.constant 96 : index
      %swap3A_3106 = tpu.vector_load %arg11[%swap3A_3104, %swap3A_3105] {strides = array<i32>} : memref<512x128xf32, #tpu.memory_space<vmem>>, vector<16xf32>,
      tpu.vector_store %arg11[%swap3A_3104, %swap3A_3105], %add3A_3103 {strides = array<i32>} : memref<512x128xf32, #tpu.memory_space<vmem>>, vector<16xf32>,
      %sub3A_3107 = arith.subf %add3A_2985, %mul3A_3020 : vector<16xf32>
      %mul3A_3108 = arith.mulf %sub3A_3107, %mul3A_3057 : vector<16xf32>
      %mul3A_3109 = arith.mulf %mul3A_3108, %get3A_166 : vector<16xf32>
      %add3A_3110 = arith.addf %mul3A_3109, %get3A_182 : vector<16xf32>
      %swap3A_3111 = arith.index_cast %add3A_2934 : i32 to index
      %swap3A_3112 = arith.constant 112 : index
      %swap3A_3113 = tpu.vector_load %arg11[%swap3A_3111, %swap3A_3112] {strides = array<i32>} : memref<512x128xf32, #tpu.memory_space<vmem>>, vector<16xf32>,
      tpu.vector_store %arg11[%swap3A_3111, %swap3A_3112], %add3A_3110 {strides = array<i32>} : memref<512x128xf32, #tpu.memory_space<vmem>>, vector<16xf32>,
    }
    %scan3A_187 = arith.constant 32 : i32
    "tpu.region"() ({
      %run_scoped3A = tpu.sem_alloc : memref<!tpu.dma_semaphore, #tpu.memory_space<semaphore_mem>>
      %dma_start3A_188 = arith.constant 0 : i32
      %dma_start3A_189 = tpu.memref_slice %arg8[%mul3A_2, %dma_start3A_188] : memref<16384x128xf32, #tpu.memory_space<hbm>> -> memref<512x128xf32, #tpu.memory_space<hbm>>
      %dma_start3A_190 = arith.constant 0 : i32
      %dma_start3A_191 = tpu.memref_slice %arg8[%mul3A_2, %dma_start3A_190] : memref<16384x128xf32, #tpu.memory_space<hbm>> -> memref<512x128xf32, #tpu.memory_space<hbm>>
      tpu.enqueue_dma source(%arg11 : memref<512x128xf32, #tpu.memory_space<vmem>>) target(%dma_start3A_191 : memref<512x128xf32, #tpu.memory_space<hbm>>) target_semaphore(%run_scoped3A : memref<!tpu.dma_semaphore, #tpu.memory_space<semaphore_mem>>)
      %dma_wait3A_192 = arith.constant 0 : i32
      %dma_wait3A_193 = tpu.memref_slice %arg8[%mul3A_2, %dma_wait3A_192] : memref<16384x128xf32, #tpu.memory_space<hbm>> -> memref<512x128xf32, #tpu.memory_space<hbm>>
      %dma_wait3A_194 = arith.constant 0 : i32
      %dma_wait3A_195 = tpu.memref_slice %arg8[%mul3A_2, %dma_wait3A_194] : memref<16384x128xf32, #tpu.memory_space<hbm>> -> memref<512x128xf32, #tpu.memory_space<hbm>>
      tpu.wait_dma2 semaphore(%run_scoped3A : memref<!tpu.dma_semaphore, #tpu.memory_space<semaphore_mem>>) src(%arg11 : memref<512x128xf32, #tpu.memory_space<vmem>>) dst(%dma_wait3A_195 : memref<512x128xf32, #tpu.memory_space<hbm>>)
      tpu.yield
    }) : () -> ()
    return
  }
}

</mosaic_0001>

<sc_bundles>
// kernel: kernel.3.cloned.1.call-start
scs
__scs_entry_jumppad:
0x0: {  	(pc) =	sbr.rel $0x88, $3  }
0x1: {  	(tag) =	ssettag $0x0;
	lr =	simm.s32 $0x1  }
0x2: {  	[smem:$0x3F9B] =	sst lr;
	_ =	strace $0xD0000000  }
0x3: {  	_ = 	snop  }
0x4: {  	_ = 	snop  }
0x5: {  	_ = 	snop  }
0x6: {  	_ = 	snop  }
0x7: {  	_ = 	snop  }
__scs_overlays_trampoline_lowered:
0x8: {  	[smem:$0x3FAA] =	sst s0  }
0x9: {  	[smem:$0x3FAB] =	sst s1  }
0xa: {  	[smem:$0x3FAC] =	sst s2  }
0xb: {  	[smem:$0x3FAD] =	sst s3  }
0xc: {  	[smem:$0x3FAE] =	sst s4  }
0xd: {  	[smem:$0x3FAF] =	sst s5  }
0xe: {  	[smem:$0x3FB0] =	sst s6  }
0xf: {  	[smem:$0x3FB1] =	sst s7  }
0x10: {  	[smem:$0x3FB2] =	sst s8  }
0x11: {  	[smem:$0x3FB3] =	sst s9;
	s0 =	simm.s32 @!p0 $0x0  }
0x12: {  	s1 =	sld [smem:$0x3F99];
	s0 =	simm.s32 @p0 $0x1  }
0x13: {  	[smem:$0x3FB4] =	sst s0;
	s0 =	simm.s32 @!p1 $0x0  }
0x14: {  	s2 =	sld [smem:$0x3F98];
	s0 =	simm.s32 @p1 $0x1  }
0x15: {  	[smem:$0x3FB5] =	sst s0;
	s0 =	simm.s32 @!p2 $0x0  }
0x16: {  	s3 =	sld [smem:$0x3FDB];
	s0 =	simm.s32 @p2 $0x1  }
0x17: {  	s4 =	simm.s32 $0x1BF5;
	[smem:$0x3FB7] =	sst s0  }
0x18: {  	s0 =	sld [smem:$0x3F9A];
	_ =	swait.ge [sflag:s4], $0x0  }
0x19: {  	s7 =	sld [smem:$0x3F9B]  }
0x1a: {  	s8 =	sadd.s32 $0xFFFFE003, lr  }
0x1b: {  	s9 =	sadd.s32 $0xFFFFFEF7, lr;
	s5 =	simm.s32 $0xFFFFFFFF;
	p2 =	slt.u32 s8, $0xFFFFF086  }
0x1c: {  	p1 =	slt.u32 s9, $0xF7A;
	s5 =	simm.s32 @!p2 $0x0  }
0x1d: {  	s5 =	simm.s32 @p1 $0x1;
	p0 =	seq.s32 s7, s2  }
0x1e: {  	s7 =	smul.u32 @!p0 $0xF7A, s2;
	p2 =	seq.s32 @!p0 s5, $0x0  }
0x1f: {  	s9 =	smul.u32 $0xF7A, s1;
	s8 =	simm.s32 @!p0 $0x1BF5;
	p2 =	por !p2, p0  }
0x20: {  	[sflag:s8] =	ssyncset.s32 @!p0 $0xFFFFF086;
	s6 =	sadd.s32 @!p0 s3, s7;
	s7 =	simm.s32 @!p0 $0x108  }
0x21: {  	s3 =	sadd.s32 s3, s9;
	s6 =	sadd.s32 @!p0 $0x88, s6;
	s7 =	simm.s32 @p2 $0x1082  }
0x22: {  	[simem:s7], [sflag:s8] =	dma.local @!p0 [hbm:s6], $0xF7A  }
0x23: {  	s9 =	sor.u32 $0xD0000000, s2;
	s6 =	simm.s32 $0x108;
	_ =	swait.ge @!p0 [sflag:s8], $0x0  }
0x24: {  	s3 =	sadd.s32 $0x88, s3;
	s6 =	simm.s32 @!p1 $0x1082;
	[sflag:s4] =	ssyncset.s32 $0xFFFFF086  }
0x25: {  	[simem:s6], [sflag:s4] =	dma.local [hbm:s3], $0xF7A  }
0x26: {  	[smem:$0x3F9B] =	sst s1;
	(tag) =	ssettag s2;
	_ =	strace s9  }
0x27: {  	s1 =	sld [smem:$0x3FAB]  }
0x28: {  	s2 =	sld [smem:$0x3FAC]  }
0x29: {  	s4 =	sld [smem:$0x3FAE]  }
0x2a: {  	p0 =	seq.s32 s5, $0x0;
	s5 =	sld [smem:$0x3FAF]  }
0x2b: {  	s6 =	sld [smem:$0x3FB0]  }
0x2c: {  	s7 =	sld [smem:$0x3FB1]  }
0x2d: {  	s3 =	simm.s32 $0x108;
	s8 =	sld [smem:$0x3FB2]  }
0x2e: {  	s3 =	simm.s32 @!p0 $0x1082;
	s9 =	sld [smem:$0x3FB3]  }
0x2f: {  	lr =	sadd.s32 s0, s3;
	s0 =	sld [smem:$0x3FAA]  }
0x30: {  	s3 =	sld [smem:$0x3FAD]  }
0x31: {  	[smem:$0x3FB6] =	sst s10  }
0x32: {  	s10 =	sld [smem:$0x3FB4];
	_ =	sdelay $0x3  }
0x33: {  	p0 =	seq.s32 s10, $0x1;
	s10 =	sld [smem:$0x3FB6];
	_ =	sdelay $0x3  }
0x34: {  	[smem:$0x3FB6] =	sst s10  }
0x35: {  	s10 =	sld [smem:$0x3FB5];
	_ =	sdelay $0x3  }
0x36: {  	p1 =	seq.s32 s10, $0x1;
	s10 =	sld [smem:$0x3FB6];
	_ =	sdelay $0x3  }
0x37: {  	[smem:$0x3FB6] =	sst s10  }
0x38: {  	s10 =	sld [smem:$0x3FB7]  }
0x39: {  	_ = 	snop;
	(pc) =	sbr.ind lr, $3  }
0x3a: {  	_ = 	snop  }
0x3b: {  	_ = 	snop  }
0x3c: {  	p2 =	seq.s32 s10, $0x1;
	s10 =	sld [smem:$0x3FB6]  }
0x3d: {  	_ =	shalt  }
0x3e: {  	_ =	shalt  }
0x3f: {  	_ =	shalt  }
0x40: {  	_ =	shalt  }
0x41: {  	_ =	shalt  }
0x42: {  	_ =	shalt  }
0x43: {  	_ =	shalt  }
0x44: {  	_ =	shalt  }
0x45: {  	_ =	shalt  }
0x46: {  	_ =	shalt  }
0x47: {  	_ =	shalt  }
0x48: {  	_ =	shalt  }
0x49: {  	_ =	shalt  }
0x4a: {  	_ =	shalt  }
0x4b: {  	_ =	shalt  }
0x4c: {  	_ =	shalt  }
0x4d: {  	_ =	shalt  }
0x4e: {  	_ =	shalt  }
0x4f: {  	_ =	shalt  }
0x50: {  	_ =	shalt  }
0x51: {  	_ =	shalt  }
0x52: {  	_ =	shalt  }
0x53: {  	_ =	shalt  }
0x54: {  	_ =	shalt  }
0x55: {  	_ =	shalt  }
0x56: {  	_ =	shalt  }
0x57: {  	_ =	shalt  }
0x58: {  	_ =	shalt  }
0x59: {  	_ =	shalt  }
0x5a: {  	_ =	shalt  }
0x5b: {  	_ =	shalt  }
0x5c: {  	_ =	shalt  }
0x5d: {  	_ =	shalt  }
0x5e: {  	_ =	shalt  }
0x5f: {  	_ =	shalt  }
0x60: {  	_ =	shalt  }
0x61: {  	_ =	shalt  }
0x62: {  	_ =	shalt  }
0x63: {  	_ =	shalt  }
0x64: {  	_ =	shalt  }
0x65: {  	_ =	shalt  }
0x66: {  	_ =	shalt  }
0x67: {  	_ =	shalt  }
0x68: {  	_ =	shalt  }
0x69: {  	_ =	shalt  }
0x6a: {  	_ =	shalt  }
0x6b: {  	_ =	shalt  }
0x6c: {  	_ =	shalt  }
0x6d: {  	_ =	shalt  }
0x6e: {  	_ =	shalt  }
0x6f: {  	_ =	shalt  }
0x70: {  	_ =	shalt  }
0x71: {  	_ =	shalt  }
0x72: {  	_ =	shalt  }
0x73: {  	_ =	shalt  }
0x74: {  	_ =	shalt  }
0x75: {  	_ =	shalt  }
0x76: {  	_ =	shalt  }
0x77: {  	_ =	shalt  }
0x78: {  	_ =	shalt  }
0x79: {  	_ =	shalt  }
0x7a: {  	_ =	shalt  }
0x7b: {  	_ =	shalt  }
0x7c: {  	_ =	shalt  }
0x7d: {  	_ =	shalt  }
0x7e: {  	_ =	shalt  }
0x7f: {  	_ =	shalt  }
0x80: {  	_ =	shalt  }
0x81: {  	_ =	shalt  }
0x82: {  	_ =	shalt  }
0x83: {  	_ =	shalt  }
0x84: {  	_ =	shalt  }
0x85: {  	_ =	shalt  }
0x86: {  	_ =	shalt  }
0x87: {  	_ =	shalt  }
.Lfunc_end0:
.L_simem_size_0:
called_computation_lowered:
.L_overlay_start_0:
0x88: {  	s2 =	sld [smem:$0x3FD9]  }
0x89: {  	s3 =	sld [smem:$0x3FFE];
	_ =	sdelay $0x1  }
0x8a: {  	s1 =	srdreg.scid  }
0x8b: {  	s0 =	sand.u32 $0x1, s1  }
0x8c: {  	s17 =	sshll.u32 s0, $0xA;
	s2 =	sadd.s32 s3, s2  }
0x8d: {  	s2 =	sadd.s32 s2, s17  }
0x8e: {  	[smem:$0x3FC2] =	sst s2  }
0x8f: {  	_ = 	snop  }
0x90: {  	s2 =	sld [smem:$0x3FC7]  }
0x91: {  	s18 =	sld [smem:$0x3FC6]  }
0x92: {  	s4 =	sld [smem:$0x3FC5]  }
0x93: {  	s5 =	sld [smem:$0x3FC4]  }
0x94: {  	s6 =	sld [smem:$0x3FD0];
	(tm) =	ssettm $0x1  }
0x95: {  	s7 =	sld [smem:$0x3FFB];
	_ =	sdelay $0x3  }
0x96: {  	_ =	strace s7  }
0x97: {  	s7 =	sld [smem:$0x3FFC];
	_ =	sdelay $0x3  }
0x98: {  	_ =	strace s7  }
0x99: {  	s7 =	sld [smem:$0x3FFD];
	_ =	sdelay $0x3  }
0x9a: {  	_ =	strace s7  }
0x9b: {  	_ =	strace $0x8FFFFFFF  }
0x9c: {  	s19 =	sld [smem:$0x3FDB];
	_ =	sdelay $0x1  }
0x9d: {  	s8 =	simm.s32 $_scs_section_size  }
0x9e: {  	s9 =	simm.s32 $_size__tile_overlayer_lowered;
	s10 =	simm.s32 $_tile_overlayer_lowered  }
0x9f: {  	s22 =	simm.s32 $0x1BFF;
	s21 =	sshll.u32 s10, $0x1;
	s7 =	sadd.s32 s8, s19  }
0xa0: {  	s11 =	simm.s32 $0x0;
	s20 =	sshll.u32 s9, $0x1;
	s9 =	sadd.s32 s21, s7  }
0xa1: {  	[timem:s11], [sflag:s22] =	dma.local [hbm:s9], s20  }
0xa2: {  	_ =	swait.ge [sflag:s22], s20  }
0xa3: {  	s8 =	ssub.s32 $0x0, s20;
	[sflag:s22] =	ssyncset.done $0x0  }
0xa4: {  	[sflag:s22] =	ssyncadd.s32 s8;
	_ =	sdelay $0x1  }
0xa5: {  	s23 =	simm.s32 $0x1B8B  }
0xa6: {  	_ =	swait.ge [sflag:s23], $0x1  }
0xa7: {  	[sflag:s23] =	ssyncset.done $0x0  }
0xa8: {  	s25 =	simm.s32 $0x1B8E;
	s24 =	sld [smem:$0x3FFE];
	[sflag:s23] =	ssyncadd.s32 $0xFFFFFFFF  }
0xa9: {  	s26 =	simm.s32 $execute0_lowered;
	[smem:$0x3FD2] =	sst s25  }
0xaa: {  	s9 =	sshll.u32 s26, $0x1;
	_ =	strace $0x80000046;
	[dreg:$0x1] =	wrdreg $0xFFFFFFFF  }
0xab: {  	s28 =	simm.s32 $_size_execute0_lowered;
	s7 =	sadd.s32 s7, s9;
	[dreg:$0x0] =	wrdreg $0x0  }
0xac: {  	s9 =	sshll.u32 s28, $0x1;
	[dreg:$0x2] =	wrdreg s7  }
0xad: {  	[dreg:$0x3] =	wrdreg s9  }
0xae: {  	[dreg:$0x4] =	wrdreg $0xC0  }
0xaf: {  	_ =	task [dreg:s11], $0x5FFFF  }
0xb0: {  	[dreg:$0x1] =	wrdreg $0xFFFFFFFF  }
0xb1: {  	[dreg:$0x0] =	wrdreg $0x60  }
0xb2: {  	[dreg:$0x2] =	wrdreg s24  }
0xb3: {  	[dreg:$0x3] =	wrdreg s2  }
0xb4: {  	[dreg:$0x4] =	wrdreg s18  }
0xb5: {  	[dreg:$0x5] =	wrdreg s4  }
0xb6: {  	[dreg:$0x6] =	wrdreg s5  }
0xb7: {  	[dreg:$0x7] =	wrdreg s6  }
0xb8: {  	[dreg:$0x8] =	wrdreg $0x9  }
0xb9: {  	_ =	task.clear_ibuf [dreg:s11], $0x9FFFF;
	_ =	strace $0x90000046  }
0xba: {  	s29 =	simm.s32 $0x9;
	_ =	strace $0x80000048  }
0xbb: {  	_ =	swait.ge [sflag:s29], $0x1  }
0xbc: {  	[sflag:s29] =	ssyncadd.s32 $0xFFFFFFFF  }
0xbd: {  	_ =	strace $0x90000048  }
0xbe: {  	_ =	sfence  }
0xbf: {  	s30 =	sld [smem:$0x0];
	_ =	sdelay $0x2  }
0xc0: {  	s31 =	sshll.u32 s1, $0xD;
	s1 =	sshrl.u32 s1, $0x2  }
0xc1: {  	s3 =	sand.u32 $0x4000, s31;
	s1 =	sadd.s32 s1, s30  }
0xc2: {  	s0 =	sor.u32 s3, s0;
	s1 =	sshll.u32 s1, $0x11  }
0xc3: {  	s0 =	sor.u32 s1, s0  }
0xc4: {  	s0 =	sadd.s32 $0x8F2B, s0  }
0xc5: {  	[sflag:s0] =	ssyncadd.remote.s32 $0x1  }
0xc6: {  	_ =	sfence.sel $0xFFFF  }
0xc7: {  	[dreg:$0x0] =	wrdreg $0xFFFFFFFF;
	(pc) =	sbr.abs _section_cstart, $3  }
0xc8: {  	[dreg:$0x1] =	wrdreg $0xFFFFFFFF  }
0xc9: {  	_ =	task.clear_ibuf [dreg:s11], $0x2FFFF;
	_ =	strace $0x9FFFFFFF  }
0xca: {  	(tm) =	ssettm $0x7FFFFFFF  }
0xcb: {  	_ =	shalt  }
tec
execute0_lowered:
.L_overlay_start_1:
0x0: {  	(tag) =	ssettag $0x1  }
0x1: {  	s7 =	rddreg [dreg:$0x0]  }
0x2: {  	s0 =	rddreg [dreg:$0x1]  }
0x3: {  	s2 =	rddreg [dreg:$0x2]  }
0x4: {  	s3 =	rddreg [dreg:$0x3]  }
0x5: {  	s5 =	rddreg [dreg:$0x4];
	s4 =	srdreg.scid  }
0x6: {  	s1 =	stileid.u32;
	s9 =	rddreg [dreg:$0x5];
	s6 =	simm.s32 $0x0  }
0x7: {  	s14 =	simm.s32 $0x200;
	s15 =	simm.s32 $0x10400;
	s16 =	simm.s32 $0x10500  }
0x8: {  	s17 =	simm.s32 $0x10580;
	s18 =	simm.s32 $0x4400;
	s19 =	simm.s32 $0x100  }
0x9: {  	s20 =	simm.s32 $0x8400;
	s21 =	simm.s32 $0x180;
	s22 =	simm.s32 $0xC400  }
0xa: {  	s23 =	simm.s32 $0x1;
	s8 =	sand.u32 $0x1, s4;
	s4 =	rddreg [dreg:$0x6]  }
0xb: {  	s24 =	simm.s32 $0x0;
	s10 =	sshll.u32 s1, $0x1;
	[smem:$0x7FF] =	sst s6  }
0xc: {  	s12 =	sshll.u32 s1, $0x7;
	s10 =	sor.u32 s8, s10;
	_ =	strace $0x80000047  }
0xd: {  	s12 =	sand.u32 $0x600, s12;
	s8 =	ssub.s32 $0x2, s8;
	s11 =	sshll.u32 s10, $0x6  }
0xe: {  	s13 =	sshll.u32 s10, $0x4;
	s30 =	sshrl.u32 s8, $0x1;
	s10 =	sshll.u32 s10, $0xD  }
0xf: {  	s11 =	sadd.s32 s11, s7;
	s7 =	sadd.s32 s12, s7;
	s13 =	sand.u32 $0x70, s13  }
0x10: {  	s12 =	ssub.s32 s8, s30;
	s9 =	sadd.s32 s9, s10;
	s31 =	sadd.s32 s13, s7  }
0x11: {  	s7 =	sadd.s32 $0x400, s11;
	s10 =	smax.u32 s12, $0x1;
	s11 =	simm.s32 $0x2  }
0x12: {  	s12 =	simm.s32 $0x80;
	s13 =	simm.s32 $0x400;
	s8 =	sadd.s32 $0xC00, s31  }
.LBB2_1:
0x13: {  	[tilespmem:s6], [sflag:$0x2] =	stream.linear.gather [hbm4b:s7+s6], $0x200, $0x38;
	[tilespmem:$0x10600] =	vst v63  }
0x14: {  	_ =	swait.ge [sflag:s11], $0x200  }
0x15: {  	[sflag:s11] =	ssyncset.done $0x0  }
0x16: {  	[sflag:s11] =	ssyncadd.s32 $0xFFFFFE00  }
0x17: {  	[tilespmem:s14], [sflag:$0x2] =	stream.strided.gather [hbm4b:s8+s12], $0x200, s13, s12, $0x38;
	[tilespmem:$0x10600] =	vst v63  }
0x18: {  	_ =	swait.ge [sflag:s11], $0x200  }
0x19: {  	[sflag:s11] =	ssyncset.done $0x0  }
0x1a: {  	[sflag:s11] =	ssyncadd.s32 $0xFFFFFE00  }
0x1b: {  	[tilespmem:s15], [sflag:$0x2] =	stream.linear.gather [hbm4b:s2+s6], $0x100, $0x38;
	[tilespmem:$0x10600] =	vst v63  }
0x1c: {  	_ =	swait.ge [sflag:s11], $0x100  }
0x1d: {  	[sflag:s11] =	ssyncset.done $0x0  }
0x1e: {  	[sflag:s11] =	ssyncadd.s32 $0xFFFFFF00  }
0x1f: {  	[tilespmem:s16], [sflag:$0x2] =	stream.linear.gather [hbm4b:s3+s6], $0x80, $0x38;
	[tilespmem:$0x10600] =	vst v63  }
0x20: {  	_ =	swait.ge [sflag:s11], $0x80  }
0x21: {  	[sflag:s11] =	ssyncset.done $0x0  }
0x22: {  	[sflag:s11] =	ssyncadd.s32 $0xFFFFFF80  }
0x23: {  	[tilespmem:s17], [sflag:$0x2] =	stream.linear.gather [hbm4b:s5+s6], $0x80, $0x38;
	[tilespmem:$0x10600] =	vst v63  }
0x24: {  	_ =	swait.ge [sflag:s11], $0x80  }
0x25: {  	[sflag:s11] =	ssyncset.done $0x0  }
0x26: {  	[sflag:s11] =	ssyncadd.s32 $0xFFFFFF80  }
0x27: {  	[tilespmem:s13], [sflag:$0x1] =	stream.indirect.gather [hbm4b:s0+s12], $0x80, s6, s12, $0xb8;
	[tilespmem:$0x10600] =	vst v63  }
0x28: {  	_ = 	snop  }
0x29: {  	[tilespmem:s18], [sflag:$0x1] =	stream.indirect.gather [hbm4b:s0+s12], $0x80, s12, s12, $0xb8;
	[tilespmem:$0x10600] =	vst v63  }
0x2a: {  	_ = 	snop  }
0x2b: {  	[tilespmem:s20], [sflag:$0x1] =	stream.indirect.gather [hbm4b:s0+s12], $0x80, s19, s12, $0xb8;
	[tilespmem:$0x10600] =	vst v63  }
0x2c: {  	_ = 	snop  }
0x2d: {  	[tilespmem:s22], [sflag:$0x1] =	stream.indirect.gather [hbm4b:s0+s12], $0x80, s21, s12, $0xb8;
	[tilespmem:$0x10600] =	vst v63  }
0x2e: {  	_ =	swait.ge [sflag:s23], $0x4000  }
0x2f: {  	[sflag:s23] =	ssyncset.done $0x0  }
0x30: {  	[sflag:s23] =	ssyncadd.s32 $0xFFFFC000  }
0x31: {  	_ =	swait.ge [sflag:s23], $0x4000  }
0x32: {  	[sflag:s23] =	ssyncset.done $0x0  }
0x33: {  	[sflag:s23] =	ssyncadd.s32 $0xFFFFC000  }
0x34: {  	_ =	swait.ge [sflag:s23], $0x4000  }
0x35: {  	[sflag:s23] =	ssyncset.done $0x0  }
0x36: {  	[sflag:s23] =	ssyncadd.s32 $0xFFFFC000  }
0x37: {  	_ =	swait.ge [sflag:s23], $0x4000  }
0x38: {  	[sflag:s23] =	ssyncset.done $0x0  }
0x39: {  	[sflag:s23] =	ssyncadd.s32 $0xFFFFC000  }
0x3a: {  	v8 =	vld [tilespmem:$0x10400]  }
0x3b: {  	v9 =	vld [tilespmem:$0x10410]  }
0x3c: {  	v16 =	vld [tilespmem:$0x10500]  }
0x3d: {  	v42 =	vld [tilespmem:$0x10510]  }
0x3e: {  	v43 =	vld [tilespmem:$0x10520]  }
0x3f: {  	v44 =	vld [tilespmem:$0x10530]  }
0x40: {  	v45 =	vld [tilespmem:$0x10540]  }
0x41: {  	v46 =	vld [tilespmem:$0x10550];
	[tilespmem:$0x1FE00] =	vst v16  }
0x42: {  	v47 =	vld [tilespmem:$0x10560];
	[tilespmem:$0x1FE10] =	vst v42  }
0x43: {  	v48 =	vld [tilespmem:$0x10570];
	[tilespmem:$0x1FE20] =	vst v43  }
0x44: {  	v49 =	vld [tilespmem:$0x10580];
	[tilespmem:$0x1FE30] =	vst v44  }
0x45: {  	v50 =	vld [tilespmem:$0x10590];
	[tilespmem:$0x1FE40] =	vst v45  }
0x46: {  	v51 =	vld [tilespmem:$0x105A0];
	[tilespmem:$0x1FE50] =	vst v46  }
0x47: {  	v52 =	vld [tilespmem:$0x105B0];
	[tilespmem:$0x1FE60] =	vst v47  }
0x48: {  	v10 =	vld [tilespmem:$0x10420];
	[tilespmem:$0x1FE70] =	vst v48  }
0x49: {  	v11 =	vld [tilespmem:$0x10430];
	[tilespmem:$0x1FE80] =	vst v49  }
0x4a: {  	v54 =	vld [tilespmem:$0x105C0];
	[tilespmem:$0x1FE90] =	vst v50  }
0x4b: {  	v12 =	vld [tilespmem:$0x10440];
	[tilespmem:$0x1FEA0] =	vst v51  }
0x4c: {  	v13 =	vld [tilespmem:$0x10450];
	[tilespmem:$0x1FEB0] =	vst v52  }
0x4d: {  	v57 =	vld [tilespmem:$0x105D0];
	[tilespmem:$0x1FEC0] =	vst v8  }
0x4e: {  	v14 =	vld [tilespmem:$0x10460];
	[tilespmem:$0x1FEE0] =	vst v9  }
0x4f: {  	v15 =	vld [tilespmem:$0x10470];
	[tilespmem:$0x1FF00] =	vst v54  }
0x50: {  	v60 =	vld [tilespmem:$0x105E0];
	[tilespmem:$0x1FF10] =	vst v10  }
0x51: {  	v0 =	vld [tilespmem:$0x10480];
	[tilespmem:$0x1FF30] =	vst v11  }
0x52: {  	v1 =	vld [tilespmem:$0x10490];
	[tilespmem:$0x1FF50] =	vst v57  }
0x53: {  	v63 =	vld [tilespmem:$0x105F0];
	[tilespmem:$0x1FF60] =	vst v12  }
0x54: {  	v2 =	vld [tilespmem:$0x104A0];
	[tilespmem:$0x1FF80] =	vst v13  }
0x55: {  	v3 =	vld [tilespmem:$0x104B0];
	[tilespmem:$0x1FFA0] =	vst v60  }
0x56: {  	v4 =	vld [tilespmem:$0x104C0];
	[tilespmem:$0x1FFB0] =	vst v14  }
0x57: {  	v5 =	vld [tilespmem:$0x104D0];
	v0 =	vsub.f32 v0, v8;
	[tilespmem:$0x1FFD0] =	vst v15  }
0x58: {  	v6 =	vld [tilespmem:$0x104E0];
	v53 =	vsub.f32 v1, v9;
	[tilespmem:$0x1FFF0] =	vst v63  }
0x59: {  	v7 =	vld [tilespmem:$0x104F0];
	v55 =	vsub.f32 v2, v10;
	[tilespmem:$0x1FED0] =	vst v0  }
0x5a: {  	v56 =	vsub.f32 v3, v11;
	[tilespmem:$0x1FEF0] =	vst v53  }
0x5b: {  	v58 =	vsub.f32 v4, v12;
	[tilespmem:$0x1FF20] =	vst v55  }
0x5c: {  	v59 =	vsub.f32 v5, v13;
	[tilespmem:$0x1FF40] =	vst v56  }
0x5d: {  	v61 =	vsub.f32 v6, v14;
	[tilespmem:$0x1FF70] =	vst v58  }
0x5e: {  	v62 =	vsub.f32 v7, v15;
	[tilespmem:$0x1FF90] =	vst v59  }
0x5f: {  	[tilespmem:$0x1FFC0] =	vst v61  }
0x60: {  	s25 =	simm.s32 $0x0;
	[tilespmem:$0x1FFE0] =	vst v62  }
.LBB2_2:
0x61: {  	v27 =	vld [tilespmem:$0x1FED0]  }
0x62: {  	v24 =	vld [tilespmem:$0x1FEF0]  }
0x63: {  	v26 =	vld [tilespmem:$0x1FEC0]  }
0x64: {  	s26 =	sshll.u32 s25, $0x4;
	v23 =	vld [tilespmem:$0x1FF20]  }
0x65: {  	v21 =	vld [tilespmem:$0x1FEE0];
	s26 =	sand.u32 $0x3FFFFFF0, s26  }
0x66: {  	v0 =	vld [tilespmem:s26+$0x200]  }
0x67: {  	v54 =	vld [tilespmem:$0x1FF40]  }
0x68: {  	v22 =	vld [tilespmem:$0x1FF10]  }
0x69: {  	v28 =	vld [tilespmem:$0x1FF30]  }
0x6a: {  	v32 =	vld [tilespmem:$0x1FF70]  }
0x6b: {  	s31 =	sshll.u32 s25, $0xB;
	v60 =	vld [tilespmem:$0x1FF90];
	v25 =	vcvt.s32.f32 v0  }
0x6c: {  	v49 =	vld [tilespmem:$0x1FF60];
	s26 =	sand.u32 $0x3FFFF800, s31  }
0x6d: {  	v17 =	vld [tilespmem:s26+$0x400];
	v6 =	vbroadcast v25, $0x0  }
0x6e: {  	v1 =	vld [tilespmem:s26+$0x410]  }
0x6f: {  	v3 =	vld [tilespmem:s26+$0x420];
	v2 =	vmul.f32 v6, v27  }
0x70: {  	v5 =	vld [tilespmem:s26+$0x430];
	v4 =	vmul.f32 v6, v24;
	v7 =	vmul.f32 v6, v23  }
0x71: {  	v50 =	vld [tilespmem:$0x1FF80];
	v8 =	vmul.f32 v6, v54;
	v9 =	vmul.f32 v6, v32;
	v2 =	vadd.f32 v2, v26  }
0x72: {  	v19 =	vld [tilespmem:s26+$0x440];
	v4 =	vadd.f32 v4, v21;
	v18 =	vadd.f32 v7, v22  }
0x73: {  	v55 =	vld [tilespmem:$0x1FFC0];
	v20 =	vadd.f32 v8, v28;
	v9 =	vadd.f32 v9, v49  }
0x74: {  	v53 =	vld [tilespmem:$0x1FFB0];
	v0 =	vadd.f32 v2, v17;
	v1 =	vadd.f32 v4, v1  }
0x75: {  	v29 =	vld [tilespmem:s26+$0x450];
	v2 =	vadd.f32 v18, v3;
	v3 =	vadd.f32 v20, v5  }
0x76: {  	v20 =	vld [tilespmem:$0x1FFE0];
	v30 =	vmul.f32 v0, v0;
	v31 =	vmul.f32 v1, v1;
	v11 =	vadd.f32 v1, v0  }
0x77: {  	v12 =	vld [tilespmem:s26+$0x460];
	v10 =	vmul.f32 v6, v60;
	v4 =	vadd.f32 v19, v9  }
0x78: {  	v19 =	vld [tilespmem:$0x1FFD0];
	v14 =	vmul.f32 v2, v2;
	v13 =	vadd.f32 v31, v30;
	v34 =	vadd.f32 v11, v2  }
0x79: {  	v33 =	vmul.f32 v6, v55;
	v10 =	vadd.f32 v10, v50  }
0x7a: {  	v37 =	vld [tilespmem:s26+$0x470];
	v36 =	vmul.f32 v3, v3;
	v35 =	vadd.f32 v13, v14;
	v9 =	vadd.f32 v34, v3  }
0x7b: {  	v7 =	vadd.f32 v33, v53;
	v5 =	vadd.f32 v29, v10;
	v38 =	vmul.f32 v6, v20  }
0x7c: {  	v39 =	vmul.f32 v4, v4;
	v8 =	vadd.f32 v35, v36;
	v40 =	vadd.f32 v9, v4  }
0x7d: {  	v6 =	vadd.f32 v12, v7;
	v41 =	vadd.f32 v38, v19  }
0x7e: {  	v42 =	vmul.f32 v5, v5;
	v8 =	vadd.f32 v8, v39;
	v43 =	vadd.f32 v40, v5  }
0x7f: {  	v7 =	vadd.f32 v37, v41  }
0x80: {  	v44 =	vmul.f32 v6, v6;
	v8 =	vadd.f32 v8, v42;
	v45 =	vadd.f32 v43, v6;
	_ =	sdelay $0x1  }
0x81: {  	v46 =	vmul.f32 v7, v7;
	v8 =	vadd.f32 v8, v44;
	v10 =	vadd.f32 v45, v7;
	_ =	sdelay $0x1  }
0x82: {  	v51 =	vbroadcast v25, $0x1;
	v8 =	vadd.f32 v8, v46;
	(xrf2) =	vadd.scan.msk.f32 $0xffff, v10  }
0x83: {  	v57 =	vld [tilespmem:s26+$0x490]  }
0x84: {  	v52 =	vld [tilespmem:s26+$0x480];
	v15 =	vmul.f32 v51, v24;
	(xrf2) =	vadd.scan.msk.f32 $0xffff, v8  }
0x85: {  	v58 =	vld [tilespmem:s26+$0x4A0];
	v59 =	vmul.f32 v51, v27  }
0x86: {  	v15 =	vadd.f32 v15, v21;
	v17 =	vmul.f32 v51, v23;
	v18 =	vld [tilespmem:s26+$0x4B0]  }
0x87: {  	v33 =	vmul.f32 v51, v54;
	v14 =	vadd.f32 v59, v26  }
0x88: {  	v15 =	vadd.f32 v57, v15;
	v17 =	vadd.f32 v17, v22  }
0x89: {  	v63 =	vadd.f32 v33, v28;
	v14 =	vadd.f32 v52, v14  }
0x8a: {  	v62 =	vmul.f32 v51, v32;
	v33 =	vbroadcast v25, $0x2;
	v17 =	vadd.f32 v58, v17  }
0x8b: {  	v18 =	vadd.f32 v18, v63;
	v34 =	vmul.f32 v15, v15;
	v31 =	vmul.f32 v14, v14  }
0x8c: {  	v59 =	vmul.f32 v33, v24;
	v9 =	vadd.f32 v62, v49;
	v36 =	vmul.f32 v51, v55;
	v47, _, _ =	vpop (xrf2)  }
0x8d: {  	v61 =	vld [tilespmem:s26+$0x4C0];
	v41 =	vmul.f32 v17, v17;
	v11 =	vadd.f32 v34, v31;
	v13 =	vmul.f32 $7.812500000e-03, v47  }
0x8e: {  	v35 =	vld [tilespmem:s26+$0x4E0];
	v62 =	vadd.f32 v59, v21;
	v29 =	vadd.f32 v15, v14;
	v42 =	vmul.f32 v18, v18;
	v48, _, _ =	vpop (xrf2)  }
0x8f: {  	v30 =	vld [tilespmem:s26+$0x4D0];
	v11 =	vadd.f32 v41, v11;
	v56 =	vmul.f32 $7.812500000e-03, v48;
	v16 =	vmul.f32 v13, v13  }
0x90: {  	v40 =	vmul.f32 v51, v60;
	v36 =	vadd.f32 v36, v53;
	v12 =	vadd.f32 v17, v29  }
0x91: {  	v11 =	vadd.f32 v42, v11;
	v8 =	vsub.f32 v56, v16  }
0x92: {  	v37 =	vld [tilespmem:s26+$0x4F0];
	v42 =	vmul.f32 v33, v23;
	v16 =	vadd.f32 v61, v9;
	v9 =	vadd.f32 v40, v50  }
0x93: {  	v43 =	vmul.f32 v51, v20;
	v39 =	vadd.f32 v35, v36;
	v12 =	vadd.f32 v18, v12;
	v48 =	vld [tilespmem:s26+$0x500]  }
0x94: {  	v29 =	vadd.f32 v42, v22;
	v56 =	vmul.f32 v33, v27;
	v38 =	vadd.f32 v30, v9  }
0x95: {  	v52 =	vld [tilespmem:s26+$0x510];
	v44 =	vadd.f32 v16, v12;
	v45 =	vmul.f32 v16, v16;
	v9 =	vadd.f32 v43, v19  }
0x96: {  	v63 =	vmul.f32 v33, v54;
	v61 =	vld [tilespmem:s26+$0x530];
	v34 =	vadd.f32 $9.999999960e-13, v8;
	v35 =	vadd.f32 v56, v26  }
0x97: {  	v58 =	vld [tilespmem:s26+$0x520];
	v10 =	vadd.f32 v38, v44;
	v46 =	vadd.f32 v45, v11;
	v47 =	vmul.f32 v38, v38  }
0x98: {  	v41 =	vadd.f32 v37, v9;
	v44 =	vadd.f32 v48, v35  }
0x99: {  	v57 =	vmul.f32 v39, v39;
	v11 =	vadd.f32 v63, v28;
	v8 =	vadd.f32 v47, v46  }
0x9a: {  	v30 =	vld [tilespmem:s26+$0x540];
	v48 =	vmul.f32 v33, v32;
	v51 =	vadd.f32 v39, v10;
	v10 =	vadd.f32 v52, v62  }
0x9b: {  	v9 =	vadd.f32 v61, v11;
	v52 =	vmul.f32 v44, v44;
	v43 =	vadd.f32 v57, v8  }
0x9c: {  	v31 =	vld [tilespmem:s26+$0x550];
	v8 =	vadd.f32 v58, v29;
	v56 =	vmul.f32 v10, v10;
	v45 =	vadd.f32 v10, v44  }
0x9d: {  	v12 =	vadd.f32 v48, v49;
	v40 =	vadd.f32 v41, v51;
	v51 =	vmul.f32 v33, v60  }
0x9e: {  	v46 =	vld [tilespmem:s26+$0x560];
	v42 =	vadd.f32 v56, v52;
	v47 =	vmul.f32 v8, v8;
	v45 =	vadd.f32 v8, v45  }
0x9f: {  	v12 =	vadd.f32 v30, v12;
	v57 =	vmul.f32 v33, v55;
	v36 =	vadd.f32 v51, v50  }
0xa0: {  	v61 =	vld [tilespmem:s26+$0x570];
	v59 =	vmul.f32 v9, v9;
	v58 =	vadd.f32 v47, v42;
	v45 =	vadd.f32 v9, v45  }
0xa1: {  	v33 =	vmul.f32 v33, v20;
	v35 =	vadd.f32 v57, v53;
	(xrf2) =	vadd.scan.msk.f32 $0xffff, v40;
	v11 =	vadd.f32 v31, v36  }
0xa2: {  	v62 =	vmul.f32 v12, v12;
	v36 =	vadd.f32 v59, v58;
	v29 =	vadd.f32 v12, v45  }
0xa3: {  	v63 =	vmul.f32 v41, v41;
	v33 =	vadd.f32 v33, v19;
	v56 =	vadd.f32 v46, v35  }
0xa4: {  	v30 =	vmul.f32 v11, v11;
	v36 =	vadd.f32 v62, v36;
	v35 =	vadd.f32 v11, v29  }
0xa5: {  	v31 =	vadd.f32 v63, v43;
	v42 =	vadd.f32 v61, v33  }
0xa6: {  	v46 =	vmul.f32 v56, v56;
	v45 =	vadd.f32 v30, v36;
	v35 =	vadd.f32 v56, v35  }
0xa7: {  	v34 =	vbroadcast v34, $0xF  }
0xa8: {  	(xrf2) =	vadd.scan.msk.f32 $0xffff, v31;
	v47 =	vmul.f32 v42, v42;
	v33 =	vadd.f32 v46, v45;
	v58 =	vadd.f32 v42, v35  }
0xa9: {  	v13 =	vbroadcast v13, $0xF;
	v48 =	vmul.f32 $5.000000000e-01, v34;
	v57 =	vshra.s32 v34, $0x1  }
0xaa: {  	v52 =	vsub.s32 $0x5F3759DF, v57;
	v33 =	vadd.f32 v47, v33;
	(xrf2) =	vadd.scan.msk.f32 $0xffff, v58  }
0xab: {  	v0 =	vsub.f32 v0, v13;
	v59 =	vmul.f32 v52, v48;
	v62, _, _ =	vpop (xrf2)  }
0xac: {  	v1 =	vsub.f32 v1, v13;
	v3 =	vsub.f32 v3, v13;
	v63 =	vmul.f32 $7.812500000e-03, v62;
	(xrf2) =	vadd.scan.msk.f32 $0xffff, v33  }
0xad: {  	v37 =	vsub.f32 v6, v13;
	v61 =	vmul.f32 v52, v59;
	v29 =	vsub.f32 v4, v13  }
0xae: {  	[tilespmem:$0x1F290] =	vst v0;
	v36 =	vsub.f32 v5, v13;
	v5 =	vbroadcast v25, $0x3;
	v31 =	vbroadcast v63, $0xF  }
0xaf: {  	[tilespmem:$0x1F2A0] =	vst v1;
	v40 =	vsub.f32 v7, v13;
	v57 =	vsub.f32 $1.500000000e+00, v61  }
0xb0: {  	[tilespmem:$0x1F2B0] =	vst v29;
	v45 =	vsub.f32 v2, v13;
	v29 =	vmul.f32 v5, v24;
	v43 =	vsub.f32 v14, v31  }
0xb1: {  	[tilespmem:$0x1F2E0] =	vst v40;
	v40 =	vld [tilespmem:s26+$0x590];
	v35 =	vmul.f32 v5, v23;
	v46 =	vsub.f32 v15, v31;
	v58 =	vsub.f32 v18, v31  }
0xb2: {  	[tilespmem:$0x1F2D0] =	vst v37;
	v0 =	vmul.f32 v63, v63;
	v30, _, _ =	vpop (xrf2);
	v47 =	vsub.f32 v17, v31;
	v61 =	vsub.f32 v16, v31  }
0xb3: {  	v1 =	vmul.f32 $7.812500000e-03, v30;
	v62 =	vsub.f32 v38, v31;
	v38 =	vsub.f32 v39, v31;
	[tilespmem:$0x1F320] =	vst v58  }
0xb4: {  	v37 =	vmul.f32 v5, v54;
	v63 =	vld [tilespmem:s26+$0x580];
	v2 =	vsub.f32 v41, v31;
	v15 =	vadd.f32 v29, v21;
	[tilespmem:$0x1F330] =	vst v61;
	v51, _, _ =	vpop (xrf2)  }
0xb5: {  	v30 =	vld [tilespmem:s26+$0x5B0];
	v0 =	vsub.f32 v1, v0;
	[tilespmem:$0x1F340] =	vst v62;
	v58 =	vmul.f32 v5, v27;
	v1 =	vmul.f32 $7.812500000e-03, v51  }
0xb6: {  	[tilespmem:$0x1F350] =	vst v38;
	v38 =	vadd.f32 v35, v22;
	v62 =	vadd.f32 v40, v15;
	v61 =	vmul.f32 v5, v60;
	v59, _, _ =	vpop (xrf2)  }
0xb7: {  	[tilespmem:$0x1F360] =	vst v2;
	v31 =	vadd.f32 v58, v26;
	v4 =	vmul.f32 $7.812500000e-03, v59;
	v2 =	vbroadcast v1, $0xF;
	v59 =	vld [tilespmem:s26+$0x5A0]  }
0xb8: {  	[tilespmem:$0x1F2F0] =	vst v43;
	v40 =	vadd.f32 v37, v28;
	v43 =	vmul.f32 v5, v55;
	v6 =	vadd.f32 v61, v50  }
0xb9: {  	[tilespmem:$0x1F2C0] =	vst v36;
	v39 =	vmul.f32 v1, v1;
	v36 =	vsub.f32 v44, v2;
	v44 =	vadd.f32 v63, v31  }
0xba: {  	v41 =	vld [tilespmem:s26+$0x5D0];
	[tilespmem:$0x1F300] =	vst v46;
	v0 =	vadd.f32 $9.999999960e-13, v0;
	v46 =	vadd.f32 v30, v40;
	v30 =	vmul.f32 v62, v62  }
0xbb: {  	v51 =	vsub.f32 v4, v39;
	v39 =	vld [tilespmem:s26+$0x5C0];
	v11 =	vsub.f32 v11, v2;
	v29 =	vmul.f32 v44, v44  }
0xbc: {  	v15 =	vadd.f32 v62, v44;
	v63 =	vadd.f32 v59, v38;
	v59 =	vmul.f32 v5, v32  }
0xbd: {  	v5 =	vmul.f32 v5, v20;
	v38 =	vsub.f32 v8, v2;
	v4 =	vadd.f32 v30, v29  }
0xbe: {  	v31 =	vld [tilespmem:s26+$0x5E0];
	v8 =	vbroadcast v25, $0x4;
	v30 =	vsub.f32 v10, v2;
	v1 =	vadd.f32 v59, v49  }
0xbf: {  	v61 =	vld [tilespmem:s26+$0x5F0];
	v35 =	vmul.f32 v63, v63;
	v58 =	vadd.f32 v63, v15;
	v5 =	vadd.f32 v5, v19  }
0xc0: {  	[tilespmem:$0x1F310] =	vst v47;
	v59 =	vmul.f32 v46, v46;
	v47 =	vadd.f32 v39, v1;
	v39 =	vadd.f32 v41, v6  }
0xc1: {  	[tilespmem:$0x1F3A0] =	vst v38;
	v38 =	vmul.f32 v8, v54;
	v4 =	vadd.f32 v35, v4;
	v1 =	vadd.f32 v43, v53  }
0xc2: {  	v7 =	vadd.f32 v46, v58;
	v41 =	vmul.f32 v52, v57;
	v43 =	vsub.f32 v9, v2  }
0xc3: {  	v4 =	vadd.f32 v59, v4;
	v17 =	vmul.f32 v47, v47;
	v52 =	vadd.f32 v31, v1  }
0xc4: {  	v18 =	vadd.f32 v47, v7;
	v29 =	vmul.f32 v39, v39;
	v1 =	vadd.f32 v61, v5  }
0xc5: {  	v14 =	vmul.f32 v41, v48;
	v59 =	vsub.f32 v12, v2;
	v4 =	vadd.f32 v17, v4  }
0xc6: {  	v61 =	vld [tilespmem:s26+$0x610];
	v31 =	vadd.f32 v39, v18;
	v35 =	vmul.f32 v52, v52;
	v17 =	vmul.f32 v8, v27  }
0xc7: {  	[tilespmem:$0x1F3C0] =	vst v59;
	v18 =	vmul.f32 v8, v24;
	v59 =	vadd.f32 v38, v28;
	v4 =	vadd.f32 v29, v4  }
0xc8: {  	[tilespmem:$0x1F390] =	vst v30;
	v30 =	vld [tilespmem:s26+$0x630];
	v57 =	vmul.f32 v1, v1;
	v40 =	vadd.f32 v52, v31;
	v29 =	vsub.f32 v56, v2  }
0xc9: {  	[tilespmem:$0x1F380] =	vst v36;
	v58 =	vld [tilespmem:s26+$0x600];
	v10 =	vadd.f32 v17, v26;
	v31 =	vmul.f32 v8, v23;
	v5 =	vadd.f32 v18, v21  }
0xca: {  	[tilespmem:$0x1F3D0] =	vst v11;
	v2 =	vsub.f32 v42, v2;
	v42 =	vmul.f32 v14, v41;
	v4 =	vadd.f32 v35, v4  }
0xcb: {  	v11 =	vld [tilespmem:s26+$0x620];
	v17 =	vbroadcast v25, $0x5;
	v6 =	vadd.f32 v1, v40;
	[tilespmem:$0x1F3E0] =	vst v29;
	v5 =	vadd.f32 v61, v5  }
0xcc: {  	v12 =	vld [tilespmem:s26+$0x660];
	[tilespmem:$0x1F3F0] =	vst v2;
	v61 =	vmul.f32 v8, v60;
	v29 =	vmul.f32 v8, v55;
	v4 =	vadd.f32 v57, v4  }
0xcd: {  	v2 =	vld [tilespmem:s26+$0x640];
	v14 =	vmul.f32 v17, v27;
	(xrf2) =	vadd.scan.msk.f32 $0xffff, v6;
	v57 =	vadd.f32 v31, v22;
	v6 =	vadd.f32 v30, v59  }
0xce: {  	v30 =	vadd.f32 v61, v50;
	(xrf2) =	vadd.scan.msk.f32 $0xffff, v4;
	v4 =	vadd.f32 v58, v10;
	v58 =	vmul.f32 v8, v32  }
0xcf: {  	v16 =	vld [tilespmem:s26+$0x670];
	v36 =	vmovc v20;
	v31 =	vmul.f32 v8, v20;
	v38 =	vadd.f32 v29, v53;
	v20 =	vmul.f32 v5, v5  }
0xd0: {  	v56 =	vld [tilespmem:s26+$0x650];
	v7 =	vadd.f32 v11, v57;
	v10 =	vadd.f32 v58, v49;
	v61 =	vmul.f32 v4, v4  }
0xd1: {  	v29 =	vmul.f32 v17, v24;
	v59 =	vadd.f32 v31, v19;
	v38 =	vadd.f32 v12, v38;
	v12 =	vld [tilespmem:s26+$0x690]  }
0xd2: {  	v31 =	vmul.f32 v7, v7;
	v8 =	vadd.f32 v2, v10;
	v10 =	vld [tilespmem:s26+$0x680];
	v2 =	vadd.f32 v20, v61  }
0xd3: {  	v14 =	vadd.f32 v14, v26;
	v15 =	vadd.f32 v29, v21  }
0xd4: {  	v13 =	vld [tilespmem:s26+$0x6A0];
	v29 =	vmul.f32 v6, v6;
	v61 =	vmul.f32 v17, v23;
	v2 =	vadd.f32 v31, v2  }
0xd5: {  	v40 =	vmov v24;
	v56 =	vadd.f32 v56, v30;
	v9 =	vadd.f32 v16, v59;
	v16 =	vld [tilespmem:s26+$0x6B0]  }
0xd6: {  	v24 =	vmovc v23;
	v23 =	vmul.f32 v17, v54;
	v57 =	vadd.f32 v61, v22;
	v2 =	vadd.f32 v29, v2  }
0xd7: {  	v59 =	vld [tilespmem:s26+$0x6C0];
	v30, _, _ =	vpop (xrf2);
	v29 =	vmul.f32 v17, v60;
	v11 =	vadd.f32 v10, v14;
	v10 =	vadd.f32 v12, v15  }
0xd8: {  	v18 =	vmul.f32 $7.812500000e-03, v30;
	v30 =	vmul.f32 v17, v32;
	v14 =	vadd.f32 v23, v28  }
0xd9: {  	v12 =	vadd.f32 v13, v57;
	v57 =	vld [tilespmem:s26+$0x6D0];
	v58, _, _ =	vpop (xrf2);
	v61 =	vmul.f32 v11, v11;
	v31 =	vmul.f32 v10, v10  }
0xda: {  	v58 =	vmul.f32 $7.812500000e-03, v58;
	v15 =	vadd.f32 v30, v49;
	v13 =	vadd.f32 v16, v14  }
0xdb: {  	v30 =	vadd.f32 v31, v61;
	v31 =	vmul.f32 v12, v12;
	v61 =	vmul.f32 v18, v18  }
0xdc: {  	v35 =	vmovc v21;
	v21 =	vld [tilespmem:s26+$0x6E0];
	v14 =	vadd.f32 v59, v15;
	v15 =	vadd.f32 v29, v50;
	v29 =	vmul.f32 v17, v55  }
0xdd: {  	v17 =	vmul.f32 v17, v36;
	v16 =	vadd.f32 v31, v30;
	v30 =	vmul.f32 v13, v13  }
0xde: {  	v37 =	vmovc v19;
	v20 =	vld [tilespmem:s26+$0x6F0];
	v31 =	vmul.f32 v8, v8;
	v15 =	vadd.f32 v57, v15;
	v29 =	vadd.f32 v29, v53  }
0xdf: {  	v17 =	vadd.f32 v17, v37;
	v19 =	vadd.f32 v30, v16;
	v30 =	vmul.f32 v14, v14  }
0xe0: {  	v23 =	vsub.f32 v58, v61;
	v2 =	vadd.f32 v31, v2;
	v31 =	vmul.f32 v56, v56  }
0xe1: {  	v16 =	vadd.f32 v21, v29;
	v29 =	vmul.f32 v15, v15;
	v19 =	vadd.f32 v30, v19  }
0xe2: {  	[tilespmem:$0x1F3B0] =	vst v43;
	v43 =	vmovc v22;
	v21 =	vbroadcast v25, $0x6;
	v22 =	vadd.f32 v31, v2;
	v30 =	vmul.f32 v38, v38  }
0xe3: {  	v17 =	vadd.f32 v20, v17;
	v31 =	vmul.f32 v16, v16;
	v19 =	vadd.f32 v29, v19  }
0xe4: {  	v0 =	vbroadcast v0, $0xF;
	v58 =	vld [tilespmem:s26+$0x700];
	v24 =	vmul.f32 v21, v24;
	v22 =	vadd.f32 v30, v22  }
0xe5: {  	[tilespmem:$0x1F370] =	vst v23;
	v23 =	vld [tilespmem:s26+$0x720];
	v29 =	vmul.f32 v17, v17;
	v30 =	vmul.f32 v21, v27;
	v19 =	vadd.f32 v31, v19  }
0xe6: {  	v34 =	vmovc v25;
	v42 =	vsub.f32 $1.500000000e+00, v42;
	v59 =	vld [tilespmem:s26+$0x710];
	v25 =	vmul.f32 v9, v9;
	v24 =	vadd.f32 v24, v43  }
0xe7: {  	v33 =	vmovc v27;
	v20 =	vld [tilespmem:s26+$0x730];
	v31 =	vadd.f32 v30, v26;
	v19 =	vadd.f32 v29, v19;
	v29 =	vmul.f32 v21, v40  }
0xe8: {  	v2 =	vmovc v26;
	v27 =	vld [tilespmem:s26+$0x750];
	v22 =	vadd.f32 v25, v22;
	v25 =	vmul.f32 v21, v54;
	v26 =	vmul.f32 v42, v41  }
0xe9: {  	v41 =	vmul.f32 v21, v32;
	v57 =	vadd.f32 v58, v31;
	v58 =	vld [tilespmem:s26+$0x740];
	v30 =	vadd.f32 v29, v35  }
0xea: {  	v61 =	vadd.f32 v23, v24;
	v25 =	vadd.f32 v25, v28;
	v28 =	vmul.f32 v21, v60  }
0xeb: {  	v23 =	vmul.f32 $5.000000000e-01, v0;
	v41 =	vadd.f32 v41, v49;
	v59 =	vadd.f32 v59, v30  }
0xec: {  	v31 =	vshra.s32 v0, $0x1;
	v42 =	vadd.f32 v20, v25;
	v24 =	vadd.f32 v28, v50  }
0xed: {  	v20 =	vsub.s32 $0x5F3759DF, v31;
	v25 =	vmul.f32 v57, v57;
	v28 =	vmul.f32 v59, v59  }
0xee: {  	v0 =	vadd.f32 v27, v24;
	v24 =	vmul.f32 v20, v23;
	v27 =	vld [tilespmem:s26+$0x760];
	v41 =	vadd.f32 v58, v41  }
0xef: {  	v58 =	vmul.f32 v21, v55;
	v25 =	vadd.f32 v28, v25;
	v28 =	vadd.f32 v5, v4  }
0xf0: {  	v48 =	vmul.f32 v26, v48;
	v29 =	vadd.f32 $9.999999960e-13, v51;
	v24 =	vmul.f32 v20, v24  }
0xf1: {  	v31 =	vadd.f32 v58, v53;
	v28 =	vadd.f32 v7, v28  }
0xf2: {  	v48 =	vmul.f32 v48, v26;
	v58 =	vmul.f32 v61, v61;
	v24 =	vsub.f32 $1.500000000e+00, v24  }
0xf3: {  	v51 =	vadd.f32 v27, v31;
	v27 =	vbroadcast v29, $0xF;
	v28 =	vadd.f32 v6, v28  }
0xf4: {  	v20 =	vmul.f32 v20, v24;
	v24 =	vadd.f32 v58, v25;
	v25 =	vsub.f32 $1.500000000e+00, v48  }
0xf5: {  	v30 =	vmul.f32 v42, v42;
	v48 =	vadd.f32 v10, v11;
	v28 =	vadd.f32 v8, v28  }
0xf6: {  	v29 =	vmul.f32 $5.000000000e-01, v27;
	v27 =	vshra.s32 v27, $0x1;
	v58 =	vmul.f32 v20, v23  }
0xf7: {  	v27 =	vsub.s32 $0x5F3759DF, v27;
	v48 =	vadd.f32 v12, v48;
	v28 =	vadd.f32 v56, v28  }
0xf8: {  	v24 =	vadd.f32 v30, v24;
	v30 =	vmul.f32 v58, v20;
	v58 =	vmul.f32 v27, v29  }
0xf9: {  	v25 =	vmul.f32 v25, v26;
	v26 =	vadd.f32 v38, v28;
	v28 =	vadd.f32 v13, v48;
	v48 =	vld [tilespmem:s26+$0x770]  }
0xfa: {  	v21 =	vmul.f32 v21, v36;
	v58 =	vmul.f32 v27, v58  }
0xfb: {  	v30 =	vsub.f32 $1.500000000e+00, v30  }
0xfc: {  	v21 =	vadd.f32 v21, v37;
	v58 =	vsub.f32 $1.500000000e+00, v58  }
0xfd: {  	v31 =	vmul.f32 v41, v41;
	v20 =	vmul.f32 v30, v20;
	v30 =	vld [tilespmem:$0x1F2A0];
	v26 =	vadd.f32 v9, v26  }
0xfe: {  	v28 =	vadd.f32 v14, v28;
	v27 =	vmul.f32 v27, v58;
	v58 =	vadd.f32 v48, v21;
	v48 =	vld [tilespmem:$0x1F290]  }
0xff: {  	v18 =	vbroadcast v18, $0xF;
	v24 =	vadd.f32 v31, v24;
	v31 =	vmul.f32 v25, v45;
	(xrf2) =	vadd.scan.msk.f32 $0xffff, v26  }
0x100: {  	v26 =	vadd.f32 v15, v28;
	v28 =	vmul.f32 v0, v0  }
0x101: {  	v1 =	vsub.f32 v1, v18;
	[tilespmem:$0x1F7C0] =	vst v31;
	v31 =	vsub.f32 v44, v18  }
0x102: {  	(xrf2) =	vadd.scan.msk.f32 $0xffff, v22;
	v21 =	vadd.f32 v59, v57;
	v22 =	vadd.f32 v28, v24  }
0x103: {  	[tilespmem:$0x1F450] =	vst v1;
	v28 =	vadd.f32 v16, v26;
	v26 =	vmul.f32 v25, v30;
	v24 =	vmul.f32 v25, v48;
	v48 =	vld [tilespmem:$0x1F2B0]  }
0x104: {  	[tilespmem:$0x1F400] =	vst v31;
	v21 =	vadd.f32 v61, v21  }
0x105: {  	v3 =	vmul.f32 v25, v3;
	v31 =	vsub.f32 v52, v18;
	[tilespmem:$0x1F7B0] =	vst v26  }
0x106: {  	v26 =	vld [tilespmem:$0x1F2C0];
	v21 =	vadd.f32 v42, v21;
	[tilespmem:$0x1F7A0] =	vst v24;
	v24 =	vadd.f32 v17, v28  }
0x107: {  	v45 =	vmul.f32 v51, v51;
	[tilespmem:$0x1F7D0] =	vst v3;
	v23 =	vmul.f32 v20, v23  }
0x108: {  	[tilespmem:$0x1F440] =	vst v31;
	v30 =	vadd.f32 v41, v21;
	v28 =	vld [tilespmem:$0x1F2D0];
	(xrf2) =	vadd.scan.msk.f32 $0xffff, v24;
	v3 =	vmul.f32 v25, v48  }
0x109: {  	v23 =	vmul.f32 v23, v20;
	v44 =	vmul.f32 v27, v29;
	(xrf2) =	vadd.scan.msk.f32 $0xffff, v19;
	v48 =	vsub.f32 v62, v18;
	v62, _, _ =	vpop (xrf2)  }
0x10a: {  	v19 =	vadd.f32 v0, v30;
	v30 =	vsub.f32 v39, v18;
	v24 =	vmul.f32 $7.812500000e-03, v62;
	[tilespmem:$0x1F7E0] =	vst v3  }
0x10b: {  	v22 =	vadd.f32 v45, v22;
	v3 =	vmul.f32 v25, v26;
	[tilespmem:$0x1F410] =	vst v48;
	v48 =	vsub.f32 v63, v18  }
0x10c: {  	v45 =	vld [tilespmem:$0x1F2E0];
	v63 =	vsub.f32 v46, v18;
	v26 =	vsub.f32 v47, v18;
	[tilespmem:$0x1F430] =	vst v30;
	v46 =	vbroadcast v24, $0xF  }
0x10d: {  	v21 =	vsub.f32 $1.500000000e+00, v23;
	v19 =	vadd.f32 v51, v19;
	[tilespmem:$0x1F7F0] =	vst v3;
	v3 =	vmul.f32 v25, v28  }
0x10e: {  	v23 =	vmul.f32 v44, v27;
	v44 =	vmul.f32 v58, v58;
	[tilespmem:$0x1F420] =	vst v26;
	v52 =	vsub.f32 v4, v46  }
0x10f: {  	v20 =	vmul.f32 v21, v20;
	v19 =	vadd.f32 v58, v19;
	v62 =	vsub.f32 v5, v46;
	[tilespmem:$0x1F800] =	vst v3  }
0x110: {  	v31 =	vld [tilespmem:s26+$0x790];
	v39 =	vmul.f32 v24, v24;
	v21 =	vsub.f32 v7, v46;
	v24 =	vsub.f32 v8, v46;
	[tilespmem:$0x1F460] =	vst v52  }
0x111: {  	v28, _, _ =	vpop (xrf2);
	v3 =	vmul.f32 v25, v45;
	v45 =	vsub.f32 $1.500000000e+00, v23;
	v23 =	vsub.f32 v6, v46;
	v6 =	vld [tilespmem:$0x1F320];
	[tilespmem:$0x1F470] =	vst v62  }
0x112: {  	v26 =	vsub.f32 v56, v46;
	v25 =	vmul.f32 $7.812500000e-03, v28;
	(xrf2) =	vadd.scan.msk.f32 $0xffff, v19;
	[tilespmem:$0x1F480] =	vst v21;
	v52 =	vld [tilespmem:$0x1F310]  }
0x113: {  	v47 =	vadd.f32 v44, v22;
	v7 =	vbroadcast v34, $0x7;
	[tilespmem:$0x1F4A0] =	vst v24;
	v24 =	vld [tilespmem:$0x1F340]  }
0x114: {  	[tilespmem:$0x1F4B0] =	vst v26;
	v30 =	vsub.f32 v25, v39;
	v1 =	vmul.f32 v45, v27;
	v27 =	vmov v34;
	v45 =	vld [tilespmem:$0x1F300];
	v19, _, _ =	vpop (xrf2)  }
0x115: {  	v26 =	vld [tilespmem:$0x1F350];
	[tilespmem:$0x1F490] =	vst v23;
	v34 =	vsub.f32 v38, v46;
	v39 =	vmul.f32 v7, v40;
	v4 =	vmul.f32 $7.812500000e-03, v19;
	v22, _, _ =	vpop (xrf2)  }
0x116: {  	v25 =	vld [tilespmem:s26+$0x780];
	v38 =	vsub.f32 v9, v46;
	(xrf2) =	vadd.scan.msk.f32 $0xffff, v47;
	v23 =	vmovc v33;
	v33 =	vmul.f32 v7, v33;
	v5 =	vmul.f32 $7.812500000e-03, v22  }
0x117: {  	[tilespmem:$0x1F810] =	vst v3;
	v62 =	vadd.f32 v39, v35;
	v19 =	vld [tilespmem:$0x1F330];
	v9 =	vmul.f32 v20, v6;
	v28 =	vmul.f32 v4, v4  }
0x118: {  	[tilespmem:$0x1F4C0] =	vst v34;
	v22 =	vmovc v40;
	v40 =	vld [tilespmem:$0x1F2F0];
	v44 =	vadd.f32 v33, v2;
	v56 =	vmul.f32 v20, v52;
	v4 =	vbroadcast v4, $0xF  }
0x119: {  	[tilespmem:$0x1F4D0] =	vst v38;
	v38 =	vadd.f32 v31, v62;
	v31 =	vmul.f32 v1, v29;
	v46 =	vmul.f32 v20, v45  }
0x11a: {  	v29 =	vmul.f32 v7, v54;
	v18 =	vsub.f32 v5, v28;
	[tilespmem:$0x1F840] =	vst v56;
	v33 =	vsub.f32 v11, v4  }
0x11b: {  	v45 =	vadd.f32 v25, v44;
	v25 =	vmul.f32 v20, v24;
	v52 =	vsub.f32 v14, v4;
	v14 =	vld [tilespmem:$0x1F360];
	[tilespmem:$0x1F830] =	vst v46  }
0x11c: {  	v28 =	vmul.f32 v20, v26;
	v39 =	vsub.f32 v10, v4;
	v21 =	vmul.f32 v20, v19;
	[tilespmem:$0x1F4E0] =	vst v33;
	v34, _, _ =	vpop (xrf2);
	v33 =	vld [tilespmem:$0x1F370]  }
0x11d: {  	v16 =	vsub.f32 v16, v4;
	v3 =	vmul.f32 v20, v40;
	[tilespmem:$0x1F870] =	vst v25;
	v19 =	vmul.f32 $7.812500000e-03, v34;
	v34 =	vld [tilespmem:$0x1FF20]  }
0x11e: {  	v17 =	vsub.f32 v17, v4;
	v26 =	vmul.f32 v38, v38;
	v40 =	vsub.f32 v12, v4;
	[tilespmem:$0x1F860] =	vst v21  }
0x11f: {  	v44 =	vld [tilespmem:s26+$0x7A0];
	v46 =	vsub.f32 v13, v4;
	v25 =	vmul.f32 v45, v45;
	[tilespmem:$0x1F820] =	vst v3;
	v3 =	vmul.f32 v31, v1  }
0x120: {  	v12 =	vsub.f32 v15, v4;
	v21 =	vld [tilespmem:s26+$0x7C0];
	[tilespmem:$0x1F500] =	vst v40;
	v31 =	vmul.f32 v7, v32;
	v40 =	vmul.f32 v7, v60;
	v56, _, _ =	vpop (xrf2)  }
0x121: {  	v47 =	vmovc v2;
	[tilespmem:$0x1F880] =	vst v28;
	v13 =	vmul.f32 v19, v19;
	v6 =	vmul.f32 $7.812500000e-03, v56;
	v56 =	vld [tilespmem:$0x1FF30];
	v2 =	vadd.f32 $9.999999960e-13, v33  }
0x122: {  	[tilespmem:$0x1F520] =	vst v52;
	v15 =	vmul.f32 v20, v14;
	v3 =	vsub.f32 $1.500000000e+00, v3;
	v62 =	vmul.f32 v7, v34  }
0x123: {  	[tilespmem:$0x1F510] =	vst v46;
	v20 =	vld [tilespmem:s26+$0x7B0];
	v46 =	vadd.f32 v31, v49;
	v14 =	vsub.f32 v6, v13;
	v52 =	vbroadcast v2, $0xF  }
0x124: {  	[tilespmem:$0x1F890] =	vst v15;
	v6 =	vadd.f32 v26, v25;
	v15 =	vmul.f32 v3, v1;
	v8 =	vadd.f32 v62, v43  }
0x125: {  	[tilespmem:$0x1F4F0] =	vst v39;
	v28 =	vld [tilespmem:s26+$0x7D0];
	v13 =	vbroadcast v27, $0x8;
	v2 =	vadd.f32 v21, v46;
	v25 =	vshra.s32 v52, $0x1  }
0x126: {  	[tilespmem:$0x1F540] =	vst v16;
	v39 =	vmovc v43;
	v16 =	vmul.f32 $5.000000000e-01, v52;
	v43 =	vadd.f32 v44, v8;
	v44 =	vadd.f32 v29, v56  }
0x127: {  	[tilespmem:$0x1F850] =	vst v9;
	v24 =	vmovc v60;
	v60 =	vld [tilespmem:s26+$0x7E0];
	v46 =	vmul.f32 v13, v23;
	v8 =	vadd.f32 v40, v50;
	v9 =	vsub.s32 $0x5F3759DF, v25  }
0x128: {  	[tilespmem:$0x1F550] =	vst v17;
	v26 =	vld [tilespmem:s26+$0x7F0];
	v10 =	vmul.f32 v9, v16;
	v17 =	vmul.f32 v43, v43;
	v1 =	vadd.f32 v20, v44  }
0x129: {  	v20 =	vmul.f32 v7, v55;
	v7 =	vmul.f32 v7, v36  }
0x12a: {  	v3 =	vadd.f32 v28, v8;
	v21 =	vadd.f32 v17, v6;
	v28 =	vmul.f32 v1, v1  }
0x12b: {  	v11 =	vld [tilespmem:s26+$0x800];
	v29 =	vmul.f32 v2, v2;
	v4 =	vadd.f32 v20, v53;
	v7 =	vadd.f32 v7, v37  }
0x12c: {  	v31 =	vld [tilespmem:s26+$0x810];
	v25 =	vadd.f32 v46, v47;
	v44 =	vmovc v55;
	v55 =	vmul.f32 v9, v10;
	v6 =	vadd.f32 v28, v21  }
0x12d: {  	v4 =	vadd.f32 v60, v4;
	v5 =	vadd.f32 v26, v7;
	v60 =	vmul.f32 v13, v22  }
0x12e: {  	v52 =	vmovc v36;
	v36 =	vmovc v27;
	v27 =	vld [tilespmem:s26+$0x820];
	v26 =	vmul.f32 v3, v3;
	v7 =	vsub.f32 $1.500000000e+00, v55;
	v6 =	vadd.f32 v29, v6  }
0x12f: {  	v28 =	vmul.f32 v13, v34;
	v55 =	vmul.f32 v13, v32;
	v8 =	vadd.f32 v60, v35  }
0x130: {  	[tilespmem:$0x1F530] =	vst v12;
	v29 =	vmul.f32 v13, v54;
	v12 =	vadd.f32 v26, v6;
	v6 =	vadd.f32 v11, v25  }
0x131: {  	v40 =	vmovc v23;
	v21 =	vld [tilespmem:s26+$0x830];
	v23 =	vmul.f32 v9, v7;
	v7 =	vadd.f32 v31, v8;
	v31 =	vadd.f32 v28, v39  }
0x132: {  	v9 =	vadd.f32 v29, v56  }
0x133: {  	v10 =	vld [tilespmem:s26+$0x850];
	v8 =	vadd.f32 v27, v31;
	v29 =	vmul.f32 v6, v6;
	v31 =	vmul.f32 v7, v7  }
0x134: {  	v46 =	vmov v35;
	v35 =	vmov v24;
	v17 =	vadd.f32 v55, v49;
	v11 =	vld [tilespmem:s26+$0x840]  }
0x135: {  	v28 =	vmul.f32 v13, v24;
	v55 =	vmovc v49;
	v24 =	vld [tilespmem:s26+$0x860];
	v20 =	vadd.f32 v31, v29;
	v49 =	vmul.f32 v8, v8  }
0x136: {  	v9 =	vadd.f32 v21, v9;
	v29 =	vld [tilespmem:$0x1F380]  }
0x137: {  	v60 =	vmovc v32;
	v32 =	vmul.f32 v4, v4;
	v26 =	vmul.f32 v13, v44;
	v27 =	vadd.f32 v49, v20;
	v49 =	vld [tilespmem:$0x1F3A0]  }
0x138: {  	v33 =	vmovc v37;
	v37 =	vmov v22;
	v22 =	vadd.f32 v28, v50;
	v28 =	vmul.f32 v9, v9;
	v31 =	vld [tilespmem:$0x1F390]  }
0x139: {  	v21 =	vadd.f32 v32, v12;
	v12 =	vadd.f32 v26, v53  }
0x13a: {  	v11 =	vadd.f32 v11, v17;
	v17 =	vadd.f32 v28, v27;
	v28 =	vld [tilespmem:$0x1F3B0]  }
0x13b: {  	v10 =	vadd.f32 v10, v22;
	v22 =	vmul.f32 v15, v29  }
0x13c: {  	v30 =	vadd.f32 $9.999999960e-13, v30;
	v12 =	vadd.f32 v24, v12;
	v24 =	vmul.f32 v15, v49  }
0x13d: {  	v32 =	vmul.f32 v11, v11;
	v20 =	vmul.f32 v15, v31;
	[tilespmem:$0x1F8A0] =	vst v22  }
0x13e: {  	v22 =	vbroadcast v30, $0xF;
	[tilespmem:$0x1F8C0] =	vst v24;
	v24 =	vld [tilespmem:s26+$0x870]  }
0x13f: {  	v17 =	vadd.f32 v32, v17;
	[tilespmem:$0x1F8B0] =	vst v20;
	v30 =	vmul.f32 v10, v10;
	v20 =	vmul.f32 v15, v28;
	v28 =	vld [tilespmem:$0x1F3C0]  }
0x140: {  	v13 =	vmul.f32 v13, v52;
	v29 =	vshra.s32 v22, $0x1;
	v22 =	vmul.f32 $5.000000000e-01, v22  }
0x141: {  	v31 =	vmul.f32 v23, v16;
	v17 =	vadd.f32 v30, v17;
	v30 =	vld [tilespmem:$0x1F3D0];
	[tilespmem:$0x1F8D0] =	vst v20;
	v20 =	vsub.s32 $0x5F3759DF, v29  }
0x142: {  	v13 =	vadd.f32 v13, v33;
	v32 =	vmul.f32 v20, v22  }
0x143: {  	v19 =	vbroadcast v19, $0xF;
	v29 =	vmul.f32 v31, v23;
	v31 =	vld [tilespmem:$0x1F3E0]  }
0x144: {  	v13 =	vadd.f32 v24, v13;
	v24 =	vmul.f32 v15, v28;
	v25 =	vmul.f32 v20, v32;
	v32 =	vld [tilespmem:$0x1F3F0]  }
0x145: {  	v57 =	vsub.f32 v57, v19;
	v59 =	vsub.f32 v59, v19  }
0x146: {  	v49 =	vmul.f32 v12, v12;
	v26 =	vmul.f32 v15, v30;
	[tilespmem:$0x1F8E0] =	vst v24;
	v24 =	vsub.f32 $1.500000000e+00, v29  }
0x147: {  	v0 =	vsub.f32 v0, v19;
	[tilespmem:$0x1F560] =	vst v59;
	v59 =	vsub.f32 v42, v19  }
0x148: {  	v17 =	vadd.f32 v49, v17;
	[tilespmem:$0x1F8F0] =	vst v26;
	v26 =	vmul.f32 v15, v31;
	v23 =	vmul.f32 v24, v23  }
0x149: {  	v49 =	vsub.f32 $1.500000000e+00, v25;
	v24 =	vbroadcast v36, $0x9;
	v15 =	vmul.f32 v15, v32  }
0x14a: {  	v27 =	vsub.f32 v61, v19;
	v28 =	vsub.f32 v41, v19;
	v41 =	vld [tilespmem:s26+$0x890];
	v29 =	vmul.f32 v5, v5  }
0x14b: {  	v30 =	vsub.f32 v51, v19;
	v51 =	vmul.f32 v24, v37;
	[tilespmem:$0x1F910] =	vst v15;
	v15 =	vmul.f32 v20, v49  }
0x14c: {  	[tilespmem:$0x1F590] =	vst v0;
	v19 =	vsub.f32 v58, v19;
	v31 =	vmul.f32 v13, v13;
	v42 =	vmul.f32 v24, v40  }
0x14d: {  	[tilespmem:$0x1F570] =	vst v27;
	v0 =	vadd.f32 v29, v21;
	v27 =	vadd.f32 v51, v46;
	v61 =	vmul.f32 v15, v22  }
0x14e: {  	v17 =	vadd.f32 v31, v17;
	v21 =	vadd.f32 v42, v47  }
0x14f: {  	v42 =	vadd.f32 v41, v27;
	v41 =	vadd.f32 v38, v45;
	v31 =	vmul.f32 v61, v15  }
0x150: {  	v18 =	vadd.f32 $9.999999960e-13, v18;
	v16 =	vmul.f32 v23, v16  }
0x151: {  	[tilespmem:$0x1F5B0] =	vst v19;
	v25 =	vadd.f32 v43, v41;
	v19 =	vsub.f32 $1.500000000e+00, v31  }
0x152: {  	v20 =	vld [tilespmem:s26+$0x8A0];
	v16 =	vmul.f32 v16, v23  }
0x153: {  	v18 =	vbroadcast v18, $0xF;
	v15 =	vmul.f32 v19, v15;
	v19 =	vadd.f32 v1, v25;
	v25 =	vld [tilespmem:$0x1F400]  }
0x154: {  	v32 =	vld [tilespmem:s26+$0x880];
	v58 =	vmul.f32 v24, v34;
	v16 =	vsub.f32 $1.500000000e+00, v16  }
0x155: {  	[tilespmem:$0x1F580] =	vst v28;
	v49 =	vshra.s32 v18, $0x1;
	v18 =	vmul.f32 $5.000000000e-01, v18  }
0x156: {  	[tilespmem:$0x1F900] =	vst v26;
	v26 =	vsub.s32 $0x5F3759DF, v49;
	v28 =	vadd.f32 v58, v39;
	v16 =	vmul.f32 v16, v23  }
0x157: {  	[tilespmem:$0x1F5A0] =	vst v30;
	v30 =	vmul.f32 v26, v18;
	v27 =	vld [tilespmem:s26+$0x8C0]  }
0x158: {  	v58 =	vmul.f32 v24, v35;
	v49 =	vadd.f32 v20, v28;
	v20 =	vld [tilespmem:s26+$0x8B0];
	v23 =	vmul.f32 v16, v25  }
0x159: {  	v32 =	vadd.f32 v32, v21;
	v21 =	vmul.f32 v26, v30;
	v61 =	vmul.f32 v24, v60;
	v28 =	vld [tilespmem:s26+$0x8D0]  }
0x15a: {  	v41 =	vmov v35;
	v35 =	vadd.f32 v58, v50;
	v58 =	vld [tilespmem:s26+$0x8E0];
	v19 =	vadd.f32 v2, v19;
	[tilespmem:$0x1F920] =	vst v23  }
0x15b: {  	v51 =	vmul.f32 v24, v54;
	v29 =	vmul.f32 v32, v32;
	v21 =	vsub.f32 $1.500000000e+00, v21;
	v23 =	vld [tilespmem:$0x1F410]  }
0x15c: {  	v30 =	vmul.f32 v42, v42;
	v61 =	vadd.f32 v61, v55;
	v19 =	vadd.f32 v3, v19  }
0x15d: {  	v51 =	vadd.f32 v51, v56;
	v21 =	vmul.f32 v26, v21;
	v26 =	vmul.f32 v16, v48;
	v48 =	vld [tilespmem:$0x1F420]  }
0x15e: {  	v31 =	vmul.f32 v16, v63;
	v27 =	vadd.f32 v27, v61;
	v19 =	vadd.f32 v4, v19  }
0x15f: {  	v62 =	vmovc v50;
	v61 =	vmul.f32 v24, v44;
	v50 =	vadd.f32 v20, v51;
	v51 =	vadd.f32 v28, v35  }
0x160: {  	v28 =	vadd.f32 v7, v6;
	v19 =	vadd.f32 v5, v19;
	v23 =	vmul.f32 v16, v23  }
0x161: {  	v24 =	vmul.f32 v24, v52;
	v20 =	vadd.f32 v61, v53;
	v22 =	vmul.f32 v15, v22;
	[tilespmem:$0x1F940] =	vst v26  }
0x162: {  	v63 =	vld [tilespmem:$0x1F430];
	(xrf2) =	vadd.scan.msk.f32 $0xffff, v19;
	v26 =	vmul.f32 v16, v48;
	[tilespmem:$0x1F930] =	vst v23;
	v23 =	vadd.f32 v8, v28  }
0x163: {  	v35 =	vmul.f32 v49, v49;
	v58 =	vadd.f32 v58, v20;
	v20 =	vadd.f32 v30, v29;
	v29 =	vld [tilespmem:s26+$0x8F0]  }
0x164: {  	v22 =	vmul.f32 v22, v15;
	[tilespmem:$0x1F960] =	vst v26;
	v26 =	vld [tilespmem:$0x1F440];
	v23 =	vadd.f32 v9, v23  }
0x165: {  	v24 =	vadd.f32 v24, v33;
	v20 =	vadd.f32 v35, v20;
	v30 =	vld [tilespmem:$0x1F450]  }
0x166: {  	v61 =	vmul.f32 v21, v18;
	v22 =	vsub.f32 $1.500000000e+00, v22;
	v28 =	vadd.f32 v11, v23  }
0x167: {  	[tilespmem:$0x1F5C0] =	vst v32;
	v32 =	vadd.f32 v42, v32;
	v19 =	vmul.f32 v16, v63;
	v48 =	vmul.f32 v50, v50  }
0x168: {  	v25 =	vmul.f32 v61, v21;
	[tilespmem:$0x1F950] =	vst v31;
	v61 =	vadd.f32 v29, v24;
	v24 =	vld [tilespmem:$0x1F460];
	v31 =	vadd.f32 v10, v28  }
0x169: {  	v63 =	vmul.f32 v27, v27;
	[tilespmem:$0x1F970] =	vst v19;
	v20 =	vadd.f32 v48, v20;
	v19 =	vmul.f32 v16, v26;
	v26 =	vld [tilespmem:$0x1F470]  }
0x16a: {  	v35 =	vsub.f32 $1.500000000e+00, v25;
	(xrf2) =	vadd.scan.msk.f32 $0xffff, v0;
	v16 =	vmul.f32 v16, v30;
	v0 =	vadd.f32 v12, v31;
	v31 =	vld [tilespmem:$0x1F480]  }
0x16b: {  	v25 =	vmul.f32 v51, v51;
	v15 =	vmul.f32 v22, v15;
	v20 =	vadd.f32 v63, v20;
	[tilespmem:$0x1F980] =	vst v19  }
0x16c: {  	v48, _, _ =	vpop (xrf2);
	[tilespmem:$0x1F990] =	vst v16;
	v16 =	vadd.f32 v49, v32;
	v19 =	vmul.f32 v35, v21;
	v35 =	vld [tilespmem:$0x1F490];
	v0 =	vadd.f32 v13, v0  }
0x16d: {  	v30 =	vadd.f32 v25, v20;
	v63 =	vmul.f32 $7.812500000e-03, v48  }
0x16e: {  	v21 =	vmul.f32 v15, v24;
	v32 =	vmul.f32 v58, v58;
	v16 =	vadd.f32 v50, v16;
	(xrf2) =	vadd.scan.msk.f32 $0xffff, v0  }
0x16f: {  	v28 =	vadd.f32 $9.999999960e-13, v14;
	v0 =	vmul.f32 v15, v26;
	(xrf2) =	vadd.scan.msk.f32 $0xffff, v17;
	v17 =	vmul.f32 v15, v31;
	v31 =	vld [tilespmem:$0x1F4A0]  }
0x170: {  	[tilespmem:$0x1F5D0] =	vst v49;
	v49 =	vmul.f32 v19, v18;
	v18 =	vbroadcast v63, $0xF;
	v29 =	vadd.f32 v27, v16  }
0x171: {  	v16 =	vadd.f32 v32, v30;
	v20 =	vmul.f32 v15, v35;
	v35 =	vld [tilespmem:$0x1F4B0];
	[tilespmem:$0x1F9B0] =	vst v0;
	v0 =	vbroadcast v28, $0xF  }
0x172: {  	v48 =	vld [tilespmem:$0x1F4C0];
	v24 =	vmul.f32 v61, v61;
	[tilespmem:$0x1F9A0] =	vst v21;
	v1 =	vsub.f32 v1, v18;
	v14 =	vadd.f32 v51, v29  }
0x173: {  	[tilespmem:$0x1F9C0] =	vst v17;
	v17 =	vmul.f32 v49, v19;
	v49 =	vld [tilespmem:$0x1F4D0];
	v25 =	vshra.s32 v0, $0x1;
	v21 =	vmul.f32 $5.000000000e-01, v0  }
0x174: {  	v4 =	vsub.f32 v4, v18;
	[tilespmem:$0x1F9D0] =	vst v20;
	v20 =	vsub.s32 $0x5F3759DF, v25;
	v22 =	vmul.f32 v15, v31  }
0x175: {  	v29 =	vmul.f32 v63, v63;
	[tilespmem:$0x1F5F0] =	vst v1;
	v28, _, _ =	vpop (xrf2);
	v26 =	vadd.f32 v58, v14;
	v30 =	vmul.f32 v20, v21  }
0x176: {  	v23 =	vsub.f32 v38, v18;
	v14 =	vmul.f32 $7.812500000e-03, v28;
	[tilespmem:$0x1F9E0] =	vst v22;
	v22 =	vmul.f32 v15, v35  }
0x177: {  	[tilespmem:$0x1F620] =	vst v4;
	v0 =	vadd.f32 v61, v26;
	v26 =	vsub.f32 v2, v18;
	v32 =	vmul.f32 v20, v30  }
0x178: {  	v16 =	vadd.f32 v24, v16;
	[tilespmem:$0x1F9F0] =	vst v22;
	v22 =	vmul.f32 v15, v48;
	v15 =	vmul.f32 v15, v49  }
0x179: {  	v14 =	vsub.f32 v14, v29;
	v17 =	vsub.f32 $1.500000000e+00, v17;
	(xrf2) =	vadd.scan.msk.f32 $0xffff, v0;
	[tilespmem:$0x1F600] =	vst v26;
	v63, _, _ =	vpop (xrf2)  }
0x17a: {  	v29 =	vsub.f32 v3, v18;
	v0 =	vsub.f32 $1.500000000e+00, v32;
	v25, _, _ =	vpop (xrf2);
	[tilespmem:$0x1FA10] =	vst v15;
	v15 =	vmul.f32 $7.812500000e-03, v63  }
0x17b: {  	(xrf2) =	vadd.scan.msk.f32 $0xffff, v16;
	v32 =	vsub.f32 v5, v18;
	v5 =	vbroadcast v36, $0xA;
	v28 =	vmul.f32 $7.812500000e-03, v25  }
0x17c: {  	v24 =	vsub.f32 v45, v18;
	[tilespmem:$0x1F610] =	vst v29;
	v30 =	vbroadcast v15, $0xF;
	v31 =	vmul.f32 v15, v15  }
0x17d: {  	v4 =	vmul.f32 v17, v19;
	[tilespmem:$0x1FA00] =	vst v22;
	v22 =	vsub.f32 v43, v18;
	v0 =	vmul.f32 v20, v0  }
0x17e: {  	[tilespmem:$0x1F630] =	vst v32;
	v63 =	vld [tilespmem:s26+$0x900];
	v25 =	vmul.f32 v5, v40;
	v3 =	vsub.f32 v28, v31;
	v35 =	vsub.f32 v6, v30  }
0x17f: {  	v20 =	vld [tilespmem:s26+$0x910];
	[tilespmem:$0x1F5E0] =	vst v22;
	v45 =	vmul.f32 v0, v21;
	v38 =	vsub.f32 v7, v30;
	v43 =	vsub.f32 v8, v30  }
0x180: {  	v29 =	vmul.f32 v5, v34;
	v15 =	vld [tilespmem:$0x1F4E0];
	v48 =	vsub.f32 v9, v30;
	v49 =	vsub.f32 v11, v30;
	[tilespmem:$0x1F640] =	vst v35  }
0x181: {  	v22 =	vld [tilespmem:s26+$0x920];
	v16 =	vmul.f32 v45, v0;
	v17 =	vsub.f32 v10, v30;
	v18 =	vsub.f32 v12, v30;
	[tilespmem:$0x1F650] =	vst v38  }
0x182: {  	v2 =	vsub.f32 v13, v30;
	v28 =	vmul.f32 v5, v37;
	v30 =	vadd.f32 v25, v47;
	v45 =	vld [tilespmem:s26+$0x940];
	[tilespmem:$0x1F660] =	vst v43  }
0x183: {  	v32 =	vmov v47;
	v47 =	vmul.f32 v5, v54;
	v13 =	vmul.f32 v5, v60;
	v19, _, _ =	vpop (xrf2);
	[tilespmem:$0x1F680] =	vst v49;
	v43 =	vld [tilespmem:s26+$0x930]  }
0x184: {  	[tilespmem:$0x1F690] =	vst v17;
	v1 =	vmul.f32 $7.812500000e-03, v19;
	v7 =	vsub.f32 $1.500000000e+00, v16;
	v63 =	vadd.f32 v63, v30;
	v16 =	vld [tilespmem:$0x1F4F0]  }
0x185: {  	[tilespmem:$0x1F6A0] =	vst v18;
	v26, _, _ =	vpop (xrf2);
	v17 =	vadd.f32 v47, v56;
	v19 =	vld [tilespmem:$0x1F500];
	v8 =	vadd.f32 v13, v55;
	v9 =	vmul.f32 v4, v15  }
0x186: {  	v10 =	vmul.f32 $7.812500000e-03, v26;
	v38 =	vmovc v36;
	v35 =	vmovc v40;
	v31 =	vmul.f32 v1, v1;
	v36 =	vadd.f32 v28, v46  }
0x187: {  	v40 =	vmovc v37;
	v7 =	vmul.f32 v7, v0;
	v37 =	vadd.f32 v29, v39;
	v30 =	vadd.f32 v45, v8  }
0x188: {  	[tilespmem:$0x1F6B0] =	vst v2;
	v18 =	vmovc v60;
	v47 =	vmul.f32 v63, v63;
	v45 =	vadd.f32 $9.999999960e-13, v14;
	v49 =	vadd.f32 v20, v36;
	v20 =	vld [tilespmem:$0x1F510]  }
0x189: {  	v26 =	vld [tilespmem:s26+$0x960];
	[tilespmem:$0x1FA20] =	vst v9;
	v2 =	vsub.f32 v10, v31;
	v0 =	vadd.f32 v22, v37;
	v9 =	vmul.f32 v4, v16  }
0x18a: {  	v60 =	vmovc v56;
	v22 =	vld [tilespmem:$0x1F520];
	v10 =	vmul.f32 v4, v19;
	v56 =	vadd.f32 v43, v17;
	v43 =	vmul.f32 v5, v44  }
0x18b: {  	v16 =	vld [tilespmem:$0x1F540];
	v11 =	vbroadcast v45, $0xF;
	v36 =	vmov v41;
	v41 =	vmul.f32 v5, v41  }
0x18c: {  	v25 =	vld [tilespmem:$0x1F530];
	[tilespmem:$0x1F670] =	vst v48;
	v48 =	vmul.f32 v49, v49;
	v17 =	vmul.f32 v0, v0  }
0x18d: {  	v19 =	vld [tilespmem:$0x1F550];
	v5 =	vmul.f32 v5, v52;
	[tilespmem:$0x1FA40] =	vst v10;
	v10 =	vmul.f32 v4, v20  }
0x18e: {  	[tilespmem:$0x1FA30] =	vst v9;
	v8 =	vadd.f32 v43, v53;
	v29 =	vshra.s32 v11, $0x1;
	v31 =	vmul.f32 v56, v56  }
0x18f: {  	v43 =	vmul.f32 v30, v30;
	v12 =	vadd.f32 v48, v47;
	v9 =	vmul.f32 v4, v22;
	[tilespmem:$0x1FA50] =	vst v10;
	v10 =	vld [tilespmem:s26+$0x950]  }
0x190: {  	v22 =	vmovc v53;
	v53 =	vadd.f32 v26, v8;
	v8 =	vmul.f32 $5.000000000e-01, v11;
	v26 =	vld [tilespmem:s26+$0x970];
	v14 =	vmul.f32 v4, v16  }
0x191: {  	v20 =	vadd.f32 v17, v12;
	v12 =	vbroadcast v38, $0xB;
	[tilespmem:$0x1FA60] =	vst v9;
	v9 =	vmul.f32 v4, v25  }
0x192: {  	v45 =	vmovc v38;
	v6 =	vadd.f32 v41, v62;
	v38 =	vld [tilespmem:s26+$0x980];
	v4 =	vmul.f32 v4, v19;
	v25 =	vmul.f32 v7, v21  }
0x193: {  	v37 =	vmovc v52;
	v5 =	vadd.f32 v5, v33;
	v48 =	vld [tilespmem:s26+$0x990];
	v52 =	vmul.f32 v12, v35;
	v19 =	vmul.f32 v12, v40  }
0x194: {  	[tilespmem:$0x1FA90] =	vst v4;
	v4 =	vadd.f32 v31, v20;
	v41 =	vadd.f32 v10, v6;
	v10 =	vsub.s32 $0x5F3759DF, v29  }
0x195: {  	v47 =	vadd.f32 v26, v5;
	v20 =	vadd.f32 v52, v32;
	v29 =	vmovc v33;
	v33 =	vmul.f32 v10, v8  }
0x196: {  	v11 =	vld [tilespmem:s26+$0x9A0];
	[tilespmem:$0x1FA70] =	vst v9;
	v9 =	vadd.f32 v19, v46;
	v4 =	vadd.f32 v43, v4;
	v43 =	vmul.f32 v12, v54  }
0x197: {  	[tilespmem:$0x1FA80] =	vst v14;
	v14 =	vld [tilespmem:s26+$0x9B0];
	v6 =	vmul.f32 v25, v7;
	v52 =	vadd.f32 v38, v20;
	v17 =	vmul.f32 v10, v33  }
0x198: {  	v21 =	vmul.f32 v12, v34;
	v48 =	vadd.f32 v48, v9;
	v31 =	vadd.f32 v43, v60  }
0x199: {  	v28 =	vmovc v32;
	v6 =	vsub.f32 $1.500000000e+00, v6;
	v38 =	vmul.f32 v41, v41;
	v5 =	vsub.f32 $1.500000000e+00, v17  }
0x19a: {  	v32 =	vmovc v34;
	v34 =	vmul.f32 v52, v52;
	v33 =	vmul.f32 v12, v18;
	v17 =	vadd.f32 v21, v39  }
0x19b: {  	v25 =	vmovc v54;
	v4 =	vadd.f32 v38, v4;
	v38 =	vmul.f32 v48, v48;
	v5 =	vmul.f32 v10, v5;
	v10 =	vld [tilespmem:s26+$0x9C0]  }
0x19c: {  	v20 =	vmovc v18;
	v54 =	vadd.f32 v14, v31;
	v14 =	vld [tilespmem:s26+$0x9D0];
	v6 =	vmul.f32 v6, v7;
	v18 =	vadd.f32 v11, v17  }
0x19d: {  	v21 =	vmovc v60;
	v60 =	vmul.f32 v12, v36;
	v9 =	vadd.f32 v38, v34;
	v38 =	vmul.f32 v53, v53  }
0x19e: {  	v19 =	vmovc v55;
	v43 =	vadd.f32 v33, v55;
	v55 =	vmul.f32 v12, v44;
	v11 =	vld [tilespmem:s26+$0x9E0];
	v31 =	vmul.f32 v18, v18  }
0x19f: {  	v15 =	vadd.f32 v60, v62;
	v4 =	vadd.f32 v38, v4;
	v13 =	vmul.f32 v5, v8  }
0x1a0: {  	v60 =	vmul.f32 v54, v54;
	v9 =	vadd.f32 v31, v9;
	v34 =	vadd.f32 v10, v43  }
0x1a1: {  	v15 =	vadd.f32 v14, v15;
	v31 =	vmul.f32 v13, v5;
	v13 =	vld [tilespmem:s26+$0x9F0];
	v10 =	vadd.f32 v55, v22  }
0x1a2: {  	v55 =	vmul.f32 v12, v37;
	v9 =	vadd.f32 v60, v9;
	v38 =	vmul.f32 v34, v34  }
0x1a3: {  	v43 =	vmovc v44;
	v44 =	vmov v22;
	v22 =	vmov v34;
	[tilespmem:$0x1F730] =	vst v34;
	v34 =	vadd.f32 v11, v10  }
0x1a4: {  	v16 =	vmul.f32 v15, v15;
	v17 =	vadd.f32 v55, v29;
	v9 =	vadd.f32 v38, v9  }
0x1a5: {  	v33 =	vmovc v36;
	v36 =	vmov v18;
	[tilespmem:$0x1F710] =	vst v18;
	v60 =	vmul.f32 v47, v47;
	v18 =	vmul.f32 v34, v34  }
0x1a6: {  	v11 =	vadd.f32 v13, v17;
	v38 =	vmul.f32 v6, v57;
	v57 =	vld [tilespmem:$0x1F560];
	v9 =	vadd.f32 v16, v9  }
0x1a7: {  	v3 =	vadd.f32 $9.999999960e-13, v3;
	[tilespmem:$0x1F740] =	vst v15;
	v7 =	vsub.f32 $1.500000000e+00, v31;
	v31 =	vmov v37  }
0x1a8: {  	v37 =	vmovc v15;
	v4 =	vadd.f32 v60, v4;
	v60 =	vld [tilespmem:$0x1F570];
	v15 =	vmul.f32 v11, v11;
	v55 =	vadd.f32 v18, v9  }
0x1a9: {  	v3 =	vbroadcast v3, $0xF;
	[tilespmem:$0x1F6F0] =	vst v52;
	v12 =	vmul.f32 v6, v59;
	v17 =	vld [tilespmem:$0x1F580]  }
0x1aa: {  	[tilespmem:$0x1F700] =	vst v48;
	v5 =	vmul.f32 v7, v5;
	v7 =	vadd.f32 v15, v55;
	v55 =	vld [tilespmem:$0x1F590]  }
0x1ab: {  	[tilespmem:$0x1FAD0] =	vst v12;
	v13 =	vshra.s32 v3, $0x1;
	v16 =	vmul.f32 $5.000000000e-01, v3;
	v9 =	vmul.f32 v6, v57;
	v15 =	vld [tilespmem:$0x1F5A0]  }
0x1ac: {  	v14 =	vmul.f32 v5, v8;
	v8 =	vsub.s32 $0x5F3759DF, v13;
	[tilespmem:$0x1FAA0] =	vst v38  }
0x1ad: {  	v18 =	vmul.f32 v8, v16;
	[tilespmem:$0x1FAB0] =	vst v9;
	v9 =	vmul.f32 v6, v60  }
0x1ae: {  	[tilespmem:$0x1F760] =	vst v11;
	v38 =	vadd.f32 v49, v63;
	v3 =	vmul.f32 v14, v5;
	v10 =	vmul.f32 v6, v17  }
0x1af: {  	v59 =	vmul.f32 v8, v18;
	[tilespmem:$0x1FAC0] =	vst v9;
	v9 =	vmul.f32 v6, v55;
	v55 =	vld [tilespmem:$0x1F5B0]  }
0x1b0: {  	v57 =	vmovc v11;
	v18 =	vadd.f32 v48, v52;
	v60 =	vadd.f32 v0, v38;
	v11 =	vmul.f32 v6, v15  }
0x1b1: {  	v2 =	vadd.f32 $9.999999960e-13, v2;
	v12 =	vld [tilespmem:s26+$0xA00];
	v17 =	vbroadcast v45, $0xC;
	v3 =	vsub.f32 $1.500000000e+00, v3;
	[tilespmem:$0x1FAE0] =	vst v10  }
0x1b2: {  	v1 =	vbroadcast v1, $0xF;
	v13 =	vld [tilespmem:s26+$0xA10];
	v10 =	vadd.f32 v56, v60;
	[tilespmem:$0x1FB00] =	vst v11;
	v11 =	vadd.f32 v36, v18  }
0x1b3: {  	v26 =	vmovc v46;
	v38 =	vmul.f32 v17, v35;
	v48 =	vmul.f32 v17, v40;
	[tilespmem:$0x1FAF0] =	vst v9;
	v9 =	vsub.f32 $1.500000000e+00, v59  }
0x1b4: {  	v52 =	vmovc v35;
	v59 =	vadd.f32 v30, v10;
	v35 =	vadd.f32 v54, v11;
	v6 =	vmul.f32 v6, v55  }
0x1b5: {  	v2 =	vbroadcast v2, $0xF;
	v60 =	vmovc v28;
	v28 =	vadd.f32 v38, v28;
	v36 =	vadd.f32 v48, v26  }
0x1b6: {  	v18 =	vmul.f32 v3, v5;
	v3 =	vadd.f32 v22, v35;
	[tilespmem:$0x1FB10] =	vst v6;
	v6 =	vadd.f32 v41, v59  }
0x1b7: {  	v15 =	vmul.f32 $5.000000000e-01, v2;
	v14 =	vadd.f32 v12, v28;
	v48 =	vadd.f32 v13, v36  }
0x1b8: {  	v38 =	vld [tilespmem:s26+$0xA20];
	v8 =	vmul.f32 v8, v9;
	v13 =	vadd.f32 v37, v3;
	v6 =	vadd.f32 v53, v6  }
0x1b9: {  	[tilespmem:$0x1F720] =	vst v54;
	v54 =	vmul.f32 v14, v14;
	v59 =	vmul.f32 v17, v32  }
0x1ba: {  	v55 =	vshra.s32 v2, $0x1;
	v2 =	vadd.f32 v34, v13;
	v3 =	vadd.f32 v47, v6  }
0x1bb: {  	[tilespmem:$0x1F750] =	vst v34;
	v26 =	vmovc v25;
	v9 =	vsub.s32 $0x5F3759DF, v55;
	v28 =	vmul.f32 v8, v16;
	v22 =	vadd.f32 v59, v39  }
0x1bc: {  	v11 =	vmul.f32 v9, v15;
	v59 =	vmul.f32 v48, v48;
	v2 =	vadd.f32 v57, v2;
	(xrf2) =	vadd.scan.msk.f32 $0xffff, v3  }
0x1bd: {  	v5 =	vld [tilespmem:s26+$0xA40];
	[tilespmem:$0x1F770] =	vst v14;
	v37 =	vmovc v20;
	v13 =	vmul.f32 v17, v25;
	v38 =	vadd.f32 v38, v22;
	(xrf2) =	vadd.scan.msk.f32 $0xffff, v4  }
0x1be: {  	v22 =	vmul.f32 v28, v8;
	v28 =	vmul.f32 v17, v20;
	v35 =	vadd.f32 v59, v54;
	(xrf2) =	vadd.scan.msk.f32 $0xffff, v2  }
0x1bf: {  	v12 =	vld [tilespmem:s26+$0xA30];
	v34 =	vmovc v14;
	v54 =	vmul.f32 v9, v11;
	v14 =	vadd.f32 v13, v21;
	v13 =	vsub.f32 v42, v1  }
0x1c0: {  	v25 =	vmovc v21;
	v20 =	vsub.f32 $1.500000000e+00, v22;
	v21 =	vadd.f32 v28, v19;
	v22 =	vmul.f32 v38, v38;
	(xrf2) =	vadd.scan.msk.f32 $0xffff, v7  }
0x1c1: {  	v42 =	vsub.f32 v27, v1;
	v6 =	vsub.f32 $1.500000000e+00, v54;
	v28 =	vld [tilespmem:$0x1F5C0]  }
0x1c2: {  	v55 =	vmovc v39;
	v39 =	vmul.f32 v17, v33;
	v59 =	vadd.f32 v5, v21;
	v5 =	vadd.f32 v22, v35;
	v35 =	vld [tilespmem:$0x1F5D0]  }
0x1c3: {  	v10 =	vsub.f32 v61, v1;
	v9 =	vmul.f32 v9, v6;
	v6 =	vld [tilespmem:s26+$0xA50]  }
0x1c4: {  	v27 =	vadd.f32 v39, v62;
	v57 =	vadd.f32 v12, v14  }
0x1c5: {  	v12 =	vsub.f32 v50, v1;
	v50 =	vsub.f32 v51, v1;
	v7 =	vld [tilespmem:s26+$0xA60]  }
0x1c6: {  	[tilespmem:$0x1F6C0] =	vst v42;
	v51 =	vmul.f32 v17, v43;
	v17 =	vmul.f32 v17, v31;
	v22 =	vsub.f32 v58, v1;
	v42, _, _ =	vpop (xrf2)  }
0x1c7: {  	v14 =	vsub.f32 v28, v1;
	v28 =	vld [tilespmem:s26+$0xA70];
	v11 =	vsub.f32 v35, v1;
	v35 =	vmul.f32 v57, v57;
	v61, _, _ =	vpop (xrf2)  }
0x1c8: {  	v54 =	vmov v62;
	[tilespmem:$0x1F6D0] =	vst v50;
	v39 =	vadd.f32 v51, v44;
	v50 =	vadd.f32 v6, v27;
	v62, _, _ =	vpop (xrf2)  }
0x1c9: {  	v2 =	vmovc v43;
	v43 =	vmul.f32 v59, v59;
	v5 =	vadd.f32 v35, v5;
	v35 =	vmul.f32 $7.812500000e-03, v62  }
0x1ca: {  	v58 =	vadd.f32 v17, v29;
	[tilespmem:$0x1F6E0] =	vst v22;
	v51 =	vadd.f32 v7, v39;
	v3 =	vmul.f32 v50, v50;
	v22, _, _ =	vpop (xrf2)  }
0x1cb: {  	v5 =	vadd.f32 v43, v5;
	v27 =	vmul.f32 $7.812500000e-03, v22;
	v39 =	vmul.f32 v35, v35  }
0x1cc: {  	v43 =	vadd.f32 v28, v58;
	v28 =	vmul.f32 v51, v51  }
0x1cd: {  	v5 =	vadd.f32 v3, v5;
	v22 =	vbroadcast v45, $0xD;
	v17 =	vsub.f32 v27, v39;
	v27 =	vld [tilespmem:$0x1F5E0]  }
0x1ce: {  	v58 =	vmul.f32 v43, v43  }
0x1cf: {  	v5 =	vadd.f32 v28, v5;
	v62 =	vmul.f32 v22, v52;
	v28 =	vmul.f32 v22, v40;
	v39 =	vmovc v40;
	v40 =	vld [tilespmem:$0x1F5F0]  }
0x1d0: {  	v36 =	vmov v19;
	v19 =	vld [tilespmem:s26+$0xA80];
	v8 =	vmul.f32 v20, v8;
	v20 =	vmul.f32 $7.812500000e-03, v42  }
0x1d1: {  	v42 =	vmul.f32 v18, v24;
	v24 =	vadd.f32 v58, v5;
	v58 =	vadd.f32 v62, v60;
	v62 =	vld [tilespmem:$0x1F600]  }
0x1d2: {  	v1 =	vmul.f32 v18, v27  }
0x1d3: {  	v4 =	vld [tilespmem:$0x1F610];
	v6 =	vmul.f32 $7.812500000e-03, v61  }
0x1d4: {  	v21 =	vmul.f32 v20, v20;
	[tilespmem:$0x1FB40] =	vst v1;
	v1 =	vmul.f32 v18, v40  }
0x1d5: {  	v61 =	vmul.f32 v18, v23;
	[tilespmem:$0x1FB20] =	vst v42;
	v58 =	vadd.f32 v19, v58;
	v19 =	vld [tilespmem:$0x1F620]  }
0x1d6: {  	v21 =	vsub.f32 v6, v21;
	v6 =	vld [tilespmem:s26+$0xA90];
	[tilespmem:$0x1FB50] =	vst v1;
	v1 =	vmul.f32 v18, v62  }
0x1d7: {  	v42 =	vmul.f32 v8, v16;
	[tilespmem:$0x1FB30] =	vst v61;
	v40 =	vld [tilespmem:$0x1F630]  }
0x1d8: {  	v23 =	vld [tilespmem:s26+$0xAA0];
	[tilespmem:$0x1FB60] =	vst v1;
	v1 =	vmul.f32 v18, v4  }
0x1d9: {  	v7 =	vmul.f32 v42, v8;
	v61 =	vmovc v46;
	v5 =	vadd.f32 v28, v46;
	v27 =	vmul.f32 v22, v32  }
0x1da: {  	v16 =	vld [tilespmem:s26+$0xAB0];
	v28 =	vmul.f32 v22, v26;
	v46 =	vadd.f32 v48, v34;
	[tilespmem:$0x1FB70] =	vst v1;
	v1 =	vmul.f32 v18, v19  }
0x1db: {  	[tilespmem:$0x1F780] =	vst v48;
	v48 =	vmul.f32 v9, v15;
	v5 =	vadd.f32 v6, v5;
	v6 =	vadd.f32 v27, v55  }
0x1dc: {  	v42 =	vsub.f32 $1.500000000e+00, v7;
	v62 =	vmovc v55;
	v55 =	vadd.f32 v38, v46;
	[tilespmem:$0x1FB80] =	vst v1;
	v1 =	vmul.f32 v18, v40  }
0x1dd: {  	v34 =	vmul.f32 v5, v5;
	v7 =	vadd.f32 v23, v6;
	v19 =	vadd.f32 v28, v25  }
0x1de: {  	v46 =	vadd.f32 v57, v55;
	v40 =	vmul.f32 v48, v9;
	[tilespmem:$0x1FB90] =	vst v1;
	v1 =	vmul.f32 v58, v58  }
0x1df: {  	v6 =	vadd.f32 v16, v19;
	v19 =	vld [tilespmem:s26+$0xAC0];
	v18 =	vmul.f32 v42, v8;
	v48 =	vmul.f32 v22, v37  }
0x1e0: {  	v55 =	vmovc v33;
	v42 =	vadd.f32 v34, v1;
	v1 =	vmul.f32 v22, v33;
	v33 =	vmul.f32 v7, v7  }
0x1e1: {  	v4 =	vmov v25;
	v25 =	vld [tilespmem:s26+$0xAD0];
	v16 =	vsub.f32 $1.500000000e+00, v40  }
0x1e2: {  	v34 =	vadd.f32 v48, v36;
	v42 =	vadd.f32 v33, v42;
	v33 =	vld [tilespmem:$0x1F640];
	_ =	sdelay $0x1  }
0x1e3: {  	v16 =	vmul.f32 v16, v9;
	v40 =	vadd.f32 v1, v54;
	v9 =	vadd.f32 v19, v34;
	v34 =	vld [tilespmem:$0x1F650]  }
0x1e4: {  	v21 =	vadd.f32 $9.999999960e-13, v21  }
0x1e5: {  	v23 =	vadd.f32 v59, v46;
	v46 =	vmul.f32 v6, v6;
	v8 =	vadd.f32 v25, v40;
	v40 =	vld [tilespmem:$0x1F660]  }
0x1e6: {  	v48 =	vbroadcast v21, $0xF;
	v1 =	vmul.f32 v18, v33  }
0x1e7: {  	v21 =	vadd.f32 v46, v42;
	v46 =	vmul.f32 v22, v2;
	v33 =	vld [tilespmem:$0x1F670]  }
0x1e8: {  	v23 =	vadd.f32 v50, v23;
	v42 =	vshra.s32 v48, $0x1;
	[tilespmem:$0x1FBA0] =	vst v1;
	v1 =	vmul.f32 v18, v34  }
0x1e9: {  	v25 =	vsub.s32 $0x5F3759DF, v42;
	v42 =	vadd.f32 v46, v44;
	v46 =	vld [tilespmem:$0x1F680]  }
0x1ea: {  	v23 =	vadd.f32 v51, v23;
	[tilespmem:$0x1FBB0] =	vst v1;
	v1 =	vmul.f32 v18, v40;
	_ =	sdelay $0x1  }
0x1eb: {  	v3 =	vmov v26;
	v26 =	vld [tilespmem:s26+$0xAE0];
	v23 =	vadd.f32 v43, v23;
	[tilespmem:$0x1FBC0] =	vst v1;
	v1 =	vmul.f32 v18, v33  }
0x1ec: {  	v34 =	vmul.f32 v9, v9;
	v33 =	vld [tilespmem:$0x1F690]  }
0x1ed: {  	(xrf2) =	vadd.scan.msk.f32 $0xffff, v23;
	[tilespmem:$0x1FBD0] =	vst v1;
	v1 =	vmul.f32 v18, v46  }
0x1ee: {  	v19 =	vmul.f32 $5.000000000e-01, v48;
	v21 =	vadd.f32 v34, v21;
	v34 =	vld [tilespmem:$0x1F6A0]  }
0x1ef: {  	v17 =	vadd.f32 $9.999999960e-13, v17;
	v48 =	vmov v2;
	[tilespmem:$0x1FBE0] =	vst v1;
	v1 =	vmul.f32 v8, v8  }
0x1f0: {  	v2 =	vmovc v44;
	v44 =	vmul.f32 v25, v19;
	v40 =	vmul.f32 v16, v15;
	v15 =	vadd.f32 v26, v42;
	v42 =	vld [tilespmem:$0x1F6B0]  }
0x1f1: {  	v20 =	vbroadcast v20, $0xF;
	(xrf2) =	vadd.scan.msk.f32 $0xffff, v24;
	v21 =	vadd.f32 v1, v21;
	v1 =	vmul.f32 v18, v33  }
0x1f2: {  	v17 =	vbroadcast v17, $0xF;
	v28 =	vmul.f32 v25, v44  }
0x1f3: {  	v26 =	vsub.f32 v49, v20;
	v23 =	vmul.f32 v40, v16;
	[tilespmem:$0x1FBF0] =	vst v1;
	v1 =	vmul.f32 v18, v34  }
0x1f4: {  	v40 =	vsub.f32 $1.500000000e+00, v28;
	v28 =	vsub.f32 v0, v20;
	v49 =	vmul.f32 v15, v15  }
0x1f5: {  	v44 =	vld [tilespmem:s26+$0xAF0];
	v23 =	vsub.f32 $1.500000000e+00, v23;
	v46 =	vmul.f32 v22, v31;
	[tilespmem:$0x1FC00] =	vst v1;
	v1 =	vmul.f32 v18, v42  }
0x1f6: {  	v22 =	vsub.f32 v30, v20;
	v30 =	vmul.f32 $5.000000000e-01, v17;
	v17 =	vshra.s32 v17, $0x1  }
0x1f7: {  	v16 =	vmul.f32 v23, v16;
	v23 =	vmul.f32 v25, v40;
	v25 =	vsub.f32 v53, v20;
	v53, _, _ =	vpop (xrf2)  }
0x1f8: {  	v17 =	vsub.s32 $0x5F3759DF, v17;
	v0 =	vadd.f32 v46, v29;
	v27 =	vmul.f32 $7.812500000e-03, v53  }
0x1f9: {  	v24 =	vsub.f32 v41, v20;
	v46 =	vmul.f32 v17, v30;
	[tilespmem:$0x1FC10] =	vst v1;
	v1 =	vmovc v31;
	v31 =	vbroadcast v45, $0xE  }
0x1fa: {  	v33 =	vadd.f32 v44, v0;
	v14 =	vmul.f32 v16, v14;
	v0 =	vmul.f32 v27, v27  }
0x1fb: {  	v34 =	vsub.f32 v56, v20;
	v56, _, _ =	vpop (xrf2);
	v18 =	vsub.f32 v63, v20;
	v42 =	vld [tilespmem:s26+$0xB10];
	v63 =	vmul.f32 v31, v52  }
0x1fc: {  	v21 =	vadd.f32 v49, v21;
	v40 =	vmul.f32 $7.812500000e-03, v56;
	v53 =	vmul.f32 v31, v39  }
0x1fd: {  	v41 =	vld [tilespmem:s26+$0xB00];
	v56 =	vmul.f32 v23, v19;
	v44 =	vadd.f32 v63, v60;
	v63 =	vmul.f32 v33, v33  }
0x1fe: {  	v40 =	vsub.f32 v40, v0;
	v3 =	vmul.f32 v31, v3;
	v0 =	vadd.f32 v53, v61  }
0x1ff: {  	v20 =	vsub.f32 v47, v20;
	v53 =	vld [tilespmem:s26+$0xB20];
	v21 =	vadd.f32 v63, v21;
	v63 =	vmul.f32 v31, v32  }
0x200: {  	v47 =	vld [tilespmem:s26+$0xB50];
	v56 =	vmul.f32 v56, v23;
	v39 =	vmovc v32;
	v3 =	vadd.f32 v3, v4;
	v0 =	vadd.f32 v42, v0  }
0x201: {  	v42 =	vmul.f32 v17, v46;
	v32 =	vmovc v62;
	v46 =	vadd.f32 v63, v62;
	v62 =	vmul.f32 v31, v55  }
0x202: {  	[tilespmem:$0x1F790] =	vst v45;
	v45 =	vld [tilespmem:s26+$0xB40];
	v61 =	vadd.f32 v41, v44;
	v41 =	vsub.f32 $1.500000000e+00, v56;
	v56 =	vmul.f32 v31, v37  }
0x203: {  	v42 =	vsub.f32 $1.500000000e+00, v42;
	v55 =	vmovc v4;
	v4 =	vmul.f32 v31, v48;
	v62 =	vadd.f32 v62, v54  }
0x204: {  	v44 =	vld [tilespmem:s26+$0xB30];
	v56 =	vadd.f32 v56, v36;
	v49 =	vadd.f32 v53, v46;
	v53 =	vmul.f32 v0, v0  }
0x205: {  	v47 =	vadd.f32 v47, v62;
	v62 =	vadd.f32 v4, v2;
	v4 =	vmul.f32 v61, v61  }
0x206: {  	v23 =	vmul.f32 v41, v23;
	v63 =	vld [tilespmem:s26+$0xB60];
	v42 =	vmul.f32 v17, v42  }
0x207: {  	v17 =	vadd.f32 v45, v56;
	v56 =	vmul.f32 v16, v12;
	v12 =	vadd.f32 v53, v4;
	v4 =	vld [tilespmem:$0x1F6C0]  }
0x208: {  	v13 =	vmul.f32 v16, v13;
	v11 =	vmul.f32 v16, v11;
	[tilespmem:$0x1FC20] =	vst v14;
	v53 =	vld [tilespmem:$0x1F6E0]  }
0x209: {  	v46 =	vadd.f32 v44, v3;
	v44 =	vmovc v2;
	v3 =	vadd.f32 v5, v58;
	v2 =	vmul.f32 v23, v19;
	v19 =	vld [tilespmem:$0x1F6D0]  }
0x20a: {  	v10 =	vmul.f32 v16, v10;
	[tilespmem:$0x1FC30] =	vst v13;
	v31 =	vmul.f32 v31, v1  }
0x20b: {  	[tilespmem:$0x1FC40] =	vst v11;
	v45 =	vadd.f32 v63, v62;
	v62 =	vadd.f32 v7, v3;
	v63 =	vmul.f32 v42, v30  }
0x20c: {  	[tilespmem:$0x1FC90] =	vst v10;
	v10 =	vld [tilespmem:s26+$0xB70];
	v13 =	vmul.f32 v2, v23;
	v2 =	vmul.f32 v16, v4  }
0x20d: {  	[tilespmem:$0x1FC50] =	vst v56;
	v41 =	vadd.f32 v6, v62;
	v14 =	vmul.f32 v63, v42;
	v3 =	vmul.f32 v16, v53  }
0x20e: {  	v56 =	vsub.f32 $1.500000000e+00, v13;
	v13 =	vadd.f32 v31, v29;
	[tilespmem:$0x1FC60] =	vst v2;
	v2 =	vmul.f32 v16, v19  }
0x20f: {  	v4 =	vsub.f32 $1.500000000e+00, v14;
	v53 =	vmul.f32 v46, v46;
	v14 =	vmul.f32 v17, v17;
	[tilespmem:$0x1FC80] =	vst v3  }
0x210: {  	v19 =	vadd.f32 v0, v61;
	v3 =	vmul.f32 v56, v23;
	[tilespmem:$0x1FC70] =	vst v2;
	v2 =	vadd.f32 v9, v41  }
0x211: {  	[tilespmem:$0x1FDB0] =	vst v61;
	v16 =	vmul.f32 v4, v42;
	v61 =	vadd.f32 v10, v13;
	v41 =	vmul.f32 v49, v49  }
0x212: {  	[tilespmem:$0x1FDD0] =	vst v49;
	v11 =	vadd.f32 v49, v19;
	v19 =	vmul.f32 v3, v18;
	v2 =	vadd.f32 v8, v2  }
0x213: {  	v62 =	vmovc v29;
	v23 =	vmul.f32 v3, v26;
	v28 =	vmul.f32 v3, v28;
	v12 =	vadd.f32 v41, v12  }
0x214: {  	v56 =	vadd.f32 v46, v11;
	[tilespmem:$0x1FCA0] =	vst v19;
	v41 =	vmul.f32 v3, v22;
	v22 =	vld [tilespmem:$0x1F700];
	v2 =	vadd.f32 v15, v2  }
0x215: {  	v42 =	vmul.f32 v45, v45;
	v29 =	vmul.f32 v3, v34;
	[tilespmem:$0x1FCB0] =	vst v23;
	v23 =	vld [tilespmem:$0x1F710];
	v13 =	vadd.f32 v53, v12  }
0x216: {  	v26 =	vmul.f32 v47, v47;
	[tilespmem:$0x1FCC0] =	vst v28;
	v28 =	vld [tilespmem:$0x1F730];
	v4 =	vadd.f32 v17, v56;
	v2 =	vadd.f32 v33, v2  }
0x217: {  	v18 =	vmul.f32 v3, v20;
	[tilespmem:$0x1FCD0] =	vst v29;
	v19 =	vadd.f32 $9.999999960e-13, v40;
	v29 =	vld [tilespmem:$0x1F740];
	v10 =	vadd.f32 v14, v13  }
0x218: {  	v20 =	vmul.f32 v16, v30;
	[tilespmem:$0x1FCE0] =	vst v41;
	v41 =	vld [tilespmem:$0x1F770];
	v31 =	vadd.f32 v47, v4;
	(xrf2) =	vadd.scan.msk.f32 $0xffff, v2  }
0x219: {  	v49 =	vmul.f32 v3, v24;
	v24 =	vbroadcast v19, $0xF;
	v34 =	vadd.f32 v26, v10;
	v26 =	vld [tilespmem:$0x1F720];
	(xrf2) =	vadd.scan.msk.f32 $0xffff, v21  }
0x21a: {  	v53 =	vmul.f32 v3, v25;
	v25 =	vmul.f32 v20, v16;
	v2 =	vadd.f32 v45, v31;
	v31 =	vld [tilespmem:$0x1F750]  }
0x21b: {  	v56 =	vbroadcast v35, $0xF;
	v30 =	vshra.s32 v24, $0x1;
	v21 =	vld [tilespmem:$0x1F6F0]  }
0x21c: {  	v19 =	vmul.f32 $5.000000000e-01, v24;
	v24 =	vsub.f32 $1.500000000e+00, v25;
	v4 =	vadd.f32 v42, v34;
	v34 =	vld [tilespmem:$0x1F760]  }
0x21d: {  	v14 =	vmul.f32 v61, v61;
	v12 =	vsub.f32 v22, v56;
	v13 =	vsub.f32 v23, v56;
	v42 =	vld [tilespmem:$0x1F780]  }
0x21e: {  	[tilespmem:$0x1FD10] =	vst v18;
	v18 =	vsub.f32 v29, v56;
	v22 =	vsub.s32 $0x5F3759DF, v30;
	v2 =	vadd.f32 v61, v2  }
0x21f: {  	v40 =	vmul.f32 v22, v19;
	v4 =	vadd.f32 v14, v4;
	v14 =	vsub.f32 v28, v56  }
0x220: {  	(xrf2) =	vadd.scan.msk.f32 $0xffff, v2;
	v10 =	vsub.f32 v26, v56;
	v11 =	vsub.f32 v21, v56;
	v21 =	vbroadcast v27, $0xF  }
0x221: {  	v63 =	vmovc v1;
	v20 =	vsub.f32 v31, v56;
	(xrf2) =	vadd.scan.msk.f32 $0xffff, v4;
	v23 =	vsub.f32 v34, v56  }
0x222: {  	[tilespmem:$0x1FD00] =	vst v53;
	v53 =	vmul.f32 v22, v40;
	v1 =	vsub.f32 v41, v21;
	v4 =	vsub.f32 v42, v21;
	v35, _, _ =	vpop (xrf2)  }
0x223: {  	[tilespmem:$0x1FCF0] =	vst v49;
	v2 =	vsub.f32 v38, v21;
	v3 =	vsub.f32 v57, v21;
	v49 =	vmul.f32 $7.812500000e-03, v35;
	v34, _, _ =	vpop (xrf2)  }
0x224: {  	v40 =	vsub.f32 v59, v21;
	v59 =	vsub.f32 v50, v21;
	v27 =	vmul.f32 $7.812500000e-03, v34  }
0x225: {  	v56 =	vld [tilespmem:s26+$0xB80];
	v41 =	vsub.f32 v51, v21;
	v35 =	vmul.f32 v49, v49;
	v25 =	vbroadcast v49, $0xF  }
0x226: {  	v16 =	vmul.f32 v24, v16;
	v42 =	vsub.f32 v43, v21;
	v38 =	vsub.f32 $1.500000000e+00, v53;
	v49 =	vld [tilespmem:$0x1F790]  }
0x227: {  	v21 =	vsub.f32 v27, v35;
	v43 =	vsub.f32 v58, v25;
	v58 =	vld [tilespmem:$0x1FEF0]  }
0x228: {  	v53 =	vsub.f32 v7, v25;
	v35 =	vmul.f32 v22, v38;
	v22 =	vmul.f32 v16, v12;
	v12 =	vld [tilespmem:$0x1FEE0]  }
0x229: {  	v27 =	vsub.f32 v6, v25;
	[tilespmem:$0x1FD30] =	vst v43;
	v43 =	vld [tilespmem:s26+$0xB90]  }
0x22a: {  	v50, _, _ =	vpop (xrf2);
	v28 =	vsub.f32 v9, v25;
	[tilespmem:$0x1FD50] =	vst v53;
	v53 =	vld [tilespmem:s26+$0xBA0]  }
0x22b: {  	v31 =	vsub.f32 v8, v25;
	v29, _, _ =	vpop (xrf2);
	[tilespmem:$0x1FD60] =	vst v27;
	v27 =	vld [tilespmem:s26+$0xBC0]  }
0x22c: {  	[tilespmem:$0x1FD70] =	vst v28;
	v6 =	vmul.f32 $7.812500000e-03, v29;
	v28 =	vld [tilespmem:$0x1FF40]  }
0x22d: {  	[tilespmem:$0x1FD80] =	vst v31;
	v29 =	vmul.f32 v16, v18;
	v31 =	vld [tilespmem:s26+$0xBD0];
	v26 =	vbroadcast v49, $0xF  }
0x22e: {  	v51 =	vsub.f32 v5, v25;
	v18 =	vld [tilespmem:$0x1F7A0]  }
0x22f: {  	v57 =	vmul.f32 $7.812500000e-03, v50;
	[tilespmem:$0x1FDE0] =	vst v29;
	v29 =	vld [tilespmem:$0x1FEA0];
	v30 =	vmul.f32 v26, v52;
	v52 =	vsub.f32 v33, v25  }
0x230: {  	v38 =	vsub.f32 v15, v25;
	v50 =	vmul.f32 v16, v11;
	v24 =	vmul.f32 v35, v19;
	v25 =	vld [tilespmem:s26+$0xBB0]  }
0x231: {  	v7 =	vadd.f32 v30, v60;
	[tilespmem:$0x1FDA0] =	vst v52;
	v60 =	vmul.f32 v26, v39;
	v11 =	vmul.f32 v26, v28;
	v52 =	vld [tilespmem:s26+$0xBE0]  }
0x232: {  	v39 =	vmul.f32 v16, v20;
	v20 =	vld [tilespmem:$0x1F7B0]  }
0x233: {  	[tilespmem:$0x1FD40] =	vst v51;
	v30 =	vmul.f32 v24, v35;
	v5 =	vadd.f32 v60, v32;
	v51 =	vadd.f32 v11, v55;
	v55 =	vld [tilespmem:$0x1FF90]  }
0x234: {  	v49 =	vadd.f32 v56, v7;
	v32 =	vld [tilespmem:$0x1FEB0]  }
0x235: {  	v8 =	vmul.f32 v26, v58;
	v56 =	vadd.f32 v53, v5;
	v5 =	vsub.f32 $1.500000000e+00, v30;
	v30 =	vld [tilespmem:$0x1FE00]  }
0x236: {  	v53 =	vmul.f32 v26, v37;
	v37 =	vmul.f32 v16, v23;
	v23 =	vld [tilespmem:s26+$0xBF0]  }
0x237: {  	v7 =	vadd.f32 v8, v12;
	v60 =	vmul.f32 v26, v48;
	v48 =	vadd.f32 v25, v51;
	v51 =	vld [tilespmem:$0x1FE80]  }
0x238: {  	v25 =	vld [tilespmem:$0x1F7C0]  }
0x239: {  	[tilespmem:$0x1FD90] =	vst v38;
	v38 =	vadd.f32 v43, v7;
	v43 =	vmul.f32 v16, v14;
	v14 =	vadd.f32 v60, v44;
	v60 =	vld [tilespmem:$0x1FE50]  }
0x23a: {  	v12 =	vadd.f32 v53, v36;
	v53 =	vld [tilespmem:$0x1FE20]  }
0x23b: {  	v58 =	vmul.f32 v16, v13;
	v13 =	vmul.f32 v16, v10;
	v44 =	vadd.f32 v52, v14;
	v52 =	vld [tilespmem:$0x1FE90]  }
0x23c: {  	v34 =	vmul.f32 v57, v57;
	v36 =	vld [tilespmem:$0x1F7E0]  }
0x23d: {  	[tilespmem:$0x1FD20] =	vst v13;
	v15 =	vmul.f32 v49, v49;
	v13 =	vmul.f32 v26, v55;
	v55 =	vld [tilespmem:$0x1FE40]  }
0x23e: {  	v16 =	vmul.f32 v38, v38;
	v26 =	vmul.f32 v26, v63;
	v63 =	vld [tilespmem:$0x1FE60]  }
0x23f: {  	[tilespmem:$0x1FDC0] =	vst v0;
	v0 =	vsub.f32 v6, v34;
	v34 =	vadd.f32 v27, v12;
	v27 =	vld [tilespmem:$0x1F7D0]  }
0x240: {  	v7 =	vadd.f32 v16, v15;
	v15 =	vld [tilespmem:$0x1F7F0];
	v13 =	vadd.f32 v13, v54  }
0x241: {  	v54 =	vld [tilespmem:$0x1FE30]  }
0x242: {  	v5 =	vmul.f32 v5, v35;
	v24 =	vmul.f32 v56, v56;
	v35 =	vadd.f32 v31, v13;
	v31 =	vld [tilespmem:$0x1FE10]  }
0x243: {  	v12 =	vadd.f32 v26, v62;
	v62 =	vld [tilespmem:$0x1FE70];
	v11 =	vmul.f32 v25, v53  }
0x244: {  	v7 =	vadd.f32 v24, v7;
	v24 =	vld [tilespmem:$0x1FFF0]  }
0x245: {  	v28 =	vadd.f32 v11, v29;
	v11 =	vmul.f32 v36, v55;
	v36 =	vld [tilespmem:$0x1F810]  }
0x246: {  	v10 =	vmul.f32 v27, v54;
	v27 =	vld [tilespmem:$0x1FF50]  }
0x247: {  	v8 =	vmul.f32 v20, v31;
	v20 =	vld [tilespmem:$0x1F800]  }
0x248: {  	[tilespmem:s26+$0x420] =	vst v28;
	v28 =	vld [tilespmem:$0x1FF00]  }
0x249: {  	v16 =	vmul.f32 v48, v48;
	v25 =	vld [tilespmem:$0x1FFA0]  }
0x24a: {  	[tilespmem:$0x1FDF0] =	vst v39;
	v39 =	vadd.f32 v10, v32;
	v10 =	vmul.f32 v15, v60;
	v15 =	vld [tilespmem:$0x1F820]  }
0x24b: {  	v33 =	vadd.f32 v23, v12;
	v7 =	vadd.f32 v16, v7;
	v16 =	vld [tilespmem:$0x1F830]  }
0x24c: {  	v23 =	vadd.f32 v10, v27;
	v10 =	vmul.f32 v36, v62;
	v36 =	vld [tilespmem:$0x1F840];
	v9 =	vmul.f32 v20, v63  }
0x24d: {  	v6 =	vmul.f32 v18, v30;
	[tilespmem:s26+$0x430] =	vst v39;
	v18 =	vadd.f32 v11, v28;
	v20 =	vmul.f32 v5, v19;
	v19 =	vld [tilespmem:$0x1F860]  }
0x24e: {  	[tilespmem:s26+$0x450] =	vst v23;
	v23 =	vmul.f32 v34, v34;
	v39 =	vadd.f32 v9, v25  }
0x24f: {  	[tilespmem:s26+$0x440] =	vst v18;
	v18 =	vadd.f32 v10, v24;
	v9 =	vmul.f32 v15, v30;
	v10 =	vmul.f32 v20, v5  }
0x250: {  	v11 =	vmul.f32 v16, v31;
	v7 =	vadd.f32 v23, v7;
	v23 =	vmul.f32 v35, v35;
	[tilespmem:s26+$0x460] =	vst v39;
	v39 =	vld [tilespmem:$0x1F850]  }
0x251: {  	v20 =	vld [tilespmem:$0x1F870];
	v26 =	vadd.f32 v9, v51;
	v9 =	vmul.f32 v36, v53;
	v10 =	vsub.f32 $1.500000000e+00, v10  }
0x252: {  	v15 =	vadd.f32 v11, v52;
	v36 =	vld [tilespmem:$0x1F880];
	v11 =	vmul.f32 v19, v55  }
0x253: {  	v16 =	vadd.f32 v9, v29;
	v9 =	vmul.f32 v10, v5;
	v5 =	vadd.f32 v23, v7;
	v23 =	vld [tilespmem:$0x1F8B0]  }
0x254: {  	v8 =	vadd.f32 v8, v52;
	[tilespmem:s26+$0x490] =	vst v15;
	v15 =	vld [tilespmem:$0x1F8D0]  }
0x255: {  	[tilespmem:s26+$0x480] =	vst v26;
	v26 =	vadd.f32 v11, v28;
	v13 =	vmul.f32 v39, v54;
	v39 =	vld [tilespmem:$0x1F890]  }
0x256: {  	[tilespmem:s26+$0x410] =	vst v8;
	v8 =	vmul.f32 v20, v60;
	v20 =	vld [tilespmem:$0x1F8A0]  }
0x257: {  	[tilespmem:s26+$0x4C0] =	vst v26;
	v26 =	vld [tilespmem:$0x1F8C0]  }
0x258: {  	[tilespmem:s26+$0x4A0] =	vst v16;
	v16 =	vadd.f32 v8, v27;
	v7 =	vmul.f32 v23, v31;
	v23 =	vld [tilespmem:$0x1F900]  }
0x259: {  	[tilespmem:s26+$0x470] =	vst v18;
	v11 =	vmul.f32 v36, v63;
	v36 =	vadd.f32 $9.999999960e-13, v21;
	v21 =	vld [tilespmem:$0x1F8F0]  }
0x25a: {  	v18 =	vadd.f32 v13, v32;
	[tilespmem:s26+$0x4D0] =	vst v16;
	v16 =	vld [tilespmem:$0x1F8E0];
	v13 =	vmul.f32 v39, v62  }
0x25b: {  	v10 =	vmul.f32 v20, v30;
	v7 =	vadd.f32 v7, v52  }
0x25c: {  	[tilespmem:s26+$0x4B0] =	vst v18;
	v18 =	vadd.f32 v11, v25;
	v11 =	vmul.f32 v26, v53;
	v19 =	vadd.f32 v13, v24  }
0x25d: {  	v39 =	vadd.f32 v10, v51;
	v10 =	vmul.f32 v15, v54;
	[tilespmem:s26+$0x510] =	vst v7;
	v7 =	vmul.f32 v23, v63;
	v23 =	vld [tilespmem:$0x1F930]  }
0x25e: {  	v12 =	vmul.f32 v21, v60;
	[tilespmem:s26+$0x4F0] =	vst v19;
	v19 =	vbroadcast v36, $0xF  }
0x25f: {  	[tilespmem:s26+$0x4E0] =	vst v18;
	v13 =	vmul.f32 v16, v55;
	v18 =	vadd.f32 v11, v29;
	v20 =	vadd.f32 v10, v32;
	v16 =	vld [tilespmem:$0x1F990]  }
0x260: {  	[tilespmem:s26+$0x500] =	vst v39;
	v39 =	vmul.f32 v44, v44;
	v26 =	vshra.s32 v19, $0x1;
	v11 =	vmul.f32 $5.000000000e-01, v19;
	v19 =	vld [tilespmem:$0x1F920]  }
0x261: {  	v10 =	vadd.f32 v13, v28;
	[tilespmem:s26+$0x520] =	vst v18;
	v36 =	vld [tilespmem:$0x1F910];
	v21 =	vadd.f32 v7, v25;
	v13 =	vsub.s32 $0x5F3759DF, v26  }
0x262: {  	[tilespmem:s26+$0x530] =	vst v20;
	v7 =	vmul.f32 v23, v31;
	v23 =	vld [tilespmem:$0x1F970];
	v20 =	vmul.f32 v13, v11  }
0x263: {  	[tilespmem:s26+$0x560] =	vst v21;
	v21 =	vld [tilespmem:$0x1F960]  }
0x264: {  	v18 =	vadd.f32 v12, v27;
	[tilespmem:s26+$0x540] =	vst v10;
	v10 =	vadd.f32 v39, v5;
	v39 =	vmul.f32 v13, v20;
	v20 =	vld [tilespmem:$0x1F950]  }
0x265: {  	v6 =	vadd.f32 v6, v51;
	v12 =	vmul.f32 v19, v30;
	v19 =	vld [tilespmem:$0x1F940]  }
0x266: {  	[tilespmem:s26+$0x550] =	vst v18;
	v8 =	vmul.f32 v36, v62;
	v18 =	vadd.f32 v7, v52  }
0x267: {  	[tilespmem:s26+$0x400] =	vst v6;
	v15 =	vmul.f32 v23, v60;
	v36 =	vadd.f32 v12, v51;
	v12 =	vsub.f32 $1.500000000e+00, v39  }
0x268: {  	v26 =	vadd.f32 v8, v24;
	v6 =	vmul.f32 v21, v55;
	[tilespmem:s26+$0x590] =	vst v18;
	v18 =	vld [tilespmem:$0x1F9A0];
	v21 =	vadd.f32 v38, v49  }
0x269: {  	v39 =	vadd.f32 v15, v27;
	v14 =	vmul.f32 v20, v54;
	[tilespmem:s26+$0x580] =	vst v36;
	v36 =	vld [tilespmem:$0x1F980];
	v5 =	vmul.f32 v13, v12  }
0x26a: {  	[tilespmem:s26+$0x570] =	vst v26;
	v13 =	vmul.f32 v16, v62;
	v7 =	vmul.f32 v19, v53;
	v19 =	vld [tilespmem:$0x1F9B0]  }
0x26b: {  	[tilespmem:s26+$0x5D0] =	vst v39;
	v39 =	vadd.f32 v56, v21;
	v21 =	vld [tilespmem:$0x1F9E0];
	v26 =	vadd.f32 v14, v32  }
0x26c: {  	v23 =	vadd.f32 v13, v24  }
0x26d: {  	v20 =	vmul.f32 v5, v11;
	[tilespmem:s26+$0x5B0] =	vst v26;
	v26 =	vld [tilespmem:$0x1F9C0]  }
0x26e: {  	v0 =	vadd.f32 $9.999999960e-13, v0;
	v7 =	vadd.f32 v7, v29;
	[tilespmem:s26+$0x5F0] =	vst v23;
	v23 =	vld [tilespmem:$0x1F9F0];
	v14 =	vmul.f32 v36, v63  }
0x26f: {  	v6 =	vadd.f32 v6, v28;
	v36 =	vmul.f32 v20, v5;
	v20 =	vld [tilespmem:$0x1F9D0];
	v8 =	vmul.f32 v19, v31  }
0x270: {  	[tilespmem:s26+$0x5A0] =	vst v7;
	v16 =	vmul.f32 v21, v55;
	v21 =	vld [tilespmem:$0x1FA20];
	v7 =	vadd.f32 v14, v25;
	v14 =	vmul.f32 v18, v30  }
0x271: {  	v15 =	vadd.f32 v48, v39;
	v12 =	vsub.f32 $1.500000000e+00, v36;
	v36 =	vld [tilespmem:$0x1FA00]  }
0x272: {  	[tilespmem:s26+$0x5C0] =	vst v6;
	v8 =	vadd.f32 v8, v52;
	v13 =	vadd.f32 v14, v51;
	v14 =	vmul.f32 v26, v53  }
0x273: {  	v0 =	vbroadcast v0, $0xF;
	v39 =	vadd.f32 v34, v15;
	[tilespmem:s26+$0x5E0] =	vst v7;
	v6 =	vmul.f32 v23, v60;
	v23 =	vld [tilespmem:$0x1FA30]  }
0x274: {  	[tilespmem:s26+$0x610] =	vst v8;
	v8 =	vmul.f32 v12, v5;
	v7 =	vadd.f32 v14, v29;
	v14 =	vmul.f32 v20, v54;
	v20 =	vld [tilespmem:$0x1FA10]  }
0x275: {  	v5 =	vadd.f32 v6, v27;
	v15 =	vmul.f32 v21, v30;
	v6 =	vadd.f32 v35, v39;
	v39 =	vld [tilespmem:$0x1FA60]  }
0x276: {  	[tilespmem:s26+$0x600] =	vst v13;
	v26 =	vadd.f32 v14, v32;
	v14 =	vadd.f32 v16, v28;
	v16 =	vmul.f32 v36, v63;
	v36 =	vld [tilespmem:$0x1FA50]  }
0x277: {  	v4 =	vmul.f32 v9, v4;
	v41 =	vmul.f32 v9, v41;
	[tilespmem:s26+$0x620] =	vst v7;
	v6 =	vadd.f32 v44, v6  }
0x278: {  	v42 =	vmul.f32 v9, v42;
	v13 =	vmul.f32 v23, v31;
	v23 =	vadd.f32 v15, v51;
	[tilespmem:s26+$0x630] =	vst v26;
	v26 =	vld [tilespmem:$0x1FA40]  }
0x279: {  	[tilespmem:s26+$0x650] =	vst v5;
	v5 =	vmul.f32 v9, v1;
	v6 =	vadd.f32 v33, v6;
	v12 =	vmul.f32 v20, v62;
	v20 =	vld [tilespmem:$0x1FA70]  }
0x27a: {  	v1 =	vmul.f32 v9, v2;
	v18 =	vmul.f32 v39, v55;
	[tilespmem:s26+$0x680] =	vst v23;
	v23 =	vld [tilespmem:$0x1FA90]  }
0x27b: {  	v7 =	vadd.f32 v16, v25;
	[tilespmem:s26+$0x640] =	vst v14;
	(xrf2) =	vadd.scan.msk.f32 $0xffff, v6;
	v14 =	vmul.f32 v36, v54  }
0x27c: {  	v36 =	vadd.f32 v13, v52;
	v13 =	vmul.f32 v8, v11;
	v18 =	vadd.f32 v18, v28  }
0x27d: {  	v19 =	vld [tilespmem:$0x1FAE0];
	v12 =	vadd.f32 v12, v24;
	v16 =	vmul.f32 v26, v53;
	v26 =	vmul.f32 v33, v33  }
0x27e: {  	v6 =	vmul.f32 v13, v8;
	[tilespmem:s26+$0x6C0] =	vst v18;
	v18 =	vld [tilespmem:$0x1FAD0];
	v21 =	vmul.f32 v20, v60  }
0x27f: {  	[tilespmem:s26+$0x670] =	vst v12;
	v12 =	vmul.f32 v23, v62;
	v10 =	vadd.f32 v26, v10;
	v15 =	vadd.f32 v16, v29;
	v26 =	vld [tilespmem:$0x1FAA0]  }
0x280: {  	v2 =	vmul.f32 v9, v3;
	[tilespmem:s26+$0x690] =	vst v36;
	v36 =	vld [tilespmem:$0x1FAB0];
	v16 =	vadd.f32 v14, v32;
	v6 =	vsub.f32 $1.500000000e+00, v6  }
0x281: {  	v3 =	vmul.f32 v9, v40;
	v20 =	vadd.f32 v21, v27;
	v21 =	vld [tilespmem:$0x1FA80];
	v39 =	vadd.f32 v12, v24;
	(xrf2) =	vadd.scan.msk.f32 $0xffff, v10  }
0x282: {  	[tilespmem:s26+$0x6B0] =	vst v16;
	v6 =	vmul.f32 v6, v8;
	v10 =	vmul.f32 v19, v55;
	v19 =	vld [tilespmem:$0x1FB10]  }
0x283: {  	v16 =	vshra.s32 v0, $0x1;
	v8 =	vmul.f32 $5.000000000e-01, v0;
	[tilespmem:s26+$0x6D0] =	vst v20;
	v0 =	vmul.f32 v18, v54;
	v20 =	vld [tilespmem:$0x1FAF0]  }
0x284: {  	v40 =	vmul.f32 v9, v59;
	[tilespmem:s26+$0x6A0] =	vst v15;
	v9 =	vmul.f32 v26, v30;
	v26 =	vld [tilespmem:$0x1FB00]  }
0x285: {  	v15 =	vld [tilespmem:$0x1FAC0];
	v13 =	vmul.f32 v36, v31;
	[tilespmem:s26+$0x6F0] =	vst v39;
	v12 =	vsub.s32 $0x5F3759DF, v16;
	v23 =	vadd.f32 v0, v32;
	v39, _, _ =	vpop (xrf2)  }
0x286: {  	[tilespmem:s26+$0x660] =	vst v7;
	v7 =	vmul.f32 v21, v63;
	v0 =	vmul.f32 $7.812500000e-03, v39;
	v39 =	vld [tilespmem:$0x1FB30];
	v9 =	vadd.f32 v9, v51  }
0x287: {  	v59 =	vadd.f32 v13, v52;
	v21 =	vmul.f32 v12, v8  }
0x288: {  	v7 =	vadd.f32 v7, v25;
	[tilespmem:s26+$0x700] =	vst v9;
	v9 =	vmul.f32 v20, v60  }
0x289: {  	[tilespmem:s26+$0x710] =	vst v59;
	v13 =	vmul.f32 v19, v62;
	v20 =	vld [tilespmem:$0x1FB20];
	v36 =	vmul.f32 v26, v63  }
0x28a: {  	v18 =	vmul.f32 v12, v21;
	[tilespmem:s26+$0x6E0] =	vst v7;
	v7 =	vmul.f32 v15, v53;
	v59 =	vadd.f32 v9, v27  }
0x28b: {  	[tilespmem:s26+$0x730] =	vst v23;
	v11 =	vadd.f32 v36, v25;
	v21, _, _ =	vpop (xrf2);
	v36 =	vadd.f32 v13, v24;
	v13 =	vmul.f32 v39, v31;
	v39 =	vld [tilespmem:$0x1FB70]  }
0x28c: {  	v10 =	vadd.f32 v10, v28;
	v26 =	vmul.f32 v0, v0;
	v23 =	vmul.f32 $7.812500000e-03, v21;
	[tilespmem:s26+$0x750] =	vst v59;
	v59 =	vld [tilespmem:$0x1FB40];
	_ =	sdelay $0x1  }
0x28d: {  	[tilespmem:s26+$0x740] =	vst v10;
	v7 =	vadd.f32 v7, v29;
	v14 =	vmul.f32 v20, v30;
	v10 =	vsub.f32 v23, v26;
	v26 =	vld [tilespmem:$0x1FB50]  }
0x28e: {  	v19 =	vld [tilespmem:$0x1FB90]  }
0x28f: {  	v9 =	vsub.f32 $1.500000000e+00, v18;
	v18 =	vld [tilespmem:$0x1FB80];
	[tilespmem:s26+$0x720] =	vst v7;
	v20 =	vadd.f32 v14, v51;
	v14 =	vmul.f32 v39, v60  }
0x290: {  	[tilespmem:s26+$0x770] =	vst v36;
	v21 =	vadd.f32 v13, v52;
	v36 =	vld [tilespmem:$0x1FB60];
	v16 =	vmul.f32 v59, v53  }
0x291: {  	v10 =	vadd.f32 $9.999999960e-13, v10;
	[tilespmem:s26+$0x780] =	vst v20;
	v20 =	vadd.f32 v14, v27  }
0x292: {  	v9 =	vmul.f32 v12, v9;
	[tilespmem:s26+$0x790] =	vst v21;
	v39 =	vld [tilespmem:$0x1FBB0];
	v23 =	vadd.f32 v16, v29;
	v13 =	vmul.f32 v26, v54  }
0x293: {  	v10 =	vbroadcast v10, $0xF;
	[tilespmem:s26+$0x7D0] =	vst v20;
	v20 =	vld [tilespmem:$0x1FBC0]  }
0x294: {  	v21 =	vmul.f32 v9, v8;
	v59 =	vadd.f32 v13, v32;
	v13 =	vmul.f32 v18, v63;
	[tilespmem:s26+$0x7A0] =	vst v23;
	v23 =	vld [tilespmem:$0x1FBA0]  }
0x295: {  	v15 =	vmul.f32 v19, v62;
	[tilespmem:s26+$0x760] =	vst v11;
	v11 =	vmul.f32 v36, v55;
	v36 =	vshra.s32 v10, $0x1  }
0x296: {  	v7 =	vmul.f32 $5.000000000e-01, v10;
	[tilespmem:s26+$0x7B0] =	vst v59;
	v13 =	vadd.f32 v13, v25;
	v59 =	vmul.f32 v21, v9;
	v21 =	vld [tilespmem:$0x1FBD0]  }
0x297: {  	v14 =	vadd.f32 v15, v24;
	v10 =	vmul.f32 v39, v31;
	v15 =	vsub.s32 $0x5F3759DF, v36  }
0x298: {  	v39 =	vld [tilespmem:$0x1FBF0];
	v16 =	vmul.f32 v15, v7;
	[tilespmem:s26+$0x7E0] =	vst v13;
	v13 =	vmul.f32 v20, v53  }
0x299: {  	v11 =	vadd.f32 v11, v28;
	v26 =	vmul.f32 v23, v30  }
0x29a: {  	[tilespmem:s26+$0x7F0] =	vst v14;
	v16 =	vmul.f32 v15, v16;
	v23 =	vadd.f32 v13, v29  }
0x29b: {  	[tilespmem:s26+$0x7C0] =	vst v11;
	v12 =	vsub.f32 $1.500000000e+00, v59;
	v11 =	vadd.f32 v26, v51;
	v14 =	vmul.f32 v21, v54;
	v26 =	vld [tilespmem:$0x1FBE0]  }
0x29c: {  	v20 =	vsub.f32 $1.500000000e+00, v16;
	[tilespmem:s26+$0x820] =	vst v23;
	v23 =	vld [tilespmem:$0x1FC10]  }
0x29d: {  	v19 =	vld [tilespmem:$0x1FC00];
	v9 =	vmul.f32 v12, v9;
	v12 =	vmul.f32 v39, v60;
	v36 =	vadd.f32 v14, v32  }
0x29e: {  	[tilespmem:s26+$0x800] =	vst v11;
	v11 =	vmul.f32 v15, v20;
	v20 =	vld [tilespmem:$0x1FC40]  }
0x29f: {  	v21 =	vadd.f32 v12, v27;
	[tilespmem:s26+$0x830] =	vst v36;
	v36 =	vld [tilespmem:$0x1FC30]  }
0x2a0: {  	v13 =	vmul.f32 v26, v55;
	v26 =	vld [tilespmem:$0x1FC20]  }
0x2a1: {  	[tilespmem:s26+$0x850] =	vst v21;
	v21 =	vld [tilespmem:$0x1FC50];
	v12 =	vmul.f32 v23, v62  }
0x2a2: {  	v23 =	vld [tilespmem:$0x1FC60];
	v59 =	vadd.f32 v13, v28;
	v13 =	vmul.f32 v19, v63  }
0x2a3: {  	v39 =	vadd.f32 v12, v24  }
0x2a4: {  	v15 =	vmul.f32 v20, v53;
	v13 =	vadd.f32 v13, v25;
	v14 =	vmul.f32 v36, v31;
	v36 =	vld [tilespmem:$0x1FC70]  }
0x2a5: {  	v4 =	vmul.f32 v4, v31;
	v16 =	vmul.f32 v26, v30;
	[tilespmem:s26+$0x870] =	vst v39;
	v39 =	vld [tilespmem:$0x1FC80]  }
0x2a6: {  	v26 =	vadd.f32 v15, v29;
	[tilespmem:s26+$0x860] =	vst v13;
	v13 =	vadd.f32 v14, v52;
	v14 =	vmul.f32 v21, v54;
	v21 =	vld [tilespmem:$0x1FC90]  }
0x2a7: {  	v5 =	vmul.f32 v5, v30;
	[tilespmem:s26+$0x840] =	vst v59;
	v59 =	vadd.f32 v16, v51;
	v16 =	vmul.f32 v23, v55;
	v23 =	vld [tilespmem:$0x1FCA0]  }
0x2a8: {  	[tilespmem:s26+$0x8A0] =	vst v26;
	v26 =	vld [tilespmem:$0x1FCB0]  }
0x2a9: {  	v4 =	vadd.f32 v4, v52;
	v5 =	vadd.f32 v5, v51  }
0x2aa: {  	v15 =	vmul.f32 v36, v60;
	[tilespmem:s26+$0x880] =	vst v59;
	v59 =	vadd.f32 v14, v32;
	v18 =	vmul.f32 v39, v63;
	v39 =	vld [tilespmem:$0x1FCD0]  }
0x2ab: {  	v10 =	vadd.f32 v10, v52;
	[tilespmem:s26+$0x890] =	vst v13;
	v14 =	vadd.f32 v16, v28;
	v36 =	vld [tilespmem:$0x1FCC0];
	v16 =	vmul.f32 v21, v62  }
0x2ac: {  	v1 =	vmul.f32 v1, v53;
	v13 =	vadd.f32 v15, v27;
	[tilespmem:s26+$0x8B0] =	vst v59;
	v59 =	vld [tilespmem:$0x1FCE0];
	v15 =	vadd.f32 v18, v25  }
0x2ad: {  	[tilespmem:s26+$0x810] =	vst v10;
	v18 =	vmul.f32 v23, v30;
	v10 =	vadd.f32 v16, v24;
	v16 =	vmul.f32 v26, v31;
	v26 =	vld [tilespmem:$0x1FCF0]  }
0x2ae: {  	v41 =	vmul.f32 v41, v63;
	v2 =	vmul.f32 v2, v54;
	v1 =	vadd.f32 v1, v29;
	[tilespmem:s26+$0xA00] =	vst v5  }
0x2af: {  	[tilespmem:s26+$0xA10] =	vst v4;
	v8 =	vmul.f32 v9, v8;
	v12 =	vadd.f32 v18, v51;
	v18 =	vmul.f32 v39, v54;
	v39 =	vld [tilespmem:$0x1FD10]  }
0x2b0: {  	[tilespmem:s26+$0xA20] =	vst v1;
	v23 =	vmul.f32 v43, v55;
	v19 =	vmul.f32 v36, v53;
	v36 =	vld [tilespmem:$0x1FD00]  }
0x2b1: {  	[tilespmem:s26+$0x8C0] =	vst v14;
	v43 =	vld [tilespmem:$0x1FD30];
	v14 =	vadd.f32 v16, v52;
	v20 =	vmul.f32 v59, v55;
	v59 =	vmul.f32 v50, v30  }
0x2b2: {  	v2 =	vadd.f32 v2, v32;
	[tilespmem:s26+$0x8D0] =	vst v13;
	v16 =	vadd.f32 v19, v29;
	v50 =	vld [tilespmem:$0x1FD40];
	v19 =	vmul.f32 v26, v60  }
0x2b3: {  	v8 =	vmul.f32 v8, v9;
	v13 =	vadd.f32 v18, v32;
	[tilespmem:s26+$0x910] =	vst v14;
	v14 =	vadd.f32 v59, v51;
	v59 =	vld [tilespmem:$0x1FD60]  }
0x2b4: {  	[tilespmem:s26+$0x8E0] =	vst v15;
	v26 =	vmul.f32 v22, v31;
	v15 =	vadd.f32 v19, v27;
	v19 =	vmul.f32 v39, v62;
	v39 =	vld [tilespmem:$0x1FD20]  }
0x2b5: {  	[tilespmem:s26+$0xA30] =	vst v2;
	v18 =	vadd.f32 v20, v28;
	v20 =	vmul.f32 v36, v63;
	v36 =	vmul.f32 v58, v53;
	v58 =	vld [tilespmem:$0x1FD50]  }
0x2b6: {  	v3 =	vmul.f32 v3, v55;
	v40 =	vmul.f32 v40, v60;
	[tilespmem:s26+$0x920] =	vst v16;
	v16 =	vadd.f32 v26, v52;
	v26 =	vld [tilespmem:$0x1FD70]  }
0x2b7: {  	v0 =	vbroadcast v0, $0xF;
	v8 =	vsub.f32 $1.500000000e+00, v8;
	[tilespmem:s26+$0x930] =	vst v13;
	v13 =	vadd.f32 v36, v29;
	v36 =	vld [tilespmem:$0x1FD80]  }
0x2b8: {  	[tilespmem:s26+$0x8F0] =	vst v10;
	v10 =	vadd.f32 v20, v25;
	v22 =	vmul.f32 v6, v59;
	v59 =	vmul.f32 v11, v7  }
0x2b9: {  	[tilespmem:s26+$0x900] =	vst v12;
	v21 =	vmul.f32 v6, v43;
	v12 =	vadd.f32 v19, v24;
	v19 =	vmul.f32 v39, v54  }
0x2ba: {  	[tilespmem:s26+$0x960] =	vst v10;
	v10 =	vadd.f32 v23, v28;
	v43 =	vmul.f32 v6, v58;
	v58 =	vld [tilespmem:$0x1FDA0];
	v23 =	vmul.f32 v59, v11  }
0x2bb: {  	[tilespmem:s26+$0x940] =	vst v18;
	v39 =	vld [tilespmem:$0x1FD90];
	v18 =	vadd.f32 v19, v32;
	v19 =	vmul.f32 v6, v26;
	v26 =	vbroadcast v57, $0xF  }
0x2bc: {  	[tilespmem:s26+$0x980] =	vst v14;
	v20 =	vmul.f32 v6, v50;
	v59 =	vld [tilespmem:$0x1FDF0];
	v50 =	vmul.f32 v6, v36;
	v23 =	vsub.f32 $1.500000000e+00, v23  }
0x2bd: {  	v8 =	vmul.f32 v8, v9;
	[tilespmem:s26+$0x950] =	vst v15;
	v36 =	vld [tilespmem:$0x1FDB0];
	v46 =	vsub.f32 v46, v26;
	v17 =	vsub.f32 v17, v26  }
0x2be: {  	[tilespmem:s26+$0x9C0] =	vst v10;
	v57 =	vld [tilespmem:$0x1FDD0];
	v50 =	vmul.f32 v50, v60;
	v47 =	vsub.f32 v47, v26;
	v45 =	vsub.f32 v45, v26  }
0x2bf: {  	[tilespmem:s26+$0x9B0] =	vst v18;
	v18 =	vsub.f32 v61, v26;
	v10 =	vmul.f32 v23, v11;
	v61 =	vadd.f32 v3, v28  }
0x2c0: {  	[tilespmem:s26+$0x990] =	vst v16;
	v23 =	vadd.f32 v41, v25;
	v15 =	vmul.f32 v6, v39;
	v6 =	vmul.f32 v6, v58  }
0x2c1: {  	[tilespmem:s26+$0x9A0] =	vst v13;
	v13 =	vmul.f32 v59, v63;
	v59 =	vmul.f32 v20, v31;
	v20 =	vadd.f32 v40, v27  }
0x2c2: {  	[tilespmem:s26+$0x970] =	vst v12;
	v9 =	vsub.f32 v36, v26;
	v36 =	vmul.f32 v37, v62;
	v7 =	vmul.f32 v10, v7  }
0x2c3: {  	v39 =	vld [tilespmem:$0x1FDC0];
	[tilespmem:s26+$0xA60] =	vst v23;
	v40 =	vmul.f32 v8, v18;
	v23 =	vsub.f32 v38, v0;
	v14 =	vsub.f32 v57, v26  }
0x2c4: {  	v58 =	vld [tilespmem:$0x1FDE0];
	[tilespmem:s26+$0xA40] =	vst v61;
	v37 =	vadd.f32 v13, v25;
	v57 =	vmul.f32 v42, v62;
	v42 =	vmul.f32 v43, v53  }
0x2c5: {  	[tilespmem:s26+$0xA50] =	vst v20;
	v43 =	vadd.f32 v59, v52;
	v59 =	vadd.f32 v50, v27;
	v6 =	vmul.f32 v6, v62  }
0x2c6: {  	v20 =	vsub.f32 v49, v0;
	v49 =	vsub.f32 v35, v0;
	v9 =	vmul.f32 v8, v9;
	[tilespmem:s26+$0x9E0] =	vst v37  }
0x2c7: {  	v7 =	vmul.f32 v7, v10;
	v1 =	vmul.f32 v40, v62;
	v37 =	vadd.f32 v57, v24;
	[tilespmem:s26+$0xA90] =	vst v43  }
0x2c8: {  	v57 =	vmul.f32 v15, v63;
	v6 =	vadd.f32 v6, v24;
	[tilespmem:s26+$0xAD0] =	vst v59;
	v43 =	vsub.f32 v48, v0  }
0x2c9: {  	v12 =	vsub.f32 v39, v26;
	v16 =	vmul.f32 v58, v60;
	v39 =	vadd.f32 v36, v24;
	[tilespmem:s26+$0xA70] =	vst v37  }
0x2ca: {  	v58 =	vmul.f32 v21, v30;
	v21 =	vmul.f32 v8, v46;
	v46 =	vadd.f32 v42, v29;
	[tilespmem:s26+$0xAF0] =	vst v6  }
0x2cb: {  	v26 =	vmul.f32 v8, v17;
	v36 =	vmul.f32 v8, v47;
	v1 =	vadd.f32 v1, v24;
	[tilespmem:s26+$0x9F0] =	vst v39  }
0x2cc: {  	v7 =	vsub.f32 $1.500000000e+00, v7;
	v47 =	vmul.f32 v19, v55;
	v61 =	vadd.f32 v57, v25;
	[tilespmem:s26+$0xAA0] =	vst v46  }
0x2cd: {  	v15 =	vmul.f32 v9, v30;
	v16 =	vadd.f32 v16, v27;
	v3 =	vmul.f32 v8, v12;
	[tilespmem:s26+$0xB70] =	vst v1  }
0x2ce: {  	v12 =	vmul.f32 v8, v14;
	v39 =	vmul.f32 v8, v45;
	v41 =	vadd.f32 v58, v51;
	[tilespmem:s26+$0xAE0] =	vst v61  }
0x2cf: {  	v45 =	vmul.f32 v22, v54;
	v2 =	vmul.f32 v7, v10;
	v58 =	vadd.f32 v47, v28;
	[tilespmem:s26+$0x9D0] =	vst v16  }
0x2d0: {  	v7 =	vadd.f32 v15, v51;
	v17 =	vmul.f32 v21, v54;
	v19 =	vmul.f32 v26, v55;
	[tilespmem:s26+$0xA80] =	vst v41  }
0x2d1: {  	v22 =	vmul.f32 v36, v60;
	v46 =	vsub.f32 v34, v0;
	v4 =	vadd.f32 v45, v32;
	[tilespmem:s26+$0xAC0] =	vst v58  }
0x2d2: {  	v3 =	vmul.f32 v3, v31;
	v16 =	vmul.f32 v12, v53;
	v21 =	vadd.f32 v17, v32;
	[tilespmem:s26+$0xB00] =	vst v7  }
0x2d3: {  	v26 =	vadd.f32 v19, v28;
	v36 =	vmul.f32 v2, v20;
	v38 =	vmul.f32 v2, v23;
	[tilespmem:s26+$0xAB0] =	vst v4  }
0x2d4: {  	v5 =	vmul.f32 v39, v63;
	v37 =	vadd.f32 v22, v27;
	v41 =	vsub.f32 v56, v0;
	[tilespmem:s26+$0xB30] =	vst v21  }
0x2d5: {  	v3 =	vadd.f32 v3, v52;
	v40 =	vmul.f32 v36, v30;
	v42 =	vmul.f32 v38, v31;
	[tilespmem:s26+$0xB40] =	vst v26  }
0x2d6: {  	v18 =	vadd.f32 v16, v29;
	v39 =	vadd.f32 v5, v25;
	v45 =	vmul.f32 v2, v41;
	[tilespmem:s26+$0xB50] =	vst v37  }
0x2d7: {  	v48 =	vmul.f32 v2, v43;
	[tilespmem:s26+$0xB10] =	vst v3;
	v5 =	vadd.f32 v40, v51;
	v47 =	vadd.f32 v42, v52  }
0x2d8: {  	[tilespmem:s26+$0xB20] =	vst v18;
	v50 =	vmul.f32 v45, v53;
	v51 =	vmul.f32 v2, v46;
	v52 =	vsub.f32 v44, v0  }
0x2d9: {  	[tilespmem:s26+$0xB60] =	vst v39;
	v53 =	vmul.f32 v48, v54;
	v54 =	vmul.f32 v2, v49;
	v0 =	vsub.f32 v33, v0  }
0x2da: {  	[tilespmem:s26+$0xB80] =	vst v5;
	v4 =	vadd.f32 v50, v29;
	v56 =	vmul.f32 v51, v55;
	v57 =	vmul.f32 v2, v52  }
0x2db: {  	[tilespmem:s26+$0xB90] =	vst v47;
	v1 =	vadd.f32 v53, v32;
	v58 =	vmul.f32 v54, v60;
	v0 =	vmul.f32 v2, v0  }
0x2dc: {  	p0 =	sne.s32 s25, $0x1F;
	[tilespmem:s26+$0xBA0] =	vst v4;
	v59 =	vadd.f32 v56, v28;
	v60 =	vmul.f32 v57, v63  }
.Ltmp0:
0x2dd: {  	[tilespmem:s26+$0xBB0] =	vst v1;
	v61 =	vadd.f32 v58, v27;
	v0 =	vmul.f32 v0, v62;
	(pc) =	sbr.rel @p0 .LBB2_2-.Ltmp0, $4  }
0x2de: {  	[tilespmem:s26+$0xBC0] =	vst v59;
	v63 =	vadd.f32 v60, v25  }
0x2df: {  	[tilespmem:s26+$0xBD0] =	vst v61;
	v0 =	vadd.f32 v0, v24  }
0x2e0: {  	[tilespmem:s26+$0xBE0] =	vst v63  }
0x2e1: {  	s25 =	sadd.s32 $0x1, s25;
	[tilespmem:s26+$0xBF0] =	vst v0  }
0x2e2: {  	s24 =	sadd.s32 $0x1, s24  }
0x2e3: {  	p0 =	sne.s32 s24, s10  }
.Ltmp1:
0x2e4: {  	_ = 	snop;
	(pc) =	sbr.rel @p0 .LBB2_1-.Ltmp1, $4  }
0x2e5: {  	[hbm4b:s9+s6] =	stream.linear.scatter [tilespmem:s13], [sflag:$0x2], $0x10000, $0x38;
	[tilespmem:$0x10600] =	vst v63  }
0x2e6: {  	_ =	swait.ge [sflag:s11], $0x10000  }
0x2e7: {  	[sflag:s11] =	ssyncset.done $0x0  }
0x2e8: {  	[sflag:s11] =	ssyncadd.s32 $0xFFFF0000  }
0x2e9: {  	_ =	sfence.sel $0x180000  }
0x2ea: {  	[bflag:$0x0] =	sbarrier.arrive $0xFFFF  }
0x2eb: {  	p0 =	sne.s32 s1, $0x0;
	_ =	strace $0x90000047  }
0x2ec: {  	s0 =	sadd.s32 @!p0 $0x100000, s4;
	[bflag:$0x2] =	sbarrier.arrive $0xFFFF  }
0x2ed: {  	[sflag:s0] =	ssyncadd.tile.s32 @!p0 $0x1;
	_ =	shalt  }
.Lfunc_end2:
_tile_overlayer_lowered:
.L_overlay_start_2:
0x2ee: {  	(tag) =	ssettag $0x2  }
0x2ef: {  	s0 =	rddreg [dreg:$0x0];
	s2 =	stileid.u32  }
0x2f0: {  	s1 =	rddreg [dreg:$0x1];
	p0 =	sne.s32 s2, $0x0  }
0x2f1: {  	s3 =	rddreg [dreg:$0x2];
	[bflag:$0x3] =	sbarrier.arrive $0xFFFF;
	s2 =	simm.s32 @!p0 $0x1C02  }
0x2f2: {  	[timem:s3], [sflag:s2] =	dma.local @!p0 [hbm:s0], s1  }
0x2f3: {  	s0 =	simm.s32 @!p0 $0x2  }
0x2f4: {  	_ =	swait.ge @!p0 [sflag:s0], s1  }
0x2f5: {  	s1 =	ssub.s32 @!p0 $0x0, s1;
	[sflag:s0] =	ssyncset.done @!p0 $0x0  }
0x2f6: {  	[sflag:s0] =	ssyncadd.s32 @!p0 s1  }
0x2f7: {  	[bflag:$0x3] =	sbarrier.arrive $0xFFFF  }
0x2f8: {  	_ =	shalt  }

</sc_bundles>
